<compile_context>
chip_gen: v7x
topology: tpu7x:2x2x1
jax: 0.10.2.dev20260603
libtpu: 0.0.44.dev20260713+nightly
codegen_flags: <defaults>
</compile_context>

<pallas_src>
import functools

import jax
import jax.numpy as jnp
from jax import lax
from jax.experimental import pallas as pl
from jax.experimental.pallas import tpu as pltpu
from jax.experimental.pallas import tpu_sc as plsc

N = 10000
E = 320000
D_IN = 128
D = 16
D_OUT = 7

NTILE = 16
NSC = 2
NW = NTILE * NSC

NPAD = 10240
RPT = NPAD // NTILE
EPAD = 327680
BATCH = 128
CROWS = 2048
NCH0 = 6
NCH1 = 4
ET0 = NCH0 * CROWS
ET1 = NCH1 * CROWS
BASE1 = NTILE * ET0

_MESH = plsc.VectorSubcoreMesh(core_axis_name="c", subcore_axis_name="s")


NB0D = 96
NB1D = 64
BASE1D = NTILE * NB0D * BATCH


@functools.partial(
    pl.kernel,
    out_type=jax.ShapeDtypeStruct((NSC, NPAD // 8, 128), jnp.float32),
    mesh=_MESH,
    scratch_types=[
        pltpu.VMEM((NB0D, BATCH), jnp.int32),
        pltpu.VMEM((BATCH,), jnp.float32),
        pltpu.VMEM((RPT,), jnp.float32),
        pltpu.VMEM((RPT // 8, 128), jnp.float32),
        pltpu.VMEM_SHARED((NPAD,), jnp.float32),
        pltpu.SemaphoreType.DMA,
        pltpu.SemaphoreType.DMA,
    ],
    compiler_params=pltpu.CompilerParams(needs_layout_passes=False),
)
def _sc_degree(dst0_hbm, dst1_hbm, ones_hbm, z1_hbm, deg_hbm, dst_v, ones_v,
               dv_v, dw_v, deg_s, sem, ssem):
    c = lax.axis_index("c")
    s = lax.axis_index("s")

    pltpu.sync_copy(ones_hbm, ones_v)
    pltpu.sync_copy(z1_hbm.at[pl.ds(s * RPT, RPT)],
                    deg_s.at[pl.ds(s * RPT, RPT)])

    def scatter_deg(nb):
        def issue(g, carry):
            pltpu.async_copy(ones_v, deg_s.at[dst_v.at[g]], ssem, add=True)
            return carry

        lax.fori_loop(0, nb, issue, 0)

        def drain(g, carry):
            pltpu.make_async_copy(ones_v, deg_s.at[dst_v.at[0]], ssem).wait()
            return carry

        lax.fori_loop(0, nb, drain, 0)

    @pl.when(c == 0)
    def _():
        pltpu.async_copy(dst0_hbm.at[s], dst_v, sem).wait()
        plsc.subcore_barrier()
        scatter_deg(NB0D)

    @pl.when(c == 1)
    def _():
        pltpu.async_copy(dst1_hbm.at[s], dst_v.at[pl.ds(0, NB1D)], sem).wait()
        plsc.subcore_barrier()
        scatter_deg(NB1D)

    plsc.subcore_barrier()

    pltpu.sync_copy(deg_s.at[pl.ds(s * RPT, RPT)], dv_v)

    def widen(j, carry):
        idx = jnp.broadcast_to(j, (16,)).astype(jnp.int32)
        dw_v[j // 8, pl.ds((j % 8) * 16, 16)] = plsc.load_gather(dv_v, [idx])
        return carry

    lax.fori_loop(0, RPT, widen, 0, unroll=4)
    pltpu.sync_copy(dw_v, deg_hbm.at[c, pl.ds(s * (RPT // 8), RPT // 8)])




def _make_prop(d):
    @functools.partial(
        pl.kernel,
        out_type=jax.ShapeDtypeStruct((NSC, NPAD, d), jnp.float32),
        mesh=_MESH,
        scratch_types=[
            pltpu.VMEM((NCH0, CROWS), jnp.int32),
            pltpu.VMEM((NCH0, CROWS), jnp.int32),
            pltpu.VMEM((CROWS, d), jnp.float32),
            pltpu.VMEM((CROWS, d), jnp.float32),
            pltpu.VMEM_SHARED((NPAD, d), jnp.float32),
            pltpu.VMEM_SHARED((NPAD, d), jnp.float32),
            pltpu.SemaphoreType.DMA,
            pltpu.SemaphoreType.DMA,
            pltpu.SemaphoreType.DMA,
        ],
        compiler_params=pltpu.CompilerParams(use_tc_tiling_on_sc=False),
    )
    def _sc_prop(g_hbm, src_hbm, dst_hbm, z2_hbm, p_hbm, src_v, dst_v,
                 rows0_v, rows1_v, acc_s, g_s, sem0, sem1, semg):
        c = lax.axis_index("c")
        s = lax.axis_index("s")

        cpg = pltpu.async_copy(g_hbm.at[pl.ds(s * RPT, RPT)],
                               g_s.at[pl.ds(s * RPT, RPT)], semg)
        pltpu.sync_copy(z2_hbm.at[pl.ds(s * RPT, RPT)],
                        acc_s.at[pl.ds(s * RPT, RPT)])

        rows = (rows0_v, rows1_v)
        sems = (sem0, sem1)

        def run(nch, base):
            for k in range(nch):
                pltpu.async_copy(
                    src_hbm.at[pl.ds(base + k * CROWS, CROWS)],
                    src_v.at[k], sem0)
                pltpu.async_copy(
                    dst_hbm.at[pl.ds(base + k * CROWS, CROWS)],
                    dst_v.at[k], sem1)
            for k in range(nch):
                pltpu.make_async_copy(
                    src_hbm.at[pl.ds(base, CROWS)], src_v.at[0], sem0).wait()
                pltpu.make_async_copy(
                    dst_hbm.at[pl.ds(base, CROWS)], dst_v.at[0], sem1).wait()
            cpg.wait()
            plsc.subcore_barrier()

            pltpu.async_copy(g_s.at[src_v.at[0]], rows0_v, sem0)
            for ci in range(nch):
                if ci + 1 < nch:
                    pltpu.async_copy(g_s.at[src_v.at[ci + 1]],
                                     rows[(ci + 1) % 2], sems[(ci + 1) % 2])
                pltpu.make_async_copy(g_s.at[src_v.at[ci]],
                                      rows[ci % 2], sems[ci % 2]).wait()
                pltpu.sync_copy(rows[ci % 2], acc_s.at[dst_v.at[ci]], add=True)

        @pl.when(c == 0)
        def _():
            run(NCH0, s * ET0)

        @pl.when(c == 1)
        def _():
            run(NCH1, BASE1 + s * ET1)

        plsc.subcore_barrier()

        pltpu.sync_copy(acc_s.at[pl.ds(s * RPT, RPT)],
                        p_hbm.at[c, pl.ds(s * RPT, RPT)])

    return _sc_prop


_sc_prop1 = _make_prop(D)


RBLK = 1024


PB = 128


def _tc1_body(x_ref, w_ref, deg_ref, g_ref, dis_ref):
    d = deg_ref[0] + deg_ref[1] + 1.0
    dis = lax.rsqrt(d)
    h = jnp.dot(x_ref[...], w_ref[...], preferred_element_type=jnp.float32,
                precision=lax.Precision.HIGHEST)
    g_ref[...] = dis * h
    dis_ref[...] = dis


_tc1 = pl.pallas_call(
    _tc1_body,
    grid=(NPAD // RBLK,),
    in_specs=[
        pl.BlockSpec((PB, 8 * D_IN), lambda i: (i, 0)),
        pl.BlockSpec((8 * D_IN, 128), lambda i: (0, 0)),
        pl.BlockSpec((NSC, PB, 128), lambda i: (0, i, 0)),
    ],
    out_specs=[
        pl.BlockSpec((PB, 128), lambda i: (i, 0)),
        pl.BlockSpec((PB, 128), lambda i: (i, 0)),
    ],
    out_shape=[
        jax.ShapeDtypeStruct((NPAD // 8, 128), jnp.float32),
        jax.ShapeDtypeStruct((NPAD // 8, 128), jnp.float32),
    ],
)


def _tc2_body(p_ref, g1_ref, dis_ref, b1_ref, w2_ref, g2_ref):
    s = (p_ref[0] + p_ref[1] + g1_ref[...]) * dis_ref[...] + b1_ref[...]
    h = jnp.maximum(s, 0.0)
    g2_ref[...] = dis_ref[...] * jnp.dot(
        h, w2_ref[...], preferred_element_type=jnp.float32,
        precision=lax.Precision.HIGHEST)


_tc2 = pl.pallas_call(
    _tc2_body,
    grid=(NPAD // RBLK,),
    in_specs=[
        pl.BlockSpec((NSC, PB, 128), lambda i: (0, i, 0)),
        pl.BlockSpec((PB, 128), lambda i: (i, 0)),
        pl.BlockSpec((PB, 128), lambda i: (i, 0)),
        pl.BlockSpec((1, 128), lambda i: (0, 0)),
        pl.BlockSpec((128, 128), lambda i: (0, 0)),
    ],
    out_specs=pl.BlockSpec((PB, 128), lambda i: (i, 0)),
    out_shape=jax.ShapeDtypeStruct((NPAD // 8, 128), jnp.float32),
)


def _tc3_body(q_ref, g2_ref, dis_ref, b2_ref, o_ref):
    o_ref[...] = ((q_ref[0] + q_ref[1] + g2_ref[...]) * dis_ref[...]
                  + b2_ref[...])


_tc3 = pl.pallas_call(
    _tc3_body,
    grid=(NPAD // RBLK,),
    in_specs=[
        pl.BlockSpec((NSC, PB, 128), lambda i: (0, i, 0)),
        pl.BlockSpec((PB, 128), lambda i: (i, 0)),
        pl.BlockSpec((PB, 128), lambda i: (i, 0)),
        pl.BlockSpec((1, 128), lambda i: (0, 0)),
    ],
    out_specs=pl.BlockSpec((PB, 128), lambda i: (i, 0)),
    out_shape=jax.ShapeDtypeStruct((NPAD // 8, 128), jnp.float32),
)


def kernel(x, edge_index, W1, b1, W2, b2):
    x_pad = jnp.pad(x, ((0, NPAD - N), (0, 0)))
    ep = jnp.pad(edge_index, ((0, 0), (0, EPAD - E)), constant_values=N)
    src_e, dst_e = ep[0], ep[1]

    dst_deg0 = dst_e[:BASE1D].reshape(NTILE, NB0D, BATCH)
    dst_deg1 = dst_e[BASE1D:].reshape(NTILE, NB1D, BATCH)
    ones_b = jnp.ones((BATCH,), jnp.float32)
    z1 = jnp.zeros((NPAD,), jnp.float32)
    z2 = jnp.zeros((NPAD, D), jnp.float32)

    x_pk = x_pad.reshape(NPAD // 8, 8 * D_IN)
    w1bd = jnp.kron(jnp.eye(8, dtype=jnp.float32), W1)

    degw = _sc_degree(dst_deg0, dst_deg1, ones_b, z1)
    g1p, disp = _tc1(x_pk, w1bd, degw)
    p = _sc_prop1(g1p.reshape(NPAD, D), src_e, dst_e, z2)

    w2sq = jnp.pad(W2, ((0, 0), (0, D - D_OUT)))
    w2bd = jnp.kron(jnp.eye(8, dtype=jnp.float32), w2sq)
    b1t = jnp.tile(b1, 8).reshape(1, 128)
    b2t = jnp.tile(jnp.pad(b2, (0, D - D_OUT)), 8).reshape(1, 128)

    g2p = _tc2(p.reshape(NSC, NPAD // 8, 128), g1p, disp, b1t, w2bd)
    q = _sc_prop1(g2p.reshape(NPAD, D), src_e, dst_e, z2)
    outp = _tc3(q.reshape(NSC, NPAD // 8, 128), g2p, disp, b2t)
    return outp.reshape(NPAD, D)[:N, :D_OUT]

# --- scband reference (transcript-rebuilt; emitter-appended) ---
"""Pipeline reference for scband-gcn-8787503087873 (READ-ONLY COPY).

The authoritative reference and input builder live on the scoring server;
editing this copy changes nothing except your own understanding.
"""

import jax, jax.numpy as jnp
import numpy as np

N = 10000
E = 320000
D_IN = 128
D_HID = 16
D_OUT = 7


def gcn_conv(x, edge_index, W, b):
    n = x.shape[0]
    loop = jnp.arange(n, dtype=edge_index.dtype)
    src = jnp.concatenate([edge_index[0], loop])
    dst = jnp.concatenate([edge_index[1], loop])
    h = x @ W
    deg = jnp.zeros((n,), dtype=h.dtype).at[dst].add(1.0)
    dis = jnp.where(deg > 0, jax.lax.rsqrt(deg), 0.0)
    norm = dis[src] * dis[dst]
    msg = h[src] * norm[:, None]
    out = jnp.zeros_like(h).at[dst].add(msg)
    return out + b


def setup_inputs(seed: int = 0) -> dict:
    key = jax.random.key(seed)
    ks = jax.random.split(key, 4)
    x = jax.random.normal(ks[0], (N, D_IN), dtype=jnp.float32)
    edge_index = jax.random.randint(ks[1], (2, E), 0, N, dtype=jnp.int32)
    W1 = jax.random.normal(ks[2], (D_IN, D_HID), dtype=jnp.float32) * (1.0 / np.sqrt(D_IN))
    b1 = jnp.zeros((D_HID,), dtype=jnp.float32)
    W2 = jax.random.normal(ks[3], (D_HID, D_OUT), dtype=jnp.float32) * (1.0 / np.sqrt(D_HID))
    b2 = jnp.zeros((D_OUT,), dtype=jnp.float32)
    return {"x": x, "edge_index": edge_index, "W1": W1, "b1": b1, "W2": W2, "b2": b2}


def reference(x, edge_index, W1, b1, W2, b2):
    # GCN.forward: conv1 -> relu -> dropout(eval: identity) -> conv2
    h = jax.nn.relu(gcn_conv(x, edge_index, W1, b1))
    out = gcn_conv(h, edge_index, W2, b2)
    return out

if __name__ == "__main__":
    import jax
    _d = setup_inputs()
    print(jax.jit(kernel)(*tuple(_d.values())))

</pallas_src>

<mosaic_0001>
#map = affine_map<(d0, d1) -> (0, 0, 0)>
#map1 = affine_map<(d0, d1) -> (0)>
module attributes {stable_mosaic.version = 14 : i64} {
  func.func @_sc_degree(%arg0: i32, %arg1: i32, %arg2: memref<16x96x128xi32, #tpu.memory_space<hbm>>, %arg3: memref<16x64x128xi32, #tpu.memory_space<hbm>>, %arg4: memref<128xf32, #tpu.memory_space<hbm>>, %arg5: memref<10240xf32, #tpu.memory_space<hbm>>, %arg6: memref<2x1280x128xf32, #tpu.memory_space<hbm>>, %arg7: memref<96x128xi32, #tpu.memory_space<vmem>>, %arg8: memref<128xf32, #tpu.memory_space<vmem>>, %arg9: memref<640xf32, #tpu.memory_space<vmem>>, %arg10: memref<80x128xf32, #tpu.memory_space<vmem>>, %arg11: memref<10240xf32, #tpu.memory_space<vmem_shared>>, %arg12: memref<!tpu.dma_semaphore, #tpu.memory_space<semaphore_mem>>, %arg13: memref<!tpu.dma_semaphore, #tpu.memory_space<semaphore_mem>>) attributes {dimension_semantics = [#tpu.dimension_semantics<core_parallel>, #tpu.dimension_semantics<subcore_parallel>], iteration_bounds = array<i64: 2, 16>, scalar_prefetch = 0 : i64, scratch_operands = 7 : i64, tpu.core_type = #tpu.core_type<sc_vector_subcore>, window_params = [{transform_indices = #map}, {transform_indices = #map}, {transform_indices = #map1}, {transform_indices = #map1}, {transform_indices = #map}]} {
    "tpu.region"() ({
      %run_scoped3A = tpu.sem_alloc : memref<!tpu.dma_semaphore, #tpu.memory_space<semaphore_mem>>
      tpu.enqueue_dma source(%arg4 : memref<128xf32, #tpu.memory_space<hbm>>) target(%arg8 : memref<128xf32, #tpu.memory_space<vmem>>) target_semaphore(%run_scoped3A : memref<!tpu.dma_semaphore, #tpu.memory_space<semaphore_mem>>)
      tpu.wait_dma2 semaphore(%run_scoped3A : memref<!tpu.dma_semaphore, #tpu.memory_space<semaphore_mem>>) src(%arg4 : memref<128xf32, #tpu.memory_space<hbm>>) dst(%arg8 : memref<128xf32, #tpu.memory_space<vmem>>)
      tpu.yield
    }) : () -> ()
    %mul3A = arith.constant 640 : i32
    %mul3A_0 = arith.muli %arg1, %mul3A : i32
    %mul3A_1 = arith.constant 640 : i32
    %mul3A_2 = arith.muli %arg1, %mul3A_1 : i32
    "tpu.region"() ({
      %run_scoped3A = tpu.sem_alloc : memref<!tpu.dma_semaphore, #tpu.memory_space<semaphore_mem>>
      %dma_start3A = tpu.memref_slice %arg11[%mul3A_2] : memref<10240xf32, #tpu.memory_space<vmem_shared>> -> memref<640xf32, #tpu.memory_space<vmem_shared>>
      %dma_start3A_19 = tpu.memref_slice %arg5[%mul3A_0] : memref<10240xf32, #tpu.memory_space<hbm>> -> memref<640xf32, #tpu.memory_space<hbm>>
      tpu.enqueue_dma source(%dma_start3A_19 : memref<640xf32, #tpu.memory_space<hbm>>) target(%dma_start3A : memref<640xf32, #tpu.memory_space<vmem_shared>>) target_semaphore(%run_scoped3A : memref<!tpu.dma_semaphore, #tpu.memory_space<semaphore_mem>>)
      %dma_wait3A = tpu.memref_slice %arg11[%mul3A_2] : memref<10240xf32, #tpu.memory_space<vmem_shared>> -> memref<640xf32, #tpu.memory_space<vmem_shared>>
      %dma_wait3A_20 = tpu.memref_slice %arg5[%mul3A_0] : memref<10240xf32, #tpu.memory_space<hbm>> -> memref<640xf32, #tpu.memory_space<hbm>>
      tpu.wait_dma2 semaphore(%run_scoped3A : memref<!tpu.dma_semaphore, #tpu.memory_space<semaphore_mem>>) src(%dma_wait3A_20 : memref<640xf32, #tpu.memory_space<hbm>>) dst(%dma_wait3A : memref<640xf32, #tpu.memory_space<vmem_shared>>)
      tpu.yield
    }) : () -> ()
    %eq3A = arith.constant 0 : i32
    %eq3A_3 = arith.cmpi eq, %arg0, %eq3A : i32
    %convert_element_type3A = arith.extui %eq3A_3 : i1 to i32
    %cond3A = arith.constant 0 : i32
    %cond3A_4 = arith.cmpi ne, %convert_element_type3A, %cond3A : i32
    scf.if %cond3A_4 {
      %dma_start3A = arith.constant 0 : i32
      %dma_start3A_19 = arith.constant 0 : i32
      %dma_start3A_20 = tpu.memref_slice %arg2[%arg1, %dma_start3A, %dma_start3A_19] : memref<16x96x128xi32, #tpu.memory_space<hbm>> -> memref<1x96x128xi32, #tpu.memory_space<hbm>>
      %dma_start3A_21 = tpu.memref_squeeze %dma_start3A_20 : memref<1x96x128xi32, #tpu.memory_space<hbm>> -> memref<96x128xi32, #tpu.memory_space<hbm>>
      %dma_start3A_22 = arith.constant 0 : i32
      %dma_start3A_23 = arith.constant 0 : i32
      %dma_start3A_24 = tpu.memref_slice %arg2[%arg1, %dma_start3A_22, %dma_start3A_23] : memref<16x96x128xi32, #tpu.memory_space<hbm>> -> memref<1x96x128xi32, #tpu.memory_space<hbm>>
      %dma_start3A_25 = tpu.memref_squeeze %dma_start3A_24 : memref<1x96x128xi32, #tpu.memory_space<hbm>> -> memref<96x128xi32, #tpu.memory_space<hbm>>
      tpu.enqueue_dma source(%dma_start3A_25 : memref<96x128xi32, #tpu.memory_space<hbm>>) target(%arg7 : memref<96x128xi32, #tpu.memory_space<vmem>>) target_semaphore(%arg12 : memref<!tpu.dma_semaphore, #tpu.memory_space<semaphore_mem>>)
      %dma_wait3A = arith.constant 0 : i32
      %dma_wait3A_26 = arith.constant 0 : i32
      %dma_wait3A_27 = tpu.memref_slice %arg2[%arg1, %dma_wait3A, %dma_wait3A_26] : memref<16x96x128xi32, #tpu.memory_space<hbm>> -> memref<1x96x128xi32, #tpu.memory_space<hbm>>
      %dma_wait3A_28 = tpu.memref_squeeze %dma_wait3A_27 : memref<1x96x128xi32, #tpu.memory_space<hbm>> -> memref<96x128xi32, #tpu.memory_space<hbm>>
      %dma_wait3A_29 = arith.constant 0 : i32
      %dma_wait3A_30 = arith.constant 0 : i32
      %dma_wait3A_31 = tpu.memref_slice %arg2[%arg1, %dma_wait3A_29, %dma_wait3A_30] : memref<16x96x128xi32, #tpu.memory_space<hbm>> -> memref<1x96x128xi32, #tpu.memory_space<hbm>>
      %dma_wait3A_32 = tpu.memref_squeeze %dma_wait3A_31 : memref<1x96x128xi32, #tpu.memory_space<hbm>> -> memref<96x128xi32, #tpu.memory_space<hbm>>
      tpu.wait_dma2 semaphore(%arg12 : memref<!tpu.dma_semaphore, #tpu.memory_space<semaphore_mem>>) src(%dma_wait3A_32 : memref<96x128xi32, #tpu.memory_space<hbm>>) dst(%arg7 : memref<96x128xi32, #tpu.memory_space<vmem>>)
      %barrier3A_33 = arith.constant 0 : index
      tpu.barrier barrier_id(%barrier3A_33)
      %scan3A_34 = arith.constant 0 : i32
      %scan3A_35 = arith.constant 0 : i32
      %scan3A_36 = arith.constant 96 : i32
      %scan3A_37 = arith.addi %scan3A_35, %scan3A_36 : i32
      %scan3A_38 = arith.constant 1 : i32
      scf.for %scan3A_46 = %scan3A_35 to %scan3A_37 step %scan3A_38  : i32 {
        %dma_start3A_47 = arith.constant 0 : i32
        %dma_start3A_48 = tpu.memref_slice %arg7[%scan3A_46, %dma_start3A_47] : memref<96x128xi32, #tpu.memory_space<vmem>> -> memref<1x128xi32, #tpu.memory_space<vmem>>
        %dma_start3A_49 = tpu.memref_squeeze %dma_start3A_48 : memref<1x128xi32, #tpu.memory_space<vmem>> -> memref<128xi32, #tpu.memory_space<vmem>>
        %dma_start3A_50 = arith.constant 0 : i32
        %dma_start3A_51 = tpu.memref_slice %arg11[%dma_start3A_50] : memref<10240xf32, #tpu.memory_space<vmem_shared>> -> memref<10240xf32, #tpu.memory_space<vmem_shared>>
        tpu.enqueue_indirect_dma source(%arg8 : memref<128xf32, #tpu.memory_space<vmem>>) target(%dma_start3A_51 : memref<10240xf32, #tpu.memory_space<vmem_shared>>) offsets(%dma_start3A_49 : memref<128xi32, #tpu.memory_space<vmem>>) semaphore(%arg13 : memref<!tpu.dma_semaphore, #tpu.memory_space<semaphore_mem>>) {add = true}
      }
      %scan3A_39 = arith.constant 96 : i32
      %scan3A_40 = arith.constant 0 : i32
      %scan3A_41 = arith.constant 0 : i32
      %scan3A_42 = arith.constant 96 : i32
      %scan3A_43 = arith.addi %scan3A_41, %scan3A_42 : i32
      %scan3A_44 = arith.constant 1 : i32
      scf.for %scan3A_46 = %scan3A_41 to %scan3A_43 step %scan3A_44  : i32 {
        %dma_wait3A_47 = arith.constant 0 : i32
        %dma_wait3A_48 = arith.constant 0 : i32
        %dma_wait3A_49 = tpu.memref_slice %arg7[%dma_wait3A_47, %dma_wait3A_48] : memref<96x128xi32, #tpu.memory_space<vmem>> -> memref<1x128xi32, #tpu.memory_space<vmem>>
        %dma_wait3A_50 = tpu.memref_squeeze %dma_wait3A_49 : memref<1x128xi32, #tpu.memory_space<vmem>> -> memref<128xi32, #tpu.memory_space<vmem>>
        %dma_wait3A_51 = arith.constant 0 : i32
        %dma_wait3A_52 = tpu.memref_slice %arg11[%dma_wait3A_51] : memref<10240xf32, #tpu.memory_space<vmem_shared>> -> memref<10240xf32, #tpu.memory_space<vmem_shared>>
        tpu.wait_indirect_dma semaphore(%arg13 : memref<!tpu.dma_semaphore, #tpu.memory_space<semaphore_mem>>) src(%arg8 : memref<128xf32, #tpu.memory_space<vmem>>) dst(%dma_wait3A_52 : memref<10240xf32, #tpu.memory_space<vmem_shared>>)
      }
      %scan3A_45 = arith.constant 96 : i32
    } else {
    }
    %eq3A_5 = arith.constant 1 : i32
    %eq3A_6 = arith.cmpi eq, %arg0, %eq3A_5 : i32
    %convert_element_type3A_7 = arith.extui %eq3A_6 : i1 to i32
    %cond3A_8 = arith.constant 0 : i32
    %cond3A_9 = arith.cmpi ne, %convert_element_type3A_7, %cond3A_8 : i32
    scf.if %cond3A_9 {
      %dma_start3A = arith.constant 0 : i32
      %dma_start3A_19 = arith.constant 0 : i32
      %dma_start3A_20 = tpu.memref_slice %arg7[%dma_start3A, %dma_start3A_19] : memref<96x128xi32, #tpu.memory_space<vmem>> -> memref<64x128xi32, #tpu.memory_space<vmem>>
      %dma_start3A_21 = arith.constant 0 : i32
      %dma_start3A_22 = arith.constant 0 : i32
      %dma_start3A_23 = tpu.memref_slice %arg3[%arg1, %dma_start3A_21, %dma_start3A_22] : memref<16x64x128xi32, #tpu.memory_space<hbm>> -> memref<1x64x128xi32, #tpu.memory_space<hbm>>
      %dma_start3A_24 = tpu.memref_squeeze %dma_start3A_23 : memref<1x64x128xi32, #tpu.memory_space<hbm>> -> memref<64x128xi32, #tpu.memory_space<hbm>>
      %dma_start3A_25 = arith.constant 0 : i32
      %dma_start3A_26 = arith.constant 0 : i32
      %dma_start3A_27 = tpu.memref_slice %arg7[%dma_start3A_25, %dma_start3A_26] : memref<96x128xi32, #tpu.memory_space<vmem>> -> memref<64x128xi32, #tpu.memory_space<vmem>>
      %dma_start3A_28 = arith.constant 0 : i32
      %dma_start3A_29 = arith.constant 0 : i32
      %dma_start3A_30 = tpu.memref_slice %arg3[%arg1, %dma_start3A_28, %dma_start3A_29] : memref<16x64x128xi32, #tpu.memory_space<hbm>> -> memref<1x64x128xi32, #tpu.memory_space<hbm>>
      %dma_start3A_31 = tpu.memref_squeeze %dma_start3A_30 : memref<1x64x128xi32, #tpu.memory_space<hbm>> -> memref<64x128xi32, #tpu.memory_space<hbm>>
      tpu.enqueue_dma source(%dma_start3A_31 : memref<64x128xi32, #tpu.memory_space<hbm>>) target(%dma_start3A_27 : memref<64x128xi32, #tpu.memory_space<vmem>>) target_semaphore(%arg12 : memref<!tpu.dma_semaphore, #tpu.memory_space<semaphore_mem>>)
      %dma_wait3A = arith.constant 0 : i32
      %dma_wait3A_32 = arith.constant 0 : i32
      %dma_wait3A_33 = tpu.memref_slice %arg7[%dma_wait3A, %dma_wait3A_32] : memref<96x128xi32, #tpu.memory_space<vmem>> -> memref<64x128xi32, #tpu.memory_space<vmem>>
      %dma_wait3A_34 = arith.constant 0 : i32
      %dma_wait3A_35 = arith.constant 0 : i32
      %dma_wait3A_36 = tpu.memref_slice %arg3[%arg1, %dma_wait3A_34, %dma_wait3A_35] : memref<16x64x128xi32, #tpu.memory_space<hbm>> -> memref<1x64x128xi32, #tpu.memory_space<hbm>>
      %dma_wait3A_37 = tpu.memref_squeeze %dma_wait3A_36 : memref<1x64x128xi32, #tpu.memory_space<hbm>> -> memref<64x128xi32, #tpu.memory_space<hbm>>
      %dma_wait3A_38 = arith.constant 0 : i32
      %dma_wait3A_39 = arith.constant 0 : i32
      %dma_wait3A_40 = tpu.memref_slice %arg7[%dma_wait3A_38, %dma_wait3A_39] : memref<96x128xi32, #tpu.memory_space<vmem>> -> memref<64x128xi32, #tpu.memory_space<vmem>>
      %dma_wait3A_41 = arith.constant 0 : i32
      %dma_wait3A_42 = arith.constant 0 : i32
      %dma_wait3A_43 = tpu.memref_slice %arg3[%arg1, %dma_wait3A_41, %dma_wait3A_42] : memref<16x64x128xi32, #tpu.memory_space<hbm>> -> memref<1x64x128xi32, #tpu.memory_space<hbm>>
      %dma_wait3A_44 = tpu.memref_squeeze %dma_wait3A_43 : memref<1x64x128xi32, #tpu.memory_space<hbm>> -> memref<64x128xi32, #tpu.memory_space<hbm>>
      tpu.wait_dma2 semaphore(%arg12 : memref<!tpu.dma_semaphore, #tpu.memory_space<semaphore_mem>>) src(%dma_wait3A_44 : memref<64x128xi32, #tpu.memory_space<hbm>>) dst(%dma_wait3A_40 : memref<64x128xi32, #tpu.memory_space<vmem>>)
      %barrier3A_45 = arith.constant 0 : index
      tpu.barrier barrier_id(%barrier3A_45)
      %scan3A_46 = arith.constant 0 : i32
      %scan3A_47 = arith.constant 0 : i32
      %scan3A_48 = arith.constant 64 : i32
      %scan3A_49 = arith.addi %scan3A_47, %scan3A_48 : i32
      %scan3A_50 = arith.constant 1 : i32
      scf.for %scan3A_58 = %scan3A_47 to %scan3A_49 step %scan3A_50  : i32 {
        %dma_start3A_59 = arith.constant 0 : i32
        %dma_start3A_60 = tpu.memref_slice %arg7[%scan3A_58, %dma_start3A_59] : memref<96x128xi32, #tpu.memory_space<vmem>> -> memref<1x128xi32, #tpu.memory_space<vmem>>
        %dma_start3A_61 = tpu.memref_squeeze %dma_start3A_60 : memref<1x128xi32, #tpu.memory_space<vmem>> -> memref<128xi32, #tpu.memory_space<vmem>>
        %dma_start3A_62 = arith.constant 0 : i32
        %dma_start3A_63 = tpu.memref_slice %arg11[%dma_start3A_62] : memref<10240xf32, #tpu.memory_space<vmem_shared>> -> memref<10240xf32, #tpu.memory_space<vmem_shared>>
        tpu.enqueue_indirect_dma source(%arg8 : memref<128xf32, #tpu.memory_space<vmem>>) target(%dma_start3A_63 : memref<10240xf32, #tpu.memory_space<vmem_shared>>) offsets(%dma_start3A_61 : memref<128xi32, #tpu.memory_space<vmem>>) semaphore(%arg13 : memref<!tpu.dma_semaphore, #tpu.memory_space<semaphore_mem>>) {add = true}
      }
      %scan3A_51 = arith.constant 64 : i32
      %scan3A_52 = arith.constant 0 : i32
      %scan3A_53 = arith.constant 0 : i32
      %scan3A_54 = arith.constant 64 : i32
      %scan3A_55 = arith.addi %scan3A_53, %scan3A_54 : i32
      %scan3A_56 = arith.constant 1 : i32
      scf.for %scan3A_58 = %scan3A_53 to %scan3A_55 step %scan3A_56  : i32 {
        %dma_wait3A_59 = arith.constant 0 : i32
        %dma_wait3A_60 = arith.constant 0 : i32
        %dma_wait3A_61 = tpu.memref_slice %arg7[%dma_wait3A_59, %dma_wait3A_60] : memref<96x128xi32, #tpu.memory_space<vmem>> -> memref<1x128xi32, #tpu.memory_space<vmem>>
        %dma_wait3A_62 = tpu.memref_squeeze %dma_wait3A_61 : memref<1x128xi32, #tpu.memory_space<vmem>> -> memref<128xi32, #tpu.memory_space<vmem>>
        %dma_wait3A_63 = arith.constant 0 : i32
        %dma_wait3A_64 = tpu.memref_slice %arg11[%dma_wait3A_63] : memref<10240xf32, #tpu.memory_space<vmem_shared>> -> memref<10240xf32, #tpu.memory_space<vmem_shared>>
        tpu.wait_indirect_dma semaphore(%arg13 : memref<!tpu.dma_semaphore, #tpu.memory_space<semaphore_mem>>) src(%arg8 : memref<128xf32, #tpu.memory_space<vmem>>) dst(%dma_wait3A_64 : memref<10240xf32, #tpu.memory_space<vmem_shared>>)
      }
      %scan3A_57 = arith.constant 64 : i32
    } else {
    }
    %barrier3A = arith.constant 0 : index
    tpu.barrier barrier_id(%barrier3A)
    %mul3A_10 = arith.constant 640 : i32
    %mul3A_11 = arith.muli %arg1, %mul3A_10 : i32
    "tpu.region"() ({
      %run_scoped3A = tpu.sem_alloc : memref<!tpu.dma_semaphore, #tpu.memory_space<semaphore_mem>>
      %dma_start3A = tpu.memref_slice %arg11[%mul3A_11] : memref<10240xf32, #tpu.memory_space<vmem_shared>> -> memref<640xf32, #tpu.memory_space<vmem_shared>>
      %dma_start3A_19 = tpu.memref_slice %arg11[%mul3A_11] : memref<10240xf32, #tpu.memory_space<vmem_shared>> -> memref<640xf32, #tpu.memory_space<vmem_shared>>
      tpu.enqueue_dma source(%dma_start3A_19 : memref<640xf32, #tpu.memory_space<vmem_shared>>) target(%arg9 : memref<640xf32, #tpu.memory_space<vmem>>) target_semaphore(%run_scoped3A : memref<!tpu.dma_semaphore, #tpu.memory_space<semaphore_mem>>)
      %dma_wait3A = tpu.memref_slice %arg11[%mul3A_11] : memref<10240xf32, #tpu.memory_space<vmem_shared>> -> memref<640xf32, #tpu.memory_space<vmem_shared>>
      %dma_wait3A_20 = tpu.memref_slice %arg11[%mul3A_11] : memref<10240xf32, #tpu.memory_space<vmem_shared>> -> memref<640xf32, #tpu.memory_space<vmem_shared>>
      tpu.wait_dma2 semaphore(%run_scoped3A : memref<!tpu.dma_semaphore, #tpu.memory_space<semaphore_mem>>) src(%dma_wait3A_20 : memref<640xf32, #tpu.memory_space<vmem_shared>>) dst(%arg9 : memref<640xf32, #tpu.memory_space<vmem>>)
      tpu.yield
    }) : () -> ()
    %scan3A = arith.constant 0 : i32
    %scan3A_12 = arith.constant 0 : i32
    %scan3A_13 = arith.constant 640 : i32
    %scan3A_14 = arith.addi %scan3A_12, %scan3A_13 : i32
    %scan3A_15 = arith.constant 4 : i32
    scf.for %scan3A_19 = %scan3A_12 to %scan3A_14 step %scan3A_15  : i32 {
      %broadcast_in_dim3A = vector.broadcast %scan3A_19 : i32 to vector<16xi32>
      %gather3A = tpu.vector_load_idx %arg9[%broadcast_in_dim3A] : memref<640xf32, #tpu.memory_space<vmem>>[vector<16xi32>], vector<16xf32>,
      %jit3A = arith.constant 8 : i32
      %div3A = arith.divsi %scan3A_19, %jit3A : i32
      %sign3A = arith.constant 0 : i32
      %sign3A_20 = arith.cmpi sgt, %scan3A_19, %sign3A : i32
      %sign3A_21 = arith.extui %sign3A_20 : i1 to i32
      %sign3A_22 = arith.constant 0 : i32
      %sign3A_23 = arith.cmpi slt, %scan3A_19, %sign3A_22 : i32
      %sign3A_24 = arith.extui %sign3A_23 : i1 to i32
      %sign3A_25 = arith.subi %sign3A_21, %sign3A_24 : i32
      %sign3A_26 = arith.constant 0 : i32
      %sign3A_27 = arith.cmpi sgt, %jit3A, %sign3A_26 : i32
      %sign3A_28 = arith.extui %sign3A_27 : i1 to i32
      %sign3A_29 = arith.constant 0 : i32
      %sign3A_30 = arith.cmpi slt, %jit3A, %sign3A_29 : i32
      %sign3A_31 = arith.extui %sign3A_30 : i1 to i32
      %sign3A_32 = arith.subi %sign3A_28, %sign3A_31 : i32
      %ne3A = arith.cmpi ne, %sign3A_25, %sign3A_32 : i32
      %rem3A = arith.remsi %scan3A_19, %jit3A : i32
      %ne3A_33 = arith.constant 0 : i32
      %ne3A_34 = arith.cmpi ne, %rem3A, %ne3A_33 : i32
      %and3A = arith.andi %ne3A, %ne3A_34 : i1
      %sub3A = arith.constant 1 : i32
      %sub3A_35 = arith.subi %div3A, %sub3A : i32
      %select_n3A = arith.select %and3A, %sub3A_35, %div3A : i32
      %jit3A_36 = arith.constant 8 : i32
      %eq3A_37 = arith.constant 0 : i32
      %eq3A_38 = arith.cmpi eq, %jit3A_36, %eq3A_37 : i32
      %jit3A_39 = arith.constant 1 : i32
      %select_n3A_40 = arith.select %eq3A_38, %jit3A_39, %jit3A_36 : i32
      %rem3A_41 = arith.remsi %scan3A_19, %select_n3A_40 : i32
      %ne3A_42 = arith.constant 0 : i32
      %ne3A_43 = arith.cmpi ne, %rem3A_41, %ne3A_42 : i32
      %lt3A = arith.constant 0 : i32
      %lt3A_44 = arith.cmpi slt, %rem3A_41, %lt3A : i32
      %lt3A_45 = arith.constant 0 : i32
      %lt3A_46 = arith.cmpi slt, %select_n3A_40, %lt3A_45 : i32
      %ne3A_47 = arith.xori %lt3A_44, %lt3A_46 : i1
      %and3A_48 = arith.andi %ne3A_47, %ne3A_43 : i1
      %add3A = arith.addi %rem3A_41, %select_n3A_40 : i32
      %select_n3A_49 = arith.select %and3A_48, %add3A, %rem3A_41 : i32
      %mul3A_50 = arith.constant 16 : i32
      %mul3A_51 = arith.muli %select_n3A_49, %mul3A_50 : i32
      %swap3A = arith.index_cast %select_n3A : i32 to index
      %swap3A_52 = arith.index_cast %mul3A_51 : i32 to index
      %swap3A_53 = tpu.vector_load %arg10[%swap3A, %swap3A_52] {strides = array<i32>} : memref<80x128xf32, #tpu.memory_space<vmem>>, vector<16xf32>,
      tpu.vector_store %arg10[%swap3A, %swap3A_52], %gather3A {strides = array<i32>} : memref<80x128xf32, #tpu.memory_space<vmem>>, vector<16xf32>,
      %scan3A_54 = arith.constant 1 : i32
      %scan3A_55 = arith.addi %scan3A_19, %scan3A_54 : i32
      %broadcast_in_dim3A_56 = vector.broadcast %scan3A_55 : i32 to vector<16xi32>
      %gather3A_57 = tpu.vector_load_idx %arg9[%broadcast_in_dim3A_56] : memref<640xf32, #tpu.memory_space<vmem>>[vector<16xi32>], vector<16xf32>,
      %jit3A_58 = arith.constant 8 : i32
      %div3A_59 = arith.divsi %scan3A_55, %jit3A_58 : i32
      %sign3A_60 = arith.constant 0 : i32
      %sign3A_61 = arith.cmpi sgt, %scan3A_55, %sign3A_60 : i32
      %sign3A_62 = arith.extui %sign3A_61 : i1 to i32
      %sign3A_63 = arith.constant 0 : i32
      %sign3A_64 = arith.cmpi slt, %scan3A_55, %sign3A_63 : i32
      %sign3A_65 = arith.extui %sign3A_64 : i1 to i32
      %sign3A_66 = arith.subi %sign3A_62, %sign3A_65 : i32
      %sign3A_67 = arith.constant 0 : i32
      %sign3A_68 = arith.cmpi sgt, %jit3A_58, %sign3A_67 : i32
      %sign3A_69 = arith.extui %sign3A_68 : i1 to i32
      %sign3A_70 = arith.constant 0 : i32
      %sign3A_71 = arith.cmpi slt, %jit3A_58, %sign3A_70 : i32
      %sign3A_72 = arith.extui %sign3A_71 : i1 to i32
      %sign3A_73 = arith.subi %sign3A_69, %sign3A_72 : i32
      %ne3A_74 = arith.cmpi ne, %sign3A_66, %sign3A_73 : i32
      %rem3A_75 = arith.remsi %scan3A_55, %jit3A_58 : i32
      %ne3A_76 = arith.constant 0 : i32
      %ne3A_77 = arith.cmpi ne, %rem3A_75, %ne3A_76 : i32
      %and3A_78 = arith.andi %ne3A_74, %ne3A_77 : i1
      %sub3A_79 = arith.constant 1 : i32
      %sub3A_80 = arith.subi %div3A_59, %sub3A_79 : i32
      %select_n3A_81 = arith.select %and3A_78, %sub3A_80, %div3A_59 : i32
      %jit3A_82 = arith.constant 8 : i32
      %eq3A_83 = arith.constant 0 : i32
      %eq3A_84 = arith.cmpi eq, %jit3A_82, %eq3A_83 : i32
      %jit3A_85 = arith.constant 1 : i32
      %select_n3A_86 = arith.select %eq3A_84, %jit3A_85, %jit3A_82 : i32
      %rem3A_87 = arith.remsi %scan3A_55, %select_n3A_86 : i32
      %ne3A_88 = arith.constant 0 : i32
      %ne3A_89 = arith.cmpi ne, %rem3A_87, %ne3A_88 : i32
      %lt3A_90 = arith.constant 0 : i32
      %lt3A_91 = arith.cmpi slt, %rem3A_87, %lt3A_90 : i32
      %lt3A_92 = arith.constant 0 : i32
      %lt3A_93 = arith.cmpi slt, %select_n3A_86, %lt3A_92 : i32
      %ne3A_94 = arith.xori %lt3A_91, %lt3A_93 : i1
      %and3A_95 = arith.andi %ne3A_94, %ne3A_89 : i1
      %add3A_96 = arith.addi %rem3A_87, %select_n3A_86 : i32
      %select_n3A_97 = arith.select %and3A_95, %add3A_96, %rem3A_87 : i32
      %mul3A_98 = arith.constant 16 : i32
      %mul3A_99 = arith.muli %select_n3A_97, %mul3A_98 : i32
      %swap3A_100 = arith.index_cast %select_n3A_81 : i32 to index
      %swap3A_101 = arith.index_cast %mul3A_99 : i32 to index
      %swap3A_102 = tpu.vector_load %arg10[%swap3A_100, %swap3A_101] {strides = array<i32>} : memref<80x128xf32, #tpu.memory_space<vmem>>, vector<16xf32>,
      tpu.vector_store %arg10[%swap3A_100, %swap3A_101], %gather3A_57 {strides = array<i32>} : memref<80x128xf32, #tpu.memory_space<vmem>>, vector<16xf32>,
      %scan3A_103 = arith.constant 2 : i32
      %scan3A_104 = arith.addi %scan3A_19, %scan3A_103 : i32
      %broadcast_in_dim3A_105 = vector.broadcast %scan3A_104 : i32 to vector<16xi32>
      %gather3A_106 = tpu.vector_load_idx %arg9[%broadcast_in_dim3A_105] : memref<640xf32, #tpu.memory_space<vmem>>[vector<16xi32>], vector<16xf32>,
      %jit3A_107 = arith.constant 8 : i32
      %div3A_108 = arith.divsi %scan3A_104, %jit3A_107 : i32
      %sign3A_109 = arith.constant 0 : i32
      %sign3A_110 = arith.cmpi sgt, %scan3A_104, %sign3A_109 : i32
      %sign3A_111 = arith.extui %sign3A_110 : i1 to i32
      %sign3A_112 = arith.constant 0 : i32
      %sign3A_113 = arith.cmpi slt, %scan3A_104, %sign3A_112 : i32
      %sign3A_114 = arith.extui %sign3A_113 : i1 to i32
      %sign3A_115 = arith.subi %sign3A_111, %sign3A_114 : i32
      %sign3A_116 = arith.constant 0 : i32
      %sign3A_117 = arith.cmpi sgt, %jit3A_107, %sign3A_116 : i32
      %sign3A_118 = arith.extui %sign3A_117 : i1 to i32
      %sign3A_119 = arith.constant 0 : i32
      %sign3A_120 = arith.cmpi slt, %jit3A_107, %sign3A_119 : i32
      %sign3A_121 = arith.extui %sign3A_120 : i1 to i32
      %sign3A_122 = arith.subi %sign3A_118, %sign3A_121 : i32
      %ne3A_123 = arith.cmpi ne, %sign3A_115, %sign3A_122 : i32
      %rem3A_124 = arith.remsi %scan3A_104, %jit3A_107 : i32
      %ne3A_125 = arith.constant 0 : i32
      %ne3A_126 = arith.cmpi ne, %rem3A_124, %ne3A_125 : i32
      %and3A_127 = arith.andi %ne3A_123, %ne3A_126 : i1
      %sub3A_128 = arith.constant 1 : i32
      %sub3A_129 = arith.subi %div3A_108, %sub3A_128 : i32
      %select_n3A_130 = arith.select %and3A_127, %sub3A_129, %div3A_108 : i32
      %jit3A_131 = arith.constant 8 : i32
      %eq3A_132 = arith.constant 0 : i32
      %eq3A_133 = arith.cmpi eq, %jit3A_131, %eq3A_132 : i32
      %jit3A_134 = arith.constant 1 : i32
      %select_n3A_135 = arith.select %eq3A_133, %jit3A_134, %jit3A_131 : i32
      %rem3A_136 = arith.remsi %scan3A_104, %select_n3A_135 : i32
      %ne3A_137 = arith.constant 0 : i32
      %ne3A_138 = arith.cmpi ne, %rem3A_136, %ne3A_137 : i32
      %lt3A_139 = arith.constant 0 : i32
      %lt3A_140 = arith.cmpi slt, %rem3A_136, %lt3A_139 : i32
      %lt3A_141 = arith.constant 0 : i32
      %lt3A_142 = arith.cmpi slt, %select_n3A_135, %lt3A_141 : i32
      %ne3A_143 = arith.xori %lt3A_140, %lt3A_142 : i1
      %and3A_144 = arith.andi %ne3A_143, %ne3A_138 : i1
      %add3A_145 = arith.addi %rem3A_136, %select_n3A_135 : i32
      %select_n3A_146 = arith.select %and3A_144, %add3A_145, %rem3A_136 : i32
      %mul3A_147 = arith.constant 16 : i32
      %mul3A_148 = arith.muli %select_n3A_146, %mul3A_147 : i32
      %swap3A_149 = arith.index_cast %select_n3A_130 : i32 to index
      %swap3A_150 = arith.index_cast %mul3A_148 : i32 to index
      %swap3A_151 = tpu.vector_load %arg10[%swap3A_149, %swap3A_150] {strides = array<i32>} : memref<80x128xf32, #tpu.memory_space<vmem>>, vector<16xf32>,
      tpu.vector_store %arg10[%swap3A_149, %swap3A_150], %gather3A_106 {strides = array<i32>} : memref<80x128xf32, #tpu.memory_space<vmem>>, vector<16xf32>,
      %scan3A_152 = arith.constant 3 : i32
      %scan3A_153 = arith.addi %scan3A_19, %scan3A_152 : i32
      %broadcast_in_dim3A_154 = vector.broadcast %scan3A_153 : i32 to vector<16xi32>
      %gather3A_155 = tpu.vector_load_idx %arg9[%broadcast_in_dim3A_154] : memref<640xf32, #tpu.memory_space<vmem>>[vector<16xi32>], vector<16xf32>,
      %jit3A_156 = arith.constant 8 : i32
      %div3A_157 = arith.divsi %scan3A_153, %jit3A_156 : i32
      %sign3A_158 = arith.constant 0 : i32
      %sign3A_159 = arith.cmpi sgt, %scan3A_153, %sign3A_158 : i32
      %sign3A_160 = arith.extui %sign3A_159 : i1 to i32
      %sign3A_161 = arith.constant 0 : i32
      %sign3A_162 = arith.cmpi slt, %scan3A_153, %sign3A_161 : i32
      %sign3A_163 = arith.extui %sign3A_162 : i1 to i32
      %sign3A_164 = arith.subi %sign3A_160, %sign3A_163 : i32
      %sign3A_165 = arith.constant 0 : i32
      %sign3A_166 = arith.cmpi sgt, %jit3A_156, %sign3A_165 : i32
      %sign3A_167 = arith.extui %sign3A_166 : i1 to i32
      %sign3A_168 = arith.constant 0 : i32
      %sign3A_169 = arith.cmpi slt, %jit3A_156, %sign3A_168 : i32
      %sign3A_170 = arith.extui %sign3A_169 : i1 to i32
      %sign3A_171 = arith.subi %sign3A_167, %sign3A_170 : i32
      %ne3A_172 = arith.cmpi ne, %sign3A_164, %sign3A_171 : i32
      %rem3A_173 = arith.remsi %scan3A_153, %jit3A_156 : i32
      %ne3A_174 = arith.constant 0 : i32
      %ne3A_175 = arith.cmpi ne, %rem3A_173, %ne3A_174 : i32
      %and3A_176 = arith.andi %ne3A_172, %ne3A_175 : i1
      %sub3A_177 = arith.constant 1 : i32
      %sub3A_178 = arith.subi %div3A_157, %sub3A_177 : i32
      %select_n3A_179 = arith.select %and3A_176, %sub3A_178, %div3A_157 : i32
      %jit3A_180 = arith.constant 8 : i32
      %eq3A_181 = arith.constant 0 : i32
      %eq3A_182 = arith.cmpi eq, %jit3A_180, %eq3A_181 : i32
      %jit3A_183 = arith.constant 1 : i32
      %select_n3A_184 = arith.select %eq3A_182, %jit3A_183, %jit3A_180 : i32
      %rem3A_185 = arith.remsi %scan3A_153, %select_n3A_184 : i32
      %ne3A_186 = arith.constant 0 : i32
      %ne3A_187 = arith.cmpi ne, %rem3A_185, %ne3A_186 : i32
      %lt3A_188 = arith.constant 0 : i32
      %lt3A_189 = arith.cmpi slt, %rem3A_185, %lt3A_188 : i32
      %lt3A_190 = arith.constant 0 : i32
      %lt3A_191 = arith.cmpi slt, %select_n3A_184, %lt3A_190 : i32
      %ne3A_192 = arith.xori %lt3A_189, %lt3A_191 : i1
      %and3A_193 = arith.andi %ne3A_192, %ne3A_187 : i1
      %add3A_194 = arith.addi %rem3A_185, %select_n3A_184 : i32
      %select_n3A_195 = arith.select %and3A_193, %add3A_194, %rem3A_185 : i32
      %mul3A_196 = arith.constant 16 : i32
      %mul3A_197 = arith.muli %select_n3A_195, %mul3A_196 : i32
      %swap3A_198 = arith.index_cast %select_n3A_179 : i32 to index
      %swap3A_199 = arith.index_cast %mul3A_197 : i32 to index
      %swap3A_200 = tpu.vector_load %arg10[%swap3A_198, %swap3A_199] {strides = array<i32>} : memref<80x128xf32, #tpu.memory_space<vmem>>, vector<16xf32>,
      tpu.vector_store %arg10[%swap3A_198, %swap3A_199], %gather3A_155 {strides = array<i32>} : memref<80x128xf32, #tpu.memory_space<vmem>>, vector<16xf32>,
    }
    %scan3A_16 = arith.constant 640 : i32
    %mul3A_17 = arith.constant 80 : i32
    %mul3A_18 = arith.muli %arg1, %mul3A_17 : i32
    "tpu.region"() ({
      %run_scoped3A = tpu.sem_alloc : memref<!tpu.dma_semaphore, #tpu.memory_space<semaphore_mem>>
      %dma_start3A = arith.constant 0 : i32
      %dma_start3A_19 = tpu.memref_slice %arg6[%arg0, %mul3A_18, %dma_start3A] : memref<2x1280x128xf32, #tpu.memory_space<hbm>> -> memref<1x80x128xf32, #tpu.memory_space<hbm>>
      %dma_start3A_20 = tpu.memref_squeeze %dma_start3A_19 : memref<1x80x128xf32, #tpu.memory_space<hbm>> -> memref<80x128xf32, #tpu.memory_space<hbm>>
      %dma_start3A_21 = arith.constant 0 : i32
      %dma_start3A_22 = tpu.memref_slice %arg6[%arg0, %mul3A_18, %dma_start3A_21] : memref<2x1280x128xf32, #tpu.memory_space<hbm>> -> memref<1x80x128xf32, #tpu.memory_space<hbm>>
      %dma_start3A_23 = tpu.memref_squeeze %dma_start3A_22 : memref<1x80x128xf32, #tpu.memory_space<hbm>> -> memref<80x128xf32, #tpu.memory_space<hbm>>
      tpu.enqueue_dma source(%arg10 : memref<80x128xf32, #tpu.memory_space<vmem>>) target(%dma_start3A_23 : memref<80x128xf32, #tpu.memory_space<hbm>>) target_semaphore(%run_scoped3A : memref<!tpu.dma_semaphore, #tpu.memory_space<semaphore_mem>>)
      %dma_wait3A = arith.constant 0 : i32
      %dma_wait3A_24 = tpu.memref_slice %arg6[%arg0, %mul3A_18, %dma_wait3A] : memref<2x1280x128xf32, #tpu.memory_space<hbm>> -> memref<1x80x128xf32, #tpu.memory_space<hbm>>
      %dma_wait3A_25 = tpu.memref_squeeze %dma_wait3A_24 : memref<1x80x128xf32, #tpu.memory_space<hbm>> -> memref<80x128xf32, #tpu.memory_space<hbm>>
      %dma_wait3A_26 = arith.constant 0 : i32
      %dma_wait3A_27 = tpu.memref_slice %arg6[%arg0, %mul3A_18, %dma_wait3A_26] : memref<2x1280x128xf32, #tpu.memory_space<hbm>> -> memref<1x80x128xf32, #tpu.memory_space<hbm>>
      %dma_wait3A_28 = tpu.memref_squeeze %dma_wait3A_27 : memref<1x80x128xf32, #tpu.memory_space<hbm>> -> memref<80x128xf32, #tpu.memory_space<hbm>>
      tpu.wait_dma2 semaphore(%run_scoped3A : memref<!tpu.dma_semaphore, #tpu.memory_space<semaphore_mem>>) src(%arg10 : memref<80x128xf32, #tpu.memory_space<vmem>>) dst(%dma_wait3A_28 : memref<80x128xf32, #tpu.memory_space<hbm>>)
      tpu.yield
    }) : () -> ()
    return
  }
}

#map = affine_map<(d0, d1) -> (0, 0)>
#map1 = affine_map<(d0, d1) -> (0)>
#map2 = affine_map<(d0, d1) -> (0, 0, 0)>
module attributes {stable_mosaic.version = 14 : i64} {
  func.func @_sc_prop(%arg0: i32, %arg1: i32, %arg2: memref<10240x16xf32, #tpu.memory_space<hbm>>, %arg3: memref<327680xi32, #tpu.memory_space<hbm>>, %arg4: memref<327680xi32, #tpu.memory_space<hbm>>, %arg5: memref<10240x16xf32, #tpu.memory_space<hbm>>, %arg6: memref<2x10240x16xf32, #tpu.memory_space<hbm>>, %arg7: memref<6x2048xi32, #tpu.memory_space<vmem>>, %arg8: memref<6x2048xi32, #tpu.memory_space<vmem>>, %arg9: memref<2048x16xf32, #tpu.memory_space<vmem>>, %arg10: memref<2048x16xf32, #tpu.memory_space<vmem>>, %arg11: memref<10240x16xf32, #tpu.memory_space<vmem_shared>>, %arg12: memref<10240x16xf32, #tpu.memory_space<vmem_shared>>, %arg13: memref<!tpu.dma_semaphore, #tpu.memory_space<semaphore_mem>>, %arg14: memref<!tpu.dma_semaphore, #tpu.memory_space<semaphore_mem>>, %arg15: memref<!tpu.dma_semaphore, #tpu.memory_space<semaphore_mem>>) attributes {dimension_semantics = [#tpu.dimension_semantics<core_parallel>, #tpu.dimension_semantics<subcore_parallel>], iteration_bounds = array<i64: 2, 16>, scalar_prefetch = 0 : i64, scratch_operands = 9 : i64, tpu.core_type = #tpu.core_type<sc_vector_subcore>, window_params = [{transform_indices = #map}, {transform_indices = #map1}, {transform_indices = #map1}, {transform_indices = #map}, {transform_indices = #map2}]} {
    %mul3A = arith.constant 640 : i32
    %mul3A_0 = arith.muli %arg1, %mul3A : i32
    %mul3A_1 = arith.constant 640 : i32
    %mul3A_2 = arith.muli %arg1, %mul3A_1 : i32
    %dma_start3A = arith.constant 0 : i32
    %dma_start3A_3 = tpu.memref_slice %arg12[%mul3A_2, %dma_start3A] : memref<10240x16xf32, #tpu.memory_space<vmem_shared>> -> memref<640x16xf32, #tpu.memory_space<vmem_shared>>
    %dma_start3A_4 = arith.constant 0 : i32
    %dma_start3A_5 = tpu.memref_slice %arg2[%mul3A_0, %dma_start3A_4] : memref<10240x16xf32, #tpu.memory_space<hbm>> -> memref<640x16xf32, #tpu.memory_space<hbm>>
    tpu.enqueue_dma source(%dma_start3A_5 : memref<640x16xf32, #tpu.memory_space<hbm>>) target(%dma_start3A_3 : memref<640x16xf32, #tpu.memory_space<vmem_shared>>) target_semaphore(%arg15 : memref<!tpu.dma_semaphore, #tpu.memory_space<semaphore_mem>>)
    %mul3A_6 = arith.constant 640 : i32
    %mul3A_7 = arith.muli %arg1, %mul3A_6 : i32
    %mul3A_8 = arith.constant 640 : i32
    %mul3A_9 = arith.muli %arg1, %mul3A_8 : i32
    "tpu.region"() ({
      %run_scoped3A = tpu.sem_alloc : memref<!tpu.dma_semaphore, #tpu.memory_space<semaphore_mem>>
      %dma_start3A_21 = arith.constant 0 : i32
      %dma_start3A_22 = tpu.memref_slice %arg11[%mul3A_9, %dma_start3A_21] : memref<10240x16xf32, #tpu.memory_space<vmem_shared>> -> memref<640x16xf32, #tpu.memory_space<vmem_shared>>
      %dma_start3A_23 = arith.constant 0 : i32
      %dma_start3A_24 = tpu.memref_slice %arg5[%mul3A_7, %dma_start3A_23] : memref<10240x16xf32, #tpu.memory_space<hbm>> -> memref<640x16xf32, #tpu.memory_space<hbm>>
      tpu.enqueue_dma source(%dma_start3A_24 : memref<640x16xf32, #tpu.memory_space<hbm>>) target(%dma_start3A_22 : memref<640x16xf32, #tpu.memory_space<vmem_shared>>) target_semaphore(%run_scoped3A : memref<!tpu.dma_semaphore, #tpu.memory_space<semaphore_mem>>)
      %dma_wait3A = arith.constant 0 : i32
      %dma_wait3A_25 = tpu.memref_slice %arg11[%mul3A_9, %dma_wait3A] : memref<10240x16xf32, #tpu.memory_space<vmem_shared>> -> memref<640x16xf32, #tpu.memory_space<vmem_shared>>
      %dma_wait3A_26 = arith.constant 0 : i32
      %dma_wait3A_27 = tpu.memref_slice %arg5[%mul3A_7, %dma_wait3A_26] : memref<10240x16xf32, #tpu.memory_space<hbm>> -> memref<640x16xf32, #tpu.memory_space<hbm>>
      tpu.wait_dma2 semaphore(%run_scoped3A : memref<!tpu.dma_semaphore, #tpu.memory_space<semaphore_mem>>) src(%dma_wait3A_27 : memref<640x16xf32, #tpu.memory_space<hbm>>) dst(%dma_wait3A_25 : memref<640x16xf32, #tpu.memory_space<vmem_shared>>)
      tpu.yield
    }) : () -> ()
    %eq3A = arith.constant 0 : i32
    %eq3A_10 = arith.cmpi eq, %arg0, %eq3A : i32
    %convert_element_type3A = arith.extui %eq3A_10 : i1 to i32
    %cond3A = arith.constant 0 : i32
    %cond3A_11 = arith.cmpi ne, %convert_element_type3A, %cond3A : i32
    scf.if %cond3A_11 {
      %mul3A_21 = arith.constant 12288 : i32
      %mul3A_22 = arith.muli %arg1, %mul3A_21 : i32
      %add3A = arith.constant 0 : i32
      %add3A_23 = arith.addi %mul3A_22, %add3A : i32
      %dma_start3A_24 = arith.constant 0 : i32
      %dma_start3A_25 = arith.constant 0 : i32
      %dma_start3A_26 = tpu.memref_slice %arg7[%dma_start3A_24, %dma_start3A_25] : memref<6x2048xi32, #tpu.memory_space<vmem>> -> memref<1x2048xi32, #tpu.memory_space<vmem>>
      %dma_start3A_27 = tpu.memref_squeeze %dma_start3A_26 : memref<1x2048xi32, #tpu.memory_space<vmem>> -> memref<2048xi32, #tpu.memory_space<vmem>>
      %dma_start3A_28 = tpu.memref_slice %arg3[%add3A_23] : memref<327680xi32, #tpu.memory_space<hbm>> -> memref<2048xi32, #tpu.memory_space<hbm>>
      %dma_start3A_29 = arith.constant 0 : i32
      %dma_start3A_30 = tpu.memref_slice %arg7[%dma_start3A_24, %dma_start3A_29] : memref<6x2048xi32, #tpu.memory_space<vmem>> -> memref<1x2048xi32, #tpu.memory_space<vmem>>
      %dma_start3A_31 = tpu.memref_squeeze %dma_start3A_30 : memref<1x2048xi32, #tpu.memory_space<vmem>> -> memref<2048xi32, #tpu.memory_space<vmem>>
      %dma_start3A_32 = tpu.memref_slice %arg3[%add3A_23] : memref<327680xi32, #tpu.memory_space<hbm>> -> memref<2048xi32, #tpu.memory_space<hbm>>
      tpu.enqueue_dma source(%dma_start3A_32 : memref<2048xi32, #tpu.memory_space<hbm>>) target(%dma_start3A_31 : memref<2048xi32, #tpu.memory_space<vmem>>) target_semaphore(%arg13 : memref<!tpu.dma_semaphore, #tpu.memory_space<semaphore_mem>>)
      %add3A_33 = arith.constant 0 : i32
      %add3A_34 = arith.addi %mul3A_22, %add3A_33 : i32
      %dma_start3A_35 = arith.constant 0 : i32
      %dma_start3A_36 = arith.constant 0 : i32
      %dma_start3A_37 = tpu.memref_slice %arg8[%dma_start3A_35, %dma_start3A_36] : memref<6x2048xi32, #tpu.memory_space<vmem>> -> memref<1x2048xi32, #tpu.memory_space<vmem>>
      %dma_start3A_38 = tpu.memref_squeeze %dma_start3A_37 : memref<1x2048xi32, #tpu.memory_space<vmem>> -> memref<2048xi32, #tpu.memory_space<vmem>>
      %dma_start3A_39 = tpu.memref_slice %arg4[%add3A_34] : memref<327680xi32, #tpu.memory_space<hbm>> -> memref<2048xi32, #tpu.memory_space<hbm>>
      %dma_start3A_40 = arith.constant 0 : i32
      %dma_start3A_41 = tpu.memref_slice %arg8[%dma_start3A_35, %dma_start3A_40] : memref<6x2048xi32, #tpu.memory_space<vmem>> -> memref<1x2048xi32, #tpu.memory_space<vmem>>
      %dma_start3A_42 = tpu.memref_squeeze %dma_start3A_41 : memref<1x2048xi32, #tpu.memory_space<vmem>> -> memref<2048xi32, #tpu.memory_space<vmem>>
      %dma_start3A_43 = tpu.memref_slice %arg4[%add3A_34] : memref<327680xi32, #tpu.memory_space<hbm>> -> memref<2048xi32, #tpu.memory_space<hbm>>
      tpu.enqueue_dma source(%dma_start3A_43 : memref<2048xi32, #tpu.memory_space<hbm>>) target(%dma_start3A_42 : memref<2048xi32, #tpu.memory_space<vmem>>) target_semaphore(%arg14 : memref<!tpu.dma_semaphore, #tpu.memory_space<semaphore_mem>>)
      %add3A_44 = arith.constant 2048 : i32
      %add3A_45 = arith.addi %mul3A_22, %add3A_44 : i32
      %dma_start3A_46 = arith.constant 1 : i32
      %dma_start3A_47 = arith.constant 0 : i32
      %dma_start3A_48 = tpu.memref_slice %arg7[%dma_start3A_46, %dma_start3A_47] : memref<6x2048xi32, #tpu.memory_space<vmem>> -> memref<1x2048xi32, #tpu.memory_space<vmem>>
      %dma_start3A_49 = tpu.memref_squeeze %dma_start3A_48 : memref<1x2048xi32, #tpu.memory_space<vmem>> -> memref<2048xi32, #tpu.memory_space<vmem>>
      %dma_start3A_50 = tpu.memref_slice %arg3[%add3A_45] : memref<327680xi32, #tpu.memory_space<hbm>> -> memref<2048xi32, #tpu.memory_space<hbm>>
      %dma_start3A_51 = arith.constant 0 : i32
      %dma_start3A_52 = tpu.memref_slice %arg7[%dma_start3A_46, %dma_start3A_51] : memref<6x2048xi32, #tpu.memory_space<vmem>> -> memref<1x2048xi32, #tpu.memory_space<vmem>>
      %dma_start3A_53 = tpu.memref_squeeze %dma_start3A_52 : memref<1x2048xi32, #tpu.memory_space<vmem>> -> memref<2048xi32, #tpu.memory_space<vmem>>
      %dma_start3A_54 = tpu.memref_slice %arg3[%add3A_45] : memref<327680xi32, #tpu.memory_space<hbm>> -> memref<2048xi32, #tpu.memory_space<hbm>>
      tpu.enqueue_dma source(%dma_start3A_54 : memref<2048xi32, #tpu.memory_space<hbm>>) target(%dma_start3A_53 : memref<2048xi32, #tpu.memory_space<vmem>>) target_semaphore(%arg13 : memref<!tpu.dma_semaphore, #tpu.memory_space<semaphore_mem>>)
      %add3A_55 = arith.constant 2048 : i32
      %add3A_56 = arith.addi %mul3A_22, %add3A_55 : i32
      %dma_start3A_57 = arith.constant 1 : i32
      %dma_start3A_58 = arith.constant 0 : i32
      %dma_start3A_59 = tpu.memref_slice %arg8[%dma_start3A_57, %dma_start3A_58] : memref<6x2048xi32, #tpu.memory_space<vmem>> -> memref<1x2048xi32, #tpu.memory_space<vmem>>
      %dma_start3A_60 = tpu.memref_squeeze %dma_start3A_59 : memref<1x2048xi32, #tpu.memory_space<vmem>> -> memref<2048xi32, #tpu.memory_space<vmem>>
      %dma_start3A_61 = tpu.memref_slice %arg4[%add3A_56] : memref<327680xi32, #tpu.memory_space<hbm>> -> memref<2048xi32, #tpu.memory_space<hbm>>
      %dma_start3A_62 = arith.constant 0 : i32
      %dma_start3A_63 = tpu.memref_slice %arg8[%dma_start3A_57, %dma_start3A_62] : memref<6x2048xi32, #tpu.memory_space<vmem>> -> memref<1x2048xi32, #tpu.memory_space<vmem>>
      %dma_start3A_64 = tpu.memref_squeeze %dma_start3A_63 : memref<1x2048xi32, #tpu.memory_space<vmem>> -> memref<2048xi32, #tpu.memory_space<vmem>>
      %dma_start3A_65 = tpu.memref_slice %arg4[%add3A_56] : memref<327680xi32, #tpu.memory_space<hbm>> -> memref<2048xi32, #tpu.memory_space<hbm>>
      tpu.enqueue_dma source(%dma_start3A_65 : memref<2048xi32, #tpu.memory_space<hbm>>) target(%dma_start3A_64 : memref<2048xi32, #tpu.memory_space<vmem>>) target_semaphore(%arg14 : memref<!tpu.dma_semaphore, #tpu.memory_space<semaphore_mem>>)
      %add3A_66 = arith.constant 4096 : i32
      %add3A_67 = arith.addi %mul3A_22, %add3A_66 : i32
      %dma_start3A_68 = arith.constant 2 : i32
      %dma_start3A_69 = arith.constant 0 : i32
      %dma_start3A_70 = tpu.memref_slice %arg7[%dma_start3A_68, %dma_start3A_69] : memref<6x2048xi32, #tpu.memory_space<vmem>> -> memref<1x2048xi32, #tpu.memory_space<vmem>>
      %dma_start3A_71 = tpu.memref_squeeze %dma_start3A_70 : memref<1x2048xi32, #tpu.memory_space<vmem>> -> memref<2048xi32, #tpu.memory_space<vmem>>
      %dma_start3A_72 = tpu.memref_slice %arg3[%add3A_67] : memref<327680xi32, #tpu.memory_space<hbm>> -> memref<2048xi32, #tpu.memory_space<hbm>>
      %dma_start3A_73 = arith.constant 0 : i32
      %dma_start3A_74 = tpu.memref_slice %arg7[%dma_start3A_68, %dma_start3A_73] : memref<6x2048xi32, #tpu.memory_space<vmem>> -> memref<1x2048xi32, #tpu.memory_space<vmem>>
      %dma_start3A_75 = tpu.memref_squeeze %dma_start3A_74 : memref<1x2048xi32, #tpu.memory_space<vmem>> -> memref<2048xi32, #tpu.memory_space<vmem>>
      %dma_start3A_76 = tpu.memref_slice %arg3[%add3A_67] : memref<327680xi32, #tpu.memory_space<hbm>> -> memref<2048xi32, #tpu.memory_space<hbm>>
      tpu.enqueue_dma source(%dma_start3A_76 : memref<2048xi32, #tpu.memory_space<hbm>>) target(%dma_start3A_75 : memref<2048xi32, #tpu.memory_space<vmem>>) target_semaphore(%arg13 : memref<!tpu.dma_semaphore, #tpu.memory_space<semaphore_mem>>)
      %add3A_77 = arith.constant 4096 : i32
      %add3A_78 = arith.addi %mul3A_22, %add3A_77 : i32
      %dma_start3A_79 = arith.constant 2 : i32
      %dma_start3A_80 = arith.constant 0 : i32
      %dma_start3A_81 = tpu.memref_slice %arg8[%dma_start3A_79, %dma_start3A_80] : memref<6x2048xi32, #tpu.memory_space<vmem>> -> memref<1x2048xi32, #tpu.memory_space<vmem>>
      %dma_start3A_82 = tpu.memref_squeeze %dma_start3A_81 : memref<1x2048xi32, #tpu.memory_space<vmem>> -> memref<2048xi32, #tpu.memory_space<vmem>>
      %dma_start3A_83 = tpu.memref_slice %arg4[%add3A_78] : memref<327680xi32, #tpu.memory_space<hbm>> -> memref<2048xi32, #tpu.memory_space<hbm>>
      %dma_start3A_84 = arith.constant 0 : i32
      %dma_start3A_85 = tpu.memref_slice %arg8[%dma_start3A_79, %dma_start3A_84] : memref<6x2048xi32, #tpu.memory_space<vmem>> -> memref<1x2048xi32, #tpu.memory_space<vmem>>
      %dma_start3A_86 = tpu.memref_squeeze %dma_start3A_85 : memref<1x2048xi32, #tpu.memory_space<vmem>> -> memref<2048xi32, #tpu.memory_space<vmem>>
      %dma_start3A_87 = tpu.memref_slice %arg4[%add3A_78] : memref<327680xi32, #tpu.memory_space<hbm>> -> memref<2048xi32, #tpu.memory_space<hbm>>
      tpu.enqueue_dma source(%dma_start3A_87 : memref<2048xi32, #tpu.memory_space<hbm>>) target(%dma_start3A_86 : memref<2048xi32, #tpu.memory_space<vmem>>) target_semaphore(%arg14 : memref<!tpu.dma_semaphore, #tpu.memory_space<semaphore_mem>>)
      %add3A_88 = arith.constant 6144 : i32
      %add3A_89 = arith.addi %mul3A_22, %add3A_88 : i32
      %dma_start3A_90 = arith.constant 3 : i32
      %dma_start3A_91 = arith.constant 0 : i32
      %dma_start3A_92 = tpu.memref_slice %arg7[%dma_start3A_90, %dma_start3A_91] : memref<6x2048xi32, #tpu.memory_space<vmem>> -> memref<1x2048xi32, #tpu.memory_space<vmem>>
      %dma_start3A_93 = tpu.memref_squeeze %dma_start3A_92 : memref<1x2048xi32, #tpu.memory_space<vmem>> -> memref<2048xi32, #tpu.memory_space<vmem>>
      %dma_start3A_94 = tpu.memref_slice %arg3[%add3A_89] : memref<327680xi32, #tpu.memory_space<hbm>> -> memref<2048xi32, #tpu.memory_space<hbm>>
      %dma_start3A_95 = arith.constant 0 : i32
      %dma_start3A_96 = tpu.memref_slice %arg7[%dma_start3A_90, %dma_start3A_95] : memref<6x2048xi32, #tpu.memory_space<vmem>> -> memref<1x2048xi32, #tpu.memory_space<vmem>>
      %dma_start3A_97 = tpu.memref_squeeze %dma_start3A_96 : memref<1x2048xi32, #tpu.memory_space<vmem>> -> memref<2048xi32, #tpu.memory_space<vmem>>
      %dma_start3A_98 = tpu.memref_slice %arg3[%add3A_89] : memref<327680xi32, #tpu.memory_space<hbm>> -> memref<2048xi32, #tpu.memory_space<hbm>>
      tpu.enqueue_dma source(%dma_start3A_98 : memref<2048xi32, #tpu.memory_space<hbm>>) target(%dma_start3A_97 : memref<2048xi32, #tpu.memory_space<vmem>>) target_semaphore(%arg13 : memref<!tpu.dma_semaphore, #tpu.memory_space<semaphore_mem>>)
      %add3A_99 = arith.constant 6144 : i32
      %add3A_100 = arith.addi %mul3A_22, %add3A_99 : i32
      %dma_start3A_101 = arith.constant 3 : i32
      %dma_start3A_102 = arith.constant 0 : i32
      %dma_start3A_103 = tpu.memref_slice %arg8[%dma_start3A_101, %dma_start3A_102] : memref<6x2048xi32, #tpu.memory_space<vmem>> -> memref<1x2048xi32, #tpu.memory_space<vmem>>
      %dma_start3A_104 = tpu.memref_squeeze %dma_start3A_103 : memref<1x2048xi32, #tpu.memory_space<vmem>> -> memref<2048xi32, #tpu.memory_space<vmem>>
      %dma_start3A_105 = tpu.memref_slice %arg4[%add3A_100] : memref<327680xi32, #tpu.memory_space<hbm>> -> memref<2048xi32, #tpu.memory_space<hbm>>
      %dma_start3A_106 = arith.constant 0 : i32
      %dma_start3A_107 = tpu.memref_slice %arg8[%dma_start3A_101, %dma_start3A_106] : memref<6x2048xi32, #tpu.memory_space<vmem>> -> memref<1x2048xi32, #tpu.memory_space<vmem>>
      %dma_start3A_108 = tpu.memref_squeeze %dma_start3A_107 : memref<1x2048xi32, #tpu.memory_space<vmem>> -> memref<2048xi32, #tpu.memory_space<vmem>>
      %dma_start3A_109 = tpu.memref_slice %arg4[%add3A_100] : memref<327680xi32, #tpu.memory_space<hbm>> -> memref<2048xi32, #tpu.memory_space<hbm>>
      tpu.enqueue_dma source(%dma_start3A_109 : memref<2048xi32, #tpu.memory_space<hbm>>) target(%dma_start3A_108 : memref<2048xi32, #tpu.memory_space<vmem>>) target_semaphore(%arg14 : memref<!tpu.dma_semaphore, #tpu.memory_space<semaphore_mem>>)
      %add3A_110 = arith.constant 8192 : i32
      %add3A_111 = arith.addi %mul3A_22, %add3A_110 : i32
      %dma_start3A_112 = arith.constant 4 : i32
      %dma_start3A_113 = arith.constant 0 : i32
      %dma_start3A_114 = tpu.memref_slice %arg7[%dma_start3A_112, %dma_start3A_113] : memref<6x2048xi32, #tpu.memory_space<vmem>> -> memref<1x2048xi32, #tpu.memory_space<vmem>>
      %dma_start3A_115 = tpu.memref_squeeze %dma_start3A_114 : memref<1x2048xi32, #tpu.memory_space<vmem>> -> memref<2048xi32, #tpu.memory_space<vmem>>
      %dma_start3A_116 = tpu.memref_slice %arg3[%add3A_111] : memref<327680xi32, #tpu.memory_space<hbm>> -> memref<2048xi32, #tpu.memory_space<hbm>>
      %dma_start3A_117 = arith.constant 0 : i32
      %dma_start3A_118 = tpu.memref_slice %arg7[%dma_start3A_112, %dma_start3A_117] : memref<6x2048xi32, #tpu.memory_space<vmem>> -> memref<1x2048xi32, #tpu.memory_space<vmem>>
      %dma_start3A_119 = tpu.memref_squeeze %dma_start3A_118 : memref<1x2048xi32, #tpu.memory_space<vmem>> -> memref<2048xi32, #tpu.memory_space<vmem>>
      %dma_start3A_120 = tpu.memref_slice %arg3[%add3A_111] : memref<327680xi32, #tpu.memory_space<hbm>> -> memref<2048xi32, #tpu.memory_space<hbm>>
      tpu.enqueue_dma source(%dma_start3A_120 : memref<2048xi32, #tpu.memory_space<hbm>>) target(%dma_start3A_119 : memref<2048xi32, #tpu.memory_space<vmem>>) target_semaphore(%arg13 : memref<!tpu.dma_semaphore, #tpu.memory_space<semaphore_mem>>)
      %add3A_121 = arith.constant 8192 : i32
      %add3A_122 = arith.addi %mul3A_22, %add3A_121 : i32
      %dma_start3A_123 = arith.constant 4 : i32
      %dma_start3A_124 = arith.constant 0 : i32
      %dma_start3A_125 = tpu.memref_slice %arg8[%dma_start3A_123, %dma_start3A_124] : memref<6x2048xi32, #tpu.memory_space<vmem>> -> memref<1x2048xi32, #tpu.memory_space<vmem>>
      %dma_start3A_126 = tpu.memref_squeeze %dma_start3A_125 : memref<1x2048xi32, #tpu.memory_space<vmem>> -> memref<2048xi32, #tpu.memory_space<vmem>>
      %dma_start3A_127 = tpu.memref_slice %arg4[%add3A_122] : memref<327680xi32, #tpu.memory_space<hbm>> -> memref<2048xi32, #tpu.memory_space<hbm>>
      %dma_start3A_128 = arith.constant 0 : i32
      %dma_start3A_129 = tpu.memref_slice %arg8[%dma_start3A_123, %dma_start3A_128] : memref<6x2048xi32, #tpu.memory_space<vmem>> -> memref<1x2048xi32, #tpu.memory_space<vmem>>
      %dma_start3A_130 = tpu.memref_squeeze %dma_start3A_129 : memref<1x2048xi32, #tpu.memory_space<vmem>> -> memref<2048xi32, #tpu.memory_space<vmem>>
      %dma_start3A_131 = tpu.memref_slice %arg4[%add3A_122] : memref<327680xi32, #tpu.memory_space<hbm>> -> memref<2048xi32, #tpu.memory_space<hbm>>
      tpu.enqueue_dma source(%dma_start3A_131 : memref<2048xi32, #tpu.memory_space<hbm>>) target(%dma_start3A_130 : memref<2048xi32, #tpu.memory_space<vmem>>) target_semaphore(%arg14 : memref<!tpu.dma_semaphore, #tpu.memory_space<semaphore_mem>>)
      %add3A_132 = arith.constant 10240 : i32
      %add3A_133 = arith.addi %mul3A_22, %add3A_132 : i32
      %dma_start3A_134 = arith.constant 5 : i32
      %dma_start3A_135 = arith.constant 0 : i32
      %dma_start3A_136 = tpu.memref_slice %arg7[%dma_start3A_134, %dma_start3A_135] : memref<6x2048xi32, #tpu.memory_space<vmem>> -> memref<1x2048xi32, #tpu.memory_space<vmem>>
      %dma_start3A_137 = tpu.memref_squeeze %dma_start3A_136 : memref<1x2048xi32, #tpu.memory_space<vmem>> -> memref<2048xi32, #tpu.memory_space<vmem>>
      %dma_start3A_138 = tpu.memref_slice %arg3[%add3A_133] : memref<327680xi32, #tpu.memory_space<hbm>> -> memref<2048xi32, #tpu.memory_space<hbm>>
      %dma_start3A_139 = arith.constant 0 : i32
      %dma_start3A_140 = tpu.memref_slice %arg7[%dma_start3A_134, %dma_start3A_139] : memref<6x2048xi32, #tpu.memory_space<vmem>> -> memref<1x2048xi32, #tpu.memory_space<vmem>>
      %dma_start3A_141 = tpu.memref_squeeze %dma_start3A_140 : memref<1x2048xi32, #tpu.memory_space<vmem>> -> memref<2048xi32, #tpu.memory_space<vmem>>
      %dma_start3A_142 = tpu.memref_slice %arg3[%add3A_133] : memref<327680xi32, #tpu.memory_space<hbm>> -> memref<2048xi32, #tpu.memory_space<hbm>>
      tpu.enqueue_dma source(%dma_start3A_142 : memref<2048xi32, #tpu.memory_space<hbm>>) target(%dma_start3A_141 : memref<2048xi32, #tpu.memory_space<vmem>>) target_semaphore(%arg13 : memref<!tpu.dma_semaphore, #tpu.memory_space<semaphore_mem>>)
      %add3A_143 = arith.constant 10240 : i32
      %add3A_144 = arith.addi %mul3A_22, %add3A_143 : i32
      %dma_start3A_145 = arith.constant 5 : i32
      %dma_start3A_146 = arith.constant 0 : i32
      %dma_start3A_147 = tpu.memref_slice %arg8[%dma_start3A_145, %dma_start3A_146] : memref<6x2048xi32, #tpu.memory_space<vmem>> -> memref<1x2048xi32, #tpu.memory_space<vmem>>
      %dma_start3A_148 = tpu.memref_squeeze %dma_start3A_147 : memref<1x2048xi32, #tpu.memory_space<vmem>> -> memref<2048xi32, #tpu.memory_space<vmem>>
      %dma_start3A_149 = tpu.memref_slice %arg4[%add3A_144] : memref<327680xi32, #tpu.memory_space<hbm>> -> memref<2048xi32, #tpu.memory_space<hbm>>
      %dma_start3A_150 = arith.constant 0 : i32
      %dma_start3A_151 = tpu.memref_slice %arg8[%dma_start3A_145, %dma_start3A_150] : memref<6x2048xi32, #tpu.memory_space<vmem>> -> memref<1x2048xi32, #tpu.memory_space<vmem>>
      %dma_start3A_152 = tpu.memref_squeeze %dma_start3A_151 : memref<1x2048xi32, #tpu.memory_space<vmem>> -> memref<2048xi32, #tpu.memory_space<vmem>>
      %dma_start3A_153 = tpu.memref_slice %arg4[%add3A_144] : memref<327680xi32, #tpu.memory_space<hbm>> -> memref<2048xi32, #tpu.memory_space<hbm>>
      tpu.enqueue_dma source(%dma_start3A_153 : memref<2048xi32, #tpu.memory_space<hbm>>) target(%dma_start3A_152 : memref<2048xi32, #tpu.memory_space<vmem>>) target_semaphore(%arg14 : memref<!tpu.dma_semaphore, #tpu.memory_space<semaphore_mem>>)
      %dma_wait3A = arith.constant 0 : i32
      %dma_wait3A_154 = arith.constant 0 : i32
      %dma_wait3A_155 = tpu.memref_slice %arg7[%dma_wait3A, %dma_wait3A_154] : memref<6x2048xi32, #tpu.memory_space<vmem>> -> memref<1x2048xi32, #tpu.memory_space<vmem>>
      %dma_wait3A_156 = tpu.memref_squeeze %dma_wait3A_155 : memref<1x2048xi32, #tpu.memory_space<vmem>> -> memref<2048xi32, #tpu.memory_space<vmem>>
      %dma_wait3A_157 = tpu.memref_slice %arg3[%mul3A_22] : memref<327680xi32, #tpu.memory_space<hbm>> -> memref<2048xi32, #tpu.memory_space<hbm>>
      %dma_wait3A_158 = arith.constant 0 : i32
      %dma_wait3A_159 = tpu.memref_slice %arg7[%dma_wait3A, %dma_wait3A_158] : memref<6x2048xi32, #tpu.memory_space<vmem>> -> memref<1x2048xi32, #tpu.memory_space<vmem>>
      %dma_wait3A_160 = tpu.memref_squeeze %dma_wait3A_159 : memref<1x2048xi32, #tpu.memory_space<vmem>> -> memref<2048xi32, #tpu.memory_space<vmem>>
      %dma_wait3A_161 = tpu.memref_slice %arg3[%mul3A_22] : memref<327680xi32, #tpu.memory_space<hbm>> -> memref<2048xi32, #tpu.memory_space<hbm>>
      tpu.wait_dma2 semaphore(%arg13 : memref<!tpu.dma_semaphore, #tpu.memory_space<semaphore_mem>>) src(%dma_wait3A_161 : memref<2048xi32, #tpu.memory_space<hbm>>) dst(%dma_wait3A_160 : memref<2048xi32, #tpu.memory_space<vmem>>)
      %dma_wait3A_162 = arith.constant 0 : i32
      %dma_wait3A_163 = arith.constant 0 : i32
      %dma_wait3A_164 = tpu.memref_slice %arg8[%dma_wait3A_162, %dma_wait3A_163] : memref<6x2048xi32, #tpu.memory_space<vmem>> -> memref<1x2048xi32, #tpu.memory_space<vmem>>
      %dma_wait3A_165 = tpu.memref_squeeze %dma_wait3A_164 : memref<1x2048xi32, #tpu.memory_space<vmem>> -> memref<2048xi32, #tpu.memory_space<vmem>>
      %dma_wait3A_166 = tpu.memref_slice %arg4[%mul3A_22] : memref<327680xi32, #tpu.memory_space<hbm>> -> memref<2048xi32, #tpu.memory_space<hbm>>
      %dma_wait3A_167 = arith.constant 0 : i32
      %dma_wait3A_168 = tpu.memref_slice %arg8[%dma_wait3A_162, %dma_wait3A_167] : memref<6x2048xi32, #tpu.memory_space<vmem>> -> memref<1x2048xi32, #tpu.memory_space<vmem>>
      %dma_wait3A_169 = tpu.memref_squeeze %dma_wait3A_168 : memref<1x2048xi32, #tpu.memory_space<vmem>> -> memref<2048xi32, #tpu.memory_space<vmem>>
      %dma_wait3A_170 = tpu.memref_slice %arg4[%mul3A_22] : memref<327680xi32, #tpu.memory_space<hbm>> -> memref<2048xi32, #tpu.memory_space<hbm>>
      tpu.wait_dma2 semaphore(%arg14 : memref<!tpu.dma_semaphore, #tpu.memory_space<semaphore_mem>>) src(%dma_wait3A_170 : memref<2048xi32, #tpu.memory_space<hbm>>) dst(%dma_wait3A_169 : memref<2048xi32, #tpu.memory_space<vmem>>)
      %dma_wait3A_171 = arith.constant 0 : i32
      %dma_wait3A_172 = arith.constant 0 : i32
      %dma_wait3A_173 = tpu.memref_slice %arg7[%dma_wait3A_171, %dma_wait3A_172] : memref<6x2048xi32, #tpu.memory_space<vmem>> -> memref<1x2048xi32, #tpu.memory_space<vmem>>
      %dma_wait3A_174 = tpu.memref_squeeze %dma_wait3A_173 : memref<1x2048xi32, #tpu.memory_space<vmem>> -> memref<2048xi32, #tpu.memory_space<vmem>>
      %dma_wait3A_175 = tpu.memref_slice %arg3[%mul3A_22] : memref<327680xi32, #tpu.memory_space<hbm>> -> memref<2048xi32, #tpu.memory_space<hbm>>
      %dma_wait3A_176 = arith.constant 0 : i32
      %dma_wait3A_177 = tpu.memref_slice %arg7[%dma_wait3A_171, %dma_wait3A_176] : memref<6x2048xi32, #tpu.memory_space<vmem>> -> memref<1x2048xi32, #tpu.memory_space<vmem>>
      %dma_wait3A_178 = tpu.memref_squeeze %dma_wait3A_177 : memref<1x2048xi32, #tpu.memory_space<vmem>> -> memref<2048xi32, #tpu.memory_space<vmem>>
      %dma_wait3A_179 = tpu.memref_slice %arg3[%mul3A_22] : memref<327680xi32, #tpu.memory_space<hbm>> -> memref<2048xi32, #tpu.memory_space<hbm>>
      tpu.wait_dma2 semaphore(%arg13 : memref<!tpu.dma_semaphore, #tpu.memory_space<semaphore_mem>>) src(%dma_wait3A_179 : memref<2048xi32, #tpu.memory_space<hbm>>) dst(%dma_wait3A_178 : memref<2048xi32, #tpu.memory_space<vmem>>)
      %dma_wait3A_180 = arith.constant 0 : i32
      %dma_wait3A_181 = arith.constant 0 : i32
      %dma_wait3A_182 = tpu.memref_slice %arg8[%dma_wait3A_180, %dma_wait3A_181] : memref<6x2048xi32, #tpu.memory_space<vmem>> -> memref<1x2048xi32, #tpu.memory_space<vmem>>
      %dma_wait3A_183 = tpu.memref_squeeze %dma_wait3A_182 : memref<1x2048xi32, #tpu.memory_space<vmem>> -> memref<2048xi32, #tpu.memory_space<vmem>>
      %dma_wait3A_184 = tpu.memref_slice %arg4[%mul3A_22] : memref<327680xi32, #tpu.memory_space<hbm>> -> memref<2048xi32, #tpu.memory_space<hbm>>
      %dma_wait3A_185 = arith.constant 0 : i32
      %dma_wait3A_186 = tpu.memref_slice %arg8[%dma_wait3A_180, %dma_wait3A_185] : memref<6x2048xi32, #tpu.memory_space<vmem>> -> memref<1x2048xi32, #tpu.memory_space<vmem>>
      %dma_wait3A_187 = tpu.memref_squeeze %dma_wait3A_186 : memref<1x2048xi32, #tpu.memory_space<vmem>> -> memref<2048xi32, #tpu.memory_space<vmem>>
      %dma_wait3A_188 = tpu.memref_slice %arg4[%mul3A_22] : memref<327680xi32, #tpu.memory_space<hbm>> -> memref<2048xi32, #tpu.memory_space<hbm>>
      tpu.wait_dma2 semaphore(%arg14 : memref<!tpu.dma_semaphore, #tpu.memory_space<semaphore_mem>>) src(%dma_wait3A_188 : memref<2048xi32, #tpu.memory_space<hbm>>) dst(%dma_wait3A_187 : memref<2048xi32, #tpu.memory_space<vmem>>)
      %dma_wait3A_189 = arith.constant 0 : i32
      %dma_wait3A_190 = arith.constant 0 : i32
      %dma_wait3A_191 = tpu.memref_slice %arg7[%dma_wait3A_189, %dma_wait3A_190] : memref<6x2048xi32, #tpu.memory_space<vmem>> -> memref<1x2048xi32, #tpu.memory_space<vmem>>
      %dma_wait3A_192 = tpu.memref_squeeze %dma_wait3A_191 : memref<1x2048xi32, #tpu.memory_space<vmem>> -> memref<2048xi32, #tpu.memory_space<vmem>>
      %dma_wait3A_193 = tpu.memref_slice %arg3[%mul3A_22] : memref<327680xi32, #tpu.memory_space<hbm>> -> memref<2048xi32, #tpu.memory_space<hbm>>
      %dma_wait3A_194 = arith.constant 0 : i32
      %dma_wait3A_195 = tpu.memref_slice %arg7[%dma_wait3A_189, %dma_wait3A_194] : memref<6x2048xi32, #tpu.memory_space<vmem>> -> memref<1x2048xi32, #tpu.memory_space<vmem>>
      %dma_wait3A_196 = tpu.memref_squeeze %dma_wait3A_195 : memref<1x2048xi32, #tpu.memory_space<vmem>> -> memref<2048xi32, #tpu.memory_space<vmem>>
      %dma_wait3A_197 = tpu.memref_slice %arg3[%mul3A_22] : memref<327680xi32, #tpu.memory_space<hbm>> -> memref<2048xi32, #tpu.memory_space<hbm>>
      tpu.wait_dma2 semaphore(%arg13 : memref<!tpu.dma_semaphore, #tpu.memory_space<semaphore_mem>>) src(%dma_wait3A_197 : memref<2048xi32, #tpu.memory_space<hbm>>) dst(%dma_wait3A_196 : memref<2048xi32, #tpu.memory_space<vmem>>)
      %dma_wait3A_198 = arith.constant 0 : i32
      %dma_wait3A_199 = arith.constant 0 : i32
      %dma_wait3A_200 = tpu.memref_slice %arg8[%dma_wait3A_198, %dma_wait3A_199] : memref<6x2048xi32, #tpu.memory_space<vmem>> -> memref<1x2048xi32, #tpu.memory_space<vmem>>
      %dma_wait3A_201 = tpu.memref_squeeze %dma_wait3A_200 : memref<1x2048xi32, #tpu.memory_space<vmem>> -> memref<2048xi32, #tpu.memory_space<vmem>>
      %dma_wait3A_202 = tpu.memref_slice %arg4[%mul3A_22] : memref<327680xi32, #tpu.memory_space<hbm>> -> memref<2048xi32, #tpu.memory_space<hbm>>
      %dma_wait3A_203 = arith.constant 0 : i32
      %dma_wait3A_204 = tpu.memref_slice %arg8[%dma_wait3A_198, %dma_wait3A_203] : memref<6x2048xi32, #tpu.memory_space<vmem>> -> memref<1x2048xi32, #tpu.memory_space<vmem>>
      %dma_wait3A_205 = tpu.memref_squeeze %dma_wait3A_204 : memref<1x2048xi32, #tpu.memory_space<vmem>> -> memref<2048xi32, #tpu.memory_space<vmem>>
      %dma_wait3A_206 = tpu.memref_slice %arg4[%mul3A_22] : memref<327680xi32, #tpu.memory_space<hbm>> -> memref<2048xi32, #tpu.memory_space<hbm>>
      tpu.wait_dma2 semaphore(%arg14 : memref<!tpu.dma_semaphore, #tpu.memory_space<semaphore_mem>>) src(%dma_wait3A_206 : memref<2048xi32, #tpu.memory_space<hbm>>) dst(%dma_wait3A_205 : memref<2048xi32, #tpu.memory_space<vmem>>)
      %dma_wait3A_207 = arith.constant 0 : i32
      %dma_wait3A_208 = arith.constant 0 : i32
      %dma_wait3A_209 = tpu.memref_slice %arg7[%dma_wait3A_207, %dma_wait3A_208] : memref<6x2048xi32, #tpu.memory_space<vmem>> -> memref<1x2048xi32, #tpu.memory_space<vmem>>
      %dma_wait3A_210 = tpu.memref_squeeze %dma_wait3A_209 : memref<1x2048xi32, #tpu.memory_space<vmem>> -> memref<2048xi32, #tpu.memory_space<vmem>>
      %dma_wait3A_211 = tpu.memref_slice %arg3[%mul3A_22] : memref<327680xi32, #tpu.memory_space<hbm>> -> memref<2048xi32, #tpu.memory_space<hbm>>
      %dma_wait3A_212 = arith.constant 0 : i32
      %dma_wait3A_213 = tpu.memref_slice %arg7[%dma_wait3A_207, %dma_wait3A_212] : memref<6x2048xi32, #tpu.memory_space<vmem>> -> memref<1x2048xi32, #tpu.memory_space<vmem>>
      %dma_wait3A_214 = tpu.memref_squeeze %dma_wait3A_213 : memref<1x2048xi32, #tpu.memory_space<vmem>> -> memref<2048xi32, #tpu.memory_space<vmem>>
      %dma_wait3A_215 = tpu.memref_slice %arg3[%mul3A_22] : memref<327680xi32, #tpu.memory_space<hbm>> -> memref<2048xi32, #tpu.memory_space<hbm>>
      tpu.wait_dma2 semaphore(%arg13 : memref<!tpu.dma_semaphore, #tpu.memory_space<semaphore_mem>>) src(%dma_wait3A_215 : memref<2048xi32, #tpu.memory_space<hbm>>) dst(%dma_wait3A_214 : memref<2048xi32, #tpu.memory_space<vmem>>)
      %dma_wait3A_216 = arith.constant 0 : i32
      %dma_wait3A_217 = arith.constant 0 : i32
      %dma_wait3A_218 = tpu.memref_slice %arg8[%dma_wait3A_216, %dma_wait3A_217] : memref<6x2048xi32, #tpu.memory_space<vmem>> -> memref<1x2048xi32, #tpu.memory_space<vmem>>
      %dma_wait3A_219 = tpu.memref_squeeze %dma_wait3A_218 : memref<1x2048xi32, #tpu.memory_space<vmem>> -> memref<2048xi32, #tpu.memory_space<vmem>>
      %dma_wait3A_220 = tpu.memref_slice %arg4[%mul3A_22] : memref<327680xi32, #tpu.memory_space<hbm>> -> memref<2048xi32, #tpu.memory_space<hbm>>
      %dma_wait3A_221 = arith.constant 0 : i32
      %dma_wait3A_222 = tpu.memref_slice %arg8[%dma_wait3A_216, %dma_wait3A_221] : memref<6x2048xi32, #tpu.memory_space<vmem>> -> memref<1x2048xi32, #tpu.memory_space<vmem>>
      %dma_wait3A_223 = tpu.memref_squeeze %dma_wait3A_222 : memref<1x2048xi32, #tpu.memory_space<vmem>> -> memref<2048xi32, #tpu.memory_space<vmem>>
      %dma_wait3A_224 = tpu.memref_slice %arg4[%mul3A_22] : memref<327680xi32, #tpu.memory_space<hbm>> -> memref<2048xi32, #tpu.memory_space<hbm>>
      tpu.wait_dma2 semaphore(%arg14 : memref<!tpu.dma_semaphore, #tpu.memory_space<semaphore_mem>>) src(%dma_wait3A_224 : memref<2048xi32, #tpu.memory_space<hbm>>) dst(%dma_wait3A_223 : memref<2048xi32, #tpu.memory_space<vmem>>)
      %dma_wait3A_225 = arith.constant 0 : i32
      %dma_wait3A_226 = arith.constant 0 : i32
      %dma_wait3A_227 = tpu.memref_slice %arg7[%dma_wait3A_225, %dma_wait3A_226] : memref<6x2048xi32, #tpu.memory_space<vmem>> -> memref<1x2048xi32, #tpu.memory_space<vmem>>
      %dma_wait3A_228 = tpu.memref_squeeze %dma_wait3A_227 : memref<1x2048xi32, #tpu.memory_space<vmem>> -> memref<2048xi32, #tpu.memory_space<vmem>>
      %dma_wait3A_229 = tpu.memref_slice %arg3[%mul3A_22] : memref<327680xi32, #tpu.memory_space<hbm>> -> memref<2048xi32, #tpu.memory_space<hbm>>
      %dma_wait3A_230 = arith.constant 0 : i32
      %dma_wait3A_231 = tpu.memref_slice %arg7[%dma_wait3A_225, %dma_wait3A_230] : memref<6x2048xi32, #tpu.memory_space<vmem>> -> memref<1x2048xi32, #tpu.memory_space<vmem>>
      %dma_wait3A_232 = tpu.memref_squeeze %dma_wait3A_231 : memref<1x2048xi32, #tpu.memory_space<vmem>> -> memref<2048xi32, #tpu.memory_space<vmem>>
      %dma_wait3A_233 = tpu.memref_slice %arg3[%mul3A_22] : memref<327680xi32, #tpu.memory_space<hbm>> -> memref<2048xi32, #tpu.memory_space<hbm>>
      tpu.wait_dma2 semaphore(%arg13 : memref<!tpu.dma_semaphore, #tpu.memory_space<semaphore_mem>>) src(%dma_wait3A_233 : memref<2048xi32, #tpu.memory_space<hbm>>) dst(%dma_wait3A_232 : memref<2048xi32, #tpu.memory_space<vmem>>)
      %dma_wait3A_234 = arith.constant 0 : i32
      %dma_wait3A_235 = arith.constant 0 : i32
      %dma_wait3A_236 = tpu.memref_slice %arg8[%dma_wait3A_234, %dma_wait3A_235] : memref<6x2048xi32, #tpu.memory_space<vmem>> -> memref<1x2048xi32, #tpu.memory_space<vmem>>
      %dma_wait3A_237 = tpu.memref_squeeze %dma_wait3A_236 : memref<1x2048xi32, #tpu.memory_space<vmem>> -> memref<2048xi32, #tpu.memory_space<vmem>>
      %dma_wait3A_238 = tpu.memref_slice %arg4[%mul3A_22] : memref<327680xi32, #tpu.memory_space<hbm>> -> memref<2048xi32, #tpu.memory_space<hbm>>
      %dma_wait3A_239 = arith.constant 0 : i32
      %dma_wait3A_240 = tpu.memref_slice %arg8[%dma_wait3A_234, %dma_wait3A_239] : memref<6x2048xi32, #tpu.memory_space<vmem>> -> memref<1x2048xi32, #tpu.memory_space<vmem>>
      %dma_wait3A_241 = tpu.memref_squeeze %dma_wait3A_240 : memref<1x2048xi32, #tpu.memory_space<vmem>> -> memref<2048xi32, #tpu.memory_space<vmem>>
      %dma_wait3A_242 = tpu.memref_slice %arg4[%mul3A_22] : memref<327680xi32, #tpu.memory_space<hbm>> -> memref<2048xi32, #tpu.memory_space<hbm>>
      tpu.wait_dma2 semaphore(%arg14 : memref<!tpu.dma_semaphore, #tpu.memory_space<semaphore_mem>>) src(%dma_wait3A_242 : memref<2048xi32, #tpu.memory_space<hbm>>) dst(%dma_wait3A_241 : memref<2048xi32, #tpu.memory_space<vmem>>)
      %dma_wait3A_243 = arith.constant 0 : i32
      %dma_wait3A_244 = arith.constant 0 : i32
      %dma_wait3A_245 = tpu.memref_slice %arg7[%dma_wait3A_243, %dma_wait3A_244] : memref<6x2048xi32, #tpu.memory_space<vmem>> -> memref<1x2048xi32, #tpu.memory_space<vmem>>
      %dma_wait3A_246 = tpu.memref_squeeze %dma_wait3A_245 : memref<1x2048xi32, #tpu.memory_space<vmem>> -> memref<2048xi32, #tpu.memory_space<vmem>>
      %dma_wait3A_247 = tpu.memref_slice %arg3[%mul3A_22] : memref<327680xi32, #tpu.memory_space<hbm>> -> memref<2048xi32, #tpu.memory_space<hbm>>
      %dma_wait3A_248 = arith.constant 0 : i32
      %dma_wait3A_249 = tpu.memref_slice %arg7[%dma_wait3A_243, %dma_wait3A_248] : memref<6x2048xi32, #tpu.memory_space<vmem>> -> memref<1x2048xi32, #tpu.memory_space<vmem>>
      %dma_wait3A_250 = tpu.memref_squeeze %dma_wait3A_249 : memref<1x2048xi32, #tpu.memory_space<vmem>> -> memref<2048xi32, #tpu.memory_space<vmem>>
      %dma_wait3A_251 = tpu.memref_slice %arg3[%mul3A_22] : memref<327680xi32, #tpu.memory_space<hbm>> -> memref<2048xi32, #tpu.memory_space<hbm>>
      tpu.wait_dma2 semaphore(%arg13 : memref<!tpu.dma_semaphore, #tpu.memory_space<semaphore_mem>>) src(%dma_wait3A_251 : memref<2048xi32, #tpu.memory_space<hbm>>) dst(%dma_wait3A_250 : memref<2048xi32, #tpu.memory_space<vmem>>)
      %dma_wait3A_252 = arith.constant 0 : i32
      %dma_wait3A_253 = arith.constant 0 : i32
      %dma_wait3A_254 = tpu.memref_slice %arg8[%dma_wait3A_252, %dma_wait3A_253] : memref<6x2048xi32, #tpu.memory_space<vmem>> -> memref<1x2048xi32, #tpu.memory_space<vmem>>
      %dma_wait3A_255 = tpu.memref_squeeze %dma_wait3A_254 : memref<1x2048xi32, #tpu.memory_space<vmem>> -> memref<2048xi32, #tpu.memory_space<vmem>>
      %dma_wait3A_256 = tpu.memref_slice %arg4[%mul3A_22] : memref<327680xi32, #tpu.memory_space<hbm>> -> memref<2048xi32, #tpu.memory_space<hbm>>
      %dma_wait3A_257 = arith.constant 0 : i32
      %dma_wait3A_258 = tpu.memref_slice %arg8[%dma_wait3A_252, %dma_wait3A_257] : memref<6x2048xi32, #tpu.memory_space<vmem>> -> memref<1x2048xi32, #tpu.memory_space<vmem>>
      %dma_wait3A_259 = tpu.memref_squeeze %dma_wait3A_258 : memref<1x2048xi32, #tpu.memory_space<vmem>> -> memref<2048xi32, #tpu.memory_space<vmem>>
      %dma_wait3A_260 = tpu.memref_slice %arg4[%mul3A_22] : memref<327680xi32, #tpu.memory_space<hbm>> -> memref<2048xi32, #tpu.memory_space<hbm>>
      tpu.wait_dma2 semaphore(%arg14 : memref<!tpu.dma_semaphore, #tpu.memory_space<semaphore_mem>>) src(%dma_wait3A_260 : memref<2048xi32, #tpu.memory_space<hbm>>) dst(%dma_wait3A_259 : memref<2048xi32, #tpu.memory_space<vmem>>)
      %dma_wait3A_261 = arith.constant 0 : i32
      %dma_wait3A_262 = tpu.memref_slice %arg12[%mul3A_2, %dma_wait3A_261] : memref<10240x16xf32, #tpu.memory_space<vmem_shared>> -> memref<640x16xf32, #tpu.memory_space<vmem_shared>>
      %dma_wait3A_263 = arith.constant 0 : i32
      %dma_wait3A_264 = tpu.memref_slice %arg2[%mul3A_0, %dma_wait3A_263] : memref<10240x16xf32, #tpu.memory_space<hbm>> -> memref<640x16xf32, #tpu.memory_space<hbm>>
      tpu.wait_dma2 semaphore(%arg15 : memref<!tpu.dma_semaphore, #tpu.memory_space<semaphore_mem>>) src(%dma_wait3A_264 : memref<640x16xf32, #tpu.memory_space<hbm>>) dst(%dma_wait3A_262 : memref<640x16xf32, #tpu.memory_space<vmem_shared>>)
      %barrier3A_265 = arith.constant 0 : index
      tpu.barrier barrier_id(%barrier3A_265)
      %dma_start3A_266 = arith.constant 0 : i32
      %dma_start3A_267 = arith.constant 0 : i32
      %dma_start3A_268 = tpu.memref_slice %arg7[%dma_start3A_266, %dma_start3A_267] : memref<6x2048xi32, #tpu.memory_space<vmem>> -> memref<1x2048xi32, #tpu.memory_space<vmem>>
      %dma_start3A_269 = tpu.memref_squeeze %dma_start3A_268 : memref<1x2048xi32, #tpu.memory_space<vmem>> -> memref<2048xi32, #tpu.memory_space<vmem>>
      %dma_start3A_270 = arith.constant 0 : i32
      %dma_start3A_271 = arith.constant 0 : i32
      %dma_start3A_272 = tpu.memref_slice %arg12[%dma_start3A_270, %dma_start3A_271] : memref<10240x16xf32, #tpu.memory_space<vmem_shared>> -> memref<10240x16xf32, #tpu.memory_space<vmem_shared>>
      tpu.enqueue_indirect_dma source(%dma_start3A_272 : memref<10240x16xf32, #tpu.memory_space<vmem_shared>>) target(%arg9 : memref<2048x16xf32, #tpu.memory_space<vmem>>) offsets(%dma_start3A_269 : memref<2048xi32, #tpu.memory_space<vmem>>) semaphore(%arg13 : memref<!tpu.dma_semaphore, #tpu.memory_space<semaphore_mem>>)
      %dma_start3A_273 = arith.constant 1 : i32
      %dma_start3A_274 = arith.constant 0 : i32
      %dma_start3A_275 = tpu.memref_slice %arg7[%dma_start3A_273, %dma_start3A_274] : memref<6x2048xi32, #tpu.memory_space<vmem>> -> memref<1x2048xi32, #tpu.memory_space<vmem>>
      %dma_start3A_276 = tpu.memref_squeeze %dma_start3A_275 : memref<1x2048xi32, #tpu.memory_space<vmem>> -> memref<2048xi32, #tpu.memory_space<vmem>>
      %dma_start3A_277 = arith.constant 0 : i32
      %dma_start3A_278 = arith.constant 0 : i32
      %dma_start3A_279 = tpu.memref_slice %arg12[%dma_start3A_277, %dma_start3A_278] : memref<10240x16xf32, #tpu.memory_space<vmem_shared>> -> memref<10240x16xf32, #tpu.memory_space<vmem_shared>>
      tpu.enqueue_indirect_dma source(%dma_start3A_279 : memref<10240x16xf32, #tpu.memory_space<vmem_shared>>) target(%arg10 : memref<2048x16xf32, #tpu.memory_space<vmem>>) offsets(%dma_start3A_276 : memref<2048xi32, #tpu.memory_space<vmem>>) semaphore(%arg14 : memref<!tpu.dma_semaphore, #tpu.memory_space<semaphore_mem>>)
      %dma_wait3A_280 = arith.constant 0 : i32
      %dma_wait3A_281 = arith.constant 0 : i32
      %dma_wait3A_282 = tpu.memref_slice %arg7[%dma_wait3A_280, %dma_wait3A_281] : memref<6x2048xi32, #tpu.memory_space<vmem>> -> memref<1x2048xi32, #tpu.memory_space<vmem>>
      %dma_wait3A_283 = tpu.memref_squeeze %dma_wait3A_282 : memref<1x2048xi32, #tpu.memory_space<vmem>> -> memref<2048xi32, #tpu.memory_space<vmem>>
      %dma_wait3A_284 = arith.constant 0 : i32
      %dma_wait3A_285 = arith.constant 0 : i32
      %dma_wait3A_286 = tpu.memref_slice %arg12[%dma_wait3A_284, %dma_wait3A_285] : memref<10240x16xf32, #tpu.memory_space<vmem_shared>> -> memref<10240x16xf32, #tpu.memory_space<vmem_shared>>
      tpu.wait_indirect_dma semaphore(%arg13 : memref<!tpu.dma_semaphore, #tpu.memory_space<semaphore_mem>>) src(%dma_wait3A_286 : memref<10240x16xf32, #tpu.memory_space<vmem_shared>>) dst(%arg9 : memref<2048x16xf32, #tpu.memory_space<vmem>>)
      %run_scoped3A = arith.constant 0 : i32
      "tpu.region"() ({
        %run_scoped3A_355 = tpu.sem_alloc : memref<!tpu.dma_semaphore, #tpu.memory_space<semaphore_mem>>
        %dma_start3A_356 = arith.constant 0 : i32
        %dma_start3A_357 = tpu.memref_slice %arg8[%run_scoped3A, %dma_start3A_356] : memref<6x2048xi32, #tpu.memory_space<vmem>> -> memref<1x2048xi32, #tpu.memory_space<vmem>>
        %dma_start3A_358 = tpu.memref_squeeze %dma_start3A_357 : memref<1x2048xi32, #tpu.memory_space<vmem>> -> memref<2048xi32, #tpu.memory_space<vmem>>
        %dma_start3A_359 = arith.constant 0 : i32
        %dma_start3A_360 = arith.constant 0 : i32
        %dma_start3A_361 = tpu.memref_slice %arg11[%dma_start3A_359, %dma_start3A_360] : memref<10240x16xf32, #tpu.memory_space<vmem_shared>> -> memref<10240x16xf32, #tpu.memory_space<vmem_shared>>
        tpu.enqueue_indirect_dma source(%arg9 : memref<2048x16xf32, #tpu.memory_space<vmem>>) target(%dma_start3A_361 : memref<10240x16xf32, #tpu.memory_space<vmem_shared>>) offsets(%dma_start3A_358 : memref<2048xi32, #tpu.memory_space<vmem>>) semaphore(%run_scoped3A_355 : memref<!tpu.dma_semaphore, #tpu.memory_space<semaphore_mem>>) {add = true}
        %dma_wait3A_362 = arith.constant 0 : i32
        %dma_wait3A_363 = tpu.memref_slice %arg8[%run_scoped3A, %dma_wait3A_362] : memref<6x2048xi32, #tpu.memory_space<vmem>> -> memref<1x2048xi32, #tpu.memory_space<vmem>>
        %dma_wait3A_364 = tpu.memref_squeeze %dma_wait3A_363 : memref<1x2048xi32, #tpu.memory_space<vmem>> -> memref<2048xi32, #tpu.memory_space<vmem>>
        %dma_wait3A_365 = arith.constant 0 : i32
        %dma_wait3A_366 = arith.constant 0 : i32
        %dma_wait3A_367 = tpu.memref_slice %arg11[%dma_wait3A_365, %dma_wait3A_366] : memref<10240x16xf32, #tpu.memory_space<vmem_shared>> -> memref<10240x16xf32, #tpu.memory_space<vmem_shared>>
        tpu.wait_indirect_dma semaphore(%run_scoped3A_355 : memref<!tpu.dma_semaphore, #tpu.memory_space<semaphore_mem>>) src(%arg9 : memref<2048x16xf32, #tpu.memory_space<vmem>>) dst(%dma_wait3A_367 : memref<10240x16xf32, #tpu.memory_space<vmem_shared>>)
        tpu.yield
      }) : () -> ()
      %dma_start3A_287 = arith.constant 2 : i32
      %dma_start3A_288 = arith.constant 0 : i32
      %dma_start3A_289 = tpu.memref_slice %arg7[%dma_start3A_287, %dma_start3A_288] : memref<6x2048xi32, #tpu.memory_space<vmem>> -> memref<1x2048xi32, #tpu.memory_space<vmem>>
      %dma_start3A_290 = tpu.memref_squeeze %dma_start3A_289 : memref<1x2048xi32, #tpu.memory_space<vmem>> -> memref<2048xi32, #tpu.memory_space<vmem>>
      %dma_start3A_291 = arith.constant 0 : i32
      %dma_start3A_292 = arith.constant 0 : i32
      %dma_start3A_293 = tpu.memref_slice %arg12[%dma_start3A_291, %dma_start3A_292] : memref<10240x16xf32, #tpu.memory_space<vmem_shared>> -> memref<10240x16xf32, #tpu.memory_space<vmem_shared>>
      tpu.enqueue_indirect_dma source(%dma_start3A_293 : memref<10240x16xf32, #tpu.memory_space<vmem_shared>>) target(%arg9 : memref<2048x16xf32, #tpu.memory_space<vmem>>) offsets(%dma_start3A_290 : memref<2048xi32, #tpu.memory_space<vmem>>) semaphore(%arg13 : memref<!tpu.dma_semaphore, #tpu.memory_space<semaphore_mem>>)
      %dma_wait3A_294 = arith.constant 1 : i32
      %dma_wait3A_295 = arith.constant 0 : i32
      %dma_wait3A_296 = tpu.memref_slice %arg7[%dma_wait3A_294, %dma_wait3A_295] : memref<6x2048xi32, #tpu.memory_space<vmem>> -> memref<1x2048xi32, #tpu.memory_space<vmem>>
      %dma_wait3A_297 = tpu.memref_squeeze %dma_wait3A_296 : memref<1x2048xi32, #tpu.memory_space<vmem>> -> memref<2048xi32, #tpu.memory_space<vmem>>
      %dma_wait3A_298 = arith.constant 0 : i32
      %dma_wait3A_299 = arith.constant 0 : i32
      %dma_wait3A_300 = tpu.memref_slice %arg12[%dma_wait3A_298, %dma_wait3A_299] : memref<10240x16xf32, #tpu.memory_space<vmem_shared>> -> memref<10240x16xf32, #tpu.memory_space<vmem_shared>>
      tpu.wait_indirect_dma semaphore(%arg14 : memref<!tpu.dma_semaphore, #tpu.memory_space<semaphore_mem>>) src(%dma_wait3A_300 : memref<10240x16xf32, #tpu.memory_space<vmem_shared>>) dst(%arg10 : memref<2048x16xf32, #tpu.memory_space<vmem>>)
      %run_scoped3A_301 = arith.constant 1 : i32
      "tpu.region"() ({
        %run_scoped3A_355 = tpu.sem_alloc : memref<!tpu.dma_semaphore, #tpu.memory_space<semaphore_mem>>
        %dma_start3A_356 = arith.constant 0 : i32
        %dma_start3A_357 = tpu.memref_slice %arg8[%run_scoped3A_301, %dma_start3A_356] : memref<6x2048xi32, #tpu.memory_space<vmem>> -> memref<1x2048xi32, #tpu.memory_space<vmem>>
        %dma_start3A_358 = tpu.memref_squeeze %dma_start3A_357 : memref<1x2048xi32, #tpu.memory_space<vmem>> -> memref<2048xi32, #tpu.memory_space<vmem>>
        %dma_start3A_359 = arith.constant 0 : i32
        %dma_start3A_360 = arith.constant 0 : i32
        %dma_start3A_361 = tpu.memref_slice %arg11[%dma_start3A_359, %dma_start3A_360] : memref<10240x16xf32, #tpu.memory_space<vmem_shared>> -> memref<10240x16xf32, #tpu.memory_space<vmem_shared>>
        tpu.enqueue_indirect_dma source(%arg10 : memref<2048x16xf32, #tpu.memory_space<vmem>>) target(%dma_start3A_361 : memref<10240x16xf32, #tpu.memory_space<vmem_shared>>) offsets(%dma_start3A_358 : memref<2048xi32, #tpu.memory_space<vmem>>) semaphore(%run_scoped3A_355 : memref<!tpu.dma_semaphore, #tpu.memory_space<semaphore_mem>>) {add = true}
        %dma_wait3A_362 = arith.constant 0 : i32
        %dma_wait3A_363 = tpu.memref_slice %arg8[%run_scoped3A_301, %dma_wait3A_362] : memref<6x2048xi32, #tpu.memory_space<vmem>> -> memref<1x2048xi32, #tpu.memory_space<vmem>>
        %dma_wait3A_364 = tpu.memref_squeeze %dma_wait3A_363 : memref<1x2048xi32, #tpu.memory_space<vmem>> -> memref<2048xi32, #tpu.memory_space<vmem>>
        %dma_wait3A_365 = arith.constant 0 : i32
        %dma_wait3A_366 = arith.constant 0 : i32
        %dma_wait3A_367 = tpu.memref_slice %arg11[%dma_wait3A_365, %dma_wait3A_366] : memref<10240x16xf32, #tpu.memory_space<vmem_shared>> -> memref<10240x16xf32, #tpu.memory_space<vmem_shared>>
        tpu.wait_indirect_dma semaphore(%run_scoped3A_355 : memref<!tpu.dma_semaphore, #tpu.memory_space<semaphore_mem>>) src(%arg10 : memref<2048x16xf32, #tpu.memory_space<vmem>>) dst(%dma_wait3A_367 : memref<10240x16xf32, #tpu.memory_space<vmem_shared>>)
        tpu.yield
      }) : () -> ()
      %dma_start3A_302 = arith.constant 3 : i32
      %dma_start3A_303 = arith.constant 0 : i32
      %dma_start3A_304 = tpu.memref_slice %arg7[%dma_start3A_302, %dma_start3A_303] : memref<6x2048xi32, #tpu.memory_space<vmem>> -> memref<1x2048xi32, #tpu.memory_space<vmem>>
      %dma_start3A_305 = tpu.memref_squeeze %dma_start3A_304 : memref<1x2048xi32, #tpu.memory_space<vmem>> -> memref<2048xi32, #tpu.memory_space<vmem>>
      %dma_start3A_306 = arith.constant 0 : i32
      %dma_start3A_307 = arith.constant 0 : i32
      %dma_start3A_308 = tpu.memref_slice %arg12[%dma_start3A_306, %dma_start3A_307] : memref<10240x16xf32, #tpu.memory_space<vmem_shared>> -> memref<10240x16xf32, #tpu.memory_space<vmem_shared>>
      tpu.enqueue_indirect_dma source(%dma_start3A_308 : memref<10240x16xf32, #tpu.memory_space<vmem_shared>>) target(%arg10 : memref<2048x16xf32, #tpu.memory_space<vmem>>) offsets(%dma_start3A_305 : memref<2048xi32, #tpu.memory_space<vmem>>) semaphore(%arg14 : memref<!tpu.dma_semaphore, #tpu.memory_space<semaphore_mem>>)
      %dma_wait3A_309 = arith.constant 2 : i32
      %dma_wait3A_310 = arith.constant 0 : i32
      %dma_wait3A_311 = tpu.memref_slice %arg7[%dma_wait3A_309, %dma_wait3A_310] : memref<6x2048xi32, #tpu.memory_space<vmem>> -> memref<1x2048xi32, #tpu.memory_space<vmem>>
      %dma_wait3A_312 = tpu.memref_squeeze %dma_wait3A_311 : memref<1x2048xi32, #tpu.memory_space<vmem>> -> memref<2048xi32, #tpu.memory_space<vmem>>
      %dma_wait3A_313 = arith.constant 0 : i32
      %dma_wait3A_314 = arith.constant 0 : i32
      %dma_wait3A_315 = tpu.memref_slice %arg12[%dma_wait3A_313, %dma_wait3A_314] : memref<10240x16xf32, #tpu.memory_space<vmem_shared>> -> memref<10240x16xf32, #tpu.memory_space<vmem_shared>>
      tpu.wait_indirect_dma semaphore(%arg13 : memref<!tpu.dma_semaphore, #tpu.memory_space<semaphore_mem>>) src(%dma_wait3A_315 : memref<10240x16xf32, #tpu.memory_space<vmem_shared>>) dst(%arg9 : memref<2048x16xf32, #tpu.memory_space<vmem>>)
      %run_scoped3A_316 = arith.constant 2 : i32
      "tpu.region"() ({
        %run_scoped3A_355 = tpu.sem_alloc : memref<!tpu.dma_semaphore, #tpu.memory_space<semaphore_mem>>
        %dma_start3A_356 = arith.constant 0 : i32
        %dma_start3A_357 = tpu.memref_slice %arg8[%run_scoped3A_316, %dma_start3A_356] : memref<6x2048xi32, #tpu.memory_space<vmem>> -> memref<1x2048xi32, #tpu.memory_space<vmem>>
        %dma_start3A_358 = tpu.memref_squeeze %dma_start3A_357 : memref<1x2048xi32, #tpu.memory_space<vmem>> -> memref<2048xi32, #tpu.memory_space<vmem>>
        %dma_start3A_359 = arith.constant 0 : i32
        %dma_start3A_360 = arith.constant 0 : i32
        %dma_start3A_361 = tpu.memref_slice %arg11[%dma_start3A_359, %dma_start3A_360] : memref<10240x16xf32, #tpu.memory_space<vmem_shared>> -> memref<10240x16xf32, #tpu.memory_space<vmem_shared>>
        tpu.enqueue_indirect_dma source(%arg9 : memref<2048x16xf32, #tpu.memory_space<vmem>>) target(%dma_start3A_361 : memref<10240x16xf32, #tpu.memory_space<vmem_shared>>) offsets(%dma_start3A_358 : memref<2048xi32, #tpu.memory_space<vmem>>) semaphore(%run_scoped3A_355 : memref<!tpu.dma_semaphore, #tpu.memory_space<semaphore_mem>>) {add = true}
        %dma_wait3A_362 = arith.constant 0 : i32
        %dma_wait3A_363 = tpu.memref_slice %arg8[%run_scoped3A_316, %dma_wait3A_362] : memref<6x2048xi32, #tpu.memory_space<vmem>> -> memref<1x2048xi32, #tpu.memory_space<vmem>>
        %dma_wait3A_364 = tpu.memref_squeeze %dma_wait3A_363 : memref<1x2048xi32, #tpu.memory_space<vmem>> -> memref<2048xi32, #tpu.memory_space<vmem>>
        %dma_wait3A_365 = arith.constant 0 : i32
        %dma_wait3A_366 = arith.constant 0 : i32
        %dma_wait3A_367 = tpu.memref_slice %arg11[%dma_wait3A_365, %dma_wait3A_366] : memref<10240x16xf32, #tpu.memory_space<vmem_shared>> -> memref<10240x16xf32, #tpu.memory_space<vmem_shared>>
        tpu.wait_indirect_dma semaphore(%run_scoped3A_355 : memref<!tpu.dma_semaphore, #tpu.memory_space<semaphore_mem>>) src(%arg9 : memref<2048x16xf32, #tpu.memory_space<vmem>>) dst(%dma_wait3A_367 : memref<10240x16xf32, #tpu.memory_space<vmem_shared>>)
        tpu.yield
      }) : () -> ()
      %dma_start3A_317 = arith.constant 4 : i32
      %dma_start3A_318 = arith.constant 0 : i32
      %dma_start3A_319 = tpu.memref_slice %arg7[%dma_start3A_317, %dma_start3A_318] : memref<6x2048xi32, #tpu.memory_space<vmem>> -> memref<1x2048xi32, #tpu.memory_space<vmem>>
      %dma_start3A_320 = tpu.memref_squeeze %dma_start3A_319 : memref<1x2048xi32, #tpu.memory_space<vmem>> -> memref<2048xi32, #tpu.memory_space<vmem>>
      %dma_start3A_321 = arith.constant 0 : i32
      %dma_start3A_322 = arith.constant 0 : i32
      %dma_start3A_323 = tpu.memref_slice %arg12[%dma_start3A_321, %dma_start3A_322] : memref<10240x16xf32, #tpu.memory_space<vmem_shared>> -> memref<10240x16xf32, #tpu.memory_space<vmem_shared>>
      tpu.enqueue_indirect_dma source(%dma_start3A_323 : memref<10240x16xf32, #tpu.memory_space<vmem_shared>>) target(%arg9 : memref<2048x16xf32, #tpu.memory_space<vmem>>) offsets(%dma_start3A_320 : memref<2048xi32, #tpu.memory_space<vmem>>) semaphore(%arg13 : memref<!tpu.dma_semaphore, #tpu.memory_space<semaphore_mem>>)
      %dma_wait3A_324 = arith.constant 3 : i32
      %dma_wait3A_325 = arith.constant 0 : i32
      %dma_wait3A_326 = tpu.memref_slice %arg7[%dma_wait3A_324, %dma_wait3A_325] : memref<6x2048xi32, #tpu.memory_space<vmem>> -> memref<1x2048xi32, #tpu.memory_space<vmem>>
      %dma_wait3A_327 = tpu.memref_squeeze %dma_wait3A_326 : memref<1x2048xi32, #tpu.memory_space<vmem>> -> memref<2048xi32, #tpu.memory_space<vmem>>
      %dma_wait3A_328 = arith.constant 0 : i32
      %dma_wait3A_329 = arith.constant 0 : i32
      %dma_wait3A_330 = tpu.memref_slice %arg12[%dma_wait3A_328, %dma_wait3A_329] : memref<10240x16xf32, #tpu.memory_space<vmem_shared>> -> memref<10240x16xf32, #tpu.memory_space<vmem_shared>>
      tpu.wait_indirect_dma semaphore(%arg14 : memref<!tpu.dma_semaphore, #tpu.memory_space<semaphore_mem>>) src(%dma_wait3A_330 : memref<10240x16xf32, #tpu.memory_space<vmem_shared>>) dst(%arg10 : memref<2048x16xf32, #tpu.memory_space<vmem>>)
      %run_scoped3A_331 = arith.constant 3 : i32
      "tpu.region"() ({
        %run_scoped3A_355 = tpu.sem_alloc : memref<!tpu.dma_semaphore, #tpu.memory_space<semaphore_mem>>
        %dma_start3A_356 = arith.constant 0 : i32
        %dma_start3A_357 = tpu.memref_slice %arg8[%run_scoped3A_331, %dma_start3A_356] : memref<6x2048xi32, #tpu.memory_space<vmem>> -> memref<1x2048xi32, #tpu.memory_space<vmem>>
        %dma_start3A_358 = tpu.memref_squeeze %dma_start3A_357 : memref<1x2048xi32, #tpu.memory_space<vmem>> -> memref<2048xi32, #tpu.memory_space<vmem>>
        %dma_start3A_359 = arith.constant 0 : i32
        %dma_start3A_360 = arith.constant 0 : i32
        %dma_start3A_361 = tpu.memref_slice %arg11[%dma_start3A_359, %dma_start3A_360] : memref<10240x16xf32, #tpu.memory_space<vmem_shared>> -> memref<10240x16xf32, #tpu.memory_space<vmem_shared>>
        tpu.enqueue_indirect_dma source(%arg10 : memref<2048x16xf32, #tpu.memory_space<vmem>>) target(%dma_start3A_361 : memref<10240x16xf32, #tpu.memory_space<vmem_shared>>) offsets(%dma_start3A_358 : memref<2048xi32, #tpu.memory_space<vmem>>) semaphore(%run_scoped3A_355 : memref<!tpu.dma_semaphore, #tpu.memory_space<semaphore_mem>>) {add = true}
        %dma_wait3A_362 = arith.constant 0 : i32
        %dma_wait3A_363 = tpu.memref_slice %arg8[%run_scoped3A_331, %dma_wait3A_362] : memref<6x2048xi32, #tpu.memory_space<vmem>> -> memref<1x2048xi32, #tpu.memory_space<vmem>>
        %dma_wait3A_364 = tpu.memref_squeeze %dma_wait3A_363 : memref<1x2048xi32, #tpu.memory_space<vmem>> -> memref<2048xi32, #tpu.memory_space<vmem>>
        %dma_wait3A_365 = arith.constant 0 : i32
        %dma_wait3A_366 = arith.constant 0 : i32
        %dma_wait3A_367 = tpu.memref_slice %arg11[%dma_wait3A_365, %dma_wait3A_366] : memref<10240x16xf32, #tpu.memory_space<vmem_shared>> -> memref<10240x16xf32, #tpu.memory_space<vmem_shared>>
        tpu.wait_indirect_dma semaphore(%run_scoped3A_355 : memref<!tpu.dma_semaphore, #tpu.memory_space<semaphore_mem>>) src(%arg10 : memref<2048x16xf32, #tpu.memory_space<vmem>>) dst(%dma_wait3A_367 : memref<10240x16xf32, #tpu.memory_space<vmem_shared>>)
        tpu.yield
      }) : () -> ()
      %dma_start3A_332 = arith.constant 5 : i32
      %dma_start3A_333 = arith.constant 0 : i32
      %dma_start3A_334 = tpu.memref_slice %arg7[%dma_start3A_332, %dma_start3A_333] : memref<6x2048xi32, #tpu.memory_space<vmem>> -> memref<1x2048xi32, #tpu.memory_space<vmem>>
      %dma_start3A_335 = tpu.memref_squeeze %dma_start3A_334 : memref<1x2048xi32, #tpu.memory_space<vmem>> -> memref<2048xi32, #tpu.memory_space<vmem>>
      %dma_start3A_336 = arith.constant 0 : i32
      %dma_start3A_337 = arith.constant 0 : i32
      %dma_start3A_338 = tpu.memref_slice %arg12[%dma_start3A_336, %dma_start3A_337] : memref<10240x16xf32, #tpu.memory_space<vmem_shared>> -> memref<10240x16xf32, #tpu.memory_space<vmem_shared>>
      tpu.enqueue_indirect_dma source(%dma_start3A_338 : memref<10240x16xf32, #tpu.memory_space<vmem_shared>>) target(%arg10 : memref<2048x16xf32, #tpu.memory_space<vmem>>) offsets(%dma_start3A_335 : memref<2048xi32, #tpu.memory_space<vmem>>) semaphore(%arg14 : memref<!tpu.dma_semaphore, #tpu.memory_space<semaphore_mem>>)
      %dma_wait3A_339 = arith.constant 4 : i32
      %dma_wait3A_340 = arith.constant 0 : i32
      %dma_wait3A_341 = tpu.memref_slice %arg7[%dma_wait3A_339, %dma_wait3A_340] : memref<6x2048xi32, #tpu.memory_space<vmem>> -> memref<1x2048xi32, #tpu.memory_space<vmem>>
      %dma_wait3A_342 = tpu.memref_squeeze %dma_wait3A_341 : memref<1x2048xi32, #tpu.memory_space<vmem>> -> memref<2048xi32, #tpu.memory_space<vmem>>
      %dma_wait3A_343 = arith.constant 0 : i32
      %dma_wait3A_344 = arith.constant 0 : i32
      %dma_wait3A_345 = tpu.memref_slice %arg12[%dma_wait3A_343, %dma_wait3A_344] : memref<10240x16xf32, #tpu.memory_space<vmem_shared>> -> memref<10240x16xf32, #tpu.memory_space<vmem_shared>>
      tpu.wait_indirect_dma semaphore(%arg13 : memref<!tpu.dma_semaphore, #tpu.memory_space<semaphore_mem>>) src(%dma_wait3A_345 : memref<10240x16xf32, #tpu.memory_space<vmem_shared>>) dst(%arg9 : memref<2048x16xf32, #tpu.memory_space<vmem>>)
      %run_scoped3A_346 = arith.constant 4 : i32
      "tpu.region"() ({
        %run_scoped3A_355 = tpu.sem_alloc : memref<!tpu.dma_semaphore, #tpu.memory_space<semaphore_mem>>
        %dma_start3A_356 = arith.constant 0 : i32
        %dma_start3A_357 = tpu.memref_slice %arg8[%run_scoped3A_346, %dma_start3A_356] : memref<6x2048xi32, #tpu.memory_space<vmem>> -> memref<1x2048xi32, #tpu.memory_space<vmem>>
        %dma_start3A_358 = tpu.memref_squeeze %dma_start3A_357 : memref<1x2048xi32, #tpu.memory_space<vmem>> -> memref<2048xi32, #tpu.memory_space<vmem>>
        %dma_start3A_359 = arith.constant 0 : i32
        %dma_start3A_360 = arith.constant 0 : i32
        %dma_start3A_361 = tpu.memref_slice %arg11[%dma_start3A_359, %dma_start3A_360] : memref<10240x16xf32, #tpu.memory_space<vmem_shared>> -> memref<10240x16xf32, #tpu.memory_space<vmem_shared>>
        tpu.enqueue_indirect_dma source(%arg9 : memref<2048x16xf32, #tpu.memory_space<vmem>>) target(%dma_start3A_361 : memref<10240x16xf32, #tpu.memory_space<vmem_shared>>) offsets(%dma_start3A_358 : memref<2048xi32, #tpu.memory_space<vmem>>) semaphore(%run_scoped3A_355 : memref<!tpu.dma_semaphore, #tpu.memory_space<semaphore_mem>>) {add = true}
        %dma_wait3A_362 = arith.constant 0 : i32
        %dma_wait3A_363 = tpu.memref_slice %arg8[%run_scoped3A_346, %dma_wait3A_362] : memref<6x2048xi32, #tpu.memory_space<vmem>> -> memref<1x2048xi32, #tpu.memory_space<vmem>>
        %dma_wait3A_364 = tpu.memref_squeeze %dma_wait3A_363 : memref<1x2048xi32, #tpu.memory_space<vmem>> -> memref<2048xi32, #tpu.memory_space<vmem>>
        %dma_wait3A_365 = arith.constant 0 : i32
        %dma_wait3A_366 = arith.constant 0 : i32
        %dma_wait3A_367 = tpu.memref_slice %arg11[%dma_wait3A_365, %dma_wait3A_366] : memref<10240x16xf32, #tpu.memory_space<vmem_shared>> -> memref<10240x16xf32, #tpu.memory_space<vmem_shared>>
        tpu.wait_indirect_dma semaphore(%run_scoped3A_355 : memref<!tpu.dma_semaphore, #tpu.memory_space<semaphore_mem>>) src(%arg9 : memref<2048x16xf32, #tpu.memory_space<vmem>>) dst(%dma_wait3A_367 : memref<10240x16xf32, #tpu.memory_space<vmem_shared>>)
        tpu.yield
      }) : () -> ()
      %dma_wait3A_347 = arith.constant 5 : i32
      %dma_wait3A_348 = arith.constant 0 : i32
      %dma_wait3A_349 = tpu.memref_slice %arg7[%dma_wait3A_347, %dma_wait3A_348] : memref<6x2048xi32, #tpu.memory_space<vmem>> -> memref<1x2048xi32, #tpu.memory_space<vmem>>
      %dma_wait3A_350 = tpu.memref_squeeze %dma_wait3A_349 : memref<1x2048xi32, #tpu.memory_space<vmem>> -> memref<2048xi32, #tpu.memory_space<vmem>>
      %dma_wait3A_351 = arith.constant 0 : i32
      %dma_wait3A_352 = arith.constant 0 : i32
      %dma_wait3A_353 = tpu.memref_slice %arg12[%dma_wait3A_351, %dma_wait3A_352] : memref<10240x16xf32, #tpu.memory_space<vmem_shared>> -> memref<10240x16xf32, #tpu.memory_space<vmem_shared>>
      tpu.wait_indirect_dma semaphore(%arg14 : memref<!tpu.dma_semaphore, #tpu.memory_space<semaphore_mem>>) src(%dma_wait3A_353 : memref<10240x16xf32, #tpu.memory_space<vmem_shared>>) dst(%arg10 : memref<2048x16xf32, #tpu.memory_space<vmem>>)
      %run_scoped3A_354 = arith.constant 5 : i32
      "tpu.region"() ({
        %run_scoped3A_355 = tpu.sem_alloc : memref<!tpu.dma_semaphore, #tpu.memory_space<semaphore_mem>>
        %dma_start3A_356 = arith.constant 0 : i32
        %dma_start3A_357 = tpu.memref_slice %arg8[%run_scoped3A_354, %dma_start3A_356] : memref<6x2048xi32, #tpu.memory_space<vmem>> -> memref<1x2048xi32, #tpu.memory_space<vmem>>
        %dma_start3A_358 = tpu.memref_squeeze %dma_start3A_357 : memref<1x2048xi32, #tpu.memory_space<vmem>> -> memref<2048xi32, #tpu.memory_space<vmem>>
        %dma_start3A_359 = arith.constant 0 : i32
        %dma_start3A_360 = arith.constant 0 : i32
        %dma_start3A_361 = tpu.memref_slice %arg11[%dma_start3A_359, %dma_start3A_360] : memref<10240x16xf32, #tpu.memory_space<vmem_shared>> -> memref<10240x16xf32, #tpu.memory_space<vmem_shared>>
        tpu.enqueue_indirect_dma source(%arg10 : memref<2048x16xf32, #tpu.memory_space<vmem>>) target(%dma_start3A_361 : memref<10240x16xf32, #tpu.memory_space<vmem_shared>>) offsets(%dma_start3A_358 : memref<2048xi32, #tpu.memory_space<vmem>>) semaphore(%run_scoped3A_355 : memref<!tpu.dma_semaphore, #tpu.memory_space<semaphore_mem>>) {add = true}
        %dma_wait3A_362 = arith.constant 0 : i32
        %dma_wait3A_363 = tpu.memref_slice %arg8[%run_scoped3A_354, %dma_wait3A_362] : memref<6x2048xi32, #tpu.memory_space<vmem>> -> memref<1x2048xi32, #tpu.memory_space<vmem>>
        %dma_wait3A_364 = tpu.memref_squeeze %dma_wait3A_363 : memref<1x2048xi32, #tpu.memory_space<vmem>> -> memref<2048xi32, #tpu.memory_space<vmem>>
        %dma_wait3A_365 = arith.constant 0 : i32
        %dma_wait3A_366 = arith.constant 0 : i32
        %dma_wait3A_367 = tpu.memref_slice %arg11[%dma_wait3A_365, %dma_wait3A_366] : memref<10240x16xf32, #tpu.memory_space<vmem_shared>> -> memref<10240x16xf32, #tpu.memory_space<vmem_shared>>
        tpu.wait_indirect_dma semaphore(%run_scoped3A_355 : memref<!tpu.dma_semaphore, #tpu.memory_space<semaphore_mem>>) src(%arg10 : memref<2048x16xf32, #tpu.memory_space<vmem>>) dst(%dma_wait3A_367 : memref<10240x16xf32, #tpu.memory_space<vmem_shared>>)
        tpu.yield
      }) : () -> ()
    } else {
    }
    %eq3A_12 = arith.constant 1 : i32
    %eq3A_13 = arith.cmpi eq, %arg0, %eq3A_12 : i32
    %convert_element_type3A_14 = arith.extui %eq3A_13 : i1 to i32
    %cond3A_15 = arith.constant 0 : i32
    %cond3A_16 = arith.cmpi ne, %convert_element_type3A_14, %cond3A_15 : i32
    scf.if %cond3A_16 {
      %mul3A_21 = arith.constant 8192 : i32
      %mul3A_22 = arith.muli %arg1, %mul3A_21 : i32
      %add3A = arith.constant 196608 : i32
      %add3A_23 = arith.addi %add3A, %mul3A_22 : i32
      %add3A_24 = arith.constant 0 : i32
      %add3A_25 = arith.addi %add3A_23, %add3A_24 : i32
      %dma_start3A_26 = arith.constant 0 : i32
      %dma_start3A_27 = arith.constant 0 : i32
      %dma_start3A_28 = tpu.memref_slice %arg7[%dma_start3A_26, %dma_start3A_27] : memref<6x2048xi32, #tpu.memory_space<vmem>> -> memref<1x2048xi32, #tpu.memory_space<vmem>>
      %dma_start3A_29 = tpu.memref_squeeze %dma_start3A_28 : memref<1x2048xi32, #tpu.memory_space<vmem>> -> memref<2048xi32, #tpu.memory_space<vmem>>
      %dma_start3A_30 = tpu.memref_slice %arg3[%add3A_25] : memref<327680xi32, #tpu.memory_space<hbm>> -> memref<2048xi32, #tpu.memory_space<hbm>>
      %dma_start3A_31 = arith.constant 0 : i32
      %dma_start3A_32 = tpu.memref_slice %arg7[%dma_start3A_26, %dma_start3A_31] : memref<6x2048xi32, #tpu.memory_space<vmem>> -> memref<1x2048xi32, #tpu.memory_space<vmem>>
      %dma_start3A_33 = tpu.memref_squeeze %dma_start3A_32 : memref<1x2048xi32, #tpu.memory_space<vmem>> -> memref<2048xi32, #tpu.memory_space<vmem>>
      %dma_start3A_34 = tpu.memref_slice %arg3[%add3A_25] : memref<327680xi32, #tpu.memory_space<hbm>> -> memref<2048xi32, #tpu.memory_space<hbm>>
      tpu.enqueue_dma source(%dma_start3A_34 : memref<2048xi32, #tpu.memory_space<hbm>>) target(%dma_start3A_33 : memref<2048xi32, #tpu.memory_space<vmem>>) target_semaphore(%arg13 : memref<!tpu.dma_semaphore, #tpu.memory_space<semaphore_mem>>)
      %add3A_35 = arith.constant 0 : i32
      %add3A_36 = arith.addi %add3A_23, %add3A_35 : i32
      %dma_start3A_37 = arith.constant 0 : i32
      %dma_start3A_38 = arith.constant 0 : i32
      %dma_start3A_39 = tpu.memref_slice %arg8[%dma_start3A_37, %dma_start3A_38] : memref<6x2048xi32, #tpu.memory_space<vmem>> -> memref<1x2048xi32, #tpu.memory_space<vmem>>
      %dma_start3A_40 = tpu.memref_squeeze %dma_start3A_39 : memref<1x2048xi32, #tpu.memory_space<vmem>> -> memref<2048xi32, #tpu.memory_space<vmem>>
      %dma_start3A_41 = tpu.memref_slice %arg4[%add3A_36] : memref<327680xi32, #tpu.memory_space<hbm>> -> memref<2048xi32, #tpu.memory_space<hbm>>
      %dma_start3A_42 = arith.constant 0 : i32
      %dma_start3A_43 = tpu.memref_slice %arg8[%dma_start3A_37, %dma_start3A_42] : memref<6x2048xi32, #tpu.memory_space<vmem>> -> memref<1x2048xi32, #tpu.memory_space<vmem>>
      %dma_start3A_44 = tpu.memref_squeeze %dma_start3A_43 : memref<1x2048xi32, #tpu.memory_space<vmem>> -> memref<2048xi32, #tpu.memory_space<vmem>>
      %dma_start3A_45 = tpu.memref_slice %arg4[%add3A_36] : memref<327680xi32, #tpu.memory_space<hbm>> -> memref<2048xi32, #tpu.memory_space<hbm>>
      tpu.enqueue_dma source(%dma_start3A_45 : memref<2048xi32, #tpu.memory_space<hbm>>) target(%dma_start3A_44 : memref<2048xi32, #tpu.memory_space<vmem>>) target_semaphore(%arg14 : memref<!tpu.dma_semaphore, #tpu.memory_space<semaphore_mem>>)
      %add3A_46 = arith.constant 2048 : i32
      %add3A_47 = arith.addi %add3A_23, %add3A_46 : i32
      %dma_start3A_48 = arith.constant 1 : i32
      %dma_start3A_49 = arith.constant 0 : i32
      %dma_start3A_50 = tpu.memref_slice %arg7[%dma_start3A_48, %dma_start3A_49] : memref<6x2048xi32, #tpu.memory_space<vmem>> -> memref<1x2048xi32, #tpu.memory_space<vmem>>
      %dma_start3A_51 = tpu.memref_squeeze %dma_start3A_50 : memref<1x2048xi32, #tpu.memory_space<vmem>> -> memref<2048xi32, #tpu.memory_space<vmem>>
      %dma_start3A_52 = tpu.memref_slice %arg3[%add3A_47] : memref<327680xi32, #tpu.memory_space<hbm>> -> memref<2048xi32, #tpu.memory_space<hbm>>
      %dma_start3A_53 = arith.constant 0 : i32
      %dma_start3A_54 = tpu.memref_slice %arg7[%dma_start3A_48, %dma_start3A_53] : memref<6x2048xi32, #tpu.memory_space<vmem>> -> memref<1x2048xi32, #tpu.memory_space<vmem>>
      %dma_start3A_55 = tpu.memref_squeeze %dma_start3A_54 : memref<1x2048xi32, #tpu.memory_space<vmem>> -> memref<2048xi32, #tpu.memory_space<vmem>>
      %dma_start3A_56 = tpu.memref_slice %arg3[%add3A_47] : memref<327680xi32, #tpu.memory_space<hbm>> -> memref<2048xi32, #tpu.memory_space<hbm>>
      tpu.enqueue_dma source(%dma_start3A_56 : memref<2048xi32, #tpu.memory_space<hbm>>) target(%dma_start3A_55 : memref<2048xi32, #tpu.memory_space<vmem>>) target_semaphore(%arg13 : memref<!tpu.dma_semaphore, #tpu.memory_space<semaphore_mem>>)
      %add3A_57 = arith.constant 2048 : i32
      %add3A_58 = arith.addi %add3A_23, %add3A_57 : i32
      %dma_start3A_59 = arith.constant 1 : i32
      %dma_start3A_60 = arith.constant 0 : i32
      %dma_start3A_61 = tpu.memref_slice %arg8[%dma_start3A_59, %dma_start3A_60] : memref<6x2048xi32, #tpu.memory_space<vmem>> -> memref<1x2048xi32, #tpu.memory_space<vmem>>
      %dma_start3A_62 = tpu.memref_squeeze %dma_start3A_61 : memref<1x2048xi32, #tpu.memory_space<vmem>> -> memref<2048xi32, #tpu.memory_space<vmem>>
      %dma_start3A_63 = tpu.memref_slice %arg4[%add3A_58] : memref<327680xi32, #tpu.memory_space<hbm>> -> memref<2048xi32, #tpu.memory_space<hbm>>
      %dma_start3A_64 = arith.constant 0 : i32
      %dma_start3A_65 = tpu.memref_slice %arg8[%dma_start3A_59, %dma_start3A_64] : memref<6x2048xi32, #tpu.memory_space<vmem>> -> memref<1x2048xi32, #tpu.memory_space<vmem>>
      %dma_start3A_66 = tpu.memref_squeeze %dma_start3A_65 : memref<1x2048xi32, #tpu.memory_space<vmem>> -> memref<2048xi32, #tpu.memory_space<vmem>>
      %dma_start3A_67 = tpu.memref_slice %arg4[%add3A_58] : memref<327680xi32, #tpu.memory_space<hbm>> -> memref<2048xi32, #tpu.memory_space<hbm>>
      tpu.enqueue_dma source(%dma_start3A_67 : memref<2048xi32, #tpu.memory_space<hbm>>) target(%dma_start3A_66 : memref<2048xi32, #tpu.memory_space<vmem>>) target_semaphore(%arg14 : memref<!tpu.dma_semaphore, #tpu.memory_space<semaphore_mem>>)
      %add3A_68 = arith.constant 4096 : i32
      %add3A_69 = arith.addi %add3A_23, %add3A_68 : i32
      %dma_start3A_70 = arith.constant 2 : i32
      %dma_start3A_71 = arith.constant 0 : i32
      %dma_start3A_72 = tpu.memref_slice %arg7[%dma_start3A_70, %dma_start3A_71] : memref<6x2048xi32, #tpu.memory_space<vmem>> -> memref<1x2048xi32, #tpu.memory_space<vmem>>
      %dma_start3A_73 = tpu.memref_squeeze %dma_start3A_72 : memref<1x2048xi32, #tpu.memory_space<vmem>> -> memref<2048xi32, #tpu.memory_space<vmem>>
      %dma_start3A_74 = tpu.memref_slice %arg3[%add3A_69] : memref<327680xi32, #tpu.memory_space<hbm>> -> memref<2048xi32, #tpu.memory_space<hbm>>
      %dma_start3A_75 = arith.constant 0 : i32
      %dma_start3A_76 = tpu.memref_slice %arg7[%dma_start3A_70, %dma_start3A_75] : memref<6x2048xi32, #tpu.memory_space<vmem>> -> memref<1x2048xi32, #tpu.memory_space<vmem>>
      %dma_start3A_77 = tpu.memref_squeeze %dma_start3A_76 : memref<1x2048xi32, #tpu.memory_space<vmem>> -> memref<2048xi32, #tpu.memory_space<vmem>>
      %dma_start3A_78 = tpu.memref_slice %arg3[%add3A_69] : memref<327680xi32, #tpu.memory_space<hbm>> -> memref<2048xi32, #tpu.memory_space<hbm>>
      tpu.enqueue_dma source(%dma_start3A_78 : memref<2048xi32, #tpu.memory_space<hbm>>) target(%dma_start3A_77 : memref<2048xi32, #tpu.memory_space<vmem>>) target_semaphore(%arg13 : memref<!tpu.dma_semaphore, #tpu.memory_space<semaphore_mem>>)
      %add3A_79 = arith.constant 4096 : i32
      %add3A_80 = arith.addi %add3A_23, %add3A_79 : i32
      %dma_start3A_81 = arith.constant 2 : i32
      %dma_start3A_82 = arith.constant 0 : i32
      %dma_start3A_83 = tpu.memref_slice %arg8[%dma_start3A_81, %dma_start3A_82] : memref<6x2048xi32, #tpu.memory_space<vmem>> -> memref<1x2048xi32, #tpu.memory_space<vmem>>
      %dma_start3A_84 = tpu.memref_squeeze %dma_start3A_83 : memref<1x2048xi32, #tpu.memory_space<vmem>> -> memref<2048xi32, #tpu.memory_space<vmem>>
      %dma_start3A_85 = tpu.memref_slice %arg4[%add3A_80] : memref<327680xi32, #tpu.memory_space<hbm>> -> memref<2048xi32, #tpu.memory_space<hbm>>
      %dma_start3A_86 = arith.constant 0 : i32
      %dma_start3A_87 = tpu.memref_slice %arg8[%dma_start3A_81, %dma_start3A_86] : memref<6x2048xi32, #tpu.memory_space<vmem>> -> memref<1x2048xi32, #tpu.memory_space<vmem>>
      %dma_start3A_88 = tpu.memref_squeeze %dma_start3A_87 : memref<1x2048xi32, #tpu.memory_space<vmem>> -> memref<2048xi32, #tpu.memory_space<vmem>>
      %dma_start3A_89 = tpu.memref_slice %arg4[%add3A_80] : memref<327680xi32, #tpu.memory_space<hbm>> -> memref<2048xi32, #tpu.memory_space<hbm>>
      tpu.enqueue_dma source(%dma_start3A_89 : memref<2048xi32, #tpu.memory_space<hbm>>) target(%dma_start3A_88 : memref<2048xi32, #tpu.memory_space<vmem>>) target_semaphore(%arg14 : memref<!tpu.dma_semaphore, #tpu.memory_space<semaphore_mem>>)
      %add3A_90 = arith.constant 6144 : i32
      %add3A_91 = arith.addi %add3A_23, %add3A_90 : i32
      %dma_start3A_92 = arith.constant 3 : i32
      %dma_start3A_93 = arith.constant 0 : i32
      %dma_start3A_94 = tpu.memref_slice %arg7[%dma_start3A_92, %dma_start3A_93] : memref<6x2048xi32, #tpu.memory_space<vmem>> -> memref<1x2048xi32, #tpu.memory_space<vmem>>
      %dma_start3A_95 = tpu.memref_squeeze %dma_start3A_94 : memref<1x2048xi32, #tpu.memory_space<vmem>> -> memref<2048xi32, #tpu.memory_space<vmem>>
      %dma_start3A_96 = tpu.memref_slice %arg3[%add3A_91] : memref<327680xi32, #tpu.memory_space<hbm>> -> memref<2048xi32, #tpu.memory_space<hbm>>
      %dma_start3A_97 = arith.constant 0 : i32
      %dma_start3A_98 = tpu.memref_slice %arg7[%dma_start3A_92, %dma_start3A_97] : memref<6x2048xi32, #tpu.memory_space<vmem>> -> memref<1x2048xi32, #tpu.memory_space<vmem>>
      %dma_start3A_99 = tpu.memref_squeeze %dma_start3A_98 : memref<1x2048xi32, #tpu.memory_space<vmem>> -> memref<2048xi32, #tpu.memory_space<vmem>>
      %dma_start3A_100 = tpu.memref_slice %arg3[%add3A_91] : memref<327680xi32, #tpu.memory_space<hbm>> -> memref<2048xi32, #tpu.memory_space<hbm>>
      tpu.enqueue_dma source(%dma_start3A_100 : memref<2048xi32, #tpu.memory_space<hbm>>) target(%dma_start3A_99 : memref<2048xi32, #tpu.memory_space<vmem>>) target_semaphore(%arg13 : memref<!tpu.dma_semaphore, #tpu.memory_space<semaphore_mem>>)
      %add3A_101 = arith.constant 6144 : i32
      %add3A_102 = arith.addi %add3A_23, %add3A_101 : i32
      %dma_start3A_103 = arith.constant 3 : i32
      %dma_start3A_104 = arith.constant 0 : i32
      %dma_start3A_105 = tpu.memref_slice %arg8[%dma_start3A_103, %dma_start3A_104] : memref<6x2048xi32, #tpu.memory_space<vmem>> -> memref<1x2048xi32, #tpu.memory_space<vmem>>
      %dma_start3A_106 = tpu.memref_squeeze %dma_start3A_105 : memref<1x2048xi32, #tpu.memory_space<vmem>> -> memref<2048xi32, #tpu.memory_space<vmem>>
      %dma_start3A_107 = tpu.memref_slice %arg4[%add3A_102] : memref<327680xi32, #tpu.memory_space<hbm>> -> memref<2048xi32, #tpu.memory_space<hbm>>
      %dma_start3A_108 = arith.constant 0 : i32
      %dma_start3A_109 = tpu.memref_slice %arg8[%dma_start3A_103, %dma_start3A_108] : memref<6x2048xi32, #tpu.memory_space<vmem>> -> memref<1x2048xi32, #tpu.memory_space<vmem>>
      %dma_start3A_110 = tpu.memref_squeeze %dma_start3A_109 : memref<1x2048xi32, #tpu.memory_space<vmem>> -> memref<2048xi32, #tpu.memory_space<vmem>>
      %dma_start3A_111 = tpu.memref_slice %arg4[%add3A_102] : memref<327680xi32, #tpu.memory_space<hbm>> -> memref<2048xi32, #tpu.memory_space<hbm>>
      tpu.enqueue_dma source(%dma_start3A_111 : memref<2048xi32, #tpu.memory_space<hbm>>) target(%dma_start3A_110 : memref<2048xi32, #tpu.memory_space<vmem>>) target_semaphore(%arg14 : memref<!tpu.dma_semaphore, #tpu.memory_space<semaphore_mem>>)
      %dma_wait3A = arith.constant 0 : i32
      %dma_wait3A_112 = arith.constant 0 : i32
      %dma_wait3A_113 = tpu.memref_slice %arg7[%dma_wait3A, %dma_wait3A_112] : memref<6x2048xi32, #tpu.memory_space<vmem>> -> memref<1x2048xi32, #tpu.memory_space<vmem>>
      %dma_wait3A_114 = tpu.memref_squeeze %dma_wait3A_113 : memref<1x2048xi32, #tpu.memory_space<vmem>> -> memref<2048xi32, #tpu.memory_space<vmem>>
      %dma_wait3A_115 = tpu.memref_slice %arg3[%add3A_23] : memref<327680xi32, #tpu.memory_space<hbm>> -> memref<2048xi32, #tpu.memory_space<hbm>>
      %dma_wait3A_116 = arith.constant 0 : i32
      %dma_wait3A_117 = tpu.memref_slice %arg7[%dma_wait3A, %dma_wait3A_116] : memref<6x2048xi32, #tpu.memory_space<vmem>> -> memref<1x2048xi32, #tpu.memory_space<vmem>>
      %dma_wait3A_118 = tpu.memref_squeeze %dma_wait3A_117 : memref<1x2048xi32, #tpu.memory_space<vmem>> -> memref<2048xi32, #tpu.memory_space<vmem>>
      %dma_wait3A_119 = tpu.memref_slice %arg3[%add3A_23] : memref<327680xi32, #tpu.memory_space<hbm>> -> memref<2048xi32, #tpu.memory_space<hbm>>
      tpu.wait_dma2 semaphore(%arg13 : memref<!tpu.dma_semaphore, #tpu.memory_space<semaphore_mem>>) src(%dma_wait3A_119 : memref<2048xi32, #tpu.memory_space<hbm>>) dst(%dma_wait3A_118 : memref<2048xi32, #tpu.memory_space<vmem>>)
      %dma_wait3A_120 = arith.constant 0 : i32
      %dma_wait3A_121 = arith.constant 0 : i32
      %dma_wait3A_122 = tpu.memref_slice %arg8[%dma_wait3A_120, %dma_wait3A_121] : memref<6x2048xi32, #tpu.memory_space<vmem>> -> memref<1x2048xi32, #tpu.memory_space<vmem>>
      %dma_wait3A_123 = tpu.memref_squeeze %dma_wait3A_122 : memref<1x2048xi32, #tpu.memory_space<vmem>> -> memref<2048xi32, #tpu.memory_space<vmem>>
      %dma_wait3A_124 = tpu.memref_slice %arg4[%add3A_23] : memref<327680xi32, #tpu.memory_space<hbm>> -> memref<2048xi32, #tpu.memory_space<hbm>>
      %dma_wait3A_125 = arith.constant 0 : i32
      %dma_wait3A_126 = tpu.memref_slice %arg8[%dma_wait3A_120, %dma_wait3A_125] : memref<6x2048xi32, #tpu.memory_space<vmem>> -> memref<1x2048xi32, #tpu.memory_space<vmem>>
      %dma_wait3A_127 = tpu.memref_squeeze %dma_wait3A_126 : memref<1x2048xi32, #tpu.memory_space<vmem>> -> memref<2048xi32, #tpu.memory_space<vmem>>
      %dma_wait3A_128 = tpu.memref_slice %arg4[%add3A_23] : memref<327680xi32, #tpu.memory_space<hbm>> -> memref<2048xi32, #tpu.memory_space<hbm>>
      tpu.wait_dma2 semaphore(%arg14 : memref<!tpu.dma_semaphore, #tpu.memory_space<semaphore_mem>>) src(%dma_wait3A_128 : memref<2048xi32, #tpu.memory_space<hbm>>) dst(%dma_wait3A_127 : memref<2048xi32, #tpu.memory_space<vmem>>)
      %dma_wait3A_129 = arith.constant 0 : i32
      %dma_wait3A_130 = arith.constant 0 : i32
      %dma_wait3A_131 = tpu.memref_slice %arg7[%dma_wait3A_129, %dma_wait3A_130] : memref<6x2048xi32, #tpu.memory_space<vmem>> -> memref<1x2048xi32, #tpu.memory_space<vmem>>
      %dma_wait3A_132 = tpu.memref_squeeze %dma_wait3A_131 : memref<1x2048xi32, #tpu.memory_space<vmem>> -> memref<2048xi32, #tpu.memory_space<vmem>>
      %dma_wait3A_133 = tpu.memref_slice %arg3[%add3A_23] : memref<327680xi32, #tpu.memory_space<hbm>> -> memref<2048xi32, #tpu.memory_space<hbm>>
      %dma_wait3A_134 = arith.constant 0 : i32
      %dma_wait3A_135 = tpu.memref_slice %arg7[%dma_wait3A_129, %dma_wait3A_134] : memref<6x2048xi32, #tpu.memory_space<vmem>> -> memref<1x2048xi32, #tpu.memory_space<vmem>>
      %dma_wait3A_136 = tpu.memref_squeeze %dma_wait3A_135 : memref<1x2048xi32, #tpu.memory_space<vmem>> -> memref<2048xi32, #tpu.memory_space<vmem>>
      %dma_wait3A_137 = tpu.memref_slice %arg3[%add3A_23] : memref<327680xi32, #tpu.memory_space<hbm>> -> memref<2048xi32, #tpu.memory_space<hbm>>
      tpu.wait_dma2 semaphore(%arg13 : memref<!tpu.dma_semaphore, #tpu.memory_space<semaphore_mem>>) src(%dma_wait3A_137 : memref<2048xi32, #tpu.memory_space<hbm>>) dst(%dma_wait3A_136 : memref<2048xi32, #tpu.memory_space<vmem>>)
      %dma_wait3A_138 = arith.constant 0 : i32
      %dma_wait3A_139 = arith.constant 0 : i32
      %dma_wait3A_140 = tpu.memref_slice %arg8[%dma_wait3A_138, %dma_wait3A_139] : memref<6x2048xi32, #tpu.memory_space<vmem>> -> memref<1x2048xi32, #tpu.memory_space<vmem>>
      %dma_wait3A_141 = tpu.memref_squeeze %dma_wait3A_140 : memref<1x2048xi32, #tpu.memory_space<vmem>> -> memref<2048xi32, #tpu.memory_space<vmem>>
      %dma_wait3A_142 = tpu.memref_slice %arg4[%add3A_23] : memref<327680xi32, #tpu.memory_space<hbm>> -> memref<2048xi32, #tpu.memory_space<hbm>>
      %dma_wait3A_143 = arith.constant 0 : i32
      %dma_wait3A_144 = tpu.memref_slice %arg8[%dma_wait3A_138, %dma_wait3A_143] : memref<6x2048xi32, #tpu.memory_space<vmem>> -> memref<1x2048xi32, #tpu.memory_space<vmem>>
      %dma_wait3A_145 = tpu.memref_squeeze %dma_wait3A_144 : memref<1x2048xi32, #tpu.memory_space<vmem>> -> memref<2048xi32, #tpu.memory_space<vmem>>
      %dma_wait3A_146 = tpu.memref_slice %arg4[%add3A_23] : memref<327680xi32, #tpu.memory_space<hbm>> -> memref<2048xi32, #tpu.memory_space<hbm>>
      tpu.wait_dma2 semaphore(%arg14 : memref<!tpu.dma_semaphore, #tpu.memory_space<semaphore_mem>>) src(%dma_wait3A_146 : memref<2048xi32, #tpu.memory_space<hbm>>) dst(%dma_wait3A_145 : memref<2048xi32, #tpu.memory_space<vmem>>)
      %dma_wait3A_147 = arith.constant 0 : i32
      %dma_wait3A_148 = arith.constant 0 : i32
      %dma_wait3A_149 = tpu.memref_slice %arg7[%dma_wait3A_147, %dma_wait3A_148] : memref<6x2048xi32, #tpu.memory_space<vmem>> -> memref<1x2048xi32, #tpu.memory_space<vmem>>
      %dma_wait3A_150 = tpu.memref_squeeze %dma_wait3A_149 : memref<1x2048xi32, #tpu.memory_space<vmem>> -> memref<2048xi32, #tpu.memory_space<vmem>>
      %dma_wait3A_151 = tpu.memref_slice %arg3[%add3A_23] : memref<327680xi32, #tpu.memory_space<hbm>> -> memref<2048xi32, #tpu.memory_space<hbm>>
      %dma_wait3A_152 = arith.constant 0 : i32
      %dma_wait3A_153 = tpu.memref_slice %arg7[%dma_wait3A_147, %dma_wait3A_152] : memref<6x2048xi32, #tpu.memory_space<vmem>> -> memref<1x2048xi32, #tpu.memory_space<vmem>>
      %dma_wait3A_154 = tpu.memref_squeeze %dma_wait3A_153 : memref<1x2048xi32, #tpu.memory_space<vmem>> -> memref<2048xi32, #tpu.memory_space<vmem>>
      %dma_wait3A_155 = tpu.memref_slice %arg3[%add3A_23] : memref<327680xi32, #tpu.memory_space<hbm>> -> memref<2048xi32, #tpu.memory_space<hbm>>
      tpu.wait_dma2 semaphore(%arg13 : memref<!tpu.dma_semaphore, #tpu.memory_space<semaphore_mem>>) src(%dma_wait3A_155 : memref<2048xi32, #tpu.memory_space<hbm>>) dst(%dma_wait3A_154 : memref<2048xi32, #tpu.memory_space<vmem>>)
      %dma_wait3A_156 = arith.constant 0 : i32
      %dma_wait3A_157 = arith.constant 0 : i32
      %dma_wait3A_158 = tpu.memref_slice %arg8[%dma_wait3A_156, %dma_wait3A_157] : memref<6x2048xi32, #tpu.memory_space<vmem>> -> memref<1x2048xi32, #tpu.memory_space<vmem>>
      %dma_wait3A_159 = tpu.memref_squeeze %dma_wait3A_158 : memref<1x2048xi32, #tpu.memory_space<vmem>> -> memref<2048xi32, #tpu.memory_space<vmem>>
      %dma_wait3A_160 = tpu.memref_slice %arg4[%add3A_23] : memref<327680xi32, #tpu.memory_space<hbm>> -> memref<2048xi32, #tpu.memory_space<hbm>>
      %dma_wait3A_161 = arith.constant 0 : i32
      %dma_wait3A_162 = tpu.memref_slice %arg8[%dma_wait3A_156, %dma_wait3A_161] : memref<6x2048xi32, #tpu.memory_space<vmem>> -> memref<1x2048xi32, #tpu.memory_space<vmem>>
      %dma_wait3A_163 = tpu.memref_squeeze %dma_wait3A_162 : memref<1x2048xi32, #tpu.memory_space<vmem>> -> memref<2048xi32, #tpu.memory_space<vmem>>
      %dma_wait3A_164 = tpu.memref_slice %arg4[%add3A_23] : memref<327680xi32, #tpu.memory_space<hbm>> -> memref<2048xi32, #tpu.memory_space<hbm>>
      tpu.wait_dma2 semaphore(%arg14 : memref<!tpu.dma_semaphore, #tpu.memory_space<semaphore_mem>>) src(%dma_wait3A_164 : memref<2048xi32, #tpu.memory_space<hbm>>) dst(%dma_wait3A_163 : memref<2048xi32, #tpu.memory_space<vmem>>)
      %dma_wait3A_165 = arith.constant 0 : i32
      %dma_wait3A_166 = arith.constant 0 : i32
      %dma_wait3A_167 = tpu.memref_slice %arg7[%dma_wait3A_165, %dma_wait3A_166] : memref<6x2048xi32, #tpu.memory_space<vmem>> -> memref<1x2048xi32, #tpu.memory_space<vmem>>
      %dma_wait3A_168 = tpu.memref_squeeze %dma_wait3A_167 : memref<1x2048xi32, #tpu.memory_space<vmem>> -> memref<2048xi32, #tpu.memory_space<vmem>>
      %dma_wait3A_169 = tpu.memref_slice %arg3[%add3A_23] : memref<327680xi32, #tpu.memory_space<hbm>> -> memref<2048xi32, #tpu.memory_space<hbm>>
      %dma_wait3A_170 = arith.constant 0 : i32
      %dma_wait3A_171 = tpu.memref_slice %arg7[%dma_wait3A_165, %dma_wait3A_170] : memref<6x2048xi32, #tpu.memory_space<vmem>> -> memref<1x2048xi32, #tpu.memory_space<vmem>>
      %dma_wait3A_172 = tpu.memref_squeeze %dma_wait3A_171 : memref<1x2048xi32, #tpu.memory_space<vmem>> -> memref<2048xi32, #tpu.memory_space<vmem>>
      %dma_wait3A_173 = tpu.memref_slice %arg3[%add3A_23] : memref<327680xi32, #tpu.memory_space<hbm>> -> memref<2048xi32, #tpu.memory_space<hbm>>
      tpu.wait_dma2 semaphore(%arg13 : memref<!tpu.dma_semaphore, #tpu.memory_space<semaphore_mem>>) src(%dma_wait3A_173 : memref<2048xi32, #tpu.memory_space<hbm>>) dst(%dma_wait3A_172 : memref<2048xi32, #tpu.memory_space<vmem>>)
      %dma_wait3A_174 = arith.constant 0 : i32
      %dma_wait3A_175 = arith.constant 0 : i32
      %dma_wait3A_176 = tpu.memref_slice %arg8[%dma_wait3A_174, %dma_wait3A_175] : memref<6x2048xi32, #tpu.memory_space<vmem>> -> memref<1x2048xi32, #tpu.memory_space<vmem>>
      %dma_wait3A_177 = tpu.memref_squeeze %dma_wait3A_176 : memref<1x2048xi32, #tpu.memory_space<vmem>> -> memref<2048xi32, #tpu.memory_space<vmem>>
      %dma_wait3A_178 = tpu.memref_slice %arg4[%add3A_23] : memref<327680xi32, #tpu.memory_space<hbm>> -> memref<2048xi32, #tpu.memory_space<hbm>>
      %dma_wait3A_179 = arith.constant 0 : i32
      %dma_wait3A_180 = tpu.memref_slice %arg8[%dma_wait3A_174, %dma_wait3A_179] : memref<6x2048xi32, #tpu.memory_space<vmem>> -> memref<1x2048xi32, #tpu.memory_space<vmem>>
      %dma_wait3A_181 = tpu.memref_squeeze %dma_wait3A_180 : memref<1x2048xi32, #tpu.memory_space<vmem>> -> memref<2048xi32, #tpu.memory_space<vmem>>
      %dma_wait3A_182 = tpu.memref_slice %arg4[%add3A_23] : memref<327680xi32, #tpu.memory_space<hbm>> -> memref<2048xi32, #tpu.memory_space<hbm>>
      tpu.wait_dma2 semaphore(%arg14 : memref<!tpu.dma_semaphore, #tpu.memory_space<semaphore_mem>>) src(%dma_wait3A_182 : memref<2048xi32, #tpu.memory_space<hbm>>) dst(%dma_wait3A_181 : memref<2048xi32, #tpu.memory_space<vmem>>)
      %dma_wait3A_183 = arith.constant 0 : i32
      %dma_wait3A_184 = tpu.memref_slice %arg12[%mul3A_2, %dma_wait3A_183] : memref<10240x16xf32, #tpu.memory_space<vmem_shared>> -> memref<640x16xf32, #tpu.memory_space<vmem_shared>>
      %dma_wait3A_185 = arith.constant 0 : i32
      %dma_wait3A_186 = tpu.memref_slice %arg2[%mul3A_0, %dma_wait3A_185] : memref<10240x16xf32, #tpu.memory_space<hbm>> -> memref<640x16xf32, #tpu.memory_space<hbm>>
      tpu.wait_dma2 semaphore(%arg15 : memref<!tpu.dma_semaphore, #tpu.memory_space<semaphore_mem>>) src(%dma_wait3A_186 : memref<640x16xf32, #tpu.memory_space<hbm>>) dst(%dma_wait3A_184 : memref<640x16xf32, #tpu.memory_space<vmem_shared>>)
      %barrier3A_187 = arith.constant 0 : index
      tpu.barrier barrier_id(%barrier3A_187)
      %dma_start3A_188 = arith.constant 0 : i32
      %dma_start3A_189 = arith.constant 0 : i32
      %dma_start3A_190 = tpu.memref_slice %arg7[%dma_start3A_188, %dma_start3A_189] : memref<6x2048xi32, #tpu.memory_space<vmem>> -> memref<1x2048xi32, #tpu.memory_space<vmem>>
      %dma_start3A_191 = tpu.memref_squeeze %dma_start3A_190 : memref<1x2048xi32, #tpu.memory_space<vmem>> -> memref<2048xi32, #tpu.memory_space<vmem>>
      %dma_start3A_192 = arith.constant 0 : i32
      %dma_start3A_193 = arith.constant 0 : i32
      %dma_start3A_194 = tpu.memref_slice %arg12[%dma_start3A_192, %dma_start3A_193] : memref<10240x16xf32, #tpu.memory_space<vmem_shared>> -> memref<10240x16xf32, #tpu.memory_space<vmem_shared>>
      tpu.enqueue_indirect_dma source(%dma_start3A_194 : memref<10240x16xf32, #tpu.memory_space<vmem_shared>>) target(%arg9 : memref<2048x16xf32, #tpu.memory_space<vmem>>) offsets(%dma_start3A_191 : memref<2048xi32, #tpu.memory_space<vmem>>) semaphore(%arg13 : memref<!tpu.dma_semaphore, #tpu.memory_space<semaphore_mem>>)
      %dma_start3A_195 = arith.constant 1 : i32
      %dma_start3A_196 = arith.constant 0 : i32
      %dma_start3A_197 = tpu.memref_slice %arg7[%dma_start3A_195, %dma_start3A_196] : memref<6x2048xi32, #tpu.memory_space<vmem>> -> memref<1x2048xi32, #tpu.memory_space<vmem>>
      %dma_start3A_198 = tpu.memref_squeeze %dma_start3A_197 : memref<1x2048xi32, #tpu.memory_space<vmem>> -> memref<2048xi32, #tpu.memory_space<vmem>>
      %dma_start3A_199 = arith.constant 0 : i32
      %dma_start3A_200 = arith.constant 0 : i32
      %dma_start3A_201 = tpu.memref_slice %arg12[%dma_start3A_199, %dma_start3A_200] : memref<10240x16xf32, #tpu.memory_space<vmem_shared>> -> memref<10240x16xf32, #tpu.memory_space<vmem_shared>>
      tpu.enqueue_indirect_dma source(%dma_start3A_201 : memref<10240x16xf32, #tpu.memory_space<vmem_shared>>) target(%arg10 : memref<2048x16xf32, #tpu.memory_space<vmem>>) offsets(%dma_start3A_198 : memref<2048xi32, #tpu.memory_space<vmem>>) semaphore(%arg14 : memref<!tpu.dma_semaphore, #tpu.memory_space<semaphore_mem>>)
      %dma_wait3A_202 = arith.constant 0 : i32
      %dma_wait3A_203 = arith.constant 0 : i32
      %dma_wait3A_204 = tpu.memref_slice %arg7[%dma_wait3A_202, %dma_wait3A_203] : memref<6x2048xi32, #tpu.memory_space<vmem>> -> memref<1x2048xi32, #tpu.memory_space<vmem>>
      %dma_wait3A_205 = tpu.memref_squeeze %dma_wait3A_204 : memref<1x2048xi32, #tpu.memory_space<vmem>> -> memref<2048xi32, #tpu.memory_space<vmem>>
      %dma_wait3A_206 = arith.constant 0 : i32
      %dma_wait3A_207 = arith.constant 0 : i32
      %dma_wait3A_208 = tpu.memref_slice %arg12[%dma_wait3A_206, %dma_wait3A_207] : memref<10240x16xf32, #tpu.memory_space<vmem_shared>> -> memref<10240x16xf32, #tpu.memory_space<vmem_shared>>
      tpu.wait_indirect_dma semaphore(%arg13 : memref<!tpu.dma_semaphore, #tpu.memory_space<semaphore_mem>>) src(%dma_wait3A_208 : memref<10240x16xf32, #tpu.memory_space<vmem_shared>>) dst(%arg9 : memref<2048x16xf32, #tpu.memory_space<vmem>>)
      %run_scoped3A = arith.constant 0 : i32
      "tpu.region"() ({
        %run_scoped3A_247 = tpu.sem_alloc : memref<!tpu.dma_semaphore, #tpu.memory_space<semaphore_mem>>
        %dma_start3A_248 = arith.constant 0 : i32
        %dma_start3A_249 = tpu.memref_slice %arg8[%run_scoped3A, %dma_start3A_248] : memref<6x2048xi32, #tpu.memory_space<vmem>> -> memref<1x2048xi32, #tpu.memory_space<vmem>>
        %dma_start3A_250 = tpu.memref_squeeze %dma_start3A_249 : memref<1x2048xi32, #tpu.memory_space<vmem>> -> memref<2048xi32, #tpu.memory_space<vmem>>
        %dma_start3A_251 = arith.constant 0 : i32
        %dma_start3A_252 = arith.constant 0 : i32
        %dma_start3A_253 = tpu.memref_slice %arg11[%dma_start3A_251, %dma_start3A_252] : memref<10240x16xf32, #tpu.memory_space<vmem_shared>> -> memref<10240x16xf32, #tpu.memory_space<vmem_shared>>
        tpu.enqueue_indirect_dma source(%arg9 : memref<2048x16xf32, #tpu.memory_space<vmem>>) target(%dma_start3A_253 : memref<10240x16xf32, #tpu.memory_space<vmem_shared>>) offsets(%dma_start3A_250 : memref<2048xi32, #tpu.memory_space<vmem>>) semaphore(%run_scoped3A_247 : memref<!tpu.dma_semaphore, #tpu.memory_space<semaphore_mem>>) {add = true}
        %dma_wait3A_254 = arith.constant 0 : i32
        %dma_wait3A_255 = tpu.memref_slice %arg8[%run_scoped3A, %dma_wait3A_254] : memref<6x2048xi32, #tpu.memory_space<vmem>> -> memref<1x2048xi32, #tpu.memory_space<vmem>>
        %dma_wait3A_256 = tpu.memref_squeeze %dma_wait3A_255 : memref<1x2048xi32, #tpu.memory_space<vmem>> -> memref<2048xi32, #tpu.memory_space<vmem>>
        %dma_wait3A_257 = arith.constant 0 : i32
        %dma_wait3A_258 = arith.constant 0 : i32
        %dma_wait3A_259 = tpu.memref_slice %arg11[%dma_wait3A_257, %dma_wait3A_258] : memref<10240x16xf32, #tpu.memory_space<vmem_shared>> -> memref<10240x16xf32, #tpu.memory_space<vmem_shared>>
        tpu.wait_indirect_dma semaphore(%run_scoped3A_247 : memref<!tpu.dma_semaphore, #tpu.memory_space<semaphore_mem>>) src(%arg9 : memref<2048x16xf32, #tpu.memory_space<vmem>>) dst(%dma_wait3A_259 : memref<10240x16xf32, #tpu.memory_space<vmem_shared>>)
        tpu.yield
      }) : () -> ()
      %dma_start3A_209 = arith.constant 2 : i32
      %dma_start3A_210 = arith.constant 0 : i32
      %dma_start3A_211 = tpu.memref_slice %arg7[%dma_start3A_209, %dma_start3A_210] : memref<6x2048xi32, #tpu.memory_space<vmem>> -> memref<1x2048xi32, #tpu.memory_space<vmem>>
      %dma_start3A_212 = tpu.memref_squeeze %dma_start3A_211 : memref<1x2048xi32, #tpu.memory_space<vmem>> -> memref<2048xi32, #tpu.memory_space<vmem>>
      %dma_start3A_213 = arith.constant 0 : i32
      %dma_start3A_214 = arith.constant 0 : i32
      %dma_start3A_215 = tpu.memref_slice %arg12[%dma_start3A_213, %dma_start3A_214] : memref<10240x16xf32, #tpu.memory_space<vmem_shared>> -> memref<10240x16xf32, #tpu.memory_space<vmem_shared>>
      tpu.enqueue_indirect_dma source(%dma_start3A_215 : memref<10240x16xf32, #tpu.memory_space<vmem_shared>>) target(%arg9 : memref<2048x16xf32, #tpu.memory_space<vmem>>) offsets(%dma_start3A_212 : memref<2048xi32, #tpu.memory_space<vmem>>) semaphore(%arg13 : memref<!tpu.dma_semaphore, #tpu.memory_space<semaphore_mem>>)
      %dma_wait3A_216 = arith.constant 1 : i32
      %dma_wait3A_217 = arith.constant 0 : i32
      %dma_wait3A_218 = tpu.memref_slice %arg7[%dma_wait3A_216, %dma_wait3A_217] : memref<6x2048xi32, #tpu.memory_space<vmem>> -> memref<1x2048xi32, #tpu.memory_space<vmem>>
      %dma_wait3A_219 = tpu.memref_squeeze %dma_wait3A_218 : memref<1x2048xi32, #tpu.memory_space<vmem>> -> memref<2048xi32, #tpu.memory_space<vmem>>
      %dma_wait3A_220 = arith.constant 0 : i32
      %dma_wait3A_221 = arith.constant 0 : i32
      %dma_wait3A_222 = tpu.memref_slice %arg12[%dma_wait3A_220, %dma_wait3A_221] : memref<10240x16xf32, #tpu.memory_space<vmem_shared>> -> memref<10240x16xf32, #tpu.memory_space<vmem_shared>>
      tpu.wait_indirect_dma semaphore(%arg14 : memref<!tpu.dma_semaphore, #tpu.memory_space<semaphore_mem>>) src(%dma_wait3A_222 : memref<10240x16xf32, #tpu.memory_space<vmem_shared>>) dst(%arg10 : memref<2048x16xf32, #tpu.memory_space<vmem>>)
      %run_scoped3A_223 = arith.constant 1 : i32
      "tpu.region"() ({
        %run_scoped3A_247 = tpu.sem_alloc : memref<!tpu.dma_semaphore, #tpu.memory_space<semaphore_mem>>
        %dma_start3A_248 = arith.constant 0 : i32
        %dma_start3A_249 = tpu.memref_slice %arg8[%run_scoped3A_223, %dma_start3A_248] : memref<6x2048xi32, #tpu.memory_space<vmem>> -> memref<1x2048xi32, #tpu.memory_space<vmem>>
        %dma_start3A_250 = tpu.memref_squeeze %dma_start3A_249 : memref<1x2048xi32, #tpu.memory_space<vmem>> -> memref<2048xi32, #tpu.memory_space<vmem>>
        %dma_start3A_251 = arith.constant 0 : i32
        %dma_start3A_252 = arith.constant 0 : i32
        %dma_start3A_253 = tpu.memref_slice %arg11[%dma_start3A_251, %dma_start3A_252] : memref<10240x16xf32, #tpu.memory_space<vmem_shared>> -> memref<10240x16xf32, #tpu.memory_space<vmem_shared>>
        tpu.enqueue_indirect_dma source(%arg10 : memref<2048x16xf32, #tpu.memory_space<vmem>>) target(%dma_start3A_253 : memref<10240x16xf32, #tpu.memory_space<vmem_shared>>) offsets(%dma_start3A_250 : memref<2048xi32, #tpu.memory_space<vmem>>) semaphore(%run_scoped3A_247 : memref<!tpu.dma_semaphore, #tpu.memory_space<semaphore_mem>>) {add = true}
        %dma_wait3A_254 = arith.constant 0 : i32
        %dma_wait3A_255 = tpu.memref_slice %arg8[%run_scoped3A_223, %dma_wait3A_254] : memref<6x2048xi32, #tpu.memory_space<vmem>> -> memref<1x2048xi32, #tpu.memory_space<vmem>>
        %dma_wait3A_256 = tpu.memref_squeeze %dma_wait3A_255 : memref<1x2048xi32, #tpu.memory_space<vmem>> -> memref<2048xi32, #tpu.memory_space<vmem>>
        %dma_wait3A_257 = arith.constant 0 : i32
        %dma_wait3A_258 = arith.constant 0 : i32
        %dma_wait3A_259 = tpu.memref_slice %arg11[%dma_wait3A_257, %dma_wait3A_258] : memref<10240x16xf32, #tpu.memory_space<vmem_shared>> -> memref<10240x16xf32, #tpu.memory_space<vmem_shared>>
        tpu.wait_indirect_dma semaphore(%run_scoped3A_247 : memref<!tpu.dma_semaphore, #tpu.memory_space<semaphore_mem>>) src(%arg10 : memref<2048x16xf32, #tpu.memory_space<vmem>>) dst(%dma_wait3A_259 : memref<10240x16xf32, #tpu.memory_space<vmem_shared>>)
        tpu.yield
      }) : () -> ()
      %dma_start3A_224 = arith.constant 3 : i32
      %dma_start3A_225 = arith.constant 0 : i32
      %dma_start3A_226 = tpu.memref_slice %arg7[%dma_start3A_224, %dma_start3A_225] : memref<6x2048xi32, #tpu.memory_space<vmem>> -> memref<1x2048xi32, #tpu.memory_space<vmem>>
      %dma_start3A_227 = tpu.memref_squeeze %dma_start3A_226 : memref<1x2048xi32, #tpu.memory_space<vmem>> -> memref<2048xi32, #tpu.memory_space<vmem>>
      %dma_start3A_228 = arith.constant 0 : i32
      %dma_start3A_229 = arith.constant 0 : i32
      %dma_start3A_230 = tpu.memref_slice %arg12[%dma_start3A_228, %dma_start3A_229] : memref<10240x16xf32, #tpu.memory_space<vmem_shared>> -> memref<10240x16xf32, #tpu.memory_space<vmem_shared>>
      tpu.enqueue_indirect_dma source(%dma_start3A_230 : memref<10240x16xf32, #tpu.memory_space<vmem_shared>>) target(%arg10 : memref<2048x16xf32, #tpu.memory_space<vmem>>) offsets(%dma_start3A_227 : memref<2048xi32, #tpu.memory_space<vmem>>) semaphore(%arg14 : memref<!tpu.dma_semaphore, #tpu.memory_space<semaphore_mem>>)
      %dma_wait3A_231 = arith.constant 2 : i32
      %dma_wait3A_232 = arith.constant 0 : i32
      %dma_wait3A_233 = tpu.memref_slice %arg7[%dma_wait3A_231, %dma_wait3A_232] : memref<6x2048xi32, #tpu.memory_space<vmem>> -> memref<1x2048xi32, #tpu.memory_space<vmem>>
      %dma_wait3A_234 = tpu.memref_squeeze %dma_wait3A_233 : memref<1x2048xi32, #tpu.memory_space<vmem>> -> memref<2048xi32, #tpu.memory_space<vmem>>
      %dma_wait3A_235 = arith.constant 0 : i32
      %dma_wait3A_236 = arith.constant 0 : i32
      %dma_wait3A_237 = tpu.memref_slice %arg12[%dma_wait3A_235, %dma_wait3A_236] : memref<10240x16xf32, #tpu.memory_space<vmem_shared>> -> memref<10240x16xf32, #tpu.memory_space<vmem_shared>>
      tpu.wait_indirect_dma semaphore(%arg13 : memref<!tpu.dma_semaphore, #tpu.memory_space<semaphore_mem>>) src(%dma_wait3A_237 : memref<10240x16xf32, #tpu.memory_space<vmem_shared>>) dst(%arg9 : memref<2048x16xf32, #tpu.memory_space<vmem>>)
      %run_scoped3A_238 = arith.constant 2 : i32
      "tpu.region"() ({
        %run_scoped3A_247 = tpu.sem_alloc : memref<!tpu.dma_semaphore, #tpu.memory_space<semaphore_mem>>
        %dma_start3A_248 = arith.constant 0 : i32
        %dma_start3A_249 = tpu.memref_slice %arg8[%run_scoped3A_238, %dma_start3A_248] : memref<6x2048xi32, #tpu.memory_space<vmem>> -> memref<1x2048xi32, #tpu.memory_space<vmem>>
        %dma_start3A_250 = tpu.memref_squeeze %dma_start3A_249 : memref<1x2048xi32, #tpu.memory_space<vmem>> -> memref<2048xi32, #tpu.memory_space<vmem>>
        %dma_start3A_251 = arith.constant 0 : i32
        %dma_start3A_252 = arith.constant 0 : i32
        %dma_start3A_253 = tpu.memref_slice %arg11[%dma_start3A_251, %dma_start3A_252] : memref<10240x16xf32, #tpu.memory_space<vmem_shared>> -> memref<10240x16xf32, #tpu.memory_space<vmem_shared>>
        tpu.enqueue_indirect_dma source(%arg9 : memref<2048x16xf32, #tpu.memory_space<vmem>>) target(%dma_start3A_253 : memref<10240x16xf32, #tpu.memory_space<vmem_shared>>) offsets(%dma_start3A_250 : memref<2048xi32, #tpu.memory_space<vmem>>) semaphore(%run_scoped3A_247 : memref<!tpu.dma_semaphore, #tpu.memory_space<semaphore_mem>>) {add = true}
        %dma_wait3A_254 = arith.constant 0 : i32
        %dma_wait3A_255 = tpu.memref_slice %arg8[%run_scoped3A_238, %dma_wait3A_254] : memref<6x2048xi32, #tpu.memory_space<vmem>> -> memref<1x2048xi32, #tpu.memory_space<vmem>>
        %dma_wait3A_256 = tpu.memref_squeeze %dma_wait3A_255 : memref<1x2048xi32, #tpu.memory_space<vmem>> -> memref<2048xi32, #tpu.memory_space<vmem>>
        %dma_wait3A_257 = arith.constant 0 : i32
        %dma_wait3A_258 = arith.constant 0 : i32
        %dma_wait3A_259 = tpu.memref_slice %arg11[%dma_wait3A_257, %dma_wait3A_258] : memref<10240x16xf32, #tpu.memory_space<vmem_shared>> -> memref<10240x16xf32, #tpu.memory_space<vmem_shared>>
        tpu.wait_indirect_dma semaphore(%run_scoped3A_247 : memref<!tpu.dma_semaphore, #tpu.memory_space<semaphore_mem>>) src(%arg9 : memref<2048x16xf32, #tpu.memory_space<vmem>>) dst(%dma_wait3A_259 : memref<10240x16xf32, #tpu.memory_space<vmem_shared>>)
        tpu.yield
      }) : () -> ()
      %dma_wait3A_239 = arith.constant 3 : i32
      %dma_wait3A_240 = arith.constant 0 : i32
      %dma_wait3A_241 = tpu.memref_slice %arg7[%dma_wait3A_239, %dma_wait3A_240] : memref<6x2048xi32, #tpu.memory_space<vmem>> -> memref<1x2048xi32, #tpu.memory_space<vmem>>
      %dma_wait3A_242 = tpu.memref_squeeze %dma_wait3A_241 : memref<1x2048xi32, #tpu.memory_space<vmem>> -> memref<2048xi32, #tpu.memory_space<vmem>>
      %dma_wait3A_243 = arith.constant 0 : i32
      %dma_wait3A_244 = arith.constant 0 : i32
      %dma_wait3A_245 = tpu.memref_slice %arg12[%dma_wait3A_243, %dma_wait3A_244] : memref<10240x16xf32, #tpu.memory_space<vmem_shared>> -> memref<10240x16xf32, #tpu.memory_space<vmem_shared>>
      tpu.wait_indirect_dma semaphore(%arg14 : memref<!tpu.dma_semaphore, #tpu.memory_space<semaphore_mem>>) src(%dma_wait3A_245 : memref<10240x16xf32, #tpu.memory_space<vmem_shared>>) dst(%arg10 : memref<2048x16xf32, #tpu.memory_space<vmem>>)
      %run_scoped3A_246 = arith.constant 3 : i32
      "tpu.region"() ({
        %run_scoped3A_247 = tpu.sem_alloc : memref<!tpu.dma_semaphore, #tpu.memory_space<semaphore_mem>>
        %dma_start3A_248 = arith.constant 0 : i32
        %dma_start3A_249 = tpu.memref_slice %arg8[%run_scoped3A_246, %dma_start3A_248] : memref<6x2048xi32, #tpu.memory_space<vmem>> -> memref<1x2048xi32, #tpu.memory_space<vmem>>
        %dma_start3A_250 = tpu.memref_squeeze %dma_start3A_249 : memref<1x2048xi32, #tpu.memory_space<vmem>> -> memref<2048xi32, #tpu.memory_space<vmem>>
        %dma_start3A_251 = arith.constant 0 : i32
        %dma_start3A_252 = arith.constant 0 : i32
        %dma_start3A_253 = tpu.memref_slice %arg11[%dma_start3A_251, %dma_start3A_252] : memref<10240x16xf32, #tpu.memory_space<vmem_shared>> -> memref<10240x16xf32, #tpu.memory_space<vmem_shared>>
        tpu.enqueue_indirect_dma source(%arg10 : memref<2048x16xf32, #tpu.memory_space<vmem>>) target(%dma_start3A_253 : memref<10240x16xf32, #tpu.memory_space<vmem_shared>>) offsets(%dma_start3A_250 : memref<2048xi32, #tpu.memory_space<vmem>>) semaphore(%run_scoped3A_247 : memref<!tpu.dma_semaphore, #tpu.memory_space<semaphore_mem>>) {add = true}
        %dma_wait3A_254 = arith.constant 0 : i32
        %dma_wait3A_255 = tpu.memref_slice %arg8[%run_scoped3A_246, %dma_wait3A_254] : memref<6x2048xi32, #tpu.memory_space<vmem>> -> memref<1x2048xi32, #tpu.memory_space<vmem>>
        %dma_wait3A_256 = tpu.memref_squeeze %dma_wait3A_255 : memref<1x2048xi32, #tpu.memory_space<vmem>> -> memref<2048xi32, #tpu.memory_space<vmem>>
        %dma_wait3A_257 = arith.constant 0 : i32
        %dma_wait3A_258 = arith.constant 0 : i32
        %dma_wait3A_259 = tpu.memref_slice %arg11[%dma_wait3A_257, %dma_wait3A_258] : memref<10240x16xf32, #tpu.memory_space<vmem_shared>> -> memref<10240x16xf32, #tpu.memory_space<vmem_shared>>
        tpu.wait_indirect_dma semaphore(%run_scoped3A_247 : memref<!tpu.dma_semaphore, #tpu.memory_space<semaphore_mem>>) src(%arg10 : memref<2048x16xf32, #tpu.memory_space<vmem>>) dst(%dma_wait3A_259 : memref<10240x16xf32, #tpu.memory_space<vmem_shared>>)
        tpu.yield
      }) : () -> ()
    } else {
    }
    %barrier3A = arith.constant 0 : index
    tpu.barrier barrier_id(%barrier3A)
    %mul3A_17 = arith.constant 640 : i32
    %mul3A_18 = arith.muli %arg1, %mul3A_17 : i32
    %mul3A_19 = arith.constant 640 : i32
    %mul3A_20 = arith.muli %arg1, %mul3A_19 : i32
    "tpu.region"() ({
      %run_scoped3A = tpu.sem_alloc : memref<!tpu.dma_semaphore, #tpu.memory_space<semaphore_mem>>
      %dma_start3A_21 = arith.constant 0 : i32
      %dma_start3A_22 = tpu.memref_slice %arg6[%arg0, %mul3A_20, %dma_start3A_21] : memref<2x10240x16xf32, #tpu.memory_space<hbm>> -> memref<1x640x16xf32, #tpu.memory_space<hbm>>
      %dma_start3A_23 = tpu.memref_squeeze %dma_start3A_22 : memref<1x640x16xf32, #tpu.memory_space<hbm>> -> memref<640x16xf32, #tpu.memory_space<hbm>>
      %dma_start3A_24 = arith.constant 0 : i32
      %dma_start3A_25 = tpu.memref_slice %arg11[%mul3A_18, %dma_start3A_24] : memref<10240x16xf32, #tpu.memory_space<vmem_shared>> -> memref<640x16xf32, #tpu.memory_space<vmem_shared>>
      tpu.enqueue_dma source(%dma_start3A_25 : memref<640x16xf32, #tpu.memory_space<vmem_shared>>) target(%dma_start3A_23 : memref<640x16xf32, #tpu.memory_space<hbm>>) target_semaphore(%run_scoped3A : memref<!tpu.dma_semaphore, #tpu.memory_space<semaphore_mem>>)
      %dma_wait3A = arith.constant 0 : i32
      %dma_wait3A_26 = tpu.memref_slice %arg6[%arg0, %mul3A_20, %dma_wait3A] : memref<2x10240x16xf32, #tpu.memory_space<hbm>> -> memref<1x640x16xf32, #tpu.memory_space<hbm>>
      %dma_wait3A_27 = tpu.memref_squeeze %dma_wait3A_26 : memref<1x640x16xf32, #tpu.memory_space<hbm>> -> memref<640x16xf32, #tpu.memory_space<hbm>>
      %dma_wait3A_28 = arith.constant 0 : i32
      %dma_wait3A_29 = tpu.memref_slice %arg11[%mul3A_18, %dma_wait3A_28] : memref<10240x16xf32, #tpu.memory_space<vmem_shared>> -> memref<640x16xf32, #tpu.memory_space<vmem_shared>>
      tpu.wait_dma2 semaphore(%run_scoped3A : memref<!tpu.dma_semaphore, #tpu.memory_space<semaphore_mem>>) src(%dma_wait3A_29 : memref<640x16xf32, #tpu.memory_space<vmem_shared>>) dst(%dma_wait3A_27 : memref<640x16xf32, #tpu.memory_space<hbm>>)
      tpu.yield
    }) : () -> ()
    return
  }
}

#map = affine_map<(d0, d1) -> (0, 0)>
#map1 = affine_map<(d0, d1) -> (0)>
#map2 = affine_map<(d0, d1) -> (0, 0, 0)>
module attributes {stable_mosaic.version = 14 : i64} {
  func.func @_sc_prop(%arg0: i32, %arg1: i32, %arg2: memref<10240x16xf32, #tpu.memory_space<hbm>>, %arg3: memref<327680xi32, #tpu.memory_space<hbm>>, %arg4: memref<327680xi32, #tpu.memory_space<hbm>>, %arg5: memref<10240x16xf32, #tpu.memory_space<hbm>>, %arg6: memref<2x10240x16xf32, #tpu.memory_space<hbm>>, %arg7: memref<6x2048xi32, #tpu.memory_space<vmem>>, %arg8: memref<6x2048xi32, #tpu.memory_space<vmem>>, %arg9: memref<2048x16xf32, #tpu.memory_space<vmem>>, %arg10: memref<2048x16xf32, #tpu.memory_space<vmem>>, %arg11: memref<10240x16xf32, #tpu.memory_space<vmem_shared>>, %arg12: memref<10240x16xf32, #tpu.memory_space<vmem_shared>>, %arg13: memref<!tpu.dma_semaphore, #tpu.memory_space<semaphore_mem>>, %arg14: memref<!tpu.dma_semaphore, #tpu.memory_space<semaphore_mem>>, %arg15: memref<!tpu.dma_semaphore, #tpu.memory_space<semaphore_mem>>) attributes {dimension_semantics = [#tpu.dimension_semantics<core_parallel>, #tpu.dimension_semantics<subcore_parallel>], iteration_bounds = array<i64: 2, 16>, scalar_prefetch = 0 : i64, scratch_operands = 9 : i64, tpu.core_type = #tpu.core_type<sc_vector_subcore>, window_params = [{transform_indices = #map}, {transform_indices = #map1}, {transform_indices = #map1}, {transform_indices = #map}, {transform_indices = #map2}]} {
    %mul3A = arith.constant 640 : i32
    %mul3A_0 = arith.muli %arg1, %mul3A : i32
    %mul3A_1 = arith.constant 640 : i32
    %mul3A_2 = arith.muli %arg1, %mul3A_1 : i32
    %dma_start3A = arith.constant 0 : i32
    %dma_start3A_3 = tpu.memref_slice %arg12[%mul3A_2, %dma_start3A] : memref<10240x16xf32, #tpu.memory_space<vmem_shared>> -> memref<640x16xf32, #tpu.memory_space<vmem_shared>>
    %dma_start3A_4 = arith.constant 0 : i32
    %dma_start3A_5 = tpu.memref_slice %arg2[%mul3A_0, %dma_start3A_4] : memref<10240x16xf32, #tpu.memory_space<hbm>> -> memref<640x16xf32, #tpu.memory_space<hbm>>
    tpu.enqueue_dma source(%dma_start3A_5 : memref<640x16xf32, #tpu.memory_space<hbm>>) target(%dma_start3A_3 : memref<640x16xf32, #tpu.memory_space<vmem_shared>>) target_semaphore(%arg15 : memref<!tpu.dma_semaphore, #tpu.memory_space<semaphore_mem>>)
    %mul3A_6 = arith.constant 640 : i32
    %mul3A_7 = arith.muli %arg1, %mul3A_6 : i32
    %mul3A_8 = arith.constant 640 : i32
    %mul3A_9 = arith.muli %arg1, %mul3A_8 : i32
    "tpu.region"() ({
      %run_scoped3A = tpu.sem_alloc : memref<!tpu.dma_semaphore, #tpu.memory_space<semaphore_mem>>
      %dma_start3A_21 = arith.constant 0 : i32
      %dma_start3A_22 = tpu.memref_slice %arg11[%mul3A_9, %dma_start3A_21] : memref<10240x16xf32, #tpu.memory_space<vmem_shared>> -> memref<640x16xf32, #tpu.memory_space<vmem_shared>>
      %dma_start3A_23 = arith.constant 0 : i32
      %dma_start3A_24 = tpu.memref_slice %arg5[%mul3A_7, %dma_start3A_23] : memref<10240x16xf32, #tpu.memory_space<hbm>> -> memref<640x16xf32, #tpu.memory_space<hbm>>
      tpu.enqueue_dma source(%dma_start3A_24 : memref<640x16xf32, #tpu.memory_space<hbm>>) target(%dma_start3A_22 : memref<640x16xf32, #tpu.memory_space<vmem_shared>>) target_semaphore(%run_scoped3A : memref<!tpu.dma_semaphore, #tpu.memory_space<semaphore_mem>>)
      %dma_wait3A = arith.constant 0 : i32
      %dma_wait3A_25 = tpu.memref_slice %arg11[%mul3A_9, %dma_wait3A] : memref<10240x16xf32, #tpu.memory_space<vmem_shared>> -> memref<640x16xf32, #tpu.memory_space<vmem_shared>>
      %dma_wait3A_26 = arith.constant 0 : i32
      %dma_wait3A_27 = tpu.memref_slice %arg5[%mul3A_7, %dma_wait3A_26] : memref<10240x16xf32, #tpu.memory_space<hbm>> -> memref<640x16xf32, #tpu.memory_space<hbm>>
      tpu.wait_dma2 semaphore(%run_scoped3A : memref<!tpu.dma_semaphore, #tpu.memory_space<semaphore_mem>>) src(%dma_wait3A_27 : memref<640x16xf32, #tpu.memory_space<hbm>>) dst(%dma_wait3A_25 : memref<640x16xf32, #tpu.memory_space<vmem_shared>>)
      tpu.yield
    }) : () -> ()
    %eq3A = arith.constant 0 : i32
    %eq3A_10 = arith.cmpi eq, %arg0, %eq3A : i32
    %convert_element_type3A = arith.extui %eq3A_10 : i1 to i32
    %cond3A = arith.constant 0 : i32
    %cond3A_11 = arith.cmpi ne, %convert_element_type3A, %cond3A : i32
    scf.if %cond3A_11 {
      %mul3A_21 = arith.constant 12288 : i32
      %mul3A_22 = arith.muli %arg1, %mul3A_21 : i32
      %add3A = arith.constant 0 : i32
      %add3A_23 = arith.addi %mul3A_22, %add3A : i32
      %dma_start3A_24 = arith.constant 0 : i32
      %dma_start3A_25 = arith.constant 0 : i32
      %dma_start3A_26 = tpu.memref_slice %arg7[%dma_start3A_24, %dma_start3A_25] : memref<6x2048xi32, #tpu.memory_space<vmem>> -> memref<1x2048xi32, #tpu.memory_space<vmem>>
      %dma_start3A_27 = tpu.memref_squeeze %dma_start3A_26 : memref<1x2048xi32, #tpu.memory_space<vmem>> -> memref<2048xi32, #tpu.memory_space<vmem>>
      %dma_start3A_28 = tpu.memref_slice %arg3[%add3A_23] : memref<327680xi32, #tpu.memory_space<hbm>> -> memref<2048xi32, #tpu.memory_space<hbm>>
      %dma_start3A_29 = arith.constant 0 : i32
      %dma_start3A_30 = tpu.memref_slice %arg7[%dma_start3A_24, %dma_start3A_29] : memref<6x2048xi32, #tpu.memory_space<vmem>> -> memref<1x2048xi32, #tpu.memory_space<vmem>>
      %dma_start3A_31 = tpu.memref_squeeze %dma_start3A_30 : memref<1x2048xi32, #tpu.memory_space<vmem>> -> memref<2048xi32, #tpu.memory_space<vmem>>
      %dma_start3A_32 = tpu.memref_slice %arg3[%add3A_23] : memref<327680xi32, #tpu.memory_space<hbm>> -> memref<2048xi32, #tpu.memory_space<hbm>>
      tpu.enqueue_dma source(%dma_start3A_32 : memref<2048xi32, #tpu.memory_space<hbm>>) target(%dma_start3A_31 : memref<2048xi32, #tpu.memory_space<vmem>>) target_semaphore(%arg13 : memref<!tpu.dma_semaphore, #tpu.memory_space<semaphore_mem>>)
      %add3A_33 = arith.constant 0 : i32
      %add3A_34 = arith.addi %mul3A_22, %add3A_33 : i32
      %dma_start3A_35 = arith.constant 0 : i32
      %dma_start3A_36 = arith.constant 0 : i32
      %dma_start3A_37 = tpu.memref_slice %arg8[%dma_start3A_35, %dma_start3A_36] : memref<6x2048xi32, #tpu.memory_space<vmem>> -> memref<1x2048xi32, #tpu.memory_space<vmem>>
      %dma_start3A_38 = tpu.memref_squeeze %dma_start3A_37 : memref<1x2048xi32, #tpu.memory_space<vmem>> -> memref<2048xi32, #tpu.memory_space<vmem>>
      %dma_start3A_39 = tpu.memref_slice %arg4[%add3A_34] : memref<327680xi32, #tpu.memory_space<hbm>> -> memref<2048xi32, #tpu.memory_space<hbm>>
      %dma_start3A_40 = arith.constant 0 : i32
      %dma_start3A_41 = tpu.memref_slice %arg8[%dma_start3A_35, %dma_start3A_40] : memref<6x2048xi32, #tpu.memory_space<vmem>> -> memref<1x2048xi32, #tpu.memory_space<vmem>>
      %dma_start3A_42 = tpu.memref_squeeze %dma_start3A_41 : memref<1x2048xi32, #tpu.memory_space<vmem>> -> memref<2048xi32, #tpu.memory_space<vmem>>
      %dma_start3A_43 = tpu.memref_slice %arg4[%add3A_34] : memref<327680xi32, #tpu.memory_space<hbm>> -> memref<2048xi32, #tpu.memory_space<hbm>>
      tpu.enqueue_dma source(%dma_start3A_43 : memref<2048xi32, #tpu.memory_space<hbm>>) target(%dma_start3A_42 : memref<2048xi32, #tpu.memory_space<vmem>>) target_semaphore(%arg14 : memref<!tpu.dma_semaphore, #tpu.memory_space<semaphore_mem>>)
      %add3A_44 = arith.constant 2048 : i32
      %add3A_45 = arith.addi %mul3A_22, %add3A_44 : i32
      %dma_start3A_46 = arith.constant 1 : i32
      %dma_start3A_47 = arith.constant 0 : i32
      %dma_start3A_48 = tpu.memref_slice %arg7[%dma_start3A_46, %dma_start3A_47] : memref<6x2048xi32, #tpu.memory_space<vmem>> -> memref<1x2048xi32, #tpu.memory_space<vmem>>
      %dma_start3A_49 = tpu.memref_squeeze %dma_start3A_48 : memref<1x2048xi32, #tpu.memory_space<vmem>> -> memref<2048xi32, #tpu.memory_space<vmem>>
      %dma_start3A_50 = tpu.memref_slice %arg3[%add3A_45] : memref<327680xi32, #tpu.memory_space<hbm>> -> memref<2048xi32, #tpu.memory_space<hbm>>
      %dma_start3A_51 = arith.constant 0 : i32
      %dma_start3A_52 = tpu.memref_slice %arg7[%dma_start3A_46, %dma_start3A_51] : memref<6x2048xi32, #tpu.memory_space<vmem>> -> memref<1x2048xi32, #tpu.memory_space<vmem>>
      %dma_start3A_53 = tpu.memref_squeeze %dma_start3A_52 : memref<1x2048xi32, #tpu.memory_space<vmem>> -> memref<2048xi32, #tpu.memory_space<vmem>>
      %dma_start3A_54 = tpu.memref_slice %arg3[%add3A_45] : memref<327680xi32, #tpu.memory_space<hbm>> -> memref<2048xi32, #tpu.memory_space<hbm>>
      tpu.enqueue_dma source(%dma_start3A_54 : memref<2048xi32, #tpu.memory_space<hbm>>) target(%dma_start3A_53 : memref<2048xi32, #tpu.memory_space<vmem>>) target_semaphore(%arg13 : memref<!tpu.dma_semaphore, #tpu.memory_space<semaphore_mem>>)
      %add3A_55 = arith.constant 2048 : i32
      %add3A_56 = arith.addi %mul3A_22, %add3A_55 : i32
      %dma_start3A_57 = arith.constant 1 : i32
      %dma_start3A_58 = arith.constant 0 : i32
      %dma_start3A_59 = tpu.memref_slice %arg8[%dma_start3A_57, %dma_start3A_58] : memref<6x2048xi32, #tpu.memory_space<vmem>> -> memref<1x2048xi32, #tpu.memory_space<vmem>>
      %dma_start3A_60 = tpu.memref_squeeze %dma_start3A_59 : memref<1x2048xi32, #tpu.memory_space<vmem>> -> memref<2048xi32, #tpu.memory_space<vmem>>
      %dma_start3A_61 = tpu.memref_slice %arg4[%add3A_56] : memref<327680xi32, #tpu.memory_space<hbm>> -> memref<2048xi32, #tpu.memory_space<hbm>>
      %dma_start3A_62 = arith.constant 0 : i32
      %dma_start3A_63 = tpu.memref_slice %arg8[%dma_start3A_57, %dma_start3A_62] : memref<6x2048xi32, #tpu.memory_space<vmem>> -> memref<1x2048xi32, #tpu.memory_space<vmem>>
      %dma_start3A_64 = tpu.memref_squeeze %dma_start3A_63 : memref<1x2048xi32, #tpu.memory_space<vmem>> -> memref<2048xi32, #tpu.memory_space<vmem>>
      %dma_start3A_65 = tpu.memref_slice %arg4[%add3A_56] : memref<327680xi32, #tpu.memory_space<hbm>> -> memref<2048xi32, #tpu.memory_space<hbm>>
      tpu.enqueue_dma source(%dma_start3A_65 : memref<2048xi32, #tpu.memory_space<hbm>>) target(%dma_start3A_64 : memref<2048xi32, #tpu.memory_space<vmem>>) target_semaphore(%arg14 : memref<!tpu.dma_semaphore, #tpu.memory_space<semaphore_mem>>)
      %add3A_66 = arith.constant 4096 : i32
      %add3A_67 = arith.addi %mul3A_22, %add3A_66 : i32
      %dma_start3A_68 = arith.constant 2 : i32
      %dma_start3A_69 = arith.constant 0 : i32
      %dma_start3A_70 = tpu.memref_slice %arg7[%dma_start3A_68, %dma_start3A_69] : memref<6x2048xi32, #tpu.memory_space<vmem>> -> memref<1x2048xi32, #tpu.memory_space<vmem>>
      %dma_start3A_71 = tpu.memref_squeeze %dma_start3A_70 : memref<1x2048xi32, #tpu.memory_space<vmem>> -> memref<2048xi32, #tpu.memory_space<vmem>>
      %dma_start3A_72 = tpu.memref_slice %arg3[%add3A_67] : memref<327680xi32, #tpu.memory_space<hbm>> -> memref<2048xi32, #tpu.memory_space<hbm>>
      %dma_start3A_73 = arith.constant 0 : i32
      %dma_start3A_74 = tpu.memref_slice %arg7[%dma_start3A_68, %dma_start3A_73] : memref<6x2048xi32, #tpu.memory_space<vmem>> -> memref<1x2048xi32, #tpu.memory_space<vmem>>
      %dma_start3A_75 = tpu.memref_squeeze %dma_start3A_74 : memref<1x2048xi32, #tpu.memory_space<vmem>> -> memref<2048xi32, #tpu.memory_space<vmem>>
      %dma_start3A_76 = tpu.memref_slice %arg3[%add3A_67] : memref<327680xi32, #tpu.memory_space<hbm>> -> memref<2048xi32, #tpu.memory_space<hbm>>
      tpu.enqueue_dma source(%dma_start3A_76 : memref<2048xi32, #tpu.memory_space<hbm>>) target(%dma_start3A_75 : memref<2048xi32, #tpu.memory_space<vmem>>) target_semaphore(%arg13 : memref<!tpu.dma_semaphore, #tpu.memory_space<semaphore_mem>>)
      %add3A_77 = arith.constant 4096 : i32
      %add3A_78 = arith.addi %mul3A_22, %add3A_77 : i32
      %dma_start3A_79 = arith.constant 2 : i32
      %dma_start3A_80 = arith.constant 0 : i32
      %dma_start3A_81 = tpu.memref_slice %arg8[%dma_start3A_79, %dma_start3A_80] : memref<6x2048xi32, #tpu.memory_space<vmem>> -> memref<1x2048xi32, #tpu.memory_space<vmem>>
      %dma_start3A_82 = tpu.memref_squeeze %dma_start3A_81 : memref<1x2048xi32, #tpu.memory_space<vmem>> -> memref<2048xi32, #tpu.memory_space<vmem>>
      %dma_start3A_83 = tpu.memref_slice %arg4[%add3A_78] : memref<327680xi32, #tpu.memory_space<hbm>> -> memref<2048xi32, #tpu.memory_space<hbm>>
      %dma_start3A_84 = arith.constant 0 : i32
      %dma_start3A_85 = tpu.memref_slice %arg8[%dma_start3A_79, %dma_start3A_84] : memref<6x2048xi32, #tpu.memory_space<vmem>> -> memref<1x2048xi32, #tpu.memory_space<vmem>>
      %dma_start3A_86 = tpu.memref_squeeze %dma_start3A_85 : memref<1x2048xi32, #tpu.memory_space<vmem>> -> memref<2048xi32, #tpu.memory_space<vmem>>
      %dma_start3A_87 = tpu.memref_slice %arg4[%add3A_78] : memref<327680xi32, #tpu.memory_space<hbm>> -> memref<2048xi32, #tpu.memory_space<hbm>>
      tpu.enqueue_dma source(%dma_start3A_87 : memref<2048xi32, #tpu.memory_space<hbm>>) target(%dma_start3A_86 : memref<2048xi32, #tpu.memory_space<vmem>>) target_semaphore(%arg14 : memref<!tpu.dma_semaphore, #tpu.memory_space<semaphore_mem>>)
      %add3A_88 = arith.constant 6144 : i32
      %add3A_89 = arith.addi %mul3A_22, %add3A_88 : i32
      %dma_start3A_90 = arith.constant 3 : i32
      %dma_start3A_91 = arith.constant 0 : i32
      %dma_start3A_92 = tpu.memref_slice %arg7[%dma_start3A_90, %dma_start3A_91] : memref<6x2048xi32, #tpu.memory_space<vmem>> -> memref<1x2048xi32, #tpu.memory_space<vmem>>
      %dma_start3A_93 = tpu.memref_squeeze %dma_start3A_92 : memref<1x2048xi32, #tpu.memory_space<vmem>> -> memref<2048xi32, #tpu.memory_space<vmem>>
      %dma_start3A_94 = tpu.memref_slice %arg3[%add3A_89] : memref<327680xi32, #tpu.memory_space<hbm>> -> memref<2048xi32, #tpu.memory_space<hbm>>
      %dma_start3A_95 = arith.constant 0 : i32
      %dma_start3A_96 = tpu.memref_slice %arg7[%dma_start3A_90, %dma_start3A_95] : memref<6x2048xi32, #tpu.memory_space<vmem>> -> memref<1x2048xi32, #tpu.memory_space<vmem>>
      %dma_start3A_97 = tpu.memref_squeeze %dma_start3A_96 : memref<1x2048xi32, #tpu.memory_space<vmem>> -> memref<2048xi32, #tpu.memory_space<vmem>>
      %dma_start3A_98 = tpu.memref_slice %arg3[%add3A_89] : memref<327680xi32, #tpu.memory_space<hbm>> -> memref<2048xi32, #tpu.memory_space<hbm>>
      tpu.enqueue_dma source(%dma_start3A_98 : memref<2048xi32, #tpu.memory_space<hbm>>) target(%dma_start3A_97 : memref<2048xi32, #tpu.memory_space<vmem>>) target_semaphore(%arg13 : memref<!tpu.dma_semaphore, #tpu.memory_space<semaphore_mem>>)
      %add3A_99 = arith.constant 6144 : i32
      %add3A_100 = arith.addi %mul3A_22, %add3A_99 : i32
      %dma_start3A_101 = arith.constant 3 : i32
      %dma_start3A_102 = arith.constant 0 : i32
      %dma_start3A_103 = tpu.memref_slice %arg8[%dma_start3A_101, %dma_start3A_102] : memref<6x2048xi32, #tpu.memory_space<vmem>> -> memref<1x2048xi32, #tpu.memory_space<vmem>>
      %dma_start3A_104 = tpu.memref_squeeze %dma_start3A_103 : memref<1x2048xi32, #tpu.memory_space<vmem>> -> memref<2048xi32, #tpu.memory_space<vmem>>
      %dma_start3A_105 = tpu.memref_slice %arg4[%add3A_100] : memref<327680xi32, #tpu.memory_space<hbm>> -> memref<2048xi32, #tpu.memory_space<hbm>>
      %dma_start3A_106 = arith.constant 0 : i32
      %dma_start3A_107 = tpu.memref_slice %arg8[%dma_start3A_101, %dma_start3A_106] : memref<6x2048xi32, #tpu.memory_space<vmem>> -> memref<1x2048xi32, #tpu.memory_space<vmem>>
      %dma_start3A_108 = tpu.memref_squeeze %dma_start3A_107 : memref<1x2048xi32, #tpu.memory_space<vmem>> -> memref<2048xi32, #tpu.memory_space<vmem>>
      %dma_start3A_109 = tpu.memref_slice %arg4[%add3A_100] : memref<327680xi32, #tpu.memory_space<hbm>> -> memref<2048xi32, #tpu.memory_space<hbm>>
      tpu.enqueue_dma source(%dma_start3A_109 : memref<2048xi32, #tpu.memory_space<hbm>>) target(%dma_start3A_108 : memref<2048xi32, #tpu.memory_space<vmem>>) target_semaphore(%arg14 : memref<!tpu.dma_semaphore, #tpu.memory_space<semaphore_mem>>)
      %add3A_110 = arith.constant 8192 : i32
      %add3A_111 = arith.addi %mul3A_22, %add3A_110 : i32
      %dma_start3A_112 = arith.constant 4 : i32
      %dma_start3A_113 = arith.constant 0 : i32
      %dma_start3A_114 = tpu.memref_slice %arg7[%dma_start3A_112, %dma_start3A_113] : memref<6x2048xi32, #tpu.memory_space<vmem>> -> memref<1x2048xi32, #tpu.memory_space<vmem>>
      %dma_start3A_115 = tpu.memref_squeeze %dma_start3A_114 : memref<1x2048xi32, #tpu.memory_space<vmem>> -> memref<2048xi32, #tpu.memory_space<vmem>>
      %dma_start3A_116 = tpu.memref_slice %arg3[%add3A_111] : memref<327680xi32, #tpu.memory_space<hbm>> -> memref<2048xi32, #tpu.memory_space<hbm>>
      %dma_start3A_117 = arith.constant 0 : i32
      %dma_start3A_118 = tpu.memref_slice %arg7[%dma_start3A_112, %dma_start3A_117] : memref<6x2048xi32, #tpu.memory_space<vmem>> -> memref<1x2048xi32, #tpu.memory_space<vmem>>
      %dma_start3A_119 = tpu.memref_squeeze %dma_start3A_118 : memref<1x2048xi32, #tpu.memory_space<vmem>> -> memref<2048xi32, #tpu.memory_space<vmem>>
      %dma_start3A_120 = tpu.memref_slice %arg3[%add3A_111] : memref<327680xi32, #tpu.memory_space<hbm>> -> memref<2048xi32, #tpu.memory_space<hbm>>
      tpu.enqueue_dma source(%dma_start3A_120 : memref<2048xi32, #tpu.memory_space<hbm>>) target(%dma_start3A_119 : memref<2048xi32, #tpu.memory_space<vmem>>) target_semaphore(%arg13 : memref<!tpu.dma_semaphore, #tpu.memory_space<semaphore_mem>>)
      %add3A_121 = arith.constant 8192 : i32
      %add3A_122 = arith.addi %mul3A_22, %add3A_121 : i32
      %dma_start3A_123 = arith.constant 4 : i32
      %dma_start3A_124 = arith.constant 0 : i32
      %dma_start3A_125 = tpu.memref_slice %arg8[%dma_start3A_123, %dma_start3A_124] : memref<6x2048xi32, #tpu.memory_space<vmem>> -> memref<1x2048xi32, #tpu.memory_space<vmem>>
      %dma_start3A_126 = tpu.memref_squeeze %dma_start3A_125 : memref<1x2048xi32, #tpu.memory_space<vmem>> -> memref<2048xi32, #tpu.memory_space<vmem>>
      %dma_start3A_127 = tpu.memref_slice %arg4[%add3A_122] : memref<327680xi32, #tpu.memory_space<hbm>> -> memref<2048xi32, #tpu.memory_space<hbm>>
      %dma_start3A_128 = arith.constant 0 : i32
      %dma_start3A_129 = tpu.memref_slice %arg8[%dma_start3A_123, %dma_start3A_128] : memref<6x2048xi32, #tpu.memory_space<vmem>> -> memref<1x2048xi32, #tpu.memory_space<vmem>>
      %dma_start3A_130 = tpu.memref_squeeze %dma_start3A_129 : memref<1x2048xi32, #tpu.memory_space<vmem>> -> memref<2048xi32, #tpu.memory_space<vmem>>
      %dma_start3A_131 = tpu.memref_slice %arg4[%add3A_122] : memref<327680xi32, #tpu.memory_space<hbm>> -> memref<2048xi32, #tpu.memory_space<hbm>>
      tpu.enqueue_dma source(%dma_start3A_131 : memref<2048xi32, #tpu.memory_space<hbm>>) target(%dma_start3A_130 : memref<2048xi32, #tpu.memory_space<vmem>>) target_semaphore(%arg14 : memref<!tpu.dma_semaphore, #tpu.memory_space<semaphore_mem>>)
      %add3A_132 = arith.constant 10240 : i32
      %add3A_133 = arith.addi %mul3A_22, %add3A_132 : i32
      %dma_start3A_134 = arith.constant 5 : i32
      %dma_start3A_135 = arith.constant 0 : i32
      %dma_start3A_136 = tpu.memref_slice %arg7[%dma_start3A_134, %dma_start3A_135] : memref<6x2048xi32, #tpu.memory_space<vmem>> -> memref<1x2048xi32, #tpu.memory_space<vmem>>
      %dma_start3A_137 = tpu.memref_squeeze %dma_start3A_136 : memref<1x2048xi32, #tpu.memory_space<vmem>> -> memref<2048xi32, #tpu.memory_space<vmem>>
      %dma_start3A_138 = tpu.memref_slice %arg3[%add3A_133] : memref<327680xi32, #tpu.memory_space<hbm>> -> memref<2048xi32, #tpu.memory_space<hbm>>
      %dma_start3A_139 = arith.constant 0 : i32
      %dma_start3A_140 = tpu.memref_slice %arg7[%dma_start3A_134, %dma_start3A_139] : memref<6x2048xi32, #tpu.memory_space<vmem>> -> memref<1x2048xi32, #tpu.memory_space<vmem>>
      %dma_start3A_141 = tpu.memref_squeeze %dma_start3A_140 : memref<1x2048xi32, #tpu.memory_space<vmem>> -> memref<2048xi32, #tpu.memory_space<vmem>>
      %dma_start3A_142 = tpu.memref_slice %arg3[%add3A_133] : memref<327680xi32, #tpu.memory_space<hbm>> -> memref<2048xi32, #tpu.memory_space<hbm>>
      tpu.enqueue_dma source(%dma_start3A_142 : memref<2048xi32, #tpu.memory_space<hbm>>) target(%dma_start3A_141 : memref<2048xi32, #tpu.memory_space<vmem>>) target_semaphore(%arg13 : memref<!tpu.dma_semaphore, #tpu.memory_space<semaphore_mem>>)
      %add3A_143 = arith.constant 10240 : i32
      %add3A_144 = arith.addi %mul3A_22, %add3A_143 : i32
      %dma_start3A_145 = arith.constant 5 : i32
      %dma_start3A_146 = arith.constant 0 : i32
      %dma_start3A_147 = tpu.memref_slice %arg8[%dma_start3A_145, %dma_start3A_146] : memref<6x2048xi32, #tpu.memory_space<vmem>> -> memref<1x2048xi32, #tpu.memory_space<vmem>>
      %dma_start3A_148 = tpu.memref_squeeze %dma_start3A_147 : memref<1x2048xi32, #tpu.memory_space<vmem>> -> memref<2048xi32, #tpu.memory_space<vmem>>
      %dma_start3A_149 = tpu.memref_slice %arg4[%add3A_144] : memref<327680xi32, #tpu.memory_space<hbm>> -> memref<2048xi32, #tpu.memory_space<hbm>>
      %dma_start3A_150 = arith.constant 0 : i32
      %dma_start3A_151 = tpu.memref_slice %arg8[%dma_start3A_145, %dma_start3A_150] : memref<6x2048xi32, #tpu.memory_space<vmem>> -> memref<1x2048xi32, #tpu.memory_space<vmem>>
      %dma_start3A_152 = tpu.memref_squeeze %dma_start3A_151 : memref<1x2048xi32, #tpu.memory_space<vmem>> -> memref<2048xi32, #tpu.memory_space<vmem>>
      %dma_start3A_153 = tpu.memref_slice %arg4[%add3A_144] : memref<327680xi32, #tpu.memory_space<hbm>> -> memref<2048xi32, #tpu.memory_space<hbm>>
      tpu.enqueue_dma source(%dma_start3A_153 : memref<2048xi32, #tpu.memory_space<hbm>>) target(%dma_start3A_152 : memref<2048xi32, #tpu.memory_space<vmem>>) target_semaphore(%arg14 : memref<!tpu.dma_semaphore, #tpu.memory_space<semaphore_mem>>)
      %dma_wait3A = arith.constant 0 : i32
      %dma_wait3A_154 = arith.constant 0 : i32
      %dma_wait3A_155 = tpu.memref_slice %arg7[%dma_wait3A, %dma_wait3A_154] : memref<6x2048xi32, #tpu.memory_space<vmem>> -> memref<1x2048xi32, #tpu.memory_space<vmem>>
      %dma_wait3A_156 = tpu.memref_squeeze %dma_wait3A_155 : memref<1x2048xi32, #tpu.memory_space<vmem>> -> memref<2048xi32, #tpu.memory_space<vmem>>
      %dma_wait3A_157 = tpu.memref_slice %arg3[%mul3A_22] : memref<327680xi32, #tpu.memory_space<hbm>> -> memref<2048xi32, #tpu.memory_space<hbm>>
      %dma_wait3A_158 = arith.constant 0 : i32
      %dma_wait3A_159 = tpu.memref_slice %arg7[%dma_wait3A, %dma_wait3A_158] : memref<6x2048xi32, #tpu.memory_space<vmem>> -> memref<1x2048xi32, #tpu.memory_space<vmem>>
      %dma_wait3A_160 = tpu.memref_squeeze %dma_wait3A_159 : memref<1x2048xi32, #tpu.memory_space<vmem>> -> memref<2048xi32, #tpu.memory_space<vmem>>
      %dma_wait3A_161 = tpu.memref_slice %arg3[%mul3A_22] : memref<327680xi32, #tpu.memory_space<hbm>> -> memref<2048xi32, #tpu.memory_space<hbm>>
      tpu.wait_dma2 semaphore(%arg13 : memref<!tpu.dma_semaphore, #tpu.memory_space<semaphore_mem>>) src(%dma_wait3A_161 : memref<2048xi32, #tpu.memory_space<hbm>>) dst(%dma_wait3A_160 : memref<2048xi32, #tpu.memory_space<vmem>>)
      %dma_wait3A_162 = arith.constant 0 : i32
      %dma_wait3A_163 = arith.constant 0 : i32
      %dma_wait3A_164 = tpu.memref_slice %arg8[%dma_wait3A_162, %dma_wait3A_163] : memref<6x2048xi32, #tpu.memory_space<vmem>> -> memref<1x2048xi32, #tpu.memory_space<vmem>>
      %dma_wait3A_165 = tpu.memref_squeeze %dma_wait3A_164 : memref<1x2048xi32, #tpu.memory_space<vmem>> -> memref<2048xi32, #tpu.memory_space<vmem>>
      %dma_wait3A_166 = tpu.memref_slice %arg4[%mul3A_22] : memref<327680xi32, #tpu.memory_space<hbm>> -> memref<2048xi32, #tpu.memory_space<hbm>>
      %dma_wait3A_167 = arith.constant 0 : i32
      %dma_wait3A_168 = tpu.memref_slice %arg8[%dma_wait3A_162, %dma_wait3A_167] : memref<6x2048xi32, #tpu.memory_space<vmem>> -> memref<1x2048xi32, #tpu.memory_space<vmem>>
      %dma_wait3A_169 = tpu.memref_squeeze %dma_wait3A_168 : memref<1x2048xi32, #tpu.memory_space<vmem>> -> memref<2048xi32, #tpu.memory_space<vmem>>
      %dma_wait3A_170 = tpu.memref_slice %arg4[%mul3A_22] : memref<327680xi32, #tpu.memory_space<hbm>> -> memref<2048xi32, #tpu.memory_space<hbm>>
      tpu.wait_dma2 semaphore(%arg14 : memref<!tpu.dma_semaphore, #tpu.memory_space<semaphore_mem>>) src(%dma_wait3A_170 : memref<2048xi32, #tpu.memory_space<hbm>>) dst(%dma_wait3A_169 : memref<2048xi32, #tpu.memory_space<vmem>>)
      %dma_wait3A_171 = arith.constant 0 : i32
      %dma_wait3A_172 = arith.constant 0 : i32
      %dma_wait3A_173 = tpu.memref_slice %arg7[%dma_wait3A_171, %dma_wait3A_172] : memref<6x2048xi32, #tpu.memory_space<vmem>> -> memref<1x2048xi32, #tpu.memory_space<vmem>>
      %dma_wait3A_174 = tpu.memref_squeeze %dma_wait3A_173 : memref<1x2048xi32, #tpu.memory_space<vmem>> -> memref<2048xi32, #tpu.memory_space<vmem>>
      %dma_wait3A_175 = tpu.memref_slice %arg3[%mul3A_22] : memref<327680xi32, #tpu.memory_space<hbm>> -> memref<2048xi32, #tpu.memory_space<hbm>>
      %dma_wait3A_176 = arith.constant 0 : i32
      %dma_wait3A_177 = tpu.memref_slice %arg7[%dma_wait3A_171, %dma_wait3A_176] : memref<6x2048xi32, #tpu.memory_space<vmem>> -> memref<1x2048xi32, #tpu.memory_space<vmem>>
      %dma_wait3A_178 = tpu.memref_squeeze %dma_wait3A_177 : memref<1x2048xi32, #tpu.memory_space<vmem>> -> memref<2048xi32, #tpu.memory_space<vmem>>
      %dma_wait3A_179 = tpu.memref_slice %arg3[%mul3A_22] : memref<327680xi32, #tpu.memory_space<hbm>> -> memref<2048xi32, #tpu.memory_space<hbm>>
      tpu.wait_dma2 semaphore(%arg13 : memref<!tpu.dma_semaphore, #tpu.memory_space<semaphore_mem>>) src(%dma_wait3A_179 : memref<2048xi32, #tpu.memory_space<hbm>>) dst(%dma_wait3A_178 : memref<2048xi32, #tpu.memory_space<vmem>>)
      %dma_wait3A_180 = arith.constant 0 : i32
      %dma_wait3A_181 = arith.constant 0 : i32
      %dma_wait3A_182 = tpu.memref_slice %arg8[%dma_wait3A_180, %dma_wait3A_181] : memref<6x2048xi32, #tpu.memory_space<vmem>> -> memref<1x2048xi32, #tpu.memory_space<vmem>>
      %dma_wait3A_183 = tpu.memref_squeeze %dma_wait3A_182 : memref<1x2048xi32, #tpu.memory_space<vmem>> -> memref<2048xi32, #tpu.memory_space<vmem>>
      %dma_wait3A_184 = tpu.memref_slice %arg4[%mul3A_22] : memref<327680xi32, #tpu.memory_space<hbm>> -> memref<2048xi32, #tpu.memory_space<hbm>>
      %dma_wait3A_185 = arith.constant 0 : i32
      %dma_wait3A_186 = tpu.memref_slice %arg8[%dma_wait3A_180, %dma_wait3A_185] : memref<6x2048xi32, #tpu.memory_space<vmem>> -> memref<1x2048xi32, #tpu.memory_space<vmem>>
      %dma_wait3A_187 = tpu.memref_squeeze %dma_wait3A_186 : memref<1x2048xi32, #tpu.memory_space<vmem>> -> memref<2048xi32, #tpu.memory_space<vmem>>
      %dma_wait3A_188 = tpu.memref_slice %arg4[%mul3A_22] : memref<327680xi32, #tpu.memory_space<hbm>> -> memref<2048xi32, #tpu.memory_space<hbm>>
      tpu.wait_dma2 semaphore(%arg14 : memref<!tpu.dma_semaphore, #tpu.memory_space<semaphore_mem>>) src(%dma_wait3A_188 : memref<2048xi32, #tpu.memory_space<hbm>>) dst(%dma_wait3A_187 : memref<2048xi32, #tpu.memory_space<vmem>>)
      %dma_wait3A_189 = arith.constant 0 : i32
      %dma_wait3A_190 = arith.constant 0 : i32
      %dma_wait3A_191 = tpu.memref_slice %arg7[%dma_wait3A_189, %dma_wait3A_190] : memref<6x2048xi32, #tpu.memory_space<vmem>> -> memref<1x2048xi32, #tpu.memory_space<vmem>>
      %dma_wait3A_192 = tpu.memref_squeeze %dma_wait3A_191 : memref<1x2048xi32, #tpu.memory_space<vmem>> -> memref<2048xi32, #tpu.memory_space<vmem>>
      %dma_wait3A_193 = tpu.memref_slice %arg3[%mul3A_22] : memref<327680xi32, #tpu.memory_space<hbm>> -> memref<2048xi32, #tpu.memory_space<hbm>>
      %dma_wait3A_194 = arith.constant 0 : i32
      %dma_wait3A_195 = tpu.memref_slice %arg7[%dma_wait3A_189, %dma_wait3A_194] : memref<6x2048xi32, #tpu.memory_space<vmem>> -> memref<1x2048xi32, #tpu.memory_space<vmem>>
      %dma_wait3A_196 = tpu.memref_squeeze %dma_wait3A_195 : memref<1x2048xi32, #tpu.memory_space<vmem>> -> memref<2048xi32, #tpu.memory_space<vmem>>
      %dma_wait3A_197 = tpu.memref_slice %arg3[%mul3A_22] : memref<327680xi32, #tpu.memory_space<hbm>> -> memref<2048xi32, #tpu.memory_space<hbm>>
      tpu.wait_dma2 semaphore(%arg13 : memref<!tpu.dma_semaphore, #tpu.memory_space<semaphore_mem>>) src(%dma_wait3A_197 : memref<2048xi32, #tpu.memory_space<hbm>>) dst(%dma_wait3A_196 : memref<2048xi32, #tpu.memory_space<vmem>>)
      %dma_wait3A_198 = arith.constant 0 : i32
      %dma_wait3A_199 = arith.constant 0 : i32
      %dma_wait3A_200 = tpu.memref_slice %arg8[%dma_wait3A_198, %dma_wait3A_199] : memref<6x2048xi32, #tpu.memory_space<vmem>> -> memref<1x2048xi32, #tpu.memory_space<vmem>>
      %dma_wait3A_201 = tpu.memref_squeeze %dma_wait3A_200 : memref<1x2048xi32, #tpu.memory_space<vmem>> -> memref<2048xi32, #tpu.memory_space<vmem>>
      %dma_wait3A_202 = tpu.memref_slice %arg4[%mul3A_22] : memref<327680xi32, #tpu.memory_space<hbm>> -> memref<2048xi32, #tpu.memory_space<hbm>>
      %dma_wait3A_203 = arith.constant 0 : i32
      %dma_wait3A_204 = tpu.memref_slice %arg8[%dma_wait3A_198, %dma_wait3A_203] : memref<6x2048xi32, #tpu.memory_space<vmem>> -> memref<1x2048xi32, #tpu.memory_space<vmem>>
      %dma_wait3A_205 = tpu.memref_squeeze %dma_wait3A_204 : memref<1x2048xi32, #tpu.memory_space<vmem>> -> memref<2048xi32, #tpu.memory_space<vmem>>
      %dma_wait3A_206 = tpu.memref_slice %arg4[%mul3A_22] : memref<327680xi32, #tpu.memory_space<hbm>> -> memref<2048xi32, #tpu.memory_space<hbm>>
      tpu.wait_dma2 semaphore(%arg14 : memref<!tpu.dma_semaphore, #tpu.memory_space<semaphore_mem>>) src(%dma_wait3A_206 : memref<2048xi32, #tpu.memory_space<hbm>>) dst(%dma_wait3A_205 : memref<2048xi32, #tpu.memory_space<vmem>>)
      %dma_wait3A_207 = arith.constant 0 : i32
      %dma_wait3A_208 = arith.constant 0 : i32
      %dma_wait3A_209 = tpu.memref_slice %arg7[%dma_wait3A_207, %dma_wait3A_208] : memref<6x2048xi32, #tpu.memory_space<vmem>> -> memref<1x2048xi32, #tpu.memory_space<vmem>>
      %dma_wait3A_210 = tpu.memref_squeeze %dma_wait3A_209 : memref<1x2048xi32, #tpu.memory_space<vmem>> -> memref<2048xi32, #tpu.memory_space<vmem>>
      %dma_wait3A_211 = tpu.memref_slice %arg3[%mul3A_22] : memref<327680xi32, #tpu.memory_space<hbm>> -> memref<2048xi32, #tpu.memory_space<hbm>>
      %dma_wait3A_212 = arith.constant 0 : i32
      %dma_wait3A_213 = tpu.memref_slice %arg7[%dma_wait3A_207, %dma_wait3A_212] : memref<6x2048xi32, #tpu.memory_space<vmem>> -> memref<1x2048xi32, #tpu.memory_space<vmem>>
      %dma_wait3A_214 = tpu.memref_squeeze %dma_wait3A_213 : memref<1x2048xi32, #tpu.memory_space<vmem>> -> memref<2048xi32, #tpu.memory_space<vmem>>
      %dma_wait3A_215 = tpu.memref_slice %arg3[%mul3A_22] : memref<327680xi32, #tpu.memory_space<hbm>> -> memref<2048xi32, #tpu.memory_space<hbm>>
      tpu.wait_dma2 semaphore(%arg13 : memref<!tpu.dma_semaphore, #tpu.memory_space<semaphore_mem>>) src(%dma_wait3A_215 : memref<2048xi32, #tpu.memory_space<hbm>>) dst(%dma_wait3A_214 : memref<2048xi32, #tpu.memory_space<vmem>>)
      %dma_wait3A_216 = arith.constant 0 : i32
      %dma_wait3A_217 = arith.constant 0 : i32
      %dma_wait3A_218 = tpu.memref_slice %arg8[%dma_wait3A_216, %dma_wait3A_217] : memref<6x2048xi32, #tpu.memory_space<vmem>> -> memref<1x2048xi32, #tpu.memory_space<vmem>>
      %dma_wait3A_219 = tpu.memref_squeeze %dma_wait3A_218 : memref<1x2048xi32, #tpu.memory_space<vmem>> -> memref<2048xi32, #tpu.memory_space<vmem>>
      %dma_wait3A_220 = tpu.memref_slice %arg4[%mul3A_22] : memref<327680xi32, #tpu.memory_space<hbm>> -> memref<2048xi32, #tpu.memory_space<hbm>>
      %dma_wait3A_221 = arith.constant 0 : i32
      %dma_wait3A_222 = tpu.memref_slice %arg8[%dma_wait3A_216, %dma_wait3A_221] : memref<6x2048xi32, #tpu.memory_space<vmem>> -> memref<1x2048xi32, #tpu.memory_space<vmem>>
      %dma_wait3A_223 = tpu.memref_squeeze %dma_wait3A_222 : memref<1x2048xi32, #tpu.memory_space<vmem>> -> memref<2048xi32, #tpu.memory_space<vmem>>
      %dma_wait3A_224 = tpu.memref_slice %arg4[%mul3A_22] : memref<327680xi32, #tpu.memory_space<hbm>> -> memref<2048xi32, #tpu.memory_space<hbm>>
      tpu.wait_dma2 semaphore(%arg14 : memref<!tpu.dma_semaphore, #tpu.memory_space<semaphore_mem>>) src(%dma_wait3A_224 : memref<2048xi32, #tpu.memory_space<hbm>>) dst(%dma_wait3A_223 : memref<2048xi32, #tpu.memory_space<vmem>>)
      %dma_wait3A_225 = arith.constant 0 : i32
      %dma_wait3A_226 = arith.constant 0 : i32
      %dma_wait3A_227 = tpu.memref_slice %arg7[%dma_wait3A_225, %dma_wait3A_226] : memref<6x2048xi32, #tpu.memory_space<vmem>> -> memref<1x2048xi32, #tpu.memory_space<vmem>>
      %dma_wait3A_228 = tpu.memref_squeeze %dma_wait3A_227 : memref<1x2048xi32, #tpu.memory_space<vmem>> -> memref<2048xi32, #tpu.memory_space<vmem>>
      %dma_wait3A_229 = tpu.memref_slice %arg3[%mul3A_22] : memref<327680xi32, #tpu.memory_space<hbm>> -> memref<2048xi32, #tpu.memory_space<hbm>>
      %dma_wait3A_230 = arith.constant 0 : i32
      %dma_wait3A_231 = tpu.memref_slice %arg7[%dma_wait3A_225, %dma_wait3A_230] : memref<6x2048xi32, #tpu.memory_space<vmem>> -> memref<1x2048xi32, #tpu.memory_space<vmem>>
      %dma_wait3A_232 = tpu.memref_squeeze %dma_wait3A_231 : memref<1x2048xi32, #tpu.memory_space<vmem>> -> memref<2048xi32, #tpu.memory_space<vmem>>
      %dma_wait3A_233 = tpu.memref_slice %arg3[%mul3A_22] : memref<327680xi32, #tpu.memory_space<hbm>> -> memref<2048xi32, #tpu.memory_space<hbm>>
      tpu.wait_dma2 semaphore(%arg13 : memref<!tpu.dma_semaphore, #tpu.memory_space<semaphore_mem>>) src(%dma_wait3A_233 : memref<2048xi32, #tpu.memory_space<hbm>>) dst(%dma_wait3A_232 : memref<2048xi32, #tpu.memory_space<vmem>>)
      %dma_wait3A_234 = arith.constant 0 : i32
      %dma_wait3A_235 = arith.constant 0 : i32
      %dma_wait3A_236 = tpu.memref_slice %arg8[%dma_wait3A_234, %dma_wait3A_235] : memref<6x2048xi32, #tpu.memory_space<vmem>> -> memref<1x2048xi32, #tpu.memory_space<vmem>>
      %dma_wait3A_237 = tpu.memref_squeeze %dma_wait3A_236 : memref<1x2048xi32, #tpu.memory_space<vmem>> -> memref<2048xi32, #tpu.memory_space<vmem>>
      %dma_wait3A_238 = tpu.memref_slice %arg4[%mul3A_22] : memref<327680xi32, #tpu.memory_space<hbm>> -> memref<2048xi32, #tpu.memory_space<hbm>>
      %dma_wait3A_239 = arith.constant 0 : i32
      %dma_wait3A_240 = tpu.memref_slice %arg8[%dma_wait3A_234, %dma_wait3A_239] : memref<6x2048xi32, #tpu.memory_space<vmem>> -> memref<1x2048xi32, #tpu.memory_space<vmem>>
      %dma_wait3A_241 = tpu.memref_squeeze %dma_wait3A_240 : memref<1x2048xi32, #tpu.memory_space<vmem>> -> memref<2048xi32, #tpu.memory_space<vmem>>
      %dma_wait3A_242 = tpu.memref_slice %arg4[%mul3A_22] : memref<327680xi32, #tpu.memory_space<hbm>> -> memref<2048xi32, #tpu.memory_space<hbm>>
      tpu.wait_dma2 semaphore(%arg14 : memref<!tpu.dma_semaphore, #tpu.memory_space<semaphore_mem>>) src(%dma_wait3A_242 : memref<2048xi32, #tpu.memory_space<hbm>>) dst(%dma_wait3A_241 : memref<2048xi32, #tpu.memory_space<vmem>>)
      %dma_wait3A_243 = arith.constant 0 : i32
      %dma_wait3A_244 = arith.constant 0 : i32
      %dma_wait3A_245 = tpu.memref_slice %arg7[%dma_wait3A_243, %dma_wait3A_244] : memref<6x2048xi32, #tpu.memory_space<vmem>> -> memref<1x2048xi32, #tpu.memory_space<vmem>>
      %dma_wait3A_246 = tpu.memref_squeeze %dma_wait3A_245 : memref<1x2048xi32, #tpu.memory_space<vmem>> -> memref<2048xi32, #tpu.memory_space<vmem>>
      %dma_wait3A_247 = tpu.memref_slice %arg3[%mul3A_22] : memref<327680xi32, #tpu.memory_space<hbm>> -> memref<2048xi32, #tpu.memory_space<hbm>>
      %dma_wait3A_248 = arith.constant 0 : i32
      %dma_wait3A_249 = tpu.memref_slice %arg7[%dma_wait3A_243, %dma_wait3A_248] : memref<6x2048xi32, #tpu.memory_space<vmem>> -> memref<1x2048xi32, #tpu.memory_space<vmem>>
      %dma_wait3A_250 = tpu.memref_squeeze %dma_wait3A_249 : memref<1x2048xi32, #tpu.memory_space<vmem>> -> memref<2048xi32, #tpu.memory_space<vmem>>
      %dma_wait3A_251 = tpu.memref_slice %arg3[%mul3A_22] : memref<327680xi32, #tpu.memory_space<hbm>> -> memref<2048xi32, #tpu.memory_space<hbm>>
      tpu.wait_dma2 semaphore(%arg13 : memref<!tpu.dma_semaphore, #tpu.memory_space<semaphore_mem>>) src(%dma_wait3A_251 : memref<2048xi32, #tpu.memory_space<hbm>>) dst(%dma_wait3A_250 : memref<2048xi32, #tpu.memory_space<vmem>>)
      %dma_wait3A_252 = arith.constant 0 : i32
      %dma_wait3A_253 = arith.constant 0 : i32
      %dma_wait3A_254 = tpu.memref_slice %arg8[%dma_wait3A_252, %dma_wait3A_253] : memref<6x2048xi32, #tpu.memory_space<vmem>> -> memref<1x2048xi32, #tpu.memory_space<vmem>>
      %dma_wait3A_255 = tpu.memref_squeeze %dma_wait3A_254 : memref<1x2048xi32, #tpu.memory_space<vmem>> -> memref<2048xi32, #tpu.memory_space<vmem>>
      %dma_wait3A_256 = tpu.memref_slice %arg4[%mul3A_22] : memref<327680xi32, #tpu.memory_space<hbm>> -> memref<2048xi32, #tpu.memory_space<hbm>>
      %dma_wait3A_257 = arith.constant 0 : i32
      %dma_wait3A_258 = tpu.memref_slice %arg8[%dma_wait3A_252, %dma_wait3A_257] : memref<6x2048xi32, #tpu.memory_space<vmem>> -> memref<1x2048xi32, #tpu.memory_space<vmem>>
      %dma_wait3A_259 = tpu.memref_squeeze %dma_wait3A_258 : memref<1x2048xi32, #tpu.memory_space<vmem>> -> memref<2048xi32, #tpu.memory_space<vmem>>
      %dma_wait3A_260 = tpu.memref_slice %arg4[%mul3A_22] : memref<327680xi32, #tpu.memory_space<hbm>> -> memref<2048xi32, #tpu.memory_space<hbm>>
      tpu.wait_dma2 semaphore(%arg14 : memref<!tpu.dma_semaphore, #tpu.memory_space<semaphore_mem>>) src(%dma_wait3A_260 : memref<2048xi32, #tpu.memory_space<hbm>>) dst(%dma_wait3A_259 : memref<2048xi32, #tpu.memory_space<vmem>>)
      %dma_wait3A_261 = arith.constant 0 : i32
      %dma_wait3A_262 = tpu.memref_slice %arg12[%mul3A_2, %dma_wait3A_261] : memref<10240x16xf32, #tpu.memory_space<vmem_shared>> -> memref<640x16xf32, #tpu.memory_space<vmem_shared>>
      %dma_wait3A_263 = arith.constant 0 : i32
      %dma_wait3A_264 = tpu.memref_slice %arg2[%mul3A_0, %dma_wait3A_263] : memref<10240x16xf32, #tpu.memory_space<hbm>> -> memref<640x16xf32, #tpu.memory_space<hbm>>
      tpu.wait_dma2 semaphore(%arg15 : memref<!tpu.dma_semaphore, #tpu.memory_space<semaphore_mem>>) src(%dma_wait3A_264 : memref<640x16xf32, #tpu.memory_space<hbm>>) dst(%dma_wait3A_262 : memref<640x16xf32, #tpu.memory_space<vmem_shared>>)
      %barrier3A_265 = arith.constant 0 : index
      tpu.barrier barrier_id(%barrier3A_265)
      %dma_start3A_266 = arith.constant 0 : i32
      %dma_start3A_267 = arith.constant 0 : i32
      %dma_start3A_268 = tpu.memref_slice %arg7[%dma_start3A_266, %dma_start3A_267] : memref<6x2048xi32, #tpu.memory_space<vmem>> -> memref<1x2048xi32, #tpu.memory_space<vmem>>
      %dma_start3A_269 = tpu.memref_squeeze %dma_start3A_268 : memref<1x2048xi32, #tpu.memory_space<vmem>> -> memref<2048xi32, #tpu.memory_space<vmem>>
      %dma_start3A_270 = arith.constant 0 : i32
      %dma_start3A_271 = arith.constant 0 : i32
      %dma_start3A_272 = tpu.memref_slice %arg12[%dma_start3A_270, %dma_start3A_271] : memref<10240x16xf32, #tpu.memory_space<vmem_shared>> -> memref<10240x16xf32, #tpu.memory_space<vmem_shared>>
      tpu.enqueue_indirect_dma source(%dma_start3A_272 : memref<10240x16xf32, #tpu.memory_space<vmem_shared>>) target(%arg9 : memref<2048x16xf32, #tpu.memory_space<vmem>>) offsets(%dma_start3A_269 : memref<2048xi32, #tpu.memory_space<vmem>>) semaphore(%arg13 : memref<!tpu.dma_semaphore, #tpu.memory_space<semaphore_mem>>)
      %dma_start3A_273 = arith.constant 1 : i32
      %dma_start3A_274 = arith.constant 0 : i32
      %dma_start3A_275 = tpu.memref_slice %arg7[%dma_start3A_273, %dma_start3A_274] : memref<6x2048xi32, #tpu.memory_space<vmem>> -> memref<1x2048xi32, #tpu.memory_space<vmem>>
      %dma_start3A_276 = tpu.memref_squeeze %dma_start3A_275 : memref<1x2048xi32, #tpu.memory_space<vmem>> -> memref<2048xi32, #tpu.memory_space<vmem>>
      %dma_start3A_277 = arith.constant 0 : i32
      %dma_start3A_278 = arith.constant 0 : i32
      %dma_start3A_279 = tpu.memref_slice %arg12[%dma_start3A_277, %dma_start3A_278] : memref<10240x16xf32, #tpu.memory_space<vmem_shared>> -> memref<10240x16xf32, #tpu.memory_space<vmem_shared>>
      tpu.enqueue_indirect_dma source(%dma_start3A_279 : memref<10240x16xf32, #tpu.memory_space<vmem_shared>>) target(%arg10 : memref<2048x16xf32, #tpu.memory_space<vmem>>) offsets(%dma_start3A_276 : memref<2048xi32, #tpu.memory_space<vmem>>) semaphore(%arg14 : memref<!tpu.dma_semaphore, #tpu.memory_space<semaphore_mem>>)
      %dma_wait3A_280 = arith.constant 0 : i32
      %dma_wait3A_281 = arith.constant 0 : i32
      %dma_wait3A_282 = tpu.memref_slice %arg7[%dma_wait3A_280, %dma_wait3A_281] : memref<6x2048xi32, #tpu.memory_space<vmem>> -> memref<1x2048xi32, #tpu.memory_space<vmem>>
      %dma_wait3A_283 = tpu.memref_squeeze %dma_wait3A_282 : memref<1x2048xi32, #tpu.memory_space<vmem>> -> memref<2048xi32, #tpu.memory_space<vmem>>
      %dma_wait3A_284 = arith.constant 0 : i32
      %dma_wait3A_285 = arith.constant 0 : i32
      %dma_wait3A_286 = tpu.memref_slice %arg12[%dma_wait3A_284, %dma_wait3A_285] : memref<10240x16xf32, #tpu.memory_space<vmem_shared>> -> memref<10240x16xf32, #tpu.memory_space<vmem_shared>>
      tpu.wait_indirect_dma semaphore(%arg13 : memref<!tpu.dma_semaphore, #tpu.memory_space<semaphore_mem>>) src(%dma_wait3A_286 : memref<10240x16xf32, #tpu.memory_space<vmem_shared>>) dst(%arg9 : memref<2048x16xf32, #tpu.memory_space<vmem>>)
      %run_scoped3A = arith.constant 0 : i32
      "tpu.region"() ({
        %run_scoped3A_355 = tpu.sem_alloc : memref<!tpu.dma_semaphore, #tpu.memory_space<semaphore_mem>>
        %dma_start3A_356 = arith.constant 0 : i32
        %dma_start3A_357 = tpu.memref_slice %arg8[%run_scoped3A, %dma_start3A_356] : memref<6x2048xi32, #tpu.memory_space<vmem>> -> memref<1x2048xi32, #tpu.memory_space<vmem>>
        %dma_start3A_358 = tpu.memref_squeeze %dma_start3A_357 : memref<1x2048xi32, #tpu.memory_space<vmem>> -> memref<2048xi32, #tpu.memory_space<vmem>>
        %dma_start3A_359 = arith.constant 0 : i32
        %dma_start3A_360 = arith.constant 0 : i32
        %dma_start3A_361 = tpu.memref_slice %arg11[%dma_start3A_359, %dma_start3A_360] : memref<10240x16xf32, #tpu.memory_space<vmem_shared>> -> memref<10240x16xf32, #tpu.memory_space<vmem_shared>>
        tpu.enqueue_indirect_dma source(%arg9 : memref<2048x16xf32, #tpu.memory_space<vmem>>) target(%dma_start3A_361 : memref<10240x16xf32, #tpu.memory_space<vmem_shared>>) offsets(%dma_start3A_358 : memref<2048xi32, #tpu.memory_space<vmem>>) semaphore(%run_scoped3A_355 : memref<!tpu.dma_semaphore, #tpu.memory_space<semaphore_mem>>) {add = true}
        %dma_wait3A_362 = arith.constant 0 : i32
        %dma_wait3A_363 = tpu.memref_slice %arg8[%run_scoped3A, %dma_wait3A_362] : memref<6x2048xi32, #tpu.memory_space<vmem>> -> memref<1x2048xi32, #tpu.memory_space<vmem>>
        %dma_wait3A_364 = tpu.memref_squeeze %dma_wait3A_363 : memref<1x2048xi32, #tpu.memory_space<vmem>> -> memref<2048xi32, #tpu.memory_space<vmem>>
        %dma_wait3A_365 = arith.constant 0 : i32
        %dma_wait3A_366 = arith.constant 0 : i32
        %dma_wait3A_367 = tpu.memref_slice %arg11[%dma_wait3A_365, %dma_wait3A_366] : memref<10240x16xf32, #tpu.memory_space<vmem_shared>> -> memref<10240x16xf32, #tpu.memory_space<vmem_shared>>
        tpu.wait_indirect_dma semaphore(%run_scoped3A_355 : memref<!tpu.dma_semaphore, #tpu.memory_space<semaphore_mem>>) src(%arg9 : memref<2048x16xf32, #tpu.memory_space<vmem>>) dst(%dma_wait3A_367 : memref<10240x16xf32, #tpu.memory_space<vmem_shared>>)
        tpu.yield
      }) : () -> ()
      %dma_start3A_287 = arith.constant 2 : i32
      %dma_start3A_288 = arith.constant 0 : i32
      %dma_start3A_289 = tpu.memref_slice %arg7[%dma_start3A_287, %dma_start3A_288] : memref<6x2048xi32, #tpu.memory_space<vmem>> -> memref<1x2048xi32, #tpu.memory_space<vmem>>
      %dma_start3A_290 = tpu.memref_squeeze %dma_start3A_289 : memref<1x2048xi32, #tpu.memory_space<vmem>> -> memref<2048xi32, #tpu.memory_space<vmem>>
      %dma_start3A_291 = arith.constant 0 : i32
      %dma_start3A_292 = arith.constant 0 : i32
      %dma_start3A_293 = tpu.memref_slice %arg12[%dma_start3A_291, %dma_start3A_292] : memref<10240x16xf32, #tpu.memory_space<vmem_shared>> -> memref<10240x16xf32, #tpu.memory_space<vmem_shared>>
      tpu.enqueue_indirect_dma source(%dma_start3A_293 : memref<10240x16xf32, #tpu.memory_space<vmem_shared>>) target(%arg9 : memref<2048x16xf32, #tpu.memory_space<vmem>>) offsets(%dma_start3A_290 : memref<2048xi32, #tpu.memory_space<vmem>>) semaphore(%arg13 : memref<!tpu.dma_semaphore, #tpu.memory_space<semaphore_mem>>)
      %dma_wait3A_294 = arith.constant 1 : i32
      %dma_wait3A_295 = arith.constant 0 : i32
      %dma_wait3A_296 = tpu.memref_slice %arg7[%dma_wait3A_294, %dma_wait3A_295] : memref<6x2048xi32, #tpu.memory_space<vmem>> -> memref<1x2048xi32, #tpu.memory_space<vmem>>
      %dma_wait3A_297 = tpu.memref_squeeze %dma_wait3A_296 : memref<1x2048xi32, #tpu.memory_space<vmem>> -> memref<2048xi32, #tpu.memory_space<vmem>>
      %dma_wait3A_298 = arith.constant 0 : i32
      %dma_wait3A_299 = arith.constant 0 : i32
      %dma_wait3A_300 = tpu.memref_slice %arg12[%dma_wait3A_298, %dma_wait3A_299] : memref<10240x16xf32, #tpu.memory_space<vmem_shared>> -> memref<10240x16xf32, #tpu.memory_space<vmem_shared>>
      tpu.wait_indirect_dma semaphore(%arg14 : memref<!tpu.dma_semaphore, #tpu.memory_space<semaphore_mem>>) src(%dma_wait3A_300 : memref<10240x16xf32, #tpu.memory_space<vmem_shared>>) dst(%arg10 : memref<2048x16xf32, #tpu.memory_space<vmem>>)
      %run_scoped3A_301 = arith.constant 1 : i32
      "tpu.region"() ({
        %run_scoped3A_355 = tpu.sem_alloc : memref<!tpu.dma_semaphore, #tpu.memory_space<semaphore_mem>>
        %dma_start3A_356 = arith.constant 0 : i32
        %dma_start3A_357 = tpu.memref_slice %arg8[%run_scoped3A_301, %dma_start3A_356] : memref<6x2048xi32, #tpu.memory_space<vmem>> -> memref<1x2048xi32, #tpu.memory_space<vmem>>
        %dma_start3A_358 = tpu.memref_squeeze %dma_start3A_357 : memref<1x2048xi32, #tpu.memory_space<vmem>> -> memref<2048xi32, #tpu.memory_space<vmem>>
        %dma_start3A_359 = arith.constant 0 : i32
        %dma_start3A_360 = arith.constant 0 : i32
        %dma_start3A_361 = tpu.memref_slice %arg11[%dma_start3A_359, %dma_start3A_360] : memref<10240x16xf32, #tpu.memory_space<vmem_shared>> -> memref<10240x16xf32, #tpu.memory_space<vmem_shared>>
        tpu.enqueue_indirect_dma source(%arg10 : memref<2048x16xf32, #tpu.memory_space<vmem>>) target(%dma_start3A_361 : memref<10240x16xf32, #tpu.memory_space<vmem_shared>>) offsets(%dma_start3A_358 : memref<2048xi32, #tpu.memory_space<vmem>>) semaphore(%run_scoped3A_355 : memref<!tpu.dma_semaphore, #tpu.memory_space<semaphore_mem>>) {add = true}
        %dma_wait3A_362 = arith.constant 0 : i32
        %dma_wait3A_363 = tpu.memref_slice %arg8[%run_scoped3A_301, %dma_wait3A_362] : memref<6x2048xi32, #tpu.memory_space<vmem>> -> memref<1x2048xi32, #tpu.memory_space<vmem>>
        %dma_wait3A_364 = tpu.memref_squeeze %dma_wait3A_363 : memref<1x2048xi32, #tpu.memory_space<vmem>> -> memref<2048xi32, #tpu.memory_space<vmem>>
        %dma_wait3A_365 = arith.constant 0 : i32
        %dma_wait3A_366 = arith.constant 0 : i32
        %dma_wait3A_367 = tpu.memref_slice %arg11[%dma_wait3A_365, %dma_wait3A_366] : memref<10240x16xf32, #tpu.memory_space<vmem_shared>> -> memref<10240x16xf32, #tpu.memory_space<vmem_shared>>
        tpu.wait_indirect_dma semaphore(%run_scoped3A_355 : memref<!tpu.dma_semaphore, #tpu.memory_space<semaphore_mem>>) src(%arg10 : memref<2048x16xf32, #tpu.memory_space<vmem>>) dst(%dma_wait3A_367 : memref<10240x16xf32, #tpu.memory_space<vmem_shared>>)
        tpu.yield
      }) : () -> ()
      %dma_start3A_302 = arith.constant 3 : i32
      %dma_start3A_303 = arith.constant 0 : i32
      %dma_start3A_304 = tpu.memref_slice %arg7[%dma_start3A_302, %dma_start3A_303] : memref<6x2048xi32, #tpu.memory_space<vmem>> -> memref<1x2048xi32, #tpu.memory_space<vmem>>
      %dma_start3A_305 = tpu.memref_squeeze %dma_start3A_304 : memref<1x2048xi32, #tpu.memory_space<vmem>> -> memref<2048xi32, #tpu.memory_space<vmem>>
      %dma_start3A_306 = arith.constant 0 : i32
      %dma_start3A_307 = arith.constant 0 : i32
      %dma_start3A_308 = tpu.memref_slice %arg12[%dma_start3A_306, %dma_start3A_307] : memref<10240x16xf32, #tpu.memory_space<vmem_shared>> -> memref<10240x16xf32, #tpu.memory_space<vmem_shared>>
      tpu.enqueue_indirect_dma source(%dma_start3A_308 : memref<10240x16xf32, #tpu.memory_space<vmem_shared>>) target(%arg10 : memref<2048x16xf32, #tpu.memory_space<vmem>>) offsets(%dma_start3A_305 : memref<2048xi32, #tpu.memory_space<vmem>>) semaphore(%arg14 : memref<!tpu.dma_semaphore, #tpu.memory_space<semaphore_mem>>)
      %dma_wait3A_309 = arith.constant 2 : i32
      %dma_wait3A_310 = arith.constant 0 : i32
      %dma_wait3A_311 = tpu.memref_slice %arg7[%dma_wait3A_309, %dma_wait3A_310] : memref<6x2048xi32, #tpu.memory_space<vmem>> -> memref<1x2048xi32, #tpu.memory_space<vmem>>
      %dma_wait3A_312 = tpu.memref_squeeze %dma_wait3A_311 : memref<1x2048xi32, #tpu.memory_space<vmem>> -> memref<2048xi32, #tpu.memory_space<vmem>>
      %dma_wait3A_313 = arith.constant 0 : i32
      %dma_wait3A_314 = arith.constant 0 : i32
      %dma_wait3A_315 = tpu.memref_slice %arg12[%dma_wait3A_313, %dma_wait3A_314] : memref<10240x16xf32, #tpu.memory_space<vmem_shared>> -> memref<10240x16xf32, #tpu.memory_space<vmem_shared>>
      tpu.wait_indirect_dma semaphore(%arg13 : memref<!tpu.dma_semaphore, #tpu.memory_space<semaphore_mem>>) src(%dma_wait3A_315 : memref<10240x16xf32, #tpu.memory_space<vmem_shared>>) dst(%arg9 : memref<2048x16xf32, #tpu.memory_space<vmem>>)
      %run_scoped3A_316 = arith.constant 2 : i32
      "tpu.region"() ({
        %run_scoped3A_355 = tpu.sem_alloc : memref<!tpu.dma_semaphore, #tpu.memory_space<semaphore_mem>>
        %dma_start3A_356 = arith.constant 0 : i32
        %dma_start3A_357 = tpu.memref_slice %arg8[%run_scoped3A_316, %dma_start3A_356] : memref<6x2048xi32, #tpu.memory_space<vmem>> -> memref<1x2048xi32, #tpu.memory_space<vmem>>
        %dma_start3A_358 = tpu.memref_squeeze %dma_start3A_357 : memref<1x2048xi32, #tpu.memory_space<vmem>> -> memref<2048xi32, #tpu.memory_space<vmem>>
        %dma_start3A_359 = arith.constant 0 : i32
        %dma_start3A_360 = arith.constant 0 : i32
        %dma_start3A_361 = tpu.memref_slice %arg11[%dma_start3A_359, %dma_start3A_360] : memref<10240x16xf32, #tpu.memory_space<vmem_shared>> -> memref<10240x16xf32, #tpu.memory_space<vmem_shared>>
        tpu.enqueue_indirect_dma source(%arg9 : memref<2048x16xf32, #tpu.memory_space<vmem>>) target(%dma_start3A_361 : memref<10240x16xf32, #tpu.memory_space<vmem_shared>>) offsets(%dma_start3A_358 : memref<2048xi32, #tpu.memory_space<vmem>>) semaphore(%run_scoped3A_355 : memref<!tpu.dma_semaphore, #tpu.memory_space<semaphore_mem>>) {add = true}
        %dma_wait3A_362 = arith.constant 0 : i32
        %dma_wait3A_363 = tpu.memref_slice %arg8[%run_scoped3A_316, %dma_wait3A_362] : memref<6x2048xi32, #tpu.memory_space<vmem>> -> memref<1x2048xi32, #tpu.memory_space<vmem>>
        %dma_wait3A_364 = tpu.memref_squeeze %dma_wait3A_363 : memref<1x2048xi32, #tpu.memory_space<vmem>> -> memref<2048xi32, #tpu.memory_space<vmem>>
        %dma_wait3A_365 = arith.constant 0 : i32
        %dma_wait3A_366 = arith.constant 0 : i32
        %dma_wait3A_367 = tpu.memref_slice %arg11[%dma_wait3A_365, %dma_wait3A_366] : memref<10240x16xf32, #tpu.memory_space<vmem_shared>> -> memref<10240x16xf32, #tpu.memory_space<vmem_shared>>
        tpu.wait_indirect_dma semaphore(%run_scoped3A_355 : memref<!tpu.dma_semaphore, #tpu.memory_space<semaphore_mem>>) src(%arg9 : memref<2048x16xf32, #tpu.memory_space<vmem>>) dst(%dma_wait3A_367 : memref<10240x16xf32, #tpu.memory_space<vmem_shared>>)
        tpu.yield
      }) : () -> ()
      %dma_start3A_317 = arith.constant 4 : i32
      %dma_start3A_318 = arith.constant 0 : i32
      %dma_start3A_319 = tpu.memref_slice %arg7[%dma_start3A_317, %dma_start3A_318] : memref<6x2048xi32, #tpu.memory_space<vmem>> -> memref<1x2048xi32, #tpu.memory_space<vmem>>
      %dma_start3A_320 = tpu.memref_squeeze %dma_start3A_319 : memref<1x2048xi32, #tpu.memory_space<vmem>> -> memref<2048xi32, #tpu.memory_space<vmem>>
      %dma_start3A_321 = arith.constant 0 : i32
      %dma_start3A_322 = arith.constant 0 : i32
      %dma_start3A_323 = tpu.memref_slice %arg12[%dma_start3A_321, %dma_start3A_322] : memref<10240x16xf32, #tpu.memory_space<vmem_shared>> -> memref<10240x16xf32, #tpu.memory_space<vmem_shared>>
      tpu.enqueue_indirect_dma source(%dma_start3A_323 : memref<10240x16xf32, #tpu.memory_space<vmem_shared>>) target(%arg9 : memref<2048x16xf32, #tpu.memory_space<vmem>>) offsets(%dma_start3A_320 : memref<2048xi32, #tpu.memory_space<vmem>>) semaphore(%arg13 : memref<!tpu.dma_semaphore, #tpu.memory_space<semaphore_mem>>)
      %dma_wait3A_324 = arith.constant 3 : i32
      %dma_wait3A_325 = arith.constant 0 : i32
      %dma_wait3A_326 = tpu.memref_slice %arg7[%dma_wait3A_324, %dma_wait3A_325] : memref<6x2048xi32, #tpu.memory_space<vmem>> -> memref<1x2048xi32, #tpu.memory_space<vmem>>
      %dma_wait3A_327 = tpu.memref_squeeze %dma_wait3A_326 : memref<1x2048xi32, #tpu.memory_space<vmem>> -> memref<2048xi32, #tpu.memory_space<vmem>>
      %dma_wait3A_328 = arith.constant 0 : i32
      %dma_wait3A_329 = arith.constant 0 : i32
      %dma_wait3A_330 = tpu.memref_slice %arg12[%dma_wait3A_328, %dma_wait3A_329] : memref<10240x16xf32, #tpu.memory_space<vmem_shared>> -> memref<10240x16xf32, #tpu.memory_space<vmem_shared>>
      tpu.wait_indirect_dma semaphore(%arg14 : memref<!tpu.dma_semaphore, #tpu.memory_space<semaphore_mem>>) src(%dma_wait3A_330 : memref<10240x16xf32, #tpu.memory_space<vmem_shared>>) dst(%arg10 : memref<2048x16xf32, #tpu.memory_space<vmem>>)
      %run_scoped3A_331 = arith.constant 3 : i32
      "tpu.region"() ({
        %run_scoped3A_355 = tpu.sem_alloc : memref<!tpu.dma_semaphore, #tpu.memory_space<semaphore_mem>>
        %dma_start3A_356 = arith.constant 0 : i32
        %dma_start3A_357 = tpu.memref_slice %arg8[%run_scoped3A_331, %dma_start3A_356] : memref<6x2048xi32, #tpu.memory_space<vmem>> -> memref<1x2048xi32, #tpu.memory_space<vmem>>
        %dma_start3A_358 = tpu.memref_squeeze %dma_start3A_357 : memref<1x2048xi32, #tpu.memory_space<vmem>> -> memref<2048xi32, #tpu.memory_space<vmem>>
        %dma_start3A_359 = arith.constant 0 : i32
        %dma_start3A_360 = arith.constant 0 : i32
        %dma_start3A_361 = tpu.memref_slice %arg11[%dma_start3A_359, %dma_start3A_360] : memref<10240x16xf32, #tpu.memory_space<vmem_shared>> -> memref<10240x16xf32, #tpu.memory_space<vmem_shared>>
        tpu.enqueue_indirect_dma source(%arg10 : memref<2048x16xf32, #tpu.memory_space<vmem>>) target(%dma_start3A_361 : memref<10240x16xf32, #tpu.memory_space<vmem_shared>>) offsets(%dma_start3A_358 : memref<2048xi32, #tpu.memory_space<vmem>>) semaphore(%run_scoped3A_355 : memref<!tpu.dma_semaphore, #tpu.memory_space<semaphore_mem>>) {add = true}
        %dma_wait3A_362 = arith.constant 0 : i32
        %dma_wait3A_363 = tpu.memref_slice %arg8[%run_scoped3A_331, %dma_wait3A_362] : memref<6x2048xi32, #tpu.memory_space<vmem>> -> memref<1x2048xi32, #tpu.memory_space<vmem>>
        %dma_wait3A_364 = tpu.memref_squeeze %dma_wait3A_363 : memref<1x2048xi32, #tpu.memory_space<vmem>> -> memref<2048xi32, #tpu.memory_space<vmem>>
        %dma_wait3A_365 = arith.constant 0 : i32
        %dma_wait3A_366 = arith.constant 0 : i32
        %dma_wait3A_367 = tpu.memref_slice %arg11[%dma_wait3A_365, %dma_wait3A_366] : memref<10240x16xf32, #tpu.memory_space<vmem_shared>> -> memref<10240x16xf32, #tpu.memory_space<vmem_shared>>
        tpu.wait_indirect_dma semaphore(%run_scoped3A_355 : memref<!tpu.dma_semaphore, #tpu.memory_space<semaphore_mem>>) src(%arg10 : memref<2048x16xf32, #tpu.memory_space<vmem>>) dst(%dma_wait3A_367 : memref<10240x16xf32, #tpu.memory_space<vmem_shared>>)
        tpu.yield
      }) : () -> ()
      %dma_start3A_332 = arith.constant 5 : i32
      %dma_start3A_333 = arith.constant 0 : i32
      %dma_start3A_334 = tpu.memref_slice %arg7[%dma_start3A_332, %dma_start3A_333] : memref<6x2048xi32, #tpu.memory_space<vmem>> -> memref<1x2048xi32, #tpu.memory_space<vmem>>
      %dma_start3A_335 = tpu.memref_squeeze %dma_start3A_334 : memref<1x2048xi32, #tpu.memory_space<vmem>> -> memref<2048xi32, #tpu.memory_space<vmem>>
      %dma_start3A_336 = arith.constant 0 : i32
      %dma_start3A_337 = arith.constant 0 : i32
      %dma_start3A_338 = tpu.memref_slice %arg12[%dma_start3A_336, %dma_start3A_337] : memref<10240x16xf32, #tpu.memory_space<vmem_shared>> -> memref<10240x16xf32, #tpu.memory_space<vmem_shared>>
      tpu.enqueue_indirect_dma source(%dma_start3A_338 : memref<10240x16xf32, #tpu.memory_space<vmem_shared>>) target(%arg10 : memref<2048x16xf32, #tpu.memory_space<vmem>>) offsets(%dma_start3A_335 : memref<2048xi32, #tpu.memory_space<vmem>>) semaphore(%arg14 : memref<!tpu.dma_semaphore, #tpu.memory_space<semaphore_mem>>)
      %dma_wait3A_339 = arith.constant 4 : i32
      %dma_wait3A_340 = arith.constant 0 : i32
      %dma_wait3A_341 = tpu.memref_slice %arg7[%dma_wait3A_339, %dma_wait3A_340] : memref<6x2048xi32, #tpu.memory_space<vmem>> -> memref<1x2048xi32, #tpu.memory_space<vmem>>
      %dma_wait3A_342 = tpu.memref_squeeze %dma_wait3A_341 : memref<1x2048xi32, #tpu.memory_space<vmem>> -> memref<2048xi32, #tpu.memory_space<vmem>>
      %dma_wait3A_343 = arith.constant 0 : i32
      %dma_wait3A_344 = arith.constant 0 : i32
      %dma_wait3A_345 = tpu.memref_slice %arg12[%dma_wait3A_343, %dma_wait3A_344] : memref<10240x16xf32, #tpu.memory_space<vmem_shared>> -> memref<10240x16xf32, #tpu.memory_space<vmem_shared>>
      tpu.wait_indirect_dma semaphore(%arg13 : memref<!tpu.dma_semaphore, #tpu.memory_space<semaphore_mem>>) src(%dma_wait3A_345 : memref<10240x16xf32, #tpu.memory_space<vmem_shared>>) dst(%arg9 : memref<2048x16xf32, #tpu.memory_space<vmem>>)
      %run_scoped3A_346 = arith.constant 4 : i32
      "tpu.region"() ({
        %run_scoped3A_355 = tpu.sem_alloc : memref<!tpu.dma_semaphore, #tpu.memory_space<semaphore_mem>>
        %dma_start3A_356 = arith.constant 0 : i32
        %dma_start3A_357 = tpu.memref_slice %arg8[%run_scoped3A_346, %dma_start3A_356] : memref<6x2048xi32, #tpu.memory_space<vmem>> -> memref<1x2048xi32, #tpu.memory_space<vmem>>
        %dma_start3A_358 = tpu.memref_squeeze %dma_start3A_357 : memref<1x2048xi32, #tpu.memory_space<vmem>> -> memref<2048xi32, #tpu.memory_space<vmem>>
        %dma_start3A_359 = arith.constant 0 : i32
        %dma_start3A_360 = arith.constant 0 : i32
        %dma_start3A_361 = tpu.memref_slice %arg11[%dma_start3A_359, %dma_start3A_360] : memref<10240x16xf32, #tpu.memory_space<vmem_shared>> -> memref<10240x16xf32, #tpu.memory_space<vmem_shared>>
        tpu.enqueue_indirect_dma source(%arg9 : memref<2048x16xf32, #tpu.memory_space<vmem>>) target(%dma_start3A_361 : memref<10240x16xf32, #tpu.memory_space<vmem_shared>>) offsets(%dma_start3A_358 : memref<2048xi32, #tpu.memory_space<vmem>>) semaphore(%run_scoped3A_355 : memref<!tpu.dma_semaphore, #tpu.memory_space<semaphore_mem>>) {add = true}
        %dma_wait3A_362 = arith.constant 0 : i32
        %dma_wait3A_363 = tpu.memref_slice %arg8[%run_scoped3A_346, %dma_wait3A_362] : memref<6x2048xi32, #tpu.memory_space<vmem>> -> memref<1x2048xi32, #tpu.memory_space<vmem>>
        %dma_wait3A_364 = tpu.memref_squeeze %dma_wait3A_363 : memref<1x2048xi32, #tpu.memory_space<vmem>> -> memref<2048xi32, #tpu.memory_space<vmem>>
        %dma_wait3A_365 = arith.constant 0 : i32
        %dma_wait3A_366 = arith.constant 0 : i32
        %dma_wait3A_367 = tpu.memref_slice %arg11[%dma_wait3A_365, %dma_wait3A_366] : memref<10240x16xf32, #tpu.memory_space<vmem_shared>> -> memref<10240x16xf32, #tpu.memory_space<vmem_shared>>
        tpu.wait_indirect_dma semaphore(%run_scoped3A_355 : memref<!tpu.dma_semaphore, #tpu.memory_space<semaphore_mem>>) src(%arg9 : memref<2048x16xf32, #tpu.memory_space<vmem>>) dst(%dma_wait3A_367 : memref<10240x16xf32, #tpu.memory_space<vmem_shared>>)
        tpu.yield
      }) : () -> ()
      %dma_wait3A_347 = arith.constant 5 : i32
      %dma_wait3A_348 = arith.constant 0 : i32
      %dma_wait3A_349 = tpu.memref_slice %arg7[%dma_wait3A_347, %dma_wait3A_348] : memref<6x2048xi32, #tpu.memory_space<vmem>> -> memref<1x2048xi32, #tpu.memory_space<vmem>>
      %dma_wait3A_350 = tpu.memref_squeeze %dma_wait3A_349 : memref<1x2048xi32, #tpu.memory_space<vmem>> -> memref<2048xi32, #tpu.memory_space<vmem>>
      %dma_wait3A_351 = arith.constant 0 : i32
      %dma_wait3A_352 = arith.constant 0 : i32
      %dma_wait3A_353 = tpu.memref_slice %arg12[%dma_wait3A_351, %dma_wait3A_352] : memref<10240x16xf32, #tpu.memory_space<vmem_shared>> -> memref<10240x16xf32, #tpu.memory_space<vmem_shared>>
      tpu.wait_indirect_dma semaphore(%arg14 : memref<!tpu.dma_semaphore, #tpu.memory_space<semaphore_mem>>) src(%dma_wait3A_353 : memref<10240x16xf32, #tpu.memory_space<vmem_shared>>) dst(%arg10 : memref<2048x16xf32, #tpu.memory_space<vmem>>)
      %run_scoped3A_354 = arith.constant 5 : i32
      "tpu.region"() ({
        %run_scoped3A_355 = tpu.sem_alloc : memref<!tpu.dma_semaphore, #tpu.memory_space<semaphore_mem>>
        %dma_start3A_356 = arith.constant 0 : i32
        %dma_start3A_357 = tpu.memref_slice %arg8[%run_scoped3A_354, %dma_start3A_356] : memref<6x2048xi32, #tpu.memory_space<vmem>> -> memref<1x2048xi32, #tpu.memory_space<vmem>>
        %dma_start3A_358 = tpu.memref_squeeze %dma_start3A_357 : memref<1x2048xi32, #tpu.memory_space<vmem>> -> memref<2048xi32, #tpu.memory_space<vmem>>
        %dma_start3A_359 = arith.constant 0 : i32
        %dma_start3A_360 = arith.constant 0 : i32
        %dma_start3A_361 = tpu.memref_slice %arg11[%dma_start3A_359, %dma_start3A_360] : memref<10240x16xf32, #tpu.memory_space<vmem_shared>> -> memref<10240x16xf32, #tpu.memory_space<vmem_shared>>
        tpu.enqueue_indirect_dma source(%arg10 : memref<2048x16xf32, #tpu.memory_space<vmem>>) target(%dma_start3A_361 : memref<10240x16xf32, #tpu.memory_space<vmem_shared>>) offsets(%dma_start3A_358 : memref<2048xi32, #tpu.memory_space<vmem>>) semaphore(%run_scoped3A_355 : memref<!tpu.dma_semaphore, #tpu.memory_space<semaphore_mem>>) {add = true}
        %dma_wait3A_362 = arith.constant 0 : i32
        %dma_wait3A_363 = tpu.memref_slice %arg8[%run_scoped3A_354, %dma_wait3A_362] : memref<6x2048xi32, #tpu.memory_space<vmem>> -> memref<1x2048xi32, #tpu.memory_space<vmem>>
        %dma_wait3A_364 = tpu.memref_squeeze %dma_wait3A_363 : memref<1x2048xi32, #tpu.memory_space<vmem>> -> memref<2048xi32, #tpu.memory_space<vmem>>
        %dma_wait3A_365 = arith.constant 0 : i32
        %dma_wait3A_366 = arith.constant 0 : i32
        %dma_wait3A_367 = tpu.memref_slice %arg11[%dma_wait3A_365, %dma_wait3A_366] : memref<10240x16xf32, #tpu.memory_space<vmem_shared>> -> memref<10240x16xf32, #tpu.memory_space<vmem_shared>>
        tpu.wait_indirect_dma semaphore(%run_scoped3A_355 : memref<!tpu.dma_semaphore, #tpu.memory_space<semaphore_mem>>) src(%arg10 : memref<2048x16xf32, #tpu.memory_space<vmem>>) dst(%dma_wait3A_367 : memref<10240x16xf32, #tpu.memory_space<vmem_shared>>)
        tpu.yield
      }) : () -> ()
    } else {
    }
    %eq3A_12 = arith.constant 1 : i32
    %eq3A_13 = arith.cmpi eq, %arg0, %eq3A_12 : i32
    %convert_element_type3A_14 = arith.extui %eq3A_13 : i1 to i32
    %cond3A_15 = arith.constant 0 : i32
    %cond3A_16 = arith.cmpi ne, %convert_element_type3A_14, %cond3A_15 : i32
    scf.if %cond3A_16 {
      %mul3A_21 = arith.constant 8192 : i32
      %mul3A_22 = arith.muli %arg1, %mul3A_21 : i32
      %add3A = arith.constant 196608 : i32
      %add3A_23 = arith.addi %add3A, %mul3A_22 : i32
      %add3A_24 = arith.constant 0 : i32
      %add3A_25 = arith.addi %add3A_23, %add3A_24 : i32
      %dma_start3A_26 = arith.constant 0 : i32
      %dma_start3A_27 = arith.constant 0 : i32
      %dma_start3A_28 = tpu.memref_slice %arg7[%dma_start3A_26, %dma_start3A_27] : memref<6x2048xi32, #tpu.memory_space<vmem>> -> memref<1x2048xi32, #tpu.memory_space<vmem>>
      %dma_start3A_29 = tpu.memref_squeeze %dma_start3A_28 : memref<1x2048xi32, #tpu.memory_space<vmem>> -> memref<2048xi32, #tpu.memory_space<vmem>>
      %dma_start3A_30 = tpu.memref_slice %arg3[%add3A_25] : memref<327680xi32, #tpu.memory_space<hbm>> -> memref<2048xi32, #tpu.memory_space<hbm>>
      %dma_start3A_31 = arith.constant 0 : i32
      %dma_start3A_32 = tpu.memref_slice %arg7[%dma_start3A_26, %dma_start3A_31] : memref<6x2048xi32, #tpu.memory_space<vmem>> -> memref<1x2048xi32, #tpu.memory_space<vmem>>
      %dma_start3A_33 = tpu.memref_squeeze %dma_start3A_32 : memref<1x2048xi32, #tpu.memory_space<vmem>> -> memref<2048xi32, #tpu.memory_space<vmem>>
      %dma_start3A_34 = tpu.memref_slice %arg3[%add3A_25] : memref<327680xi32, #tpu.memory_space<hbm>> -> memref<2048xi32, #tpu.memory_space<hbm>>
      tpu.enqueue_dma source(%dma_start3A_34 : memref<2048xi32, #tpu.memory_space<hbm>>) target(%dma_start3A_33 : memref<2048xi32, #tpu.memory_space<vmem>>) target_semaphore(%arg13 : memref<!tpu.dma_semaphore, #tpu.memory_space<semaphore_mem>>)
      %add3A_35 = arith.constant 0 : i32
      %add3A_36 = arith.addi %add3A_23, %add3A_35 : i32
      %dma_start3A_37 = arith.constant 0 : i32
      %dma_start3A_38 = arith.constant 0 : i32
      %dma_start3A_39 = tpu.memref_slice %arg8[%dma_start3A_37, %dma_start3A_38] : memref<6x2048xi32, #tpu.memory_space<vmem>> -> memref<1x2048xi32, #tpu.memory_space<vmem>>
      %dma_start3A_40 = tpu.memref_squeeze %dma_start3A_39 : memref<1x2048xi32, #tpu.memory_space<vmem>> -> memref<2048xi32, #tpu.memory_space<vmem>>
      %dma_start3A_41 = tpu.memref_slice %arg4[%add3A_36] : memref<327680xi32, #tpu.memory_space<hbm>> -> memref<2048xi32, #tpu.memory_space<hbm>>
      %dma_start3A_42 = arith.constant 0 : i32
      %dma_start3A_43 = tpu.memref_slice %arg8[%dma_start3A_37, %dma_start3A_42] : memref<6x2048xi32, #tpu.memory_space<vmem>> -> memref<1x2048xi32, #tpu.memory_space<vmem>>
      %dma_start3A_44 = tpu.memref_squeeze %dma_start3A_43 : memref<1x2048xi32, #tpu.memory_space<vmem>> -> memref<2048xi32, #tpu.memory_space<vmem>>
      %dma_start3A_45 = tpu.memref_slice %arg4[%add3A_36] : memref<327680xi32, #tpu.memory_space<hbm>> -> memref<2048xi32, #tpu.memory_space<hbm>>
      tpu.enqueue_dma source(%dma_start3A_45 : memref<2048xi32, #tpu.memory_space<hbm>>) target(%dma_start3A_44 : memref<2048xi32, #tpu.memory_space<vmem>>) target_semaphore(%arg14 : memref<!tpu.dma_semaphore, #tpu.memory_space<semaphore_mem>>)
      %add3A_46 = arith.constant 2048 : i32
      %add3A_47 = arith.addi %add3A_23, %add3A_46 : i32
      %dma_start3A_48 = arith.constant 1 : i32
      %dma_start3A_49 = arith.constant 0 : i32
      %dma_start3A_50 = tpu.memref_slice %arg7[%dma_start3A_48, %dma_start3A_49] : memref<6x2048xi32, #tpu.memory_space<vmem>> -> memref<1x2048xi32, #tpu.memory_space<vmem>>
      %dma_start3A_51 = tpu.memref_squeeze %dma_start3A_50 : memref<1x2048xi32, #tpu.memory_space<vmem>> -> memref<2048xi32, #tpu.memory_space<vmem>>
      %dma_start3A_52 = tpu.memref_slice %arg3[%add3A_47] : memref<327680xi32, #tpu.memory_space<hbm>> -> memref<2048xi32, #tpu.memory_space<hbm>>
      %dma_start3A_53 = arith.constant 0 : i32
      %dma_start3A_54 = tpu.memref_slice %arg7[%dma_start3A_48, %dma_start3A_53] : memref<6x2048xi32, #tpu.memory_space<vmem>> -> memref<1x2048xi32, #tpu.memory_space<vmem>>
      %dma_start3A_55 = tpu.memref_squeeze %dma_start3A_54 : memref<1x2048xi32, #tpu.memory_space<vmem>> -> memref<2048xi32, #tpu.memory_space<vmem>>
      %dma_start3A_56 = tpu.memref_slice %arg3[%add3A_47] : memref<327680xi32, #tpu.memory_space<hbm>> -> memref<2048xi32, #tpu.memory_space<hbm>>
      tpu.enqueue_dma source(%dma_start3A_56 : memref<2048xi32, #tpu.memory_space<hbm>>) target(%dma_start3A_55 : memref<2048xi32, #tpu.memory_space<vmem>>) target_semaphore(%arg13 : memref<!tpu.dma_semaphore, #tpu.memory_space<semaphore_mem>>)
      %add3A_57 = arith.constant 2048 : i32
      %add3A_58 = arith.addi %add3A_23, %add3A_57 : i32
      %dma_start3A_59 = arith.constant 1 : i32
      %dma_start3A_60 = arith.constant 0 : i32
      %dma_start3A_61 = tpu.memref_slice %arg8[%dma_start3A_59, %dma_start3A_60] : memref<6x2048xi32, #tpu.memory_space<vmem>> -> memref<1x2048xi32, #tpu.memory_space<vmem>>
      %dma_start3A_62 = tpu.memref_squeeze %dma_start3A_61 : memref<1x2048xi32, #tpu.memory_space<vmem>> -> memref<2048xi32, #tpu.memory_space<vmem>>
      %dma_start3A_63 = tpu.memref_slice %arg4[%add3A_58] : memref<327680xi32, #tpu.memory_space<hbm>> -> memref<2048xi32, #tpu.memory_space<hbm>>
      %dma_start3A_64 = arith.constant 0 : i32
      %dma_start3A_65 = tpu.memref_slice %arg8[%dma_start3A_59, %dma_start3A_64] : memref<6x2048xi32, #tpu.memory_space<vmem>> -> memref<1x2048xi32, #tpu.memory_space<vmem>>
      %dma_start3A_66 = tpu.memref_squeeze %dma_start3A_65 : memref<1x2048xi32, #tpu.memory_space<vmem>> -> memref<2048xi32, #tpu.memory_space<vmem>>
      %dma_start3A_67 = tpu.memref_slice %arg4[%add3A_58] : memref<327680xi32, #tpu.memory_space<hbm>> -> memref<2048xi32, #tpu.memory_space<hbm>>
      tpu.enqueue_dma source(%dma_start3A_67 : memref<2048xi32, #tpu.memory_space<hbm>>) target(%dma_start3A_66 : memref<2048xi32, #tpu.memory_space<vmem>>) target_semaphore(%arg14 : memref<!tpu.dma_semaphore, #tpu.memory_space<semaphore_mem>>)
      %add3A_68 = arith.constant 4096 : i32
      %add3A_69 = arith.addi %add3A_23, %add3A_68 : i32
      %dma_start3A_70 = arith.constant 2 : i32
      %dma_start3A_71 = arith.constant 0 : i32
      %dma_start3A_72 = tpu.memref_slice %arg7[%dma_start3A_70, %dma_start3A_71] : memref<6x2048xi32, #tpu.memory_space<vmem>> -> memref<1x2048xi32, #tpu.memory_space<vmem>>
      %dma_start3A_73 = tpu.memref_squeeze %dma_start3A_72 : memref<1x2048xi32, #tpu.memory_space<vmem>> -> memref<2048xi32, #tpu.memory_space<vmem>>
      %dma_start3A_74 = tpu.memref_slice %arg3[%add3A_69] : memref<327680xi32, #tpu.memory_space<hbm>> -> memref<2048xi32, #tpu.memory_space<hbm>>
      %dma_start3A_75 = arith.constant 0 : i32
      %dma_start3A_76 = tpu.memref_slice %arg7[%dma_start3A_70, %dma_start3A_75] : memref<6x2048xi32, #tpu.memory_space<vmem>> -> memref<1x2048xi32, #tpu.memory_space<vmem>>
      %dma_start3A_77 = tpu.memref_squeeze %dma_start3A_76 : memref<1x2048xi32, #tpu.memory_space<vmem>> -> memref<2048xi32, #tpu.memory_space<vmem>>
      %dma_start3A_78 = tpu.memref_slice %arg3[%add3A_69] : memref<327680xi32, #tpu.memory_space<hbm>> -> memref<2048xi32, #tpu.memory_space<hbm>>
      tpu.enqueue_dma source(%dma_start3A_78 : memref<2048xi32, #tpu.memory_space<hbm>>) target(%dma_start3A_77 : memref<2048xi32, #tpu.memory_space<vmem>>) target_semaphore(%arg13 : memref<!tpu.dma_semaphore, #tpu.memory_space<semaphore_mem>>)
      %add3A_79 = arith.constant 4096 : i32
      %add3A_80 = arith.addi %add3A_23, %add3A_79 : i32
      %dma_start3A_81 = arith.constant 2 : i32
      %dma_start3A_82 = arith.constant 0 : i32
      %dma_start3A_83 = tpu.memref_slice %arg8[%dma_start3A_81, %dma_start3A_82] : memref<6x2048xi32, #tpu.memory_space<vmem>> -> memref<1x2048xi32, #tpu.memory_space<vmem>>
      %dma_start3A_84 = tpu.memref_squeeze %dma_start3A_83 : memref<1x2048xi32, #tpu.memory_space<vmem>> -> memref<2048xi32, #tpu.memory_space<vmem>>
      %dma_start3A_85 = tpu.memref_slice %arg4[%add3A_80] : memref<327680xi32, #tpu.memory_space<hbm>> -> memref<2048xi32, #tpu.memory_space<hbm>>
      %dma_start3A_86 = arith.constant 0 : i32
      %dma_start3A_87 = tpu.memref_slice %arg8[%dma_start3A_81, %dma_start3A_86] : memref<6x2048xi32, #tpu.memory_space<vmem>> -> memref<1x2048xi32, #tpu.memory_space<vmem>>
      %dma_start3A_88 = tpu.memref_squeeze %dma_start3A_87 : memref<1x2048xi32, #tpu.memory_space<vmem>> -> memref<2048xi32, #tpu.memory_space<vmem>>
      %dma_start3A_89 = tpu.memref_slice %arg4[%add3A_80] : memref<327680xi32, #tpu.memory_space<hbm>> -> memref<2048xi32, #tpu.memory_space<hbm>>
      tpu.enqueue_dma source(%dma_start3A_89 : memref<2048xi32, #tpu.memory_space<hbm>>) target(%dma_start3A_88 : memref<2048xi32, #tpu.memory_space<vmem>>) target_semaphore(%arg14 : memref<!tpu.dma_semaphore, #tpu.memory_space<semaphore_mem>>)
      %add3A_90 = arith.constant 6144 : i32
      %add3A_91 = arith.addi %add3A_23, %add3A_90 : i32
      %dma_start3A_92 = arith.constant 3 : i32
      %dma_start3A_93 = arith.constant 0 : i32
      %dma_start3A_94 = tpu.memref_slice %arg7[%dma_start3A_92, %dma_start3A_93] : memref<6x2048xi32, #tpu.memory_space<vmem>> -> memref<1x2048xi32, #tpu.memory_space<vmem>>
      %dma_start3A_95 = tpu.memref_squeeze %dma_start3A_94 : memref<1x2048xi32, #tpu.memory_space<vmem>> -> memref<2048xi32, #tpu.memory_space<vmem>>
      %dma_start3A_96 = tpu.memref_slice %arg3[%add3A_91] : memref<327680xi32, #tpu.memory_space<hbm>> -> memref<2048xi32, #tpu.memory_space<hbm>>
      %dma_start3A_97 = arith.constant 0 : i32
      %dma_start3A_98 = tpu.memref_slice %arg7[%dma_start3A_92, %dma_start3A_97] : memref<6x2048xi32, #tpu.memory_space<vmem>> -> memref<1x2048xi32, #tpu.memory_space<vmem>>
      %dma_start3A_99 = tpu.memref_squeeze %dma_start3A_98 : memref<1x2048xi32, #tpu.memory_space<vmem>> -> memref<2048xi32, #tpu.memory_space<vmem>>
      %dma_start3A_100 = tpu.memref_slice %arg3[%add3A_91] : memref<327680xi32, #tpu.memory_space<hbm>> -> memref<2048xi32, #tpu.memory_space<hbm>>
      tpu.enqueue_dma source(%dma_start3A_100 : memref<2048xi32, #tpu.memory_space<hbm>>) target(%dma_start3A_99 : memref<2048xi32, #tpu.memory_space<vmem>>) target_semaphore(%arg13 : memref<!tpu.dma_semaphore, #tpu.memory_space<semaphore_mem>>)
      %add3A_101 = arith.constant 6144 : i32
      %add3A_102 = arith.addi %add3A_23, %add3A_101 : i32
      %dma_start3A_103 = arith.constant 3 : i32
      %dma_start3A_104 = arith.constant 0 : i32
      %dma_start3A_105 = tpu.memref_slice %arg8[%dma_start3A_103, %dma_start3A_104] : memref<6x2048xi32, #tpu.memory_space<vmem>> -> memref<1x2048xi32, #tpu.memory_space<vmem>>
      %dma_start3A_106 = tpu.memref_squeeze %dma_start3A_105 : memref<1x2048xi32, #tpu.memory_space<vmem>> -> memref<2048xi32, #tpu.memory_space<vmem>>
      %dma_start3A_107 = tpu.memref_slice %arg4[%add3A_102] : memref<327680xi32, #tpu.memory_space<hbm>> -> memref<2048xi32, #tpu.memory_space<hbm>>
      %dma_start3A_108 = arith.constant 0 : i32
      %dma_start3A_109 = tpu.memref_slice %arg8[%dma_start3A_103, %dma_start3A_108] : memref<6x2048xi32, #tpu.memory_space<vmem>> -> memref<1x2048xi32, #tpu.memory_space<vmem>>
      %dma_start3A_110 = tpu.memref_squeeze %dma_start3A_109 : memref<1x2048xi32, #tpu.memory_space<vmem>> -> memref<2048xi32, #tpu.memory_space<vmem>>
      %dma_start3A_111 = tpu.memref_slice %arg4[%add3A_102] : memref<327680xi32, #tpu.memory_space<hbm>> -> memref<2048xi32, #tpu.memory_space<hbm>>
      tpu.enqueue_dma source(%dma_start3A_111 : memref<2048xi32, #tpu.memory_space<hbm>>) target(%dma_start3A_110 : memref<2048xi32, #tpu.memory_space<vmem>>) target_semaphore(%arg14 : memref<!tpu.dma_semaphore, #tpu.memory_space<semaphore_mem>>)
      %dma_wait3A = arith.constant 0 : i32
      %dma_wait3A_112 = arith.constant 0 : i32
      %dma_wait3A_113 = tpu.memref_slice %arg7[%dma_wait3A, %dma_wait3A_112] : memref<6x2048xi32, #tpu.memory_space<vmem>> -> memref<1x2048xi32, #tpu.memory_space<vmem>>
      %dma_wait3A_114 = tpu.memref_squeeze %dma_wait3A_113 : memref<1x2048xi32, #tpu.memory_space<vmem>> -> memref<2048xi32, #tpu.memory_space<vmem>>
      %dma_wait3A_115 = tpu.memref_slice %arg3[%add3A_23] : memref<327680xi32, #tpu.memory_space<hbm>> -> memref<2048xi32, #tpu.memory_space<hbm>>
      %dma_wait3A_116 = arith.constant 0 : i32
      %dma_wait3A_117 = tpu.memref_slice %arg7[%dma_wait3A, %dma_wait3A_116] : memref<6x2048xi32, #tpu.memory_space<vmem>> -> memref<1x2048xi32, #tpu.memory_space<vmem>>
      %dma_wait3A_118 = tpu.memref_squeeze %dma_wait3A_117 : memref<1x2048xi32, #tpu.memory_space<vmem>> -> memref<2048xi32, #tpu.memory_space<vmem>>
      %dma_wait3A_119 = tpu.memref_slice %arg3[%add3A_23] : memref<327680xi32, #tpu.memory_space<hbm>> -> memref<2048xi32, #tpu.memory_space<hbm>>
      tpu.wait_dma2 semaphore(%arg13 : memref<!tpu.dma_semaphore, #tpu.memory_space<semaphore_mem>>) src(%dma_wait3A_119 : memref<2048xi32, #tpu.memory_space<hbm>>) dst(%dma_wait3A_118 : memref<2048xi32, #tpu.memory_space<vmem>>)
      %dma_wait3A_120 = arith.constant 0 : i32
      %dma_wait3A_121 = arith.constant 0 : i32
      %dma_wait3A_122 = tpu.memref_slice %arg8[%dma_wait3A_120, %dma_wait3A_121] : memref<6x2048xi32, #tpu.memory_space<vmem>> -> memref<1x2048xi32, #tpu.memory_space<vmem>>
      %dma_wait3A_123 = tpu.memref_squeeze %dma_wait3A_122 : memref<1x2048xi32, #tpu.memory_space<vmem>> -> memref<2048xi32, #tpu.memory_space<vmem>>
      %dma_wait3A_124 = tpu.memref_slice %arg4[%add3A_23] : memref<327680xi32, #tpu.memory_space<hbm>> -> memref<2048xi32, #tpu.memory_space<hbm>>
      %dma_wait3A_125 = arith.constant 0 : i32
      %dma_wait3A_126 = tpu.memref_slice %arg8[%dma_wait3A_120, %dma_wait3A_125] : memref<6x2048xi32, #tpu.memory_space<vmem>> -> memref<1x2048xi32, #tpu.memory_space<vmem>>
      %dma_wait3A_127 = tpu.memref_squeeze %dma_wait3A_126 : memref<1x2048xi32, #tpu.memory_space<vmem>> -> memref<2048xi32, #tpu.memory_space<vmem>>
      %dma_wait3A_128 = tpu.memref_slice %arg4[%add3A_23] : memref<327680xi32, #tpu.memory_space<hbm>> -> memref<2048xi32, #tpu.memory_space<hbm>>
      tpu.wait_dma2 semaphore(%arg14 : memref<!tpu.dma_semaphore, #tpu.memory_space<semaphore_mem>>) src(%dma_wait3A_128 : memref<2048xi32, #tpu.memory_space<hbm>>) dst(%dma_wait3A_127 : memref<2048xi32, #tpu.memory_space<vmem>>)
      %dma_wait3A_129 = arith.constant 0 : i32
      %dma_wait3A_130 = arith.constant 0 : i32
      %dma_wait3A_131 = tpu.memref_slice %arg7[%dma_wait3A_129, %dma_wait3A_130] : memref<6x2048xi32, #tpu.memory_space<vmem>> -> memref<1x2048xi32, #tpu.memory_space<vmem>>
      %dma_wait3A_132 = tpu.memref_squeeze %dma_wait3A_131 : memref<1x2048xi32, #tpu.memory_space<vmem>> -> memref<2048xi32, #tpu.memory_space<vmem>>
      %dma_wait3A_133 = tpu.memref_slice %arg3[%add3A_23] : memref<327680xi32, #tpu.memory_space<hbm>> -> memref<2048xi32, #tpu.memory_space<hbm>>
      %dma_wait3A_134 = arith.constant 0 : i32
      %dma_wait3A_135 = tpu.memref_slice %arg7[%dma_wait3A_129, %dma_wait3A_134] : memref<6x2048xi32, #tpu.memory_space<vmem>> -> memref<1x2048xi32, #tpu.memory_space<vmem>>
      %dma_wait3A_136 = tpu.memref_squeeze %dma_wait3A_135 : memref<1x2048xi32, #tpu.memory_space<vmem>> -> memref<2048xi32, #tpu.memory_space<vmem>>
      %dma_wait3A_137 = tpu.memref_slice %arg3[%add3A_23] : memref<327680xi32, #tpu.memory_space<hbm>> -> memref<2048xi32, #tpu.memory_space<hbm>>
      tpu.wait_dma2 semaphore(%arg13 : memref<!tpu.dma_semaphore, #tpu.memory_space<semaphore_mem>>) src(%dma_wait3A_137 : memref<2048xi32, #tpu.memory_space<hbm>>) dst(%dma_wait3A_136 : memref<2048xi32, #tpu.memory_space<vmem>>)
      %dma_wait3A_138 = arith.constant 0 : i32
      %dma_wait3A_139 = arith.constant 0 : i32
      %dma_wait3A_140 = tpu.memref_slice %arg8[%dma_wait3A_138, %dma_wait3A_139] : memref<6x2048xi32, #tpu.memory_space<vmem>> -> memref<1x2048xi32, #tpu.memory_space<vmem>>
      %dma_wait3A_141 = tpu.memref_squeeze %dma_wait3A_140 : memref<1x2048xi32, #tpu.memory_space<vmem>> -> memref<2048xi32, #tpu.memory_space<vmem>>
      %dma_wait3A_142 = tpu.memref_slice %arg4[%add3A_23] : memref<327680xi32, #tpu.memory_space<hbm>> -> memref<2048xi32, #tpu.memory_space<hbm>>
      %dma_wait3A_143 = arith.constant 0 : i32
      %dma_wait3A_144 = tpu.memref_slice %arg8[%dma_wait3A_138, %dma_wait3A_143] : memref<6x2048xi32, #tpu.memory_space<vmem>> -> memref<1x2048xi32, #tpu.memory_space<vmem>>
      %dma_wait3A_145 = tpu.memref_squeeze %dma_wait3A_144 : memref<1x2048xi32, #tpu.memory_space<vmem>> -> memref<2048xi32, #tpu.memory_space<vmem>>
      %dma_wait3A_146 = tpu.memref_slice %arg4[%add3A_23] : memref<327680xi32, #tpu.memory_space<hbm>> -> memref<2048xi32, #tpu.memory_space<hbm>>
      tpu.wait_dma2 semaphore(%arg14 : memref<!tpu.dma_semaphore, #tpu.memory_space<semaphore_mem>>) src(%dma_wait3A_146 : memref<2048xi32, #tpu.memory_space<hbm>>) dst(%dma_wait3A_145 : memref<2048xi32, #tpu.memory_space<vmem>>)
      %dma_wait3A_147 = arith.constant 0 : i32
      %dma_wait3A_148 = arith.constant 0 : i32
      %dma_wait3A_149 = tpu.memref_slice %arg7[%dma_wait3A_147, %dma_wait3A_148] : memref<6x2048xi32, #tpu.memory_space<vmem>> -> memref<1x2048xi32, #tpu.memory_space<vmem>>
      %dma_wait3A_150 = tpu.memref_squeeze %dma_wait3A_149 : memref<1x2048xi32, #tpu.memory_space<vmem>> -> memref<2048xi32, #tpu.memory_space<vmem>>
      %dma_wait3A_151 = tpu.memref_slice %arg3[%add3A_23] : memref<327680xi32, #tpu.memory_space<hbm>> -> memref<2048xi32, #tpu.memory_space<hbm>>
      %dma_wait3A_152 = arith.constant 0 : i32
      %dma_wait3A_153 = tpu.memref_slice %arg7[%dma_wait3A_147, %dma_wait3A_152] : memref<6x2048xi32, #tpu.memory_space<vmem>> -> memref<1x2048xi32, #tpu.memory_space<vmem>>
      %dma_wait3A_154 = tpu.memref_squeeze %dma_wait3A_153 : memref<1x2048xi32, #tpu.memory_space<vmem>> -> memref<2048xi32, #tpu.memory_space<vmem>>
      %dma_wait3A_155 = tpu.memref_slice %arg3[%add3A_23] : memref<327680xi32, #tpu.memory_space<hbm>> -> memref<2048xi32, #tpu.memory_space<hbm>>
      tpu.wait_dma2 semaphore(%arg13 : memref<!tpu.dma_semaphore, #tpu.memory_space<semaphore_mem>>) src(%dma_wait3A_155 : memref<2048xi32, #tpu.memory_space<hbm>>) dst(%dma_wait3A_154 : memref<2048xi32, #tpu.memory_space<vmem>>)
      %dma_wait3A_156 = arith.constant 0 : i32
      %dma_wait3A_157 = arith.constant 0 : i32
      %dma_wait3A_158 = tpu.memref_slice %arg8[%dma_wait3A_156, %dma_wait3A_157] : memref<6x2048xi32, #tpu.memory_space<vmem>> -> memref<1x2048xi32, #tpu.memory_space<vmem>>
      %dma_wait3A_159 = tpu.memref_squeeze %dma_wait3A_158 : memref<1x2048xi32, #tpu.memory_space<vmem>> -> memref<2048xi32, #tpu.memory_space<vmem>>
      %dma_wait3A_160 = tpu.memref_slice %arg4[%add3A_23] : memref<327680xi32, #tpu.memory_space<hbm>> -> memref<2048xi32, #tpu.memory_space<hbm>>
      %dma_wait3A_161 = arith.constant 0 : i32
      %dma_wait3A_162 = tpu.memref_slice %arg8[%dma_wait3A_156, %dma_wait3A_161] : memref<6x2048xi32, #tpu.memory_space<vmem>> -> memref<1x2048xi32, #tpu.memory_space<vmem>>
      %dma_wait3A_163 = tpu.memref_squeeze %dma_wait3A_162 : memref<1x2048xi32, #tpu.memory_space<vmem>> -> memref<2048xi32, #tpu.memory_space<vmem>>
      %dma_wait3A_164 = tpu.memref_slice %arg4[%add3A_23] : memref<327680xi32, #tpu.memory_space<hbm>> -> memref<2048xi32, #tpu.memory_space<hbm>>
      tpu.wait_dma2 semaphore(%arg14 : memref<!tpu.dma_semaphore, #tpu.memory_space<semaphore_mem>>) src(%dma_wait3A_164 : memref<2048xi32, #tpu.memory_space<hbm>>) dst(%dma_wait3A_163 : memref<2048xi32, #tpu.memory_space<vmem>>)
      %dma_wait3A_165 = arith.constant 0 : i32
      %dma_wait3A_166 = arith.constant 0 : i32
      %dma_wait3A_167 = tpu.memref_slice %arg7[%dma_wait3A_165, %dma_wait3A_166] : memref<6x2048xi32, #tpu.memory_space<vmem>> -> memref<1x2048xi32, #tpu.memory_space<vmem>>
      %dma_wait3A_168 = tpu.memref_squeeze %dma_wait3A_167 : memref<1x2048xi32, #tpu.memory_space<vmem>> -> memref<2048xi32, #tpu.memory_space<vmem>>
      %dma_wait3A_169 = tpu.memref_slice %arg3[%add3A_23] : memref<327680xi32, #tpu.memory_space<hbm>> -> memref<2048xi32, #tpu.memory_space<hbm>>
      %dma_wait3A_170 = arith.constant 0 : i32
      %dma_wait3A_171 = tpu.memref_slice %arg7[%dma_wait3A_165, %dma_wait3A_170] : memref<6x2048xi32, #tpu.memory_space<vmem>> -> memref<1x2048xi32, #tpu.memory_space<vmem>>
      %dma_wait3A_172 = tpu.memref_squeeze %dma_wait3A_171 : memref<1x2048xi32, #tpu.memory_space<vmem>> -> memref<2048xi32, #tpu.memory_space<vmem>>
      %dma_wait3A_173 = tpu.memref_slice %arg3[%add3A_23] : memref<327680xi32, #tpu.memory_space<hbm>> -> memref<2048xi32, #tpu.memory_space<hbm>>
      tpu.wait_dma2 semaphore(%arg13 : memref<!tpu.dma_semaphore, #tpu.memory_space<semaphore_mem>>) src(%dma_wait3A_173 : memref<2048xi32, #tpu.memory_space<hbm>>) dst(%dma_wait3A_172 : memref<2048xi32, #tpu.memory_space<vmem>>)
      %dma_wait3A_174 = arith.constant 0 : i32
      %dma_wait3A_175 = arith.constant 0 : i32
      %dma_wait3A_176 = tpu.memref_slice %arg8[%dma_wait3A_174, %dma_wait3A_175] : memref<6x2048xi32, #tpu.memory_space<vmem>> -> memref<1x2048xi32, #tpu.memory_space<vmem>>
      %dma_wait3A_177 = tpu.memref_squeeze %dma_wait3A_176 : memref<1x2048xi32, #tpu.memory_space<vmem>> -> memref<2048xi32, #tpu.memory_space<vmem>>
      %dma_wait3A_178 = tpu.memref_slice %arg4[%add3A_23] : memref<327680xi32, #tpu.memory_space<hbm>> -> memref<2048xi32, #tpu.memory_space<hbm>>
      %dma_wait3A_179 = arith.constant 0 : i32
      %dma_wait3A_180 = tpu.memref_slice %arg8[%dma_wait3A_174, %dma_wait3A_179] : memref<6x2048xi32, #tpu.memory_space<vmem>> -> memref<1x2048xi32, #tpu.memory_space<vmem>>
      %dma_wait3A_181 = tpu.memref_squeeze %dma_wait3A_180 : memref<1x2048xi32, #tpu.memory_space<vmem>> -> memref<2048xi32, #tpu.memory_space<vmem>>
      %dma_wait3A_182 = tpu.memref_slice %arg4[%add3A_23] : memref<327680xi32, #tpu.memory_space<hbm>> -> memref<2048xi32, #tpu.memory_space<hbm>>
      tpu.wait_dma2 semaphore(%arg14 : memref<!tpu.dma_semaphore, #tpu.memory_space<semaphore_mem>>) src(%dma_wait3A_182 : memref<2048xi32, #tpu.memory_space<hbm>>) dst(%dma_wait3A_181 : memref<2048xi32, #tpu.memory_space<vmem>>)
      %dma_wait3A_183 = arith.constant 0 : i32
      %dma_wait3A_184 = tpu.memref_slice %arg12[%mul3A_2, %dma_wait3A_183] : memref<10240x16xf32, #tpu.memory_space<vmem_shared>> -> memref<640x16xf32, #tpu.memory_space<vmem_shared>>
      %dma_wait3A_185 = arith.constant 0 : i32
      %dma_wait3A_186 = tpu.memref_slice %arg2[%mul3A_0, %dma_wait3A_185] : memref<10240x16xf32, #tpu.memory_space<hbm>> -> memref<640x16xf32, #tpu.memory_space<hbm>>
      tpu.wait_dma2 semaphore(%arg15 : memref<!tpu.dma_semaphore, #tpu.memory_space<semaphore_mem>>) src(%dma_wait3A_186 : memref<640x16xf32, #tpu.memory_space<hbm>>) dst(%dma_wait3A_184 : memref<640x16xf32, #tpu.memory_space<vmem_shared>>)
      %barrier3A_187 = arith.constant 0 : index
      tpu.barrier barrier_id(%barrier3A_187)
      %dma_start3A_188 = arith.constant 0 : i32
      %dma_start3A_189 = arith.constant 0 : i32
      %dma_start3A_190 = tpu.memref_slice %arg7[%dma_start3A_188, %dma_start3A_189] : memref<6x2048xi32, #tpu.memory_space<vmem>> -> memref<1x2048xi32, #tpu.memory_space<vmem>>
      %dma_start3A_191 = tpu.memref_squeeze %dma_start3A_190 : memref<1x2048xi32, #tpu.memory_space<vmem>> -> memref<2048xi32, #tpu.memory_space<vmem>>
      %dma_start3A_192 = arith.constant 0 : i32
      %dma_start3A_193 = arith.constant 0 : i32
      %dma_start3A_194 = tpu.memref_slice %arg12[%dma_start3A_192, %dma_start3A_193] : memref<10240x16xf32, #tpu.memory_space<vmem_shared>> -> memref<10240x16xf32, #tpu.memory_space<vmem_shared>>
      tpu.enqueue_indirect_dma source(%dma_start3A_194 : memref<10240x16xf32, #tpu.memory_space<vmem_shared>>) target(%arg9 : memref<2048x16xf32, #tpu.memory_space<vmem>>) offsets(%dma_start3A_191 : memref<2048xi32, #tpu.memory_space<vmem>>) semaphore(%arg13 : memref<!tpu.dma_semaphore, #tpu.memory_space<semaphore_mem>>)
      %dma_start3A_195 = arith.constant 1 : i32
      %dma_start3A_196 = arith.constant 0 : i32
      %dma_start3A_197 = tpu.memref_slice %arg7[%dma_start3A_195, %dma_start3A_196] : memref<6x2048xi32, #tpu.memory_space<vmem>> -> memref<1x2048xi32, #tpu.memory_space<vmem>>
      %dma_start3A_198 = tpu.memref_squeeze %dma_start3A_197 : memref<1x2048xi32, #tpu.memory_space<vmem>> -> memref<2048xi32, #tpu.memory_space<vmem>>
      %dma_start3A_199 = arith.constant 0 : i32
      %dma_start3A_200 = arith.constant 0 : i32
      %dma_start3A_201 = tpu.memref_slice %arg12[%dma_start3A_199, %dma_start3A_200] : memref<10240x16xf32, #tpu.memory_space<vmem_shared>> -> memref<10240x16xf32, #tpu.memory_space<vmem_shared>>
      tpu.enqueue_indirect_dma source(%dma_start3A_201 : memref<10240x16xf32, #tpu.memory_space<vmem_shared>>) target(%arg10 : memref<2048x16xf32, #tpu.memory_space<vmem>>) offsets(%dma_start3A_198 : memref<2048xi32, #tpu.memory_space<vmem>>) semaphore(%arg14 : memref<!tpu.dma_semaphore, #tpu.memory_space<semaphore_mem>>)
      %dma_wait3A_202 = arith.constant 0 : i32
      %dma_wait3A_203 = arith.constant 0 : i32
      %dma_wait3A_204 = tpu.memref_slice %arg7[%dma_wait3A_202, %dma_wait3A_203] : memref<6x2048xi32, #tpu.memory_space<vmem>> -> memref<1x2048xi32, #tpu.memory_space<vmem>>
      %dma_wait3A_205 = tpu.memref_squeeze %dma_wait3A_204 : memref<1x2048xi32, #tpu.memory_space<vmem>> -> memref<2048xi32, #tpu.memory_space<vmem>>
      %dma_wait3A_206 = arith.constant 0 : i32
      %dma_wait3A_207 = arith.constant 0 : i32
      %dma_wait3A_208 = tpu.memref_slice %arg12[%dma_wait3A_206, %dma_wait3A_207] : memref<10240x16xf32, #tpu.memory_space<vmem_shared>> -> memref<10240x16xf32, #tpu.memory_space<vmem_shared>>
      tpu.wait_indirect_dma semaphore(%arg13 : memref<!tpu.dma_semaphore, #tpu.memory_space<semaphore_mem>>) src(%dma_wait3A_208 : memref<10240x16xf32, #tpu.memory_space<vmem_shared>>) dst(%arg9 : memref<2048x16xf32, #tpu.memory_space<vmem>>)
      %run_scoped3A = arith.constant 0 : i32
      "tpu.region"() ({
        %run_scoped3A_247 = tpu.sem_alloc : memref<!tpu.dma_semaphore, #tpu.memory_space<semaphore_mem>>
        %dma_start3A_248 = arith.constant 0 : i32
        %dma_start3A_249 = tpu.memref_slice %arg8[%run_scoped3A, %dma_start3A_248] : memref<6x2048xi32, #tpu.memory_space<vmem>> -> memref<1x2048xi32, #tpu.memory_space<vmem>>
        %dma_start3A_250 = tpu.memref_squeeze %dma_start3A_249 : memref<1x2048xi32, #tpu.memory_space<vmem>> -> memref<2048xi32, #tpu.memory_space<vmem>>
        %dma_start3A_251 = arith.constant 0 : i32
        %dma_start3A_252 = arith.constant 0 : i32
        %dma_start3A_253 = tpu.memref_slice %arg11[%dma_start3A_251, %dma_start3A_252] : memref<10240x16xf32, #tpu.memory_space<vmem_shared>> -> memref<10240x16xf32, #tpu.memory_space<vmem_shared>>
        tpu.enqueue_indirect_dma source(%arg9 : memref<2048x16xf32, #tpu.memory_space<vmem>>) target(%dma_start3A_253 : memref<10240x16xf32, #tpu.memory_space<vmem_shared>>) offsets(%dma_start3A_250 : memref<2048xi32, #tpu.memory_space<vmem>>) semaphore(%run_scoped3A_247 : memref<!tpu.dma_semaphore, #tpu.memory_space<semaphore_mem>>) {add = true}
        %dma_wait3A_254 = arith.constant 0 : i32
        %dma_wait3A_255 = tpu.memref_slice %arg8[%run_scoped3A, %dma_wait3A_254] : memref<6x2048xi32, #tpu.memory_space<vmem>> -> memref<1x2048xi32, #tpu.memory_space<vmem>>
        %dma_wait3A_256 = tpu.memref_squeeze %dma_wait3A_255 : memref<1x2048xi32, #tpu.memory_space<vmem>> -> memref<2048xi32, #tpu.memory_space<vmem>>
        %dma_wait3A_257 = arith.constant 0 : i32
        %dma_wait3A_258 = arith.constant 0 : i32
        %dma_wait3A_259 = tpu.memref_slice %arg11[%dma_wait3A_257, %dma_wait3A_258] : memref<10240x16xf32, #tpu.memory_space<vmem_shared>> -> memref<10240x16xf32, #tpu.memory_space<vmem_shared>>
        tpu.wait_indirect_dma semaphore(%run_scoped3A_247 : memref<!tpu.dma_semaphore, #tpu.memory_space<semaphore_mem>>) src(%arg9 : memref<2048x16xf32, #tpu.memory_space<vmem>>) dst(%dma_wait3A_259 : memref<10240x16xf32, #tpu.memory_space<vmem_shared>>)
        tpu.yield
      }) : () -> ()
      %dma_start3A_209 = arith.constant 2 : i32
      %dma_start3A_210 = arith.constant 0 : i32
      %dma_start3A_211 = tpu.memref_slice %arg7[%dma_start3A_209, %dma_start3A_210] : memref<6x2048xi32, #tpu.memory_space<vmem>> -> memref<1x2048xi32, #tpu.memory_space<vmem>>
      %dma_start3A_212 = tpu.memref_squeeze %dma_start3A_211 : memref<1x2048xi32, #tpu.memory_space<vmem>> -> memref<2048xi32, #tpu.memory_space<vmem>>
      %dma_start3A_213 = arith.constant 0 : i32
      %dma_start3A_214 = arith.constant 0 : i32
      %dma_start3A_215 = tpu.memref_slice %arg12[%dma_start3A_213, %dma_start3A_214] : memref<10240x16xf32, #tpu.memory_space<vmem_shared>> -> memref<10240x16xf32, #tpu.memory_space<vmem_shared>>
      tpu.enqueue_indirect_dma source(%dma_start3A_215 : memref<10240x16xf32, #tpu.memory_space<vmem_shared>>) target(%arg9 : memref<2048x16xf32, #tpu.memory_space<vmem>>) offsets(%dma_start3A_212 : memref<2048xi32, #tpu.memory_space<vmem>>) semaphore(%arg13 : memref<!tpu.dma_semaphore, #tpu.memory_space<semaphore_mem>>)
      %dma_wait3A_216 = arith.constant 1 : i32
      %dma_wait3A_217 = arith.constant 0 : i32
      %dma_wait3A_218 = tpu.memref_slice %arg7[%dma_wait3A_216, %dma_wait3A_217] : memref<6x2048xi32, #tpu.memory_space<vmem>> -> memref<1x2048xi32, #tpu.memory_space<vmem>>
      %dma_wait3A_219 = tpu.memref_squeeze %dma_wait3A_218 : memref<1x2048xi32, #tpu.memory_space<vmem>> -> memref<2048xi32, #tpu.memory_space<vmem>>
      %dma_wait3A_220 = arith.constant 0 : i32
      %dma_wait3A_221 = arith.constant 0 : i32
      %dma_wait3A_222 = tpu.memref_slice %arg12[%dma_wait3A_220, %dma_wait3A_221] : memref<10240x16xf32, #tpu.memory_space<vmem_shared>> -> memref<10240x16xf32, #tpu.memory_space<vmem_shared>>
      tpu.wait_indirect_dma semaphore(%arg14 : memref<!tpu.dma_semaphore, #tpu.memory_space<semaphore_mem>>) src(%dma_wait3A_222 : memref<10240x16xf32, #tpu.memory_space<vmem_shared>>) dst(%arg10 : memref<2048x16xf32, #tpu.memory_space<vmem>>)
      %run_scoped3A_223 = arith.constant 1 : i32
      "tpu.region"() ({
        %run_scoped3A_247 = tpu.sem_alloc : memref<!tpu.dma_semaphore, #tpu.memory_space<semaphore_mem>>
        %dma_start3A_248 = arith.constant 0 : i32
        %dma_start3A_249 = tpu.memref_slice %arg8[%run_scoped3A_223, %dma_start3A_248] : memref<6x2048xi32, #tpu.memory_space<vmem>> -> memref<1x2048xi32, #tpu.memory_space<vmem>>
        %dma_start3A_250 = tpu.memref_squeeze %dma_start3A_249 : memref<1x2048xi32, #tpu.memory_space<vmem>> -> memref<2048xi32, #tpu.memory_space<vmem>>
        %dma_start3A_251 = arith.constant 0 : i32
        %dma_start3A_252 = arith.constant 0 : i32
        %dma_start3A_253 = tpu.memref_slice %arg11[%dma_start3A_251, %dma_start3A_252] : memref<10240x16xf32, #tpu.memory_space<vmem_shared>> -> memref<10240x16xf32, #tpu.memory_space<vmem_shared>>
        tpu.enqueue_indirect_dma source(%arg10 : memref<2048x16xf32, #tpu.memory_space<vmem>>) target(%dma_start3A_253 : memref<10240x16xf32, #tpu.memory_space<vmem_shared>>) offsets(%dma_start3A_250 : memref<2048xi32, #tpu.memory_space<vmem>>) semaphore(%run_scoped3A_247 : memref<!tpu.dma_semaphore, #tpu.memory_space<semaphore_mem>>) {add = true}
        %dma_wait3A_254 = arith.constant 0 : i32
        %dma_wait3A_255 = tpu.memref_slice %arg8[%run_scoped3A_223, %dma_wait3A_254] : memref<6x2048xi32, #tpu.memory_space<vmem>> -> memref<1x2048xi32, #tpu.memory_space<vmem>>
        %dma_wait3A_256 = tpu.memref_squeeze %dma_wait3A_255 : memref<1x2048xi32, #tpu.memory_space<vmem>> -> memref<2048xi32, #tpu.memory_space<vmem>>
        %dma_wait3A_257 = arith.constant 0 : i32
        %dma_wait3A_258 = arith.constant 0 : i32
        %dma_wait3A_259 = tpu.memref_slice %arg11[%dma_wait3A_257, %dma_wait3A_258] : memref<10240x16xf32, #tpu.memory_space<vmem_shared>> -> memref<10240x16xf32, #tpu.memory_space<vmem_shared>>
        tpu.wait_indirect_dma semaphore(%run_scoped3A_247 : memref<!tpu.dma_semaphore, #tpu.memory_space<semaphore_mem>>) src(%arg10 : memref<2048x16xf32, #tpu.memory_space<vmem>>) dst(%dma_wait3A_259 : memref<10240x16xf32, #tpu.memory_space<vmem_shared>>)
        tpu.yield
      }) : () -> ()
      %dma_start3A_224 = arith.constant 3 : i32
      %dma_start3A_225 = arith.constant 0 : i32
      %dma_start3A_226 = tpu.memref_slice %arg7[%dma_start3A_224, %dma_start3A_225] : memref<6x2048xi32, #tpu.memory_space<vmem>> -> memref<1x2048xi32, #tpu.memory_space<vmem>>
      %dma_start3A_227 = tpu.memref_squeeze %dma_start3A_226 : memref<1x2048xi32, #tpu.memory_space<vmem>> -> memref<2048xi32, #tpu.memory_space<vmem>>
      %dma_start3A_228 = arith.constant 0 : i32
      %dma_start3A_229 = arith.constant 0 : i32
      %dma_start3A_230 = tpu.memref_slice %arg12[%dma_start3A_228, %dma_start3A_229] : memref<10240x16xf32, #tpu.memory_space<vmem_shared>> -> memref<10240x16xf32, #tpu.memory_space<vmem_shared>>
      tpu.enqueue_indirect_dma source(%dma_start3A_230 : memref<10240x16xf32, #tpu.memory_space<vmem_shared>>) target(%arg10 : memref<2048x16xf32, #tpu.memory_space<vmem>>) offsets(%dma_start3A_227 : memref<2048xi32, #tpu.memory_space<vmem>>) semaphore(%arg14 : memref<!tpu.dma_semaphore, #tpu.memory_space<semaphore_mem>>)
      %dma_wait3A_231 = arith.constant 2 : i32
      %dma_wait3A_232 = arith.constant 0 : i32
      %dma_wait3A_233 = tpu.memref_slice %arg7[%dma_wait3A_231, %dma_wait3A_232] : memref<6x2048xi32, #tpu.memory_space<vmem>> -> memref<1x2048xi32, #tpu.memory_space<vmem>>
      %dma_wait3A_234 = tpu.memref_squeeze %dma_wait3A_233 : memref<1x2048xi32, #tpu.memory_space<vmem>> -> memref<2048xi32, #tpu.memory_space<vmem>>
      %dma_wait3A_235 = arith.constant 0 : i32
      %dma_wait3A_236 = arith.constant 0 : i32
      %dma_wait3A_237 = tpu.memref_slice %arg12[%dma_wait3A_235, %dma_wait3A_236] : memref<10240x16xf32, #tpu.memory_space<vmem_shared>> -> memref<10240x16xf32, #tpu.memory_space<vmem_shared>>
      tpu.wait_indirect_dma semaphore(%arg13 : memref<!tpu.dma_semaphore, #tpu.memory_space<semaphore_mem>>) src(%dma_wait3A_237 : memref<10240x16xf32, #tpu.memory_space<vmem_shared>>) dst(%arg9 : memref<2048x16xf32, #tpu.memory_space<vmem>>)
      %run_scoped3A_238 = arith.constant 2 : i32
      "tpu.region"() ({
        %run_scoped3A_247 = tpu.sem_alloc : memref<!tpu.dma_semaphore, #tpu.memory_space<semaphore_mem>>
        %dma_start3A_248 = arith.constant 0 : i32
        %dma_start3A_249 = tpu.memref_slice %arg8[%run_scoped3A_238, %dma_start3A_248] : memref<6x2048xi32, #tpu.memory_space<vmem>> -> memref<1x2048xi32, #tpu.memory_space<vmem>>
        %dma_start3A_250 = tpu.memref_squeeze %dma_start3A_249 : memref<1x2048xi32, #tpu.memory_space<vmem>> -> memref<2048xi32, #tpu.memory_space<vmem>>
        %dma_start3A_251 = arith.constant 0 : i32
        %dma_start3A_252 = arith.constant 0 : i32
        %dma_start3A_253 = tpu.memref_slice %arg11[%dma_start3A_251, %dma_start3A_252] : memref<10240x16xf32, #tpu.memory_space<vmem_shared>> -> memref<10240x16xf32, #tpu.memory_space<vmem_shared>>
        tpu.enqueue_indirect_dma source(%arg9 : memref<2048x16xf32, #tpu.memory_space<vmem>>) target(%dma_start3A_253 : memref<10240x16xf32, #tpu.memory_space<vmem_shared>>) offsets(%dma_start3A_250 : memref<2048xi32, #tpu.memory_space<vmem>>) semaphore(%run_scoped3A_247 : memref<!tpu.dma_semaphore, #tpu.memory_space<semaphore_mem>>) {add = true}
        %dma_wait3A_254 = arith.constant 0 : i32
        %dma_wait3A_255 = tpu.memref_slice %arg8[%run_scoped3A_238, %dma_wait3A_254] : memref<6x2048xi32, #tpu.memory_space<vmem>> -> memref<1x2048xi32, #tpu.memory_space<vmem>>
        %dma_wait3A_256 = tpu.memref_squeeze %dma_wait3A_255 : memref<1x2048xi32, #tpu.memory_space<vmem>> -> memref<2048xi32, #tpu.memory_space<vmem>>
        %dma_wait3A_257 = arith.constant 0 : i32
        %dma_wait3A_258 = arith.constant 0 : i32
        %dma_wait3A_259 = tpu.memref_slice %arg11[%dma_wait3A_257, %dma_wait3A_258] : memref<10240x16xf32, #tpu.memory_space<vmem_shared>> -> memref<10240x16xf32, #tpu.memory_space<vmem_shared>>
        tpu.wait_indirect_dma semaphore(%run_scoped3A_247 : memref<!tpu.dma_semaphore, #tpu.memory_space<semaphore_mem>>) src(%arg9 : memref<2048x16xf32, #tpu.memory_space<vmem>>) dst(%dma_wait3A_259 : memref<10240x16xf32, #tpu.memory_space<vmem_shared>>)
        tpu.yield
      }) : () -> ()
      %dma_wait3A_239 = arith.constant 3 : i32
      %dma_wait3A_240 = arith.constant 0 : i32
      %dma_wait3A_241 = tpu.memref_slice %arg7[%dma_wait3A_239, %dma_wait3A_240] : memref<6x2048xi32, #tpu.memory_space<vmem>> -> memref<1x2048xi32, #tpu.memory_space<vmem>>
      %dma_wait3A_242 = tpu.memref_squeeze %dma_wait3A_241 : memref<1x2048xi32, #tpu.memory_space<vmem>> -> memref<2048xi32, #tpu.memory_space<vmem>>
      %dma_wait3A_243 = arith.constant 0 : i32
      %dma_wait3A_244 = arith.constant 0 : i32
      %dma_wait3A_245 = tpu.memref_slice %arg12[%dma_wait3A_243, %dma_wait3A_244] : memref<10240x16xf32, #tpu.memory_space<vmem_shared>> -> memref<10240x16xf32, #tpu.memory_space<vmem_shared>>
      tpu.wait_indirect_dma semaphore(%arg14 : memref<!tpu.dma_semaphore, #tpu.memory_space<semaphore_mem>>) src(%dma_wait3A_245 : memref<10240x16xf32, #tpu.memory_space<vmem_shared>>) dst(%arg10 : memref<2048x16xf32, #tpu.memory_space<vmem>>)
      %run_scoped3A_246 = arith.constant 3 : i32
      "tpu.region"() ({
        %run_scoped3A_247 = tpu.sem_alloc : memref<!tpu.dma_semaphore, #tpu.memory_space<semaphore_mem>>
        %dma_start3A_248 = arith.constant 0 : i32
        %dma_start3A_249 = tpu.memref_slice %arg8[%run_scoped3A_246, %dma_start3A_248] : memref<6x2048xi32, #tpu.memory_space<vmem>> -> memref<1x2048xi32, #tpu.memory_space<vmem>>
        %dma_start3A_250 = tpu.memref_squeeze %dma_start3A_249 : memref<1x2048xi32, #tpu.memory_space<vmem>> -> memref<2048xi32, #tpu.memory_space<vmem>>
        %dma_start3A_251 = arith.constant 0 : i32
        %dma_start3A_252 = arith.constant 0 : i32
        %dma_start3A_253 = tpu.memref_slice %arg11[%dma_start3A_251, %dma_start3A_252] : memref<10240x16xf32, #tpu.memory_space<vmem_shared>> -> memref<10240x16xf32, #tpu.memory_space<vmem_shared>>
        tpu.enqueue_indirect_dma source(%arg10 : memref<2048x16xf32, #tpu.memory_space<vmem>>) target(%dma_start3A_253 : memref<10240x16xf32, #tpu.memory_space<vmem_shared>>) offsets(%dma_start3A_250 : memref<2048xi32, #tpu.memory_space<vmem>>) semaphore(%run_scoped3A_247 : memref<!tpu.dma_semaphore, #tpu.memory_space<semaphore_mem>>) {add = true}
        %dma_wait3A_254 = arith.constant 0 : i32
        %dma_wait3A_255 = tpu.memref_slice %arg8[%run_scoped3A_246, %dma_wait3A_254] : memref<6x2048xi32, #tpu.memory_space<vmem>> -> memref<1x2048xi32, #tpu.memory_space<vmem>>
        %dma_wait3A_256 = tpu.memref_squeeze %dma_wait3A_255 : memref<1x2048xi32, #tpu.memory_space<vmem>> -> memref<2048xi32, #tpu.memory_space<vmem>>
        %dma_wait3A_257 = arith.constant 0 : i32
        %dma_wait3A_258 = arith.constant 0 : i32
        %dma_wait3A_259 = tpu.memref_slice %arg11[%dma_wait3A_257, %dma_wait3A_258] : memref<10240x16xf32, #tpu.memory_space<vmem_shared>> -> memref<10240x16xf32, #tpu.memory_space<vmem_shared>>
        tpu.wait_indirect_dma semaphore(%run_scoped3A_247 : memref<!tpu.dma_semaphore, #tpu.memory_space<semaphore_mem>>) src(%arg10 : memref<2048x16xf32, #tpu.memory_space<vmem>>) dst(%dma_wait3A_259 : memref<10240x16xf32, #tpu.memory_space<vmem_shared>>)
        tpu.yield
      }) : () -> ()
    } else {
    }
    %barrier3A = arith.constant 0 : index
    tpu.barrier barrier_id(%barrier3A)
    %mul3A_17 = arith.constant 640 : i32
    %mul3A_18 = arith.muli %arg1, %mul3A_17 : i32
    %mul3A_19 = arith.constant 640 : i32
    %mul3A_20 = arith.muli %arg1, %mul3A_19 : i32
    "tpu.region"() ({
      %run_scoped3A = tpu.sem_alloc : memref<!tpu.dma_semaphore, #tpu.memory_space<semaphore_mem>>
      %dma_start3A_21 = arith.constant 0 : i32
      %dma_start3A_22 = tpu.memref_slice %arg6[%arg0, %mul3A_20, %dma_start3A_21] : memref<2x10240x16xf32, #tpu.memory_space<hbm>> -> memref<1x640x16xf32, #tpu.memory_space<hbm>>
      %dma_start3A_23 = tpu.memref_squeeze %dma_start3A_22 : memref<1x640x16xf32, #tpu.memory_space<hbm>> -> memref<640x16xf32, #tpu.memory_space<hbm>>
      %dma_start3A_24 = arith.constant 0 : i32
      %dma_start3A_25 = tpu.memref_slice %arg11[%mul3A_18, %dma_start3A_24] : memref<10240x16xf32, #tpu.memory_space<vmem_shared>> -> memref<640x16xf32, #tpu.memory_space<vmem_shared>>
      tpu.enqueue_dma source(%dma_start3A_25 : memref<640x16xf32, #tpu.memory_space<vmem_shared>>) target(%dma_start3A_23 : memref<640x16xf32, #tpu.memory_space<hbm>>) target_semaphore(%run_scoped3A : memref<!tpu.dma_semaphore, #tpu.memory_space<semaphore_mem>>)
      %dma_wait3A = arith.constant 0 : i32
      %dma_wait3A_26 = tpu.memref_slice %arg6[%arg0, %mul3A_20, %dma_wait3A] : memref<2x10240x16xf32, #tpu.memory_space<hbm>> -> memref<1x640x16xf32, #tpu.memory_space<hbm>>
      %dma_wait3A_27 = tpu.memref_squeeze %dma_wait3A_26 : memref<1x640x16xf32, #tpu.memory_space<hbm>> -> memref<640x16xf32, #tpu.memory_space<hbm>>
      %dma_wait3A_28 = arith.constant 0 : i32
      %dma_wait3A_29 = tpu.memref_slice %arg11[%mul3A_18, %dma_wait3A_28] : memref<10240x16xf32, #tpu.memory_space<vmem_shared>> -> memref<640x16xf32, #tpu.memory_space<vmem_shared>>
      tpu.wait_dma2 semaphore(%run_scoped3A : memref<!tpu.dma_semaphore, #tpu.memory_space<semaphore_mem>>) src(%dma_wait3A_29 : memref<640x16xf32, #tpu.memory_space<vmem_shared>>) dst(%dma_wait3A_27 : memref<640x16xf32, #tpu.memory_space<hbm>>)
      tpu.yield
    }) : () -> ()
    return
  }
}

module attributes {stable_mosaic.version = 14 : i64} {
  func.func @_tc1_body(%arg0: i32, %arg1: memref<128x1024xf32, #tpu.memory_space<vmem>>, %arg2: memref<1024x128xf32, #tpu.memory_space<vmem>>, %arg3: memref<2x128x128xf32, #tpu.memory_space<vmem>>, %arg4: memref<128x128xf32, #tpu.memory_space<vmem>>, %arg5: memref<128x128xf32, #tpu.memory_space<vmem>>) attributes {dimension_semantics = [#tpu.dimension_semantics<arbitrary>], iteration_bounds = array<i64: 10>, scalar_prefetch = 0 : i64, scratch_operands = 0 : i64, tpu.core_type = #tpu.core_type<tc>, window_params = [{transform_indices = @transform_0, window_bounds = array<i64: 128, 1024>}, {pipeline_mode = #tpu.pipeline_mode<synchronous>, transform_indices = @transform_1, window_bounds = array<i64: 1024, 128>}, {transform_indices = @transform_2, window_bounds = array<i64: 2, 128, 128>}, {transform_indices = @transform_3, window_bounds = array<i64: 128, 128>}, {transform_indices = @transform_4, window_bounds = array<i64: 128, 128>}]} {
    %get3A = arith.constant 0 : index
    %get3A_0 = arith.constant 0 : index
    %get3A_1 = arith.constant 0 : index
    %get3A_2 = vector.load %arg3[%get3A, %get3A_0, %get3A_1] : memref<2x128x128xf32, #tpu.memory_space<vmem>>, vector<1x128x128xf32>
    %get3A_3 = vector.shape_cast %get3A_2 : vector<1x128x128xf32> to vector<128x128xf32>
    %get3A_4 = arith.constant 1 : index
    %get3A_5 = arith.constant 0 : index
    %get3A_6 = arith.constant 0 : index
    %get3A_7 = vector.load %arg3[%get3A_4, %get3A_5, %get3A_6] : memref<2x128x128xf32, #tpu.memory_space<vmem>>, vector<1x128x128xf32>
    %get3A_8 = vector.shape_cast %get3A_7 : vector<1x128x128xf32> to vector<128x128xf32>
    %add3A = arith.addf %get3A_3, %get3A_8 : vector<128x128xf32>
    %add3A_9 = arith.constant 1.000000e+00 : f32
    %add3A_10 = vector.broadcast %add3A_9 : f32 to vector<128x128xf32>
    %add3A_11 = arith.addf %add3A, %add3A_10 : vector<128x128xf32>
    %rsqrt3A = math.rsqrt %add3A_11 : vector<128x128xf32>
    %get3A_12 = arith.constant 0 : index
    %get3A_13 = arith.constant 0 : index
    %get3A_14 = vector.load %arg1[%get3A_12, %get3A_13] : memref<128x1024xf32, #tpu.memory_space<vmem>>, vector<128x1024xf32>
    %get3A_15 = arith.constant 0 : index
    %get3A_16 = arith.constant 0 : index
    %get3A_17 = vector.load %arg2[%get3A_15, %get3A_16] : memref<1024x128xf32, #tpu.memory_space<vmem>>, vector<1024x128xf32>
    %dot_general3A = arith.constant dense<0.000000e+00> : vector<128x128xf32>
    %dot_general3A_18 = tpu.matmul %get3A_14, %get3A_17, %dot_general3A {dimension_numbers = #tpu.dot_dimension_numbers<[1], [0], [0], [1], [0, 0, 1, 1], [], []>, precision = #tpu.contract_precision<fp32>, transpose_lhs_hint = false} : vector<128x1024xf32>, vector<1024x128xf32>, vector<128x128xf32> -> vector<128x128xf32>
    %mul3A = arith.mulf %rsqrt3A, %dot_general3A_18 : vector<128x128xf32>
    %swap3A = arith.constant 0 : index
    %swap3A_19 = arith.constant 0 : index
    %swap3A_20 = vector.load %arg4[%swap3A, %swap3A_19] : memref<128x128xf32, #tpu.memory_space<vmem>>, vector<128x128xf32>
    tpu.vector_store %arg4[%swap3A, %swap3A_19], %mul3A {strides = array<i32>} : memref<128x128xf32, #tpu.memory_space<vmem>>, vector<128x128xf32>,
    %swap3A_21 = arith.constant 0 : index
    %swap3A_22 = arith.constant 0 : index
    %swap3A_23 = vector.load %arg5[%swap3A_21, %swap3A_22] : memref<128x128xf32, #tpu.memory_space<vmem>>, vector<128x128xf32>
    tpu.vector_store %arg5[%swap3A_21, %swap3A_22], %rsqrt3A {strides = array<i32>} : memref<128x128xf32, #tpu.memory_space<vmem>>, vector<128x128xf32>,
    return
  }
  func.func @transform_0(%arg0: i32) -> (i32, i32) {
    %c0_i32 = arith.constant 0 : i32
    %c0_i32_0 = arith.constant 0 : i32
    return %arg0, %c0_i32 : i32, i32
  }
  func.func @transform_1(%arg0: i32) -> (i32, i32) {
    %c0_i32 = arith.constant 0 : i32
    %c0_i32_0 = arith.constant 0 : i32
    %c0_i32_1 = arith.constant 0 : i32
    return %c0_i32, %c0_i32_0 : i32, i32
  }
  func.func @transform_2(%arg0: i32) -> (i32, i32, i32) {
    %c0_i32 = arith.constant 0 : i32
    %c0_i32_0 = arith.constant 0 : i32
    %c0_i32_1 = arith.constant 0 : i32
    return %c0_i32, %arg0, %c0_i32_0 : i32, i32, i32
  }
  func.func @transform_3(%arg0: i32) -> (i32, i32) {
    %c0_i32 = arith.constant 0 : i32
    %c0_i32_0 = arith.constant 0 : i32
    return %arg0, %c0_i32 : i32, i32
  }
  func.func @transform_4(%arg0: i32) -> (i32, i32) {
    %c0_i32 = arith.constant 0 : i32
    %c0_i32_0 = arith.constant 0 : i32
    return %arg0, %c0_i32 : i32, i32
  }
}

module attributes {stable_mosaic.version = 14 : i64} {
  func.func @_tc2_body(%arg0: i32, %arg1: memref<2x128x128xf32, #tpu.memory_space<vmem>>, %arg2: memref<128x128xf32, #tpu.memory_space<vmem>>, %arg3: memref<128x128xf32, #tpu.memory_space<vmem>>, %arg4: memref<1x128xf32, #tpu.memory_space<vmem>>, %arg5: memref<128x128xf32, #tpu.memory_space<vmem>>, %arg6: memref<128x128xf32, #tpu.memory_space<vmem>>) attributes {dimension_semantics = [#tpu.dimension_semantics<arbitrary>], iteration_bounds = array<i64: 10>, scalar_prefetch = 0 : i64, scratch_operands = 0 : i64, tpu.core_type = #tpu.core_type<tc>, window_params = [{transform_indices = @transform_0, window_bounds = array<i64: 2, 128, 128>}, {transform_indices = @transform_1, window_bounds = array<i64: 128, 128>}, {transform_indices = @transform_2, window_bounds = array<i64: 128, 128>}, {pipeline_mode = #tpu.pipeline_mode<synchronous>, transform_indices = @transform_3, window_bounds = array<i64: 1, 128>}, {pipeline_mode = #tpu.pipeline_mode<synchronous>, transform_indices = @transform_4, window_bounds = array<i64: 128, 128>}, {transform_indices = @transform_5, window_bounds = array<i64: 128, 128>}]} {
    %get3A = arith.constant 0 : index
    %get3A_0 = arith.constant 0 : index
    %get3A_1 = arith.constant 0 : index
    %get3A_2 = vector.load %arg1[%get3A, %get3A_0, %get3A_1] : memref<2x128x128xf32, #tpu.memory_space<vmem>>, vector<1x128x128xf32>
    %get3A_3 = vector.shape_cast %get3A_2 : vector<1x128x128xf32> to vector<128x128xf32>
    %get3A_4 = arith.constant 1 : index
    %get3A_5 = arith.constant 0 : index
    %get3A_6 = arith.constant 0 : index
    %get3A_7 = vector.load %arg1[%get3A_4, %get3A_5, %get3A_6] : memref<2x128x128xf32, #tpu.memory_space<vmem>>, vector<1x128x128xf32>
    %get3A_8 = vector.shape_cast %get3A_7 : vector<1x128x128xf32> to vector<128x128xf32>
    %add3A = arith.addf %get3A_3, %get3A_8 : vector<128x128xf32>
    %get3A_9 = arith.constant 0 : index
    %get3A_10 = arith.constant 0 : index
    %get3A_11 = vector.load %arg2[%get3A_9, %get3A_10] : memref<128x128xf32, #tpu.memory_space<vmem>>, vector<128x128xf32>
    %add3A_12 = arith.addf %add3A, %get3A_11 : vector<128x128xf32>
    %get3A_13 = arith.constant 0 : index
    %get3A_14 = arith.constant 0 : index
    %get3A_15 = vector.load %arg3[%get3A_13, %get3A_14] : memref<128x128xf32, #tpu.memory_space<vmem>>, vector<128x128xf32>
    %mul3A = arith.mulf %add3A_12, %get3A_15 : vector<128x128xf32>
    %get3A_16 = arith.constant 0 : index
    %get3A_17 = arith.constant 0 : index
    %get3A_18 = vector.load %arg4[%get3A_16, %get3A_17] : memref<1x128xf32, #tpu.memory_space<vmem>>, vector<1x128xf32>
    %add3A_19 = vector.broadcast %get3A_18 : vector<1x128xf32> to vector<128x128xf32>
    %add3A_20 = arith.addf %mul3A, %add3A_19 : vector<128x128xf32>
    %max3A = arith.constant 0.000000e+00 : f32
    %max3A_21 = vector.broadcast %max3A : f32 to vector<128x128xf32>
    %max3A_22 = arith.maximumf %add3A_20, %max3A_21 : vector<128x128xf32>
    %get3A_23 = arith.constant 0 : index
    %get3A_24 = arith.constant 0 : index
    %get3A_25 = vector.load %arg3[%get3A_23, %get3A_24] : memref<128x128xf32, #tpu.memory_space<vmem>>, vector<128x128xf32>
    %get3A_26 = arith.constant 0 : index
    %get3A_27 = arith.constant 0 : index
    %get3A_28 = vector.load %arg5[%get3A_26, %get3A_27] : memref<128x128xf32, #tpu.memory_space<vmem>>, vector<128x128xf32>
    %dot_general3A = arith.constant dense<0.000000e+00> : vector<128x128xf32>
    %dot_general3A_29 = tpu.matmul %max3A_22, %get3A_28, %dot_general3A {dimension_numbers = #tpu.dot_dimension_numbers<[1], [0], [0], [1], [0, 0, 1, 1], [], []>, precision = #tpu.contract_precision<fp32>, transpose_lhs_hint = false} : vector<128x128xf32>, vector<128x128xf32>, vector<128x128xf32> -> vector<128x128xf32>
    %mul3A_30 = arith.mulf %get3A_25, %dot_general3A_29 : vector<128x128xf32>
    %swap3A = arith.constant 0 : index
    %swap3A_31 = arith.constant 0 : index
    %swap3A_32 = vector.load %arg6[%swap3A, %swap3A_31] : memref<128x128xf32, #tpu.memory_space<vmem>>, vector<128x128xf32>
    tpu.vector_store %arg6[%swap3A, %swap3A_31], %mul3A_30 {strides = array<i32>} : memref<128x128xf32, #tpu.memory_space<vmem>>, vector<128x128xf32>,
    return
  }
  func.func @transform_0(%arg0: i32) -> (i32, i32, i32) {
    %c0_i32 = arith.constant 0 : i32
    %c0_i32_0 = arith.constant 0 : i32
    %c0_i32_1 = arith.constant 0 : i32
    return %c0_i32, %arg0, %c0_i32_0 : i32, i32, i32
  }
  func.func @transform_1(%arg0: i32) -> (i32, i32) {
    %c0_i32 = arith.constant 0 : i32
    %c0_i32_0 = arith.constant 0 : i32
    return %arg0, %c0_i32 : i32, i32
  }
  func.func @transform_2(%arg0: i32) -> (i32, i32) {
    %c0_i32 = arith.constant 0 : i32
    %c0_i32_0 = arith.constant 0 : i32
    return %arg0, %c0_i32 : i32, i32
  }
  func.func @transform_3(%arg0: i32) -> (i32, i32) {
    %c0_i32 = arith.constant 0 : i32
    %c0_i32_0 = arith.constant 0 : i32
    %c0_i32_1 = arith.constant 0 : i32
    return %c0_i32, %c0_i32_0 : i32, i32
  }
  func.func @transform_4(%arg0: i32) -> (i32, i32) {
    %c0_i32 = arith.constant 0 : i32
    %c0_i32_0 = arith.constant 0 : i32
    %c0_i32_1 = arith.constant 0 : i32
    return %c0_i32, %c0_i32_0 : i32, i32
  }
  func.func @transform_5(%arg0: i32) -> (i32, i32) {
    %c0_i32 = arith.constant 0 : i32
    %c0_i32_0 = arith.constant 0 : i32
    return %arg0, %c0_i32 : i32, i32
  }
}

module attributes {stable_mosaic.version = 14 : i64} {
  func.func @_tc3_body(%arg0: i32, %arg1: memref<2x128x128xf32, #tpu.memory_space<vmem>>, %arg2: memref<128x128xf32, #tpu.memory_space<vmem>>, %arg3: memref<128x128xf32, #tpu.memory_space<vmem>>, %arg4: memref<1x128xf32, #tpu.memory_space<vmem>>, %arg5: memref<128x128xf32, #tpu.memory_space<vmem>>) attributes {dimension_semantics = [#tpu.dimension_semantics<arbitrary>], iteration_bounds = array<i64: 10>, scalar_prefetch = 0 : i64, scratch_operands = 0 : i64, tpu.core_type = #tpu.core_type<tc>, window_params = [{transform_indices = @transform_0, window_bounds = array<i64: 2, 128, 128>}, {transform_indices = @transform_1, window_bounds = array<i64: 128, 128>}, {transform_indices = @transform_2, window_bounds = array<i64: 128, 128>}, {pipeline_mode = #tpu.pipeline_mode<synchronous>, transform_indices = @transform_3, window_bounds = array<i64: 1, 128>}, {transform_indices = @transform_4, window_bounds = array<i64: 128, 128>}]} {
    %get3A = arith.constant 0 : index
    %get3A_0 = arith.constant 0 : index
    %get3A_1 = arith.constant 0 : index
    %get3A_2 = vector.load %arg1[%get3A, %get3A_0, %get3A_1] : memref<2x128x128xf32, #tpu.memory_space<vmem>>, vector<1x128x128xf32>
    %get3A_3 = vector.shape_cast %get3A_2 : vector<1x128x128xf32> to vector<128x128xf32>
    %get3A_4 = arith.constant 1 : index
    %get3A_5 = arith.constant 0 : index
    %get3A_6 = arith.constant 0 : index
    %get3A_7 = vector.load %arg1[%get3A_4, %get3A_5, %get3A_6] : memref<2x128x128xf32, #tpu.memory_space<vmem>>, vector<1x128x128xf32>
    %get3A_8 = vector.shape_cast %get3A_7 : vector<1x128x128xf32> to vector<128x128xf32>
    %add3A = arith.addf %get3A_3, %get3A_8 : vector<128x128xf32>
    %get3A_9 = arith.constant 0 : index
    %get3A_10 = arith.constant 0 : index
    %get3A_11 = vector.load %arg2[%get3A_9, %get3A_10] : memref<128x128xf32, #tpu.memory_space<vmem>>, vector<128x128xf32>
    %add3A_12 = arith.addf %add3A, %get3A_11 : vector<128x128xf32>
    %get3A_13 = arith.constant 0 : index
    %get3A_14 = arith.constant 0 : index
    %get3A_15 = vector.load %arg3[%get3A_13, %get3A_14] : memref<128x128xf32, #tpu.memory_space<vmem>>, vector<128x128xf32>
    %mul3A = arith.mulf %add3A_12, %get3A_15 : vector<128x128xf32>
    %get3A_16 = arith.constant 0 : index
    %get3A_17 = arith.constant 0 : index
    %get3A_18 = vector.load %arg4[%get3A_16, %get3A_17] : memref<1x128xf32, #tpu.memory_space<vmem>>, vector<1x128xf32>
    %add3A_19 = vector.broadcast %get3A_18 : vector<1x128xf32> to vector<128x128xf32>
    %add3A_20 = arith.addf %mul3A, %add3A_19 : vector<128x128xf32>
    %swap3A = arith.constant 0 : index
    %swap3A_21 = arith.constant 0 : index
    %swap3A_22 = vector.load %arg5[%swap3A, %swap3A_21] : memref<128x128xf32, #tpu.memory_space<vmem>>, vector<128x128xf32>
    tpu.vector_store %arg5[%swap3A, %swap3A_21], %add3A_20 {strides = array<i32>} : memref<128x128xf32, #tpu.memory_space<vmem>>, vector<128x128xf32>,
    return
  }
  func.func @transform_0(%arg0: i32) -> (i32, i32, i32) {
    %c0_i32 = arith.constant 0 : i32
    %c0_i32_0 = arith.constant 0 : i32
    %c0_i32_1 = arith.constant 0 : i32
    return %c0_i32, %arg0, %c0_i32_0 : i32, i32, i32
  }
  func.func @transform_1(%arg0: i32) -> (i32, i32) {
    %c0_i32 = arith.constant 0 : i32
    %c0_i32_0 = arith.constant 0 : i32
    return %arg0, %c0_i32 : i32, i32
  }
  func.func @transform_2(%arg0: i32) -> (i32, i32) {
    %c0_i32 = arith.constant 0 : i32
    %c0_i32_0 = arith.constant 0 : i32
    return %arg0, %c0_i32 : i32, i32
  }
  func.func @transform_3(%arg0: i32) -> (i32, i32) {
    %c0_i32 = arith.constant 0 : i32
    %c0_i32_0 = arith.constant 0 : i32
    %c0_i32_1 = arith.constant 0 : i32
    return %c0_i32, %c0_i32_0 : i32, i32
  }
  func.func @transform_4(%arg0: i32) -> (i32, i32) {
    %c0_i32 = arith.constant 0 : i32
    %c0_i32_0 = arith.constant 0 : i32
    return %arg0, %c0_i32 : i32, i32
  }
}

</mosaic_0001>

<sc_bundles>
// kernel: kernel.11.cloned.1.call-start
scs
__scs_entry_jumppad:
0x0: {  	(pc) =	sbr.rel $0x88, $3  }
0x1: {  	(tag) =	ssettag $0x0;
	lr =	simm.s32 $0x1  }
0x2: {  	[smem:$0x3F9B] =	sst lr;
	_ =	strace $0xD0000000  }
0x3: {  	_ = 	snop  }
0x4: {  	_ = 	snop  }
0x5: {  	_ = 	snop  }
0x6: {  	_ = 	snop  }
0x7: {  	_ = 	snop  }
__scs_overlays_trampoline_lowered:
0x8: {  	[smem:$0x3FAA] =	sst s0  }
0x9: {  	[smem:$0x3FAB] =	sst s1  }
0xa: {  	[smem:$0x3FAC] =	sst s2  }
0xb: {  	[smem:$0x3FAD] =	sst s3  }
0xc: {  	[smem:$0x3FAE] =	sst s4  }
0xd: {  	[smem:$0x3FAF] =	sst s5  }
0xe: {  	[smem:$0x3FB0] =	sst s6  }
0xf: {  	[smem:$0x3FB1] =	sst s7  }
0x10: {  	[smem:$0x3FB2] =	sst s8  }
0x11: {  	[smem:$0x3FB3] =	sst s9;
	s0 =	simm.s32 @!p0 $0x0  }
0x12: {  	s1 =	sld [smem:$0x3F99];
	s0 =	simm.s32 @p0 $0x1  }
0x13: {  	[smem:$0x3FB4] =	sst s0;
	s0 =	simm.s32 @!p1 $0x0  }
0x14: {  	s2 =	sld [smem:$0x3F98];
	s0 =	simm.s32 @p1 $0x1  }
0x15: {  	[smem:$0x3FB5] =	sst s0;
	s0 =	simm.s32 @!p2 $0x0  }
0x16: {  	s3 =	sld [smem:$0x3FDB];
	s0 =	simm.s32 @p2 $0x1  }
0x17: {  	s4 =	simm.s32 $0x1BF5;
	[smem:$0x3FB7] =	sst s0  }
0x18: {  	s0 =	sld [smem:$0x3F9A];
	_ =	swait.ge [sflag:s4], $0x0  }
0x19: {  	s7 =	sld [smem:$0x3F9B]  }
0x1a: {  	s8 =	sadd.s32 $0xFFFFE003, lr  }
0x1b: {  	s9 =	sadd.s32 $0xFFFFFEF7, lr;
	s5 =	simm.s32 $0xFFFFFFFF;
	p2 =	slt.u32 s8, $0xFFFFF086  }
0x1c: {  	p1 =	slt.u32 s9, $0xF7A;
	s5 =	simm.s32 @!p2 $0x0  }
0x1d: {  	s5 =	simm.s32 @p1 $0x1;
	p0 =	seq.s32 s7, s2  }
0x1e: {  	s7 =	smul.u32 @!p0 $0xF7A, s2;
	p2 =	seq.s32 @!p0 s5, $0x0  }
0x1f: {  	s9 =	smul.u32 $0xF7A, s1;
	s8 =	simm.s32 @!p0 $0x1BF5;
	p2 =	por !p2, p0  }
0x20: {  	[sflag:s8] =	ssyncset.s32 @!p0 $0xFFFFF086;
	s6 =	sadd.s32 @!p0 s3, s7;
	s7 =	simm.s32 @!p0 $0x108  }
0x21: {  	s3 =	sadd.s32 s3, s9;
	s6 =	sadd.s32 @!p0 $0x88, s6;
	s7 =	simm.s32 @p2 $0x1082  }
0x22: {  	[simem:s7], [sflag:s8] =	dma.local @!p0 [hbm:s6], $0xF7A  }
0x23: {  	s9 =	sor.u32 $0xD0000000, s2;
	s6 =	simm.s32 $0x108;
	_ =	swait.ge @!p0 [sflag:s8], $0x0  }
0x24: {  	s3 =	sadd.s32 $0x88, s3;
	s6 =	simm.s32 @!p1 $0x1082;
	[sflag:s4] =	ssyncset.s32 $0xFFFFF086  }
0x25: {  	[simem:s6], [sflag:s4] =	dma.local [hbm:s3], $0xF7A  }
0x26: {  	[smem:$0x3F9B] =	sst s1;
	(tag) =	ssettag s2;
	_ =	strace s9  }
0x27: {  	s1 =	sld [smem:$0x3FAB]  }
0x28: {  	s2 =	sld [smem:$0x3FAC]  }
0x29: {  	s4 =	sld [smem:$0x3FAE]  }
0x2a: {  	p0 =	seq.s32 s5, $0x0;
	s5 =	sld [smem:$0x3FAF]  }
0x2b: {  	s6 =	sld [smem:$0x3FB0]  }
0x2c: {  	s7 =	sld [smem:$0x3FB1]  }
0x2d: {  	s3 =	simm.s32 $0x108;
	s8 =	sld [smem:$0x3FB2]  }
0x2e: {  	s3 =	simm.s32 @!p0 $0x1082;
	s9 =	sld [smem:$0x3FB3]  }
0x2f: {  	lr =	sadd.s32 s0, s3;
	s0 =	sld [smem:$0x3FAA]  }
0x30: {  	s3 =	sld [smem:$0x3FAD]  }
0x31: {  	[smem:$0x3FB6] =	sst s10  }
0x32: {  	s10 =	sld [smem:$0x3FB4];
	_ =	sdelay $0x3  }
0x33: {  	p0 =	seq.s32 s10, $0x1;
	s10 =	sld [smem:$0x3FB6];
	_ =	sdelay $0x3  }
0x34: {  	[smem:$0x3FB6] =	sst s10  }
0x35: {  	s10 =	sld [smem:$0x3FB5];
	_ =	sdelay $0x3  }
0x36: {  	p1 =	seq.s32 s10, $0x1;
	s10 =	sld [smem:$0x3FB6];
	_ =	sdelay $0x3  }
0x37: {  	[smem:$0x3FB6] =	sst s10  }
0x38: {  	s10 =	sld [smem:$0x3FB7]  }
0x39: {  	_ = 	snop;
	(pc) =	sbr.ind lr, $3  }
0x3a: {  	_ = 	snop  }
0x3b: {  	_ = 	snop  }
0x3c: {  	p2 =	seq.s32 s10, $0x1;
	s10 =	sld [smem:$0x3FB6]  }
0x3d: {  	_ =	shalt  }
0x3e: {  	_ =	shalt  }
0x3f: {  	_ =	shalt  }
0x40: {  	_ =	shalt  }
0x41: {  	_ =	shalt  }
0x42: {  	_ =	shalt  }
0x43: {  	_ =	shalt  }
0x44: {  	_ =	shalt  }
0x45: {  	_ =	shalt  }
0x46: {  	_ =	shalt  }
0x47: {  	_ =	shalt  }
0x48: {  	_ =	shalt  }
0x49: {  	_ =	shalt  }
0x4a: {  	_ =	shalt  }
0x4b: {  	_ =	shalt  }
0x4c: {  	_ =	shalt  }
0x4d: {  	_ =	shalt  }
0x4e: {  	_ =	shalt  }
0x4f: {  	_ =	shalt  }
0x50: {  	_ =	shalt  }
0x51: {  	_ =	shalt  }
0x52: {  	_ =	shalt  }
0x53: {  	_ =	shalt  }
0x54: {  	_ =	shalt  }
0x55: {  	_ =	shalt  }
0x56: {  	_ =	shalt  }
0x57: {  	_ =	shalt  }
0x58: {  	_ =	shalt  }
0x59: {  	_ =	shalt  }
0x5a: {  	_ =	shalt  }
0x5b: {  	_ =	shalt  }
0x5c: {  	_ =	shalt  }
0x5d: {  	_ =	shalt  }
0x5e: {  	_ =	shalt  }
0x5f: {  	_ =	shalt  }
0x60: {  	_ =	shalt  }
0x61: {  	_ =	shalt  }
0x62: {  	_ =	shalt  }
0x63: {  	_ =	shalt  }
0x64: {  	_ =	shalt  }
0x65: {  	_ =	shalt  }
0x66: {  	_ =	shalt  }
0x67: {  	_ =	shalt  }
0x68: {  	_ =	shalt  }
0x69: {  	_ =	shalt  }
0x6a: {  	_ =	shalt  }
0x6b: {  	_ =	shalt  }
0x6c: {  	_ =	shalt  }
0x6d: {  	_ =	shalt  }
0x6e: {  	_ =	shalt  }
0x6f: {  	_ =	shalt  }
0x70: {  	_ =	shalt  }
0x71: {  	_ =	shalt  }
0x72: {  	_ =	shalt  }
0x73: {  	_ =	shalt  }
0x74: {  	_ =	shalt  }
0x75: {  	_ =	shalt  }
0x76: {  	_ =	shalt  }
0x77: {  	_ =	shalt  }
0x78: {  	_ =	shalt  }
0x79: {  	_ =	shalt  }
0x7a: {  	_ =	shalt  }
0x7b: {  	_ =	shalt  }
0x7c: {  	_ =	shalt  }
0x7d: {  	_ =	shalt  }
0x7e: {  	_ =	shalt  }
0x7f: {  	_ =	shalt  }
0x80: {  	_ =	shalt  }
0x81: {  	_ =	shalt  }
0x82: {  	_ =	shalt  }
0x83: {  	_ =	shalt  }
0x84: {  	_ =	shalt  }
0x85: {  	_ =	shalt  }
0x86: {  	_ =	shalt  }
0x87: {  	_ =	shalt  }
.Lfunc_end0:
.L_simem_size_0:
called_computation.1_lowered:
.L_overlay_start_0:
0x88: {  	s2 =	sld [smem:$0x3FD9]  }
0x89: {  	s3 =	sld [smem:$0x3FFE];
	_ =	sdelay $0x1  }
0x8a: {  	s1 =	srdreg.scid  }
0x8b: {  	s0 =	sand.u32 $0x1, s1  }
0x8c: {  	s16 =	sshll.u32 s0, $0xA;
	s2 =	sadd.s32 s3, s2  }
0x8d: {  	s2 =	sadd.s32 s2, s16  }
0x8e: {  	[smem:$0x3FC2] =	sst s2  }
0x8f: {  	_ = 	snop  }
0x90: {  	(tm) =	ssettm $0x1  }
0x91: {  	s17 =	sld [smem:$0x3FFB];
	_ =	sdelay $0x3  }
0x92: {  	_ =	strace s17  }
0x93: {  	s2 =	sld [smem:$0x3FFC];
	_ =	sdelay $0x3  }
0x94: {  	_ =	strace s2  }
0x95: {  	s2 =	sld [smem:$0x3FFD];
	_ =	sdelay $0x3  }
0x96: {  	_ =	strace s2  }
0x97: {  	_ =	strace $0x8FFFFFFF  }
0x98: {  	s18 =	sld [smem:$0x3FDB];
	_ =	sdelay $0x1  }
0x99: {  	s19 =	simm.s32 $_scs_section_size  }
0x9a: {  	s4 =	simm.s32 $_size__tile_overlayer_lowered;
	s5 =	simm.s32 $_tile_overlayer_lowered  }
0x9b: {  	s22 =	simm.s32 $0x1BFF;
	s21 =	sshll.u32 s5, $0x1;
	s2 =	sadd.s32 s19, s18  }
0x9c: {  	s6 =	simm.s32 $0x0;
	s20 =	sshll.u32 s4, $0x1;
	s4 =	sadd.s32 s21, s2  }
0x9d: {  	[timem:s6], [sflag:s22] =	dma.local [hbm:s4], s20  }
0x9e: {  	_ =	swait.ge [sflag:s22], s20  }
0x9f: {  	s3 =	ssub.s32 $0x0, s20;
	[sflag:s22] =	ssyncset.done $0x0  }
0xa0: {  	[sflag:s22] =	ssyncadd.s32 s3;
	_ =	sdelay $0x1  }
0xa1: {  	s23 =	simm.s32 $0x1B8B  }
0xa2: {  	_ =	swait.ge [sflag:s23], $0x1  }
0xa3: {  	[sflag:s23] =	ssyncset.done $0x0  }
0xa4: {  	s25 =	simm.s32 $0x1B8E;
	s24 =	sld [smem:$0x3FFE];
	[sflag:s23] =	ssyncadd.s32 $0xFFFFFFFF  }
0xa5: {  	s26 =	simm.s32 $execute0_lowered;
	[smem:$0x3FD2] =	sst s25  }
0xa6: {  	s4 =	sshll.u32 s26, $0x1;
	_ =	strace $0x80000049;
	[dreg:$0x1] =	wrdreg $0xFFFFFFFF  }
0xa7: {  	s28 =	simm.s32 $_size_execute0_lowered;
	s2 =	sadd.s32 s2, s4;
	[dreg:$0x0] =	wrdreg $0x0  }
0xa8: {  	s4 =	sshll.u32 s28, $0x1;
	[dreg:$0x2] =	wrdreg s2  }
0xa9: {  	[dreg:$0x3] =	wrdreg s4  }
0xaa: {  	[dreg:$0x4] =	wrdreg $0xC0  }
0xab: {  	_ =	task [dreg:s6], $0x5FFFF  }
0xac: {  	[dreg:$0x1] =	wrdreg $0xFFFFFFFF  }
0xad: {  	[dreg:$0x0] =	wrdreg $0x60  }
0xae: {  	[dreg:$0x2] =	wrdreg s24  }
0xaf: {  	[dreg:$0x3] =	wrdreg $0x188000  }
0xb0: {  	[dreg:$0x4] =	wrdreg $0x160000  }
0xb1: {  	[dreg:$0x5] =	wrdreg $0x9  }
0xb2: {  	_ =	task.clear_ibuf [dreg:s6], $0x6FFFF;
	_ =	strace $0x90000049  }
0xb3: {  	s29 =	simm.s32 $0x9;
	_ =	strace $0x8000004B  }
0xb4: {  	_ =	swait.ge [sflag:s29], $0x1  }
0xb5: {  	[sflag:s29] =	ssyncadd.s32 $0xFFFFFFFF  }
0xb6: {  	_ =	strace $0x9000004B  }
0xb7: {  	_ =	sfence  }
0xb8: {  	s30 =	sld [smem:$0x0];
	_ =	sdelay $0x2  }
0xb9: {  	s31 =	sshll.u32 s1, $0xD;
	s1 =	sshrl.u32 s1, $0x2  }
0xba: {  	s3 =	sand.u32 $0x4000, s31;
	s1 =	sadd.s32 s1, s30  }
0xbb: {  	s0 =	sor.u32 s3, s0;
	s1 =	sshll.u32 s1, $0x11  }
0xbc: {  	s0 =	sor.u32 s1, s0  }
0xbd: {  	s0 =	sadd.s32 $0x8F2B, s0  }
0xbe: {  	[sflag:s0] =	ssyncadd.remote.s32 $0x1  }
0xbf: {  	_ =	sfence.sel $0xFFFF  }
0xc0: {  	[dreg:$0x0] =	wrdreg $0xFFFFFFFF;
	(pc) =	sbr.abs _section_cstart, $3  }
0xc1: {  	[dreg:$0x1] =	wrdreg $0xFFFFFFFF  }
0xc2: {  	_ =	task.clear_ibuf [dreg:s6], $0x2FFFF;
	_ =	strace $0x9FFFFFFF  }
0xc3: {  	(tm) =	ssettm $0x7FFFFFFF  }
tec
execute0_lowered:
.L_overlay_start_1:
0x0: {  	(tag) =	ssettag $0x1  }
0x1: {  	s11 =	stileid.u32;
	s3 =	rddreg [dreg:$0x0]  }
0x2: {  	s0 =	srdreg.scid;
	s1 =	rddreg [dreg:$0x1]  }
0x3: {  	s2 =	simm.s32 $0x0;
	s4 =	smul.u32 $0x2800, s11;
	s0 =	sand.u32 $0x1, s0  }
0x4: {  	[smem:$0x7FF] =	sst s2;
	s6 =	sadd.s32 $0x9000, s3;
	s7 =	sadd.s32 $0x13000, s3  }
0x5: {  	s9 =	smul.u32 $0x3000, s11;
	s13 =	sshll.u32 s11, $0xA;
	s31 =	sshll.u32 s11, $0x6  }
0x6: {  	s11 =	simm.s32 $0x3800;
	s5 =	smul.u32 $0x28000, s0;
	s10 =	ssub.s32 $0x2, s0  }
0x7: {  	p0 =	seq.s32 s0, $0x1;
	s15 =	sadd.s32 $0x6000, s13;
	s8 =	sshrl.u32 s4, $0x3  }
0x8: {  	s16 =	sshrl.u32 s10, $0x1;
	s9 =	sshrl.u32 s9, $0x3;
	s5 =	sadd.s32 s4, s5  }
0x9: {  	s8 =	sadd.s32 s8, s3;
	s17 =	sadd.s32 s6, s9;
	s18 =	sadd.s32 s7, s9  }
0xa: {  	s19 =	sor.u32 $0x100, s9;
	s20 =	sadd.s32 $0x200, s9;
	[dreg:$0x4] =	wrdreg s17  }
0xb: {  	s23 =	sadd.s32 $0x300, s9;
	[dreg:$0x5] =	wrdreg s18;
	s12 =	sadd.s32 s6, s19  }
0xc: {  	s21 =	sadd.s32 s6, s20;
	s22 =	sadd.s32 s7, s20;
	s20 =	rddreg [dreg:$0x2]  }
0xd: {  	s24 =	sadd.s32 $0x400, s9;
	s0 =	sadd.s32 s7, s19;
	[dreg:$0x6] =	wrdreg s12  }
0xe: {  	s5 =	sshrl.u32 s5, $0x3;
	s25 =	sadd.s32 s6, s23;
	[dreg:$0x7] =	wrdreg s0  }
0xf: {  	s26 =	sadd.s32 s6, s24;
	s17 =	sadd.s32 $0x6100, s13;
	[dreg:$0x8] =	wrdreg s21  }
0x10: {  	s19 =	sadd.s32 $0x6200, s13;
	s28 =	sadd.s32 $0x1D000, s8;
	[dreg:$0x9] =	wrdreg s22  }
0x11: {  	s3 =	sadd.s32 s5, s3;
	s5 =	ssub.s32 s10, s16;
	[dreg:$0xa] =	wrdreg s25  }
0x12: {  	s0 =	sadd.s32 s7, s23;
	[dreg:$0xc] =	wrdreg s26;
	s10 =	sadd.s32 s7, s24  }
0x13: {  	s12 =	sadd.s32 $0x500, s9;
	s16 =	sadd.s32 s6, s15;
	s18 =	sadd.s32 s6, s17  }
0x14: {  	s9 =	sadd.s32 $0x6300, s13;
	s21 =	sadd.s32 s6, s19;
	[dreg:$0xb] =	wrdreg s0  }
0x15: {  	s24 =	sadd.s32 s4, s1;
	s25 =	sadd.s32 s4, s20;
	[dreg:$0xd] =	wrdreg s10  }
0x16: {  	s26 =	sadd.s32 $0x3000, s8;
	s4 =	simm.s32 $0x1;
	[dreg:$0x10] =	wrdreg s16  }
0x17: {  	s8 =	simm.s32 $0x800;
	s14 =	sadd.s32 s6, s12;
	[dreg:$0x12] =	wrdreg s18  }
0x18: {  	s0 =	sadd.s32 s7, s12;
	[dreg:$0x14] =	wrdreg s21;
	s22 =	sadd.s32 s6, s9  }
0x19: {  	s23 =	sadd.s32 s7, s9;
	s29 =	sadd.s32 $0x22000, s3;
	[dreg:$0xe] =	wrdreg s14  }
0x1a: {  	s30 =	smax.u32 s5, $0x1;
	s3 =	simm.s32 $0x4;
	[dreg:$0xf] =	wrdreg s0  }
0x1b: {  	s5 =	simm.s32 $0x2;
	s6 =	simm.s32 $0x3;
	[dreg:$0x16] =	wrdreg s22  }
.Ltmp0:
0x1c: {  	s0 =	sadd.s32 s7, s15;
	[dreg:$0x17] =	wrdreg s23;
	(pc) =	sbr.rel .LBB2_1-.Ltmp0, $4  }
0x1d: {  	s9 =	simm.s32 $0xE000;
	[dreg:$0x11] =	wrdreg s0;
	s0 =	sadd.s32 s7, s17  }
0x1e: {  	s10 =	simm.s32 $0x3000;
	[dreg:$0x13] =	wrdreg s0;
	s0 =	sadd.s32 s7, s19  }
0x1f: {  	s12 =	simm.s32 $0x1000;
	s19 =	sshrl.u32 s24, $0x3;
	[dreg:$0x15] =	wrdreg s0  }
0x20: {  	s7 =	simm.s32 $0x6000;
	s0 =	sor.u32 $0x1C03, s31;
	_ =	strace $0x8000004A  }
.LBB2_3:
0x21: {  	s15 =	rddreg [dreg:$0x10]  }
0x22: {  	[tilespmem:s2], [sflag:$0x1] =	stream.linear.gather [hbm4b:s15+s2], $0x800, $0x38;
	[tilespmem:$0x1B000] =	vst v63  }
0x23: {  	s16 =	rddreg [dreg:$0x11];
	s15 =	simm.s32 $0x3000  }
0x24: {  	[tilespmem:s15], [sflag:$0x2] =	stream.linear.gather [hbm4b:s16+s2], $0x800, $0x38;
	[tilespmem:$0x1B000] =	vst v63  }
0x25: {  	s21 =	simm.s32 $0x800;
	s22 =	rddreg [dreg:$0x12]  }
0x26: {  	[tilespmem:s21], [sflag:$0x1] =	stream.linear.gather [hbm4b:s22+s2], $0x800, $0x38;
	[tilespmem:$0x1B000] =	vst v63  }
0x27: {  	s17 =	rddreg [dreg:$0x13];
	s16 =	simm.s32 $0x3800  }
0x28: {  	[tilespmem:s16], [sflag:$0x2] =	stream.linear.gather [hbm4b:s17+s2], $0x800, $0x38;
	[tilespmem:$0x1B000] =	vst v63  }
0x29: {  	s23 =	rddreg [dreg:$0x14];
	s22 =	simm.s32 $0x1000  }
0x2a: {  	[tilespmem:s22], [sflag:$0x1] =	stream.linear.gather [hbm4b:s23+s2], $0x800, $0x38;
	[tilespmem:$0x1B000] =	vst v63  }
0x2b: {  	s18 =	rddreg [dreg:$0x15];
	s17 =	simm.s32 $0x4000  }
0x2c: {  	[tilespmem:s17], [sflag:$0x2] =	stream.linear.gather [hbm4b:s18+s2], $0x800, $0x38;
	[tilespmem:$0x1B000] =	vst v63  }
0x2d: {  	s24 =	rddreg [dreg:$0x16];
	s23 =	simm.s32 $0x1800  }
0x2e: {  	[tilespmem:s23], [sflag:$0x1] =	stream.linear.gather [hbm4b:s24+s2], $0x800, $0x38;
	[tilespmem:$0x1B000] =	vst v63  }
0x2f: {  	s18 =	simm.s32 $0x4800;
	s24 =	rddreg [dreg:$0x17]  }
0x30: {  	[tilespmem:s18], [sflag:$0x2] =	stream.linear.gather [hbm4b:s24+s2], $0x800, $0x38;
	[tilespmem:$0x1B000] =	vst v63  }
0x31: {  	_ =	swait.ge [sflag:s4], $0x800  }
0x32: {  	[sflag:s4] =	ssyncset.done $0x0  }
0x33: {  	[sflag:s4] =	ssyncadd.s32 $0xFFFFF800  }
0x34: {  	_ =	swait.ge [sflag:s5], $0x800  }
0x35: {  	[sflag:s5] =	ssyncset.done $0x0  }
0x36: {  	[sflag:s5] =	ssyncadd.s32 $0xFFFFF800  }
0x37: {  	_ =	swait.ge [sflag:s4], $0x800  }
0x38: {  	[sflag:s4] =	ssyncset.done $0x0  }
0x39: {  	[sflag:s4] =	ssyncadd.s32 $0xFFFFF800  }
0x3a: {  	_ =	swait.ge [sflag:s5], $0x800  }
0x3b: {  	[sflag:s5] =	ssyncset.done $0x0  }
0x3c: {  	[sflag:s5] =	ssyncadd.s32 $0xFFFFF800  }
0x3d: {  	_ =	swait.ge [sflag:s4], $0x800  }
0x3e: {  	[sflag:s4] =	ssyncset.done $0x0  }
0x3f: {  	[sflag:s4] =	ssyncadd.s32 $0xFFFFF800  }
0x40: {  	_ =	swait.ge [sflag:s5], $0x800  }
0x41: {  	[sflag:s5] =	ssyncset.done $0x0  }
0x42: {  	[sflag:s5] =	ssyncadd.s32 $0xFFFFF800  }
0x43: {  	_ =	swait.ge [sflag:s4], $0x800  }
0x44: {  	[sflag:s4] =	ssyncset.done $0x0  }
0x45: {  	[sflag:s4] =	ssyncadd.s32 $0xFFFFF800  }
0x46: {  	_ =	swait.ge [sflag:s5], $0x800  }
0x47: {  	[sflag:s5] =	ssyncset.done $0x0  }
0x48: {  	[sflag:s5] =	ssyncadd.s32 $0xFFFFF800  }
0x49: {  	_ =	swait.ge [sflag:s6], $0x500  }
0x4a: {  	[sflag:s6] =	ssyncset.done $0x0  }
0x4b: {  	[sflag:s6] =	ssyncadd.s32 $0xFFFFFB00  }
0x4c: {  	[bflag:$0x0] =	sbarrier.arrive $0xFFFF  }
0x4d: {  	[tilespmem:s7], [sflag:$0x1] =	stream.indirect.gather [spmem:s1], $0x10, s2, s21, $0xb8;
	[tilespmem:$0x1B000] =	vst v63  }
.LBB2_4:
0x4e: {  	[tilespmem:s9], [sflag:$0x2] =	stream.indirect.gather [spmem:s1], $0x10, s21, s8, $0xb8;
	[tilespmem:$0x1B000] =	vst v63  }
0x4f: {  	_ =	swait.ge [sflag:s4], $0x8000  }
0x50: {  	[sflag:s4] =	ssyncset.done $0x0  }
0x51: {  	[sflag:s4] =	ssyncadd.s32 $0xFFFF8000  }
0x52: {  	[spmem:s20] =	stream.indirect.scatter.add.f32 [tilespmem:s7], [sflag:$0x4], $0x10, s15, s8, $0xb8;
	[tilespmem:$0x1B000] =	vst v63  }
0x53: {  	_ =	swait.ge [sflag:s3], $0x8000  }
0x54: {  	[sflag:s3] =	ssyncset.done $0x0  }
0x55: {  	[sflag:s3] =	ssyncadd.s32 $0xFFFF8000  }
0x56: {  	[tilespmem:s7], [sflag:$0x1] =	stream.indirect.gather [spmem:s1], $0x10, s22, s8, $0xb8;
	[tilespmem:$0x1B000] =	vst v63  }
0x57: {  	_ =	swait.ge [sflag:s5], $0x8000  }
0x58: {  	[sflag:s5] =	ssyncset.done $0x0  }
0x59: {  	[sflag:s5] =	ssyncadd.s32 $0xFFFF8000  }
0x5a: {  	[spmem:s20] =	stream.indirect.scatter.add.f32 [tilespmem:s9], [sflag:$0x4], $0x10, s16, s8, $0xb8;
	[tilespmem:$0x1B000] =	vst v63  }
0x5b: {  	_ =	swait.ge [sflag:s3], $0x8000  }
0x5c: {  	[sflag:s3] =	ssyncset.done $0x0  }
0x5d: {  	[sflag:s3] =	ssyncadd.s32 $0xFFFF8000  }
0x5e: {  	[tilespmem:s9], [sflag:$0x2] =	stream.indirect.gather [spmem:s1], $0x10, s23, s8, $0xb8;
	[tilespmem:$0x1B000] =	vst v63  }
0x5f: {  	_ =	swait.ge [sflag:s4], $0x8000  }
0x60: {  	[sflag:s4] =	ssyncset.done $0x0  }
0x61: {  	[sflag:s4] =	ssyncadd.s32 $0xFFFF8000  }
0x62: {  	[spmem:s20] =	stream.indirect.scatter.add.f32 [tilespmem:s7], [sflag:$0x4], $0x10, s17, s8, $0xb8;
	[tilespmem:$0x1B000] =	vst v63  }
0x63: {  	_ =	swait.ge [sflag:s3], $0x8000  }
0x64: {  	[sflag:s3] =	ssyncset.done $0x0  }
0x65: {  	[sflag:s3] =	ssyncadd.s32 $0xFFFF8000  }
0x66: {  	_ =	swait.ge [sflag:s5], $0x8000  }
0x67: {  	[sflag:s5] =	ssyncset.done $0x0  }
0x68: {  	[sflag:s5] =	ssyncadd.s32 $0xFFFF8000  }
0x69: {  	[spmem:s20] =	stream.indirect.scatter.add.f32 [tilespmem:s9], [sflag:$0x4], $0x10, s18, s8, $0xb8;
	[tilespmem:$0x1B000] =	vst v63  }
0x6a: {  	_ =	swait.ge [sflag:s3], $0x8000  }
0x6b: {  	s30 =	sadd.s32 $0xFFFFFFFF, s30;
	[sflag:s3] =	ssyncset.done $0x0  }
0x6c: {  	p1 =	sne.s32 s30, $0x0;
	[sflag:s3] =	ssyncadd.s32 $0xFFFF8000  }
.Ltmp1:
0x6d: {  	[bflag:$0x0] =	sbarrier.arrive $0xFFFF;
	(pc) =	sbr.rel @!p1 .LBB2_5-.Ltmp1, $4  }
0x6e: {  	[hbm:s29], [sflag:s13] =	dma.local [spmem:s14], $0x500  }
0x6f: {  	_ =	swait.ge [sflag:s3], $0x500  }
0x70: {  	[sflag:s3] =	ssyncset.done $0x0  }
0x71: {  	[sflag:s3] =	ssyncadd.s32 $0xFFFFFB00  }
.LBB2_1:
0x72: {  	[spmem:s19], [sflag:s0] =	dma.local [hbm:s26], $0x500  }
.Ltmp2:
0x73: {  	s13 =	sor.u32 $0x1C04, s31;
	s14 =	sshrl.u32 s25, $0x3;
	(pc) =	sbr.rel @p0 .LBB2_3-.Ltmp2, $4  }
0x74: {  	[spmem:s14], [sflag:s13] =	dma.local [hbm:s28], $0x500  }
0x75: {  	_ =	swait.ge [sflag:s3], $0x500  }
0x76: {  	[sflag:s3] =	ssyncset.done $0x0  }
0x77: {  	[sflag:s3] =	ssyncadd.s32 $0xFFFFFB00  }
0x78: {  	s15 =	rddreg [dreg:$0x4]  }
0x79: {  	[tilespmem:s2], [sflag:$0x1] =	stream.linear.gather [hbm4b:s15+s2], $0x800, $0x38;
	[tilespmem:$0x1B000] =	vst v63  }
0x7a: {  	s16 =	rddreg [dreg:$0x5]  }
0x7b: {  	[tilespmem:s10], [sflag:$0x2] =	stream.linear.gather [hbm4b:s16+s2], $0x800, $0x38;
	[tilespmem:$0x1B000] =	vst v63  }
0x7c: {  	s17 =	rddreg [dreg:$0x6]  }
0x7d: {  	[tilespmem:s8], [sflag:$0x1] =	stream.linear.gather [hbm4b:s17+s2], $0x800, $0x38;
	[tilespmem:$0x1B000] =	vst v63  }
0x7e: {  	s18 =	rddreg [dreg:$0x7]  }
0x7f: {  	[tilespmem:s11], [sflag:$0x2] =	stream.linear.gather [hbm4b:s18+s2], $0x800, $0x38;
	[tilespmem:$0x1B000] =	vst v63  }
0x80: {  	s21 =	rddreg [dreg:$0x8]  }
0x81: {  	[tilespmem:s12], [sflag:$0x1] =	stream.linear.gather [hbm4b:s21+s2], $0x800, $0x38;
	[tilespmem:$0x1B000] =	vst v63  }
0x82: {  	s15 =	simm.s32 $0x4000;
	s16 =	rddreg [dreg:$0x9]  }
0x83: {  	[tilespmem:s15], [sflag:$0x2] =	stream.linear.gather [hbm4b:s16+s2], $0x800, $0x38;
	[tilespmem:$0x1B000] =	vst v63  }
0x84: {  	s22 =	rddreg [dreg:$0xa];
	s21 =	simm.s32 $0x1800  }
0x85: {  	[tilespmem:s21], [sflag:$0x1] =	stream.linear.gather [hbm4b:s22+s2], $0x800, $0x38;
	[tilespmem:$0x1B000] =	vst v63  }
0x86: {  	s17 =	rddreg [dreg:$0xb];
	s16 =	simm.s32 $0x4800  }
0x87: {  	[tilespmem:s16], [sflag:$0x2] =	stream.linear.gather [hbm4b:s17+s2], $0x800, $0x38;
	[tilespmem:$0x1B000] =	vst v63  }
0x88: {  	s23 =	rddreg [dreg:$0xc];
	s22 =	simm.s32 $0x2000  }
0x89: {  	[tilespmem:s22], [sflag:$0x1] =	stream.linear.gather [hbm4b:s23+s2], $0x800, $0x38;
	[tilespmem:$0x1B000] =	vst v63  }
0x8a: {  	s18 =	rddreg [dreg:$0xd];
	s17 =	simm.s32 $0x5000  }
0x8b: {  	[tilespmem:s17], [sflag:$0x2] =	stream.linear.gather [hbm4b:s18+s2], $0x800, $0x38;
	[tilespmem:$0x1B000] =	vst v63  }
0x8c: {  	s24 =	rddreg [dreg:$0xe];
	s23 =	simm.s32 $0x2800  }
0x8d: {  	[tilespmem:s23], [sflag:$0x1] =	stream.linear.gather [hbm4b:s24+s2], $0x800, $0x38;
	[tilespmem:$0x1B000] =	vst v63  }
0x8e: {  	s18 =	simm.s32 $0x5800;
	s24 =	rddreg [dreg:$0xf]  }
0x8f: {  	[tilespmem:s18], [sflag:$0x2] =	stream.linear.gather [hbm4b:s24+s2], $0x800, $0x38;
	[tilespmem:$0x1B000] =	vst v63  }
0x90: {  	_ =	swait.ge [sflag:s4], $0x800  }
0x91: {  	[sflag:s4] =	ssyncset.done $0x0  }
0x92: {  	[sflag:s4] =	ssyncadd.s32 $0xFFFFF800  }
0x93: {  	_ =	swait.ge [sflag:s5], $0x800  }
0x94: {  	[sflag:s5] =	ssyncset.done $0x0  }
0x95: {  	[sflag:s5] =	ssyncadd.s32 $0xFFFFF800  }
0x96: {  	_ =	swait.ge [sflag:s4], $0x800  }
0x97: {  	[sflag:s4] =	ssyncset.done $0x0  }
0x98: {  	[sflag:s4] =	ssyncadd.s32 $0xFFFFF800  }
0x99: {  	_ =	swait.ge [sflag:s5], $0x800  }
0x9a: {  	[sflag:s5] =	ssyncset.done $0x0  }
0x9b: {  	[sflag:s5] =	ssyncadd.s32 $0xFFFFF800  }
0x9c: {  	_ =	swait.ge [sflag:s4], $0x800  }
0x9d: {  	[sflag:s4] =	ssyncset.done $0x0  }
0x9e: {  	[sflag:s4] =	ssyncadd.s32 $0xFFFFF800  }
0x9f: {  	_ =	swait.ge [sflag:s5], $0x800  }
0xa0: {  	[sflag:s5] =	ssyncset.done $0x0  }
0xa1: {  	[sflag:s5] =	ssyncadd.s32 $0xFFFFF800  }
0xa2: {  	_ =	swait.ge [sflag:s4], $0x800  }
0xa3: {  	[sflag:s4] =	ssyncset.done $0x0  }
0xa4: {  	[sflag:s4] =	ssyncadd.s32 $0xFFFFF800  }
0xa5: {  	_ =	swait.ge [sflag:s5], $0x800  }
0xa6: {  	[sflag:s5] =	ssyncset.done $0x0  }
0xa7: {  	[sflag:s5] =	ssyncadd.s32 $0xFFFFF800  }
0xa8: {  	_ =	swait.ge [sflag:s4], $0x800  }
0xa9: {  	[sflag:s4] =	ssyncset.done $0x0  }
0xaa: {  	[sflag:s4] =	ssyncadd.s32 $0xFFFFF800  }
0xab: {  	_ =	swait.ge [sflag:s5], $0x800  }
0xac: {  	[sflag:s5] =	ssyncset.done $0x0  }
0xad: {  	[sflag:s5] =	ssyncadd.s32 $0xFFFFF800  }
0xae: {  	_ =	swait.ge [sflag:s4], $0x800  }
0xaf: {  	[sflag:s4] =	ssyncset.done $0x0  }
0xb0: {  	[sflag:s4] =	ssyncadd.s32 $0xFFFFF800  }
0xb1: {  	_ =	swait.ge [sflag:s5], $0x800  }
0xb2: {  	[sflag:s5] =	ssyncset.done $0x0  }
0xb3: {  	[sflag:s5] =	ssyncadd.s32 $0xFFFFF800  }
0xb4: {  	_ =	swait.ge [sflag:s6], $0x500  }
0xb5: {  	[sflag:s6] =	ssyncset.done $0x0  }
0xb6: {  	[sflag:s6] =	ssyncadd.s32 $0xFFFFFB00  }
0xb7: {  	[bflag:$0x0] =	sbarrier.arrive $0xFFFF  }
0xb8: {  	[tilespmem:s7], [sflag:$0x1] =	stream.indirect.gather [spmem:s1], $0x10, s2, s8, $0xb8;
	[tilespmem:$0x1B000] =	vst v63  }
0xb9: {  	_ = 	snop  }
0xba: {  	[tilespmem:s9], [sflag:$0x2] =	stream.indirect.gather [spmem:s1], $0x10, s8, s8, $0xb8;
	[tilespmem:$0x1B000] =	vst v63  }
0xbb: {  	_ =	swait.ge [sflag:s4], $0x8000  }
0xbc: {  	[sflag:s4] =	ssyncset.done $0x0  }
0xbd: {  	[sflag:s4] =	ssyncadd.s32 $0xFFFF8000  }
0xbe: {  	[spmem:s20] =	stream.indirect.scatter.add.f32 [tilespmem:s7], [sflag:$0x4], $0x10, s10, s8, $0xb8;
	[tilespmem:$0x1B000] =	vst v63  }
0xbf: {  	_ =	swait.ge [sflag:s3], $0x8000  }
0xc0: {  	[sflag:s3] =	ssyncset.done $0x0  }
0xc1: {  	[sflag:s3] =	ssyncadd.s32 $0xFFFF8000  }
0xc2: {  	[tilespmem:s7], [sflag:$0x1] =	stream.indirect.gather [spmem:s1], $0x10, s12, s8, $0xb8;
	[tilespmem:$0x1B000] =	vst v63  }
0xc3: {  	_ =	swait.ge [sflag:s5], $0x8000  }
0xc4: {  	[sflag:s5] =	ssyncset.done $0x0  }
.Ltmp3:
0xc5: {  	[sflag:s5] =	ssyncadd.s32 $0xFFFF8000;
	(pc) =	sbr.rel .LBB2_4-.Ltmp3, $4  }
0xc6: {  	[spmem:s20] =	stream.indirect.scatter.add.f32 [tilespmem:s9], [sflag:$0x4], $0x10, s11, s8, $0xb8;
	[tilespmem:$0x1B000] =	vst v63  }
0xc7: {  	_ =	swait.ge [sflag:s3], $0x8000  }
0xc8: {  	[sflag:s3] =	ssyncset.done $0x0  }
0xc9: {  	[sflag:s3] =	ssyncadd.s32 $0xFFFF8000  }
.LBB2_5:
0xca: {  	_ =	sfence.sel $0x180000  }
0xcb: {  	[bflag:$0x0] =	sbarrier.arrive $0xFFFF  }
0xcc: {  	_ =	strace $0x9000004A  }
0xcd: {  	s0 =	stileid.u32;
	[bflag:$0x2] =	sbarrier.arrive $0xFFFF  }
0xce: {  	p0 =	sne.s32 s0, $0x0;
	s0 =	rddreg [dreg:$0x3]  }
0xcf: {  	s0 =	sadd.s32 @!p0 $0x100000, s0  }
0xd0: {  	[sflag:s0] =	ssyncadd.tile.s32 @!p0 $0x1;
	_ =	shalt  }
.Lfunc_end2:
_tile_overlayer_lowered:
.L_overlay_start_2:
0xd1: {  	(tag) =	ssettag $0x2  }
0xd2: {  	s0 =	rddreg [dreg:$0x0];
	s2 =	stileid.u32  }
0xd3: {  	s1 =	rddreg [dreg:$0x1];
	p0 =	sne.s32 s2, $0x0  }
0xd4: {  	s3 =	rddreg [dreg:$0x2];
	[bflag:$0x3] =	sbarrier.arrive $0xFFFF;
	s2 =	simm.s32 @!p0 $0x1C04  }
0xd5: {  	[timem:s3], [sflag:s2] =	dma.local @!p0 [hbm:s0], s1  }
0xd6: {  	s0 =	simm.s32 @!p0 $0x4  }
0xd7: {  	_ =	swait.ge @!p0 [sflag:s0], s1  }
0xd8: {  	s1 =	ssub.s32 @!p0 $0x0, s1;
	[sflag:s0] =	ssyncset.done @!p0 $0x0  }
0xd9: {  	[sflag:s0] =	ssyncadd.s32 @!p0 s1  }
0xda: {  	[bflag:$0x3] =	sbarrier.arrive $0xFFFF  }
0xdb: {  	_ =	shalt  }

// kernel: kernel.14.cloned.1.call-start
scs
__scs_entry_jumppad:
0x0: {  	(pc) =	sbr.rel $0x88, $3  }
0x1: {  	(tag) =	ssettag $0x0;
	lr =	simm.s32 $0x1  }
0x2: {  	[smem:$0x3F9B] =	sst lr;
	_ =	strace $0xD0000000  }
0x3: {  	_ = 	snop  }
0x4: {  	_ = 	snop  }
0x5: {  	_ = 	snop  }
0x6: {  	_ = 	snop  }
0x7: {  	_ = 	snop  }
__scs_overlays_trampoline_lowered:
0x8: {  	[smem:$0x3FAA] =	sst s0  }
0x9: {  	[smem:$0x3FAB] =	sst s1  }
0xa: {  	[smem:$0x3FAC] =	sst s2  }
0xb: {  	[smem:$0x3FAD] =	sst s3  }
0xc: {  	[smem:$0x3FAE] =	sst s4  }
0xd: {  	[smem:$0x3FAF] =	sst s5  }
0xe: {  	[smem:$0x3FB0] =	sst s6  }
0xf: {  	[smem:$0x3FB1] =	sst s7  }
0x10: {  	[smem:$0x3FB2] =	sst s8  }
0x11: {  	[smem:$0x3FB3] =	sst s9;
	s0 =	simm.s32 @!p0 $0x0  }
0x12: {  	s1 =	sld [smem:$0x3F99];
	s0 =	simm.s32 @p0 $0x1  }
0x13: {  	[smem:$0x3FB4] =	sst s0;
	s0 =	simm.s32 @!p1 $0x0  }
0x14: {  	s2 =	sld [smem:$0x3F98];
	s0 =	simm.s32 @p1 $0x1  }
0x15: {  	[smem:$0x3FB5] =	sst s0;
	s0 =	simm.s32 @!p2 $0x0  }
0x16: {  	s3 =	sld [smem:$0x3FDB];
	s0 =	simm.s32 @p2 $0x1  }
0x17: {  	s4 =	simm.s32 $0x1BF5;
	[smem:$0x3FB7] =	sst s0  }
0x18: {  	s0 =	sld [smem:$0x3F9A];
	_ =	swait.ge [sflag:s4], $0x0  }
0x19: {  	s7 =	sld [smem:$0x3F9B]  }
0x1a: {  	s8 =	sadd.s32 $0xFFFFE003, lr  }
0x1b: {  	s9 =	sadd.s32 $0xFFFFFEF7, lr;
	s5 =	simm.s32 $0xFFFFFFFF;
	p2 =	slt.u32 s8, $0xFFFFF086  }
0x1c: {  	p1 =	slt.u32 s9, $0xF7A;
	s5 =	simm.s32 @!p2 $0x0  }
0x1d: {  	s5 =	simm.s32 @p1 $0x1;
	p0 =	seq.s32 s7, s2  }
0x1e: {  	s7 =	smul.u32 @!p0 $0xF7A, s2;
	p2 =	seq.s32 @!p0 s5, $0x0  }
0x1f: {  	s9 =	smul.u32 $0xF7A, s1;
	s8 =	simm.s32 @!p0 $0x1BF5;
	p2 =	por !p2, p0  }
0x20: {  	[sflag:s8] =	ssyncset.s32 @!p0 $0xFFFFF086;
	s6 =	sadd.s32 @!p0 s3, s7;
	s7 =	simm.s32 @!p0 $0x108  }
0x21: {  	s3 =	sadd.s32 s3, s9;
	s6 =	sadd.s32 @!p0 $0x88, s6;
	s7 =	simm.s32 @p2 $0x1082  }
0x22: {  	[simem:s7], [sflag:s8] =	dma.local @!p0 [hbm:s6], $0xF7A  }
0x23: {  	s9 =	sor.u32 $0xD0000000, s2;
	s6 =	simm.s32 $0x108;
	_ =	swait.ge @!p0 [sflag:s8], $0x0  }
0x24: {  	s3 =	sadd.s32 $0x88, s3;
	s6 =	simm.s32 @!p1 $0x1082;
	[sflag:s4] =	ssyncset.s32 $0xFFFFF086  }
0x25: {  	[simem:s6], [sflag:s4] =	dma.local [hbm:s3], $0xF7A  }
0x26: {  	[smem:$0x3F9B] =	sst s1;
	(tag) =	ssettag s2;
	_ =	strace s9  }
0x27: {  	s1 =	sld [smem:$0x3FAB]  }
0x28: {  	s2 =	sld [smem:$0x3FAC]  }
0x29: {  	s4 =	sld [smem:$0x3FAE]  }
0x2a: {  	p0 =	seq.s32 s5, $0x0;
	s5 =	sld [smem:$0x3FAF]  }
0x2b: {  	s6 =	sld [smem:$0x3FB0]  }
0x2c: {  	s7 =	sld [smem:$0x3FB1]  }
0x2d: {  	s3 =	simm.s32 $0x108;
	s8 =	sld [smem:$0x3FB2]  }
0x2e: {  	s3 =	simm.s32 @!p0 $0x1082;
	s9 =	sld [smem:$0x3FB3]  }
0x2f: {  	lr =	sadd.s32 s0, s3;
	s0 =	sld [smem:$0x3FAA]  }
0x30: {  	s3 =	sld [smem:$0x3FAD]  }
0x31: {  	[smem:$0x3FB6] =	sst s10  }
0x32: {  	s10 =	sld [smem:$0x3FB4];
	_ =	sdelay $0x3  }
0x33: {  	p0 =	seq.s32 s10, $0x1;
	s10 =	sld [smem:$0x3FB6];
	_ =	sdelay $0x3  }
0x34: {  	[smem:$0x3FB6] =	sst s10  }
0x35: {  	s10 =	sld [smem:$0x3FB5];
	_ =	sdelay $0x3  }
0x36: {  	p1 =	seq.s32 s10, $0x1;
	s10 =	sld [smem:$0x3FB6];
	_ =	sdelay $0x3  }
0x37: {  	[smem:$0x3FB6] =	sst s10  }
0x38: {  	s10 =	sld [smem:$0x3FB7]  }
0x39: {  	_ = 	snop;
	(pc) =	sbr.ind lr, $3  }
0x3a: {  	_ = 	snop  }
0x3b: {  	_ = 	snop  }
0x3c: {  	p2 =	seq.s32 s10, $0x1;
	s10 =	sld [smem:$0x3FB6]  }
0x3d: {  	_ =	shalt  }
0x3e: {  	_ =	shalt  }
0x3f: {  	_ =	shalt  }
0x40: {  	_ =	shalt  }
0x41: {  	_ =	shalt  }
0x42: {  	_ =	shalt  }
0x43: {  	_ =	shalt  }
0x44: {  	_ =	shalt  }
0x45: {  	_ =	shalt  }
0x46: {  	_ =	shalt  }
0x47: {  	_ =	shalt  }
0x48: {  	_ =	shalt  }
0x49: {  	_ =	shalt  }
0x4a: {  	_ =	shalt  }
0x4b: {  	_ =	shalt  }
0x4c: {  	_ =	shalt  }
0x4d: {  	_ =	shalt  }
0x4e: {  	_ =	shalt  }
0x4f: {  	_ =	shalt  }
0x50: {  	_ =	shalt  }
0x51: {  	_ =	shalt  }
0x52: {  	_ =	shalt  }
0x53: {  	_ =	shalt  }
0x54: {  	_ =	shalt  }
0x55: {  	_ =	shalt  }
0x56: {  	_ =	shalt  }
0x57: {  	_ =	shalt  }
0x58: {  	_ =	shalt  }
0x59: {  	_ =	shalt  }
0x5a: {  	_ =	shalt  }
0x5b: {  	_ =	shalt  }
0x5c: {  	_ =	shalt  }
0x5d: {  	_ =	shalt  }
0x5e: {  	_ =	shalt  }
0x5f: {  	_ =	shalt  }
0x60: {  	_ =	shalt  }
0x61: {  	_ =	shalt  }
0x62: {  	_ =	shalt  }
0x63: {  	_ =	shalt  }
0x64: {  	_ =	shalt  }
0x65: {  	_ =	shalt  }
0x66: {  	_ =	shalt  }
0x67: {  	_ =	shalt  }
0x68: {  	_ =	shalt  }
0x69: {  	_ =	shalt  }
0x6a: {  	_ =	shalt  }
0x6b: {  	_ =	shalt  }
0x6c: {  	_ =	shalt  }
0x6d: {  	_ =	shalt  }
0x6e: {  	_ =	shalt  }
0x6f: {  	_ =	shalt  }
0x70: {  	_ =	shalt  }
0x71: {  	_ =	shalt  }
0x72: {  	_ =	shalt  }
0x73: {  	_ =	shalt  }
0x74: {  	_ =	shalt  }
0x75: {  	_ =	shalt  }
0x76: {  	_ =	shalt  }
0x77: {  	_ =	shalt  }
0x78: {  	_ =	shalt  }
0x79: {  	_ =	shalt  }
0x7a: {  	_ =	shalt  }
0x7b: {  	_ =	shalt  }
0x7c: {  	_ =	shalt  }
0x7d: {  	_ =	shalt  }
0x7e: {  	_ =	shalt  }
0x7f: {  	_ =	shalt  }
0x80: {  	_ =	shalt  }
0x81: {  	_ =	shalt  }
0x82: {  	_ =	shalt  }
0x83: {  	_ =	shalt  }
0x84: {  	_ =	shalt  }
0x85: {  	_ =	shalt  }
0x86: {  	_ =	shalt  }
0x87: {  	_ =	shalt  }
.Lfunc_end0:
.L_simem_size_0:
called_computation.2_lowered:
.L_overlay_start_0:
0x88: {  	s2 =	sld [smem:$0x3FD9]  }
0x89: {  	s3 =	sld [smem:$0x3FFE];
	_ =	sdelay $0x1  }
0x8a: {  	s1 =	srdreg.scid  }
0x8b: {  	s0 =	sand.u32 $0x1, s1  }
0x8c: {  	s16 =	sshll.u32 s0, $0xA;
	s2 =	sadd.s32 s3, s2  }
0x8d: {  	s2 =	sadd.s32 s2, s16  }
0x8e: {  	[smem:$0x3FC2] =	sst s2  }
0x8f: {  	_ = 	snop  }
0x90: {  	(tm) =	ssettm $0x1  }
0x91: {  	s17 =	sld [smem:$0x3FFB];
	_ =	sdelay $0x3  }
0x92: {  	_ =	strace s17  }
0x93: {  	s2 =	sld [smem:$0x3FFC];
	_ =	sdelay $0x3  }
0x94: {  	_ =	strace s2  }
0x95: {  	s2 =	sld [smem:$0x3FFD];
	_ =	sdelay $0x3  }
0x96: {  	_ =	strace s2  }
0x97: {  	_ =	strace $0x8FFFFFFF  }
0x98: {  	s18 =	sld [smem:$0x3FDB];
	_ =	sdelay $0x1  }
0x99: {  	s19 =	simm.s32 $_scs_section_size  }
0x9a: {  	s4 =	simm.s32 $_size__tile_overlayer_lowered;
	s5 =	simm.s32 $_tile_overlayer_lowered  }
0x9b: {  	s22 =	simm.s32 $0x1BFF;
	s21 =	sshll.u32 s5, $0x1;
	s2 =	sadd.s32 s19, s18  }
0x9c: {  	s6 =	simm.s32 $0x0;
	s20 =	sshll.u32 s4, $0x1;
	s4 =	sadd.s32 s21, s2  }
0x9d: {  	[timem:s6], [sflag:s22] =	dma.local [hbm:s4], s20  }
0x9e: {  	_ =	swait.ge [sflag:s22], s20  }
0x9f: {  	s3 =	ssub.s32 $0x0, s20;
	[sflag:s22] =	ssyncset.done $0x0  }
0xa0: {  	[sflag:s22] =	ssyncadd.s32 s3;
	_ =	sdelay $0x1  }
0xa1: {  	s23 =	simm.s32 $0x1B8B  }
0xa2: {  	_ =	swait.ge [sflag:s23], $0x1  }
0xa3: {  	[sflag:s23] =	ssyncset.done $0x0  }
0xa4: {  	s25 =	simm.s32 $0x1B8E;
	s24 =	sld [smem:$0x3FFE];
	[sflag:s23] =	ssyncadd.s32 $0xFFFFFFFF  }
0xa5: {  	s26 =	simm.s32 $execute0_lowered;
	[smem:$0x3FD2] =	sst s25  }
0xa6: {  	s4 =	sshll.u32 s26, $0x1;
	_ =	strace $0x8000004C;
	[dreg:$0x1] =	wrdreg $0xFFFFFFFF  }
0xa7: {  	s28 =	simm.s32 $_size_execute0_lowered;
	s2 =	sadd.s32 s2, s4;
	[dreg:$0x0] =	wrdreg $0x0  }
0xa8: {  	s4 =	sshll.u32 s28, $0x1;
	[dreg:$0x2] =	wrdreg s2  }
0xa9: {  	[dreg:$0x3] =	wrdreg s4  }
0xaa: {  	[dreg:$0x4] =	wrdreg $0xC0  }
0xab: {  	_ =	task [dreg:s6], $0x5FFFF  }
0xac: {  	[dreg:$0x1] =	wrdreg $0xFFFFFFFF  }
0xad: {  	[dreg:$0x0] =	wrdreg $0x60  }
0xae: {  	[dreg:$0x2] =	wrdreg s24  }
0xaf: {  	[dreg:$0x3] =	wrdreg $0x188000  }
0xb0: {  	[dreg:$0x4] =	wrdreg $0x160000  }
0xb1: {  	[dreg:$0x5] =	wrdreg $0x9  }
0xb2: {  	_ =	task.clear_ibuf [dreg:s6], $0x6FFFF;
	_ =	strace $0x9000004C  }
0xb3: {  	s29 =	simm.s32 $0x9;
	_ =	strace $0x8000004E  }
0xb4: {  	_ =	swait.ge [sflag:s29], $0x1  }
0xb5: {  	[sflag:s29] =	ssyncadd.s32 $0xFFFFFFFF  }
0xb6: {  	_ =	strace $0x9000004E  }
0xb7: {  	_ =	sfence  }
0xb8: {  	s30 =	sld [smem:$0x0];
	_ =	sdelay $0x2  }
0xb9: {  	s31 =	sshll.u32 s1, $0xD;
	s1 =	sshrl.u32 s1, $0x2  }
0xba: {  	s3 =	sand.u32 $0x4000, s31;
	s1 =	sadd.s32 s1, s30  }
0xbb: {  	s0 =	sor.u32 s3, s0;
	s1 =	sshll.u32 s1, $0x11  }
0xbc: {  	s0 =	sor.u32 s1, s0  }
0xbd: {  	s0 =	sadd.s32 $0x8F2B, s0  }
0xbe: {  	[sflag:s0] =	ssyncadd.remote.s32 $0x1  }
0xbf: {  	_ =	sfence.sel $0xFFFF  }
0xc0: {  	[dreg:$0x0] =	wrdreg $0xFFFFFFFF;
	(pc) =	sbr.abs _section_cstart, $3  }
0xc1: {  	[dreg:$0x1] =	wrdreg $0xFFFFFFFF  }
0xc2: {  	_ =	task.clear_ibuf [dreg:s6], $0x2FFFF;
	_ =	strace $0x9FFFFFFF  }
0xc3: {  	(tm) =	ssettm $0x7FFFFFFF  }
tec
execute0_lowered:
.L_overlay_start_1:
0x0: {  	(tag) =	ssettag $0x1  }
0x1: {  	s11 =	stileid.u32;
	s3 =	rddreg [dreg:$0x0]  }
0x2: {  	s0 =	srdreg.scid;
	s1 =	rddreg [dreg:$0x1]  }
0x3: {  	s2 =	simm.s32 $0x0;
	s4 =	smul.u32 $0x2800, s11;
	s0 =	sand.u32 $0x1, s0  }
0x4: {  	[smem:$0x7FF] =	sst s2;
	s6 =	sadd.s32 $0x9000, s3;
	s7 =	sadd.s32 $0x13000, s3  }
0x5: {  	s9 =	smul.u32 $0x3000, s11;
	s13 =	sshll.u32 s11, $0xA;
	s31 =	sshll.u32 s11, $0x6  }
0x6: {  	s11 =	simm.s32 $0x3800;
	s5 =	smul.u32 $0x28000, s0;
	s10 =	ssub.s32 $0x2, s0  }
0x7: {  	p0 =	seq.s32 s0, $0x1;
	s15 =	sadd.s32 $0x6000, s13;
	s8 =	sshrl.u32 s4, $0x3  }
0x8: {  	s16 =	sshrl.u32 s10, $0x1;
	s9 =	sshrl.u32 s9, $0x3;
	s5 =	sadd.s32 s4, s5  }
0x9: {  	s8 =	sadd.s32 s8, s3;
	s17 =	sadd.s32 s6, s9;
	s18 =	sadd.s32 s7, s9  }
0xa: {  	s19 =	sor.u32 $0x100, s9;
	s20 =	sadd.s32 $0x200, s9;
	[dreg:$0x4] =	wrdreg s17  }
0xb: {  	s23 =	sadd.s32 $0x300, s9;
	[dreg:$0x5] =	wrdreg s18;
	s12 =	sadd.s32 s6, s19  }
0xc: {  	s21 =	sadd.s32 s6, s20;
	s22 =	sadd.s32 s7, s20;
	s20 =	rddreg [dreg:$0x2]  }
0xd: {  	s24 =	sadd.s32 $0x400, s9;
	s0 =	sadd.s32 s7, s19;
	[dreg:$0x6] =	wrdreg s12  }
0xe: {  	s5 =	sshrl.u32 s5, $0x3;
	s25 =	sadd.s32 s6, s23;
	[dreg:$0x7] =	wrdreg s0  }
0xf: {  	s26 =	sadd.s32 s6, s24;
	s17 =	sadd.s32 $0x6100, s13;
	[dreg:$0x8] =	wrdreg s21  }
0x10: {  	s19 =	sadd.s32 $0x6200, s13;
	s28 =	sadd.s32 $0x1D000, s8;
	[dreg:$0x9] =	wrdreg s22  }
0x11: {  	s3 =	sadd.s32 s5, s3;
	s5 =	ssub.s32 s10, s16;
	[dreg:$0xa] =	wrdreg s25  }
0x12: {  	s0 =	sadd.s32 s7, s23;
	[dreg:$0xc] =	wrdreg s26;
	s10 =	sadd.s32 s7, s24  }
0x13: {  	s12 =	sadd.s32 $0x500, s9;
	s16 =	sadd.s32 s6, s15;
	s18 =	sadd.s32 s6, s17  }
0x14: {  	s9 =	sadd.s32 $0x6300, s13;
	s21 =	sadd.s32 s6, s19;
	[dreg:$0xb] =	wrdreg s0  }
0x15: {  	s24 =	sadd.s32 s4, s1;
	s25 =	sadd.s32 s4, s20;
	[dreg:$0xd] =	wrdreg s10  }
0x16: {  	s26 =	sadd.s32 $0x3000, s8;
	s4 =	simm.s32 $0x1;
	[dreg:$0x10] =	wrdreg s16  }
0x17: {  	s8 =	simm.s32 $0x800;
	s14 =	sadd.s32 s6, s12;
	[dreg:$0x12] =	wrdreg s18  }
0x18: {  	s0 =	sadd.s32 s7, s12;
	[dreg:$0x14] =	wrdreg s21;
	s22 =	sadd.s32 s6, s9  }
0x19: {  	s23 =	sadd.s32 s7, s9;
	s29 =	sadd.s32 $0x22000, s3;
	[dreg:$0xe] =	wrdreg s14  }
0x1a: {  	s30 =	smax.u32 s5, $0x1;
	s3 =	simm.s32 $0x4;
	[dreg:$0xf] =	wrdreg s0  }
0x1b: {  	s5 =	simm.s32 $0x2;
	s6 =	simm.s32 $0x3;
	[dreg:$0x16] =	wrdreg s22  }
.Ltmp0:
0x1c: {  	s0 =	sadd.s32 s7, s15;
	[dreg:$0x17] =	wrdreg s23;
	(pc) =	sbr.rel .LBB2_1-.Ltmp0, $4  }
0x1d: {  	s9 =	simm.s32 $0xE000;
	[dreg:$0x11] =	wrdreg s0;
	s0 =	sadd.s32 s7, s17  }
0x1e: {  	s10 =	simm.s32 $0x3000;
	[dreg:$0x13] =	wrdreg s0;
	s0 =	sadd.s32 s7, s19  }
0x1f: {  	s12 =	simm.s32 $0x1000;
	s19 =	sshrl.u32 s24, $0x3;
	[dreg:$0x15] =	wrdreg s0  }
0x20: {  	s7 =	simm.s32 $0x6000;
	s0 =	sor.u32 $0x1C03, s31;
	_ =	strace $0x8000004D  }
.LBB2_3:
0x21: {  	s15 =	rddreg [dreg:$0x10]  }
0x22: {  	[tilespmem:s2], [sflag:$0x1] =	stream.linear.gather [hbm4b:s15+s2], $0x800, $0x38;
	[tilespmem:$0x1B000] =	vst v63  }
0x23: {  	s16 =	rddreg [dreg:$0x11];
	s15 =	simm.s32 $0x3000  }
0x24: {  	[tilespmem:s15], [sflag:$0x2] =	stream.linear.gather [hbm4b:s16+s2], $0x800, $0x38;
	[tilespmem:$0x1B000] =	vst v63  }
0x25: {  	s21 =	simm.s32 $0x800;
	s22 =	rddreg [dreg:$0x12]  }
0x26: {  	[tilespmem:s21], [sflag:$0x1] =	stream.linear.gather [hbm4b:s22+s2], $0x800, $0x38;
	[tilespmem:$0x1B000] =	vst v63  }
0x27: {  	s17 =	rddreg [dreg:$0x13];
	s16 =	simm.s32 $0x3800  }
0x28: {  	[tilespmem:s16], [sflag:$0x2] =	stream.linear.gather [hbm4b:s17+s2], $0x800, $0x38;
	[tilespmem:$0x1B000] =	vst v63  }
0x29: {  	s23 =	rddreg [dreg:$0x14];
	s22 =	simm.s32 $0x1000  }
0x2a: {  	[tilespmem:s22], [sflag:$0x1] =	stream.linear.gather [hbm4b:s23+s2], $0x800, $0x38;
	[tilespmem:$0x1B000] =	vst v63  }
0x2b: {  	s18 =	rddreg [dreg:$0x15];
	s17 =	simm.s32 $0x4000  }
0x2c: {  	[tilespmem:s17], [sflag:$0x2] =	stream.linear.gather [hbm4b:s18+s2], $0x800, $0x38;
	[tilespmem:$0x1B000] =	vst v63  }
0x2d: {  	s24 =	rddreg [dreg:$0x16];
	s23 =	simm.s32 $0x1800  }
0x2e: {  	[tilespmem:s23], [sflag:$0x1] =	stream.linear.gather [hbm4b:s24+s2], $0x800, $0x38;
	[tilespmem:$0x1B000] =	vst v63  }
0x2f: {  	s18 =	simm.s32 $0x4800;
	s24 =	rddreg [dreg:$0x17]  }
0x30: {  	[tilespmem:s18], [sflag:$0x2] =	stream.linear.gather [hbm4b:s24+s2], $0x800, $0x38;
	[tilespmem:$0x1B000] =	vst v63  }
0x31: {  	_ =	swait.ge [sflag:s4], $0x800  }
0x32: {  	[sflag:s4] =	ssyncset.done $0x0  }
0x33: {  	[sflag:s4] =	ssyncadd.s32 $0xFFFFF800  }
0x34: {  	_ =	swait.ge [sflag:s5], $0x800  }
0x35: {  	[sflag:s5] =	ssyncset.done $0x0  }
0x36: {  	[sflag:s5] =	ssyncadd.s32 $0xFFFFF800  }
0x37: {  	_ =	swait.ge [sflag:s4], $0x800  }
0x38: {  	[sflag:s4] =	ssyncset.done $0x0  }
0x39: {  	[sflag:s4] =	ssyncadd.s32 $0xFFFFF800  }
0x3a: {  	_ =	swait.ge [sflag:s5], $0x800  }
0x3b: {  	[sflag:s5] =	ssyncset.done $0x0  }
0x3c: {  	[sflag:s5] =	ssyncadd.s32 $0xFFFFF800  }
0x3d: {  	_ =	swait.ge [sflag:s4], $0x800  }
0x3e: {  	[sflag:s4] =	ssyncset.done $0x0  }
0x3f: {  	[sflag:s4] =	ssyncadd.s32 $0xFFFFF800  }
0x40: {  	_ =	swait.ge [sflag:s5], $0x800  }
0x41: {  	[sflag:s5] =	ssyncset.done $0x0  }
0x42: {  	[sflag:s5] =	ssyncadd.s32 $0xFFFFF800  }
0x43: {  	_ =	swait.ge [sflag:s4], $0x800  }
0x44: {  	[sflag:s4] =	ssyncset.done $0x0  }
0x45: {  	[sflag:s4] =	ssyncadd.s32 $0xFFFFF800  }
0x46: {  	_ =	swait.ge [sflag:s5], $0x800  }
0x47: {  	[sflag:s5] =	ssyncset.done $0x0  }
0x48: {  	[sflag:s5] =	ssyncadd.s32 $0xFFFFF800  }
0x49: {  	_ =	swait.ge [sflag:s6], $0x500  }
0x4a: {  	[sflag:s6] =	ssyncset.done $0x0  }
0x4b: {  	[sflag:s6] =	ssyncadd.s32 $0xFFFFFB00  }
0x4c: {  	[bflag:$0x0] =	sbarrier.arrive $0xFFFF  }
0x4d: {  	[tilespmem:s7], [sflag:$0x1] =	stream.indirect.gather [spmem:s1], $0x10, s2, s21, $0xb8;
	[tilespmem:$0x1B000] =	vst v63  }
.LBB2_4:
0x4e: {  	[tilespmem:s9], [sflag:$0x2] =	stream.indirect.gather [spmem:s1], $0x10, s21, s8, $0xb8;
	[tilespmem:$0x1B000] =	vst v63  }
0x4f: {  	_ =	swait.ge [sflag:s4], $0x8000  }
0x50: {  	[sflag:s4] =	ssyncset.done $0x0  }
0x51: {  	[sflag:s4] =	ssyncadd.s32 $0xFFFF8000  }
0x52: {  	[spmem:s20] =	stream.indirect.scatter.add.f32 [tilespmem:s7], [sflag:$0x4], $0x10, s15, s8, $0xb8;
	[tilespmem:$0x1B000] =	vst v63  }
0x53: {  	_ =	swait.ge [sflag:s3], $0x8000  }
0x54: {  	[sflag:s3] =	ssyncset.done $0x0  }
0x55: {  	[sflag:s3] =	ssyncadd.s32 $0xFFFF8000  }
0x56: {  	[tilespmem:s7], [sflag:$0x1] =	stream.indirect.gather [spmem:s1], $0x10, s22, s8, $0xb8;
	[tilespmem:$0x1B000] =	vst v63  }
0x57: {  	_ =	swait.ge [sflag:s5], $0x8000  }
0x58: {  	[sflag:s5] =	ssyncset.done $0x0  }
0x59: {  	[sflag:s5] =	ssyncadd.s32 $0xFFFF8000  }
0x5a: {  	[spmem:s20] =	stream.indirect.scatter.add.f32 [tilespmem:s9], [sflag:$0x4], $0x10, s16, s8, $0xb8;
	[tilespmem:$0x1B000] =	vst v63  }
0x5b: {  	_ =	swait.ge [sflag:s3], $0x8000  }
0x5c: {  	[sflag:s3] =	ssyncset.done $0x0  }
0x5d: {  	[sflag:s3] =	ssyncadd.s32 $0xFFFF8000  }
0x5e: {  	[tilespmem:s9], [sflag:$0x2] =	stream.indirect.gather [spmem:s1], $0x10, s23, s8, $0xb8;
	[tilespmem:$0x1B000] =	vst v63  }
0x5f: {  	_ =	swait.ge [sflag:s4], $0x8000  }
0x60: {  	[sflag:s4] =	ssyncset.done $0x0  }
0x61: {  	[sflag:s4] =	ssyncadd.s32 $0xFFFF8000  }
0x62: {  	[spmem:s20] =	stream.indirect.scatter.add.f32 [tilespmem:s7], [sflag:$0x4], $0x10, s17, s8, $0xb8;
	[tilespmem:$0x1B000] =	vst v63  }
0x63: {  	_ =	swait.ge [sflag:s3], $0x8000  }
0x64: {  	[sflag:s3] =	ssyncset.done $0x0  }
0x65: {  	[sflag:s3] =	ssyncadd.s32 $0xFFFF8000  }
0x66: {  	_ =	swait.ge [sflag:s5], $0x8000  }
0x67: {  	[sflag:s5] =	ssyncset.done $0x0  }
0x68: {  	[sflag:s5] =	ssyncadd.s32 $0xFFFF8000  }
0x69: {  	[spmem:s20] =	stream.indirect.scatter.add.f32 [tilespmem:s9], [sflag:$0x4], $0x10, s18, s8, $0xb8;
	[tilespmem:$0x1B000] =	vst v63  }
0x6a: {  	_ =	swait.ge [sflag:s3], $0x8000  }
0x6b: {  	s30 =	sadd.s32 $0xFFFFFFFF, s30;
	[sflag:s3] =	ssyncset.done $0x0  }
0x6c: {  	p1 =	sne.s32 s30, $0x0;
	[sflag:s3] =	ssyncadd.s32 $0xFFFF8000  }
.Ltmp1:
0x6d: {  	[bflag:$0x0] =	sbarrier.arrive $0xFFFF;
	(pc) =	sbr.rel @!p1 .LBB2_5-.Ltmp1, $4  }
0x6e: {  	[hbm:s29], [sflag:s13] =	dma.local [spmem:s14], $0x500  }
0x6f: {  	_ =	swait.ge [sflag:s3], $0x500  }
0x70: {  	[sflag:s3] =	ssyncset.done $0x0  }
0x71: {  	[sflag:s3] =	ssyncadd.s32 $0xFFFFFB00  }
.LBB2_1:
0x72: {  	[spmem:s19], [sflag:s0] =	dma.local [hbm:s26], $0x500  }
.Ltmp2:
0x73: {  	s13 =	sor.u32 $0x1C04, s31;
	s14 =	sshrl.u32 s25, $0x3;
	(pc) =	sbr.rel @p0 .LBB2_3-.Ltmp2, $4  }
0x74: {  	[spmem:s14], [sflag:s13] =	dma.local [hbm:s28], $0x500  }
0x75: {  	_ =	swait.ge [sflag:s3], $0x500  }
0x76: {  	[sflag:s3] =	ssyncset.done $0x0  }
0x77: {  	[sflag:s3] =	ssyncadd.s32 $0xFFFFFB00  }
0x78: {  	s15 =	rddreg [dreg:$0x4]  }
0x79: {  	[tilespmem:s2], [sflag:$0x1] =	stream.linear.gather [hbm4b:s15+s2], $0x800, $0x38;
	[tilespmem:$0x1B000] =	vst v63  }
0x7a: {  	s16 =	rddreg [dreg:$0x5]  }
0x7b: {  	[tilespmem:s10], [sflag:$0x2] =	stream.linear.gather [hbm4b:s16+s2], $0x800, $0x38;
	[tilespmem:$0x1B000] =	vst v63  }
0x7c: {  	s17 =	rddreg [dreg:$0x6]  }
0x7d: {  	[tilespmem:s8], [sflag:$0x1] =	stream.linear.gather [hbm4b:s17+s2], $0x800, $0x38;
	[tilespmem:$0x1B000] =	vst v63  }
0x7e: {  	s18 =	rddreg [dreg:$0x7]  }
0x7f: {  	[tilespmem:s11], [sflag:$0x2] =	stream.linear.gather [hbm4b:s18+s2], $0x800, $0x38;
	[tilespmem:$0x1B000] =	vst v63  }
0x80: {  	s21 =	rddreg [dreg:$0x8]  }
0x81: {  	[tilespmem:s12], [sflag:$0x1] =	stream.linear.gather [hbm4b:s21+s2], $0x800, $0x38;
	[tilespmem:$0x1B000] =	vst v63  }
0x82: {  	s15 =	simm.s32 $0x4000;
	s16 =	rddreg [dreg:$0x9]  }
0x83: {  	[tilespmem:s15], [sflag:$0x2] =	stream.linear.gather [hbm4b:s16+s2], $0x800, $0x38;
	[tilespmem:$0x1B000] =	vst v63  }
0x84: {  	s22 =	rddreg [dreg:$0xa];
	s21 =	simm.s32 $0x1800  }
0x85: {  	[tilespmem:s21], [sflag:$0x1] =	stream.linear.gather [hbm4b:s22+s2], $0x800, $0x38;
	[tilespmem:$0x1B000] =	vst v63  }
0x86: {  	s17 =	rddreg [dreg:$0xb];
	s16 =	simm.s32 $0x4800  }
0x87: {  	[tilespmem:s16], [sflag:$0x2] =	stream.linear.gather [hbm4b:s17+s2], $0x800, $0x38;
	[tilespmem:$0x1B000] =	vst v63  }
0x88: {  	s23 =	rddreg [dreg:$0xc];
	s22 =	simm.s32 $0x2000  }
0x89: {  	[tilespmem:s22], [sflag:$0x1] =	stream.linear.gather [hbm4b:s23+s2], $0x800, $0x38;
	[tilespmem:$0x1B000] =	vst v63  }
0x8a: {  	s18 =	rddreg [dreg:$0xd];
	s17 =	simm.s32 $0x5000  }
0x8b: {  	[tilespmem:s17], [sflag:$0x2] =	stream.linear.gather [hbm4b:s18+s2], $0x800, $0x38;
	[tilespmem:$0x1B000] =	vst v63  }
0x8c: {  	s24 =	rddreg [dreg:$0xe];
	s23 =	simm.s32 $0x2800  }
0x8d: {  	[tilespmem:s23], [sflag:$0x1] =	stream.linear.gather [hbm4b:s24+s2], $0x800, $0x38;
	[tilespmem:$0x1B000] =	vst v63  }
0x8e: {  	s18 =	simm.s32 $0x5800;
	s24 =	rddreg [dreg:$0xf]  }
0x8f: {  	[tilespmem:s18], [sflag:$0x2] =	stream.linear.gather [hbm4b:s24+s2], $0x800, $0x38;
	[tilespmem:$0x1B000] =	vst v63  }
0x90: {  	_ =	swait.ge [sflag:s4], $0x800  }
0x91: {  	[sflag:s4] =	ssyncset.done $0x0  }
0x92: {  	[sflag:s4] =	ssyncadd.s32 $0xFFFFF800  }
0x93: {  	_ =	swait.ge [sflag:s5], $0x800  }
0x94: {  	[sflag:s5] =	ssyncset.done $0x0  }
0x95: {  	[sflag:s5] =	ssyncadd.s32 $0xFFFFF800  }
0x96: {  	_ =	swait.ge [sflag:s4], $0x800  }
0x97: {  	[sflag:s4] =	ssyncset.done $0x0  }
0x98: {  	[sflag:s4] =	ssyncadd.s32 $0xFFFFF800  }
0x99: {  	_ =	swait.ge [sflag:s5], $0x800  }
0x9a: {  	[sflag:s5] =	ssyncset.done $0x0  }
0x9b: {  	[sflag:s5] =	ssyncadd.s32 $0xFFFFF800  }
0x9c: {  	_ =	swait.ge [sflag:s4], $0x800  }
0x9d: {  	[sflag:s4] =	ssyncset.done $0x0  }
0x9e: {  	[sflag:s4] =	ssyncadd.s32 $0xFFFFF800  }
0x9f: {  	_ =	swait.ge [sflag:s5], $0x800  }
0xa0: {  	[sflag:s5] =	ssyncset.done $0x0  }
0xa1: {  	[sflag:s5] =	ssyncadd.s32 $0xFFFFF800  }
0xa2: {  	_ =	swait.ge [sflag:s4], $0x800  }
0xa3: {  	[sflag:s4] =	ssyncset.done $0x0  }
0xa4: {  	[sflag:s4] =	ssyncadd.s32 $0xFFFFF800  }
0xa5: {  	_ =	swait.ge [sflag:s5], $0x800  }
0xa6: {  	[sflag:s5] =	ssyncset.done $0x0  }
0xa7: {  	[sflag:s5] =	ssyncadd.s32 $0xFFFFF800  }
0xa8: {  	_ =	swait.ge [sflag:s4], $0x800  }
0xa9: {  	[sflag:s4] =	ssyncset.done $0x0  }
0xaa: {  	[sflag:s4] =	ssyncadd.s32 $0xFFFFF800  }
0xab: {  	_ =	swait.ge [sflag:s5], $0x800  }
0xac: {  	[sflag:s5] =	ssyncset.done $0x0  }
0xad: {  	[sflag:s5] =	ssyncadd.s32 $0xFFFFF800  }
0xae: {  	_ =	swait.ge [sflag:s4], $0x800  }
0xaf: {  	[sflag:s4] =	ssyncset.done $0x0  }
0xb0: {  	[sflag:s4] =	ssyncadd.s32 $0xFFFFF800  }
0xb1: {  	_ =	swait.ge [sflag:s5], $0x800  }
0xb2: {  	[sflag:s5] =	ssyncset.done $0x0  }
0xb3: {  	[sflag:s5] =	ssyncadd.s32 $0xFFFFF800  }
0xb4: {  	_ =	swait.ge [sflag:s6], $0x500  }
0xb5: {  	[sflag:s6] =	ssyncset.done $0x0  }
0xb6: {  	[sflag:s6] =	ssyncadd.s32 $0xFFFFFB00  }
0xb7: {  	[bflag:$0x0] =	sbarrier.arrive $0xFFFF  }
0xb8: {  	[tilespmem:s7], [sflag:$0x1] =	stream.indirect.gather [spmem:s1], $0x10, s2, s8, $0xb8;
	[tilespmem:$0x1B000] =	vst v63  }
0xb9: {  	_ = 	snop  }
0xba: {  	[tilespmem:s9], [sflag:$0x2] =	stream.indirect.gather [spmem:s1], $0x10, s8, s8, $0xb8;
	[tilespmem:$0x1B000] =	vst v63  }
0xbb: {  	_ =	swait.ge [sflag:s4], $0x8000  }
0xbc: {  	[sflag:s4] =	ssyncset.done $0x0  }
0xbd: {  	[sflag:s4] =	ssyncadd.s32 $0xFFFF8000  }
0xbe: {  	[spmem:s20] =	stream.indirect.scatter.add.f32 [tilespmem:s7], [sflag:$0x4], $0x10, s10, s8, $0xb8;
	[tilespmem:$0x1B000] =	vst v63  }
0xbf: {  	_ =	swait.ge [sflag:s3], $0x8000  }
0xc0: {  	[sflag:s3] =	ssyncset.done $0x0  }
0xc1: {  	[sflag:s3] =	ssyncadd.s32 $0xFFFF8000  }
0xc2: {  	[tilespmem:s7], [sflag:$0x1] =	stream.indirect.gather [spmem:s1], $0x10, s12, s8, $0xb8;
	[tilespmem:$0x1B000] =	vst v63  }
0xc3: {  	_ =	swait.ge [sflag:s5], $0x8000  }
0xc4: {  	[sflag:s5] =	ssyncset.done $0x0  }
.Ltmp3:
0xc5: {  	[sflag:s5] =	ssyncadd.s32 $0xFFFF8000;
	(pc) =	sbr.rel .LBB2_4-.Ltmp3, $4  }
0xc6: {  	[spmem:s20] =	stream.indirect.scatter.add.f32 [tilespmem:s9], [sflag:$0x4], $0x10, s11, s8, $0xb8;
	[tilespmem:$0x1B000] =	vst v63  }
0xc7: {  	_ =	swait.ge [sflag:s3], $0x8000  }
0xc8: {  	[sflag:s3] =	ssyncset.done $0x0  }
0xc9: {  	[sflag:s3] =	ssyncadd.s32 $0xFFFF8000  }
.LBB2_5:
0xca: {  	_ =	sfence.sel $0x180000  }
0xcb: {  	[bflag:$0x0] =	sbarrier.arrive $0xFFFF  }
0xcc: {  	_ =	strace $0x9000004D  }
0xcd: {  	s0 =	stileid.u32;
	[bflag:$0x2] =	sbarrier.arrive $0xFFFF  }
0xce: {  	p0 =	sne.s32 s0, $0x0;
	s0 =	rddreg [dreg:$0x3]  }
0xcf: {  	s0 =	sadd.s32 @!p0 $0x100000, s0  }
0xd0: {  	[sflag:s0] =	ssyncadd.tile.s32 @!p0 $0x1;
	_ =	shalt  }
.Lfunc_end2:
_tile_overlayer_lowered:
.L_overlay_start_2:
0xd1: {  	(tag) =	ssettag $0x2  }
0xd2: {  	s0 =	rddreg [dreg:$0x0];
	s2 =	stileid.u32  }
0xd3: {  	s1 =	rddreg [dreg:$0x1];
	p0 =	sne.s32 s2, $0x0  }
0xd4: {  	s3 =	rddreg [dreg:$0x2];
	[bflag:$0x3] =	sbarrier.arrive $0xFFFF;
	s2 =	simm.s32 @!p0 $0x1C04  }
0xd5: {  	[timem:s3], [sflag:s2] =	dma.local @!p0 [hbm:s0], s1  }
0xd6: {  	s0 =	simm.s32 @!p0 $0x4  }
0xd7: {  	_ =	swait.ge @!p0 [sflag:s0], s1  }
0xd8: {  	s1 =	ssub.s32 @!p0 $0x0, s1;
	[sflag:s0] =	ssyncset.done @!p0 $0x0  }
0xd9: {  	[sflag:s0] =	ssyncadd.s32 @!p0 s1  }
0xda: {  	[bflag:$0x3] =	sbarrier.arrive $0xFFFF  }
0xdb: {  	_ =	shalt  }

// kernel: kernel.8.cloned.1.call-start
scs
__scs_entry_jumppad:
0x0: {  	(pc) =	sbr.rel $0x88, $3  }
0x1: {  	(tag) =	ssettag $0x0;
	lr =	simm.s32 $0x1  }
0x2: {  	[smem:$0x3F9B] =	sst lr;
	_ =	strace $0xD0000000  }
0x3: {  	_ = 	snop  }
0x4: {  	_ = 	snop  }
0x5: {  	_ = 	snop  }
0x6: {  	_ = 	snop  }
0x7: {  	_ = 	snop  }
__scs_overlays_trampoline_lowered:
0x8: {  	[smem:$0x3FAA] =	sst s0  }
0x9: {  	[smem:$0x3FAB] =	sst s1  }
0xa: {  	[smem:$0x3FAC] =	sst s2  }
0xb: {  	[smem:$0x3FAD] =	sst s3  }
0xc: {  	[smem:$0x3FAE] =	sst s4  }
0xd: {  	[smem:$0x3FAF] =	sst s5  }
0xe: {  	[smem:$0x3FB0] =	sst s6  }
0xf: {  	[smem:$0x3FB1] =	sst s7  }
0x10: {  	[smem:$0x3FB2] =	sst s8  }
0x11: {  	[smem:$0x3FB3] =	sst s9;
	s0 =	simm.s32 @!p0 $0x0  }
0x12: {  	s1 =	sld [smem:$0x3F99];
	s0 =	simm.s32 @p0 $0x1  }
0x13: {  	[smem:$0x3FB4] =	sst s0;
	s0 =	simm.s32 @!p1 $0x0  }
0x14: {  	s2 =	sld [smem:$0x3F98];
	s0 =	simm.s32 @p1 $0x1  }
0x15: {  	[smem:$0x3FB5] =	sst s0;
	s0 =	simm.s32 @!p2 $0x0  }
0x16: {  	s3 =	sld [smem:$0x3FDB];
	s0 =	simm.s32 @p2 $0x1  }
0x17: {  	s4 =	simm.s32 $0x1BF5;
	[smem:$0x3FB7] =	sst s0  }
0x18: {  	s0 =	sld [smem:$0x3F9A];
	_ =	swait.ge [sflag:s4], $0x0  }
0x19: {  	s7 =	sld [smem:$0x3F9B]  }
0x1a: {  	s8 =	sadd.s32 $0xFFFFE003, lr  }
0x1b: {  	s9 =	sadd.s32 $0xFFFFFEF7, lr;
	s5 =	simm.s32 $0xFFFFFFFF;
	p2 =	slt.u32 s8, $0xFFFFF086  }
0x1c: {  	p1 =	slt.u32 s9, $0xF7A;
	s5 =	simm.s32 @!p2 $0x0  }
0x1d: {  	s5 =	simm.s32 @p1 $0x1;
	p0 =	seq.s32 s7, s2  }
0x1e: {  	s7 =	smul.u32 @!p0 $0xF7A, s2;
	p2 =	seq.s32 @!p0 s5, $0x0  }
0x1f: {  	s9 =	smul.u32 $0xF7A, s1;
	s8 =	simm.s32 @!p0 $0x1BF5;
	p2 =	por !p2, p0  }
0x20: {  	[sflag:s8] =	ssyncset.s32 @!p0 $0xFFFFF086;
	s6 =	sadd.s32 @!p0 s3, s7;
	s7 =	simm.s32 @!p0 $0x108  }
0x21: {  	s3 =	sadd.s32 s3, s9;
	s6 =	sadd.s32 @!p0 $0x88, s6;
	s7 =	simm.s32 @p2 $0x1082  }
0x22: {  	[simem:s7], [sflag:s8] =	dma.local @!p0 [hbm:s6], $0xF7A  }
0x23: {  	s9 =	sor.u32 $0xD0000000, s2;
	s6 =	simm.s32 $0x108;
	_ =	swait.ge @!p0 [sflag:s8], $0x0  }
0x24: {  	s3 =	sadd.s32 $0x88, s3;
	s6 =	simm.s32 @!p1 $0x1082;
	[sflag:s4] =	ssyncset.s32 $0xFFFFF086  }
0x25: {  	[simem:s6], [sflag:s4] =	dma.local [hbm:s3], $0xF7A  }
0x26: {  	[smem:$0x3F9B] =	sst s1;
	(tag) =	ssettag s2;
	_ =	strace s9  }
0x27: {  	s1 =	sld [smem:$0x3FAB]  }
0x28: {  	s2 =	sld [smem:$0x3FAC]  }
0x29: {  	s4 =	sld [smem:$0x3FAE]  }
0x2a: {  	p0 =	seq.s32 s5, $0x0;
	s5 =	sld [smem:$0x3FAF]  }
0x2b: {  	s6 =	sld [smem:$0x3FB0]  }
0x2c: {  	s7 =	sld [smem:$0x3FB1]  }
0x2d: {  	s3 =	simm.s32 $0x108;
	s8 =	sld [smem:$0x3FB2]  }
0x2e: {  	s3 =	simm.s32 @!p0 $0x1082;
	s9 =	sld [smem:$0x3FB3]  }
0x2f: {  	lr =	sadd.s32 s0, s3;
	s0 =	sld [smem:$0x3FAA]  }
0x30: {  	s3 =	sld [smem:$0x3FAD]  }
0x31: {  	[smem:$0x3FB6] =	sst s10  }
0x32: {  	s10 =	sld [smem:$0x3FB4];
	_ =	sdelay $0x3  }
0x33: {  	p0 =	seq.s32 s10, $0x1;
	s10 =	sld [smem:$0x3FB6];
	_ =	sdelay $0x3  }
0x34: {  	[smem:$0x3FB6] =	sst s10  }
0x35: {  	s10 =	sld [smem:$0x3FB5];
	_ =	sdelay $0x3  }
0x36: {  	p1 =	seq.s32 s10, $0x1;
	s10 =	sld [smem:$0x3FB6];
	_ =	sdelay $0x3  }
0x37: {  	[smem:$0x3FB6] =	sst s10  }
0x38: {  	s10 =	sld [smem:$0x3FB7]  }
0x39: {  	_ = 	snop;
	(pc) =	sbr.ind lr, $3  }
0x3a: {  	_ = 	snop  }
0x3b: {  	_ = 	snop  }
0x3c: {  	p2 =	seq.s32 s10, $0x1;
	s10 =	sld [smem:$0x3FB6]  }
0x3d: {  	_ =	shalt  }
0x3e: {  	_ =	shalt  }
0x3f: {  	_ =	shalt  }
0x40: {  	_ =	shalt  }
0x41: {  	_ =	shalt  }
0x42: {  	_ =	shalt  }
0x43: {  	_ =	shalt  }
0x44: {  	_ =	shalt  }
0x45: {  	_ =	shalt  }
0x46: {  	_ =	shalt  }
0x47: {  	_ =	shalt  }
0x48: {  	_ =	shalt  }
0x49: {  	_ =	shalt  }
0x4a: {  	_ =	shalt  }
0x4b: {  	_ =	shalt  }
0x4c: {  	_ =	shalt  }
0x4d: {  	_ =	shalt  }
0x4e: {  	_ =	shalt  }
0x4f: {  	_ =	shalt  }
0x50: {  	_ =	shalt  }
0x51: {  	_ =	shalt  }
0x52: {  	_ =	shalt  }
0x53: {  	_ =	shalt  }
0x54: {  	_ =	shalt  }
0x55: {  	_ =	shalt  }
0x56: {  	_ =	shalt  }
0x57: {  	_ =	shalt  }
0x58: {  	_ =	shalt  }
0x59: {  	_ =	shalt  }
0x5a: {  	_ =	shalt  }
0x5b: {  	_ =	shalt  }
0x5c: {  	_ =	shalt  }
0x5d: {  	_ =	shalt  }
0x5e: {  	_ =	shalt  }
0x5f: {  	_ =	shalt  }
0x60: {  	_ =	shalt  }
0x61: {  	_ =	shalt  }
0x62: {  	_ =	shalt  }
0x63: {  	_ =	shalt  }
0x64: {  	_ =	shalt  }
0x65: {  	_ =	shalt  }
0x66: {  	_ =	shalt  }
0x67: {  	_ =	shalt  }
0x68: {  	_ =	shalt  }
0x69: {  	_ =	shalt  }
0x6a: {  	_ =	shalt  }
0x6b: {  	_ =	shalt  }
0x6c: {  	_ =	shalt  }
0x6d: {  	_ =	shalt  }
0x6e: {  	_ =	shalt  }
0x6f: {  	_ =	shalt  }
0x70: {  	_ =	shalt  }
0x71: {  	_ =	shalt  }
0x72: {  	_ =	shalt  }
0x73: {  	_ =	shalt  }
0x74: {  	_ =	shalt  }
0x75: {  	_ =	shalt  }
0x76: {  	_ =	shalt  }
0x77: {  	_ =	shalt  }
0x78: {  	_ =	shalt  }
0x79: {  	_ =	shalt  }
0x7a: {  	_ =	shalt  }
0x7b: {  	_ =	shalt  }
0x7c: {  	_ =	shalt  }
0x7d: {  	_ =	shalt  }
0x7e: {  	_ =	shalt  }
0x7f: {  	_ =	shalt  }
0x80: {  	_ =	shalt  }
0x81: {  	_ =	shalt  }
0x82: {  	_ =	shalt  }
0x83: {  	_ =	shalt  }
0x84: {  	_ =	shalt  }
0x85: {  	_ =	shalt  }
0x86: {  	_ =	shalt  }
0x87: {  	_ =	shalt  }
.Lfunc_end0:
.L_simem_size_0:
called_computation_lowered:
.L_overlay_start_0:
0x88: {  	s2 =	sld [smem:$0x3FD9]  }
0x89: {  	s3 =	sld [smem:$0x3FFE];
	_ =	sdelay $0x1  }
0x8a: {  	s1 =	srdreg.scid  }
0x8b: {  	s0 =	sand.u32 $0x1, s1  }
0x8c: {  	s17 =	sshll.u32 s0, $0xA;
	s2 =	sadd.s32 s3, s2  }
0x8d: {  	s2 =	sadd.s32 s2, s17  }
0x8e: {  	[smem:$0x3FC2] =	sst s2  }
0x8f: {  	_ = 	snop  }
0x90: {  	s2 =	sld [smem:$0x3FD0];
	(tm) =	ssettm $0x1  }
0x91: {  	s18 =	sld [smem:$0x3FFB];
	_ =	sdelay $0x3  }
0x92: {  	_ =	strace s18  }
0x93: {  	s3 =	sld [smem:$0x3FFC];
	_ =	sdelay $0x3  }
0x94: {  	_ =	strace s3  }
0x95: {  	s3 =	sld [smem:$0x3FFD];
	_ =	sdelay $0x3  }
0x96: {  	_ =	strace s3  }
0x97: {  	_ =	strace $0x8FFFFFFF  }
0x98: {  	s19 =	sld [smem:$0x3FDB];
	_ =	sdelay $0x1  }
0x99: {  	s4 =	simm.s32 $_scs_section_size  }
0x9a: {  	s5 =	simm.s32 $_size__tile_overlayer_lowered;
	s6 =	simm.s32 $_tile_overlayer_lowered  }
0x9b: {  	s22 =	simm.s32 $0x1BFF;
	s21 =	sshll.u32 s6, $0x1;
	s3 =	sadd.s32 s4, s19  }
0x9c: {  	s7 =	simm.s32 $0x0;
	s20 =	sshll.u32 s5, $0x1;
	s5 =	sadd.s32 s21, s3  }
0x9d: {  	[timem:s7], [sflag:s22] =	dma.local [hbm:s5], s20  }
0x9e: {  	_ =	swait.ge [sflag:s22], s20  }
0x9f: {  	s4 =	ssub.s32 $0x0, s20;
	[sflag:s22] =	ssyncset.done $0x0  }
0xa0: {  	[sflag:s22] =	ssyncadd.s32 s4;
	_ =	sdelay $0x1  }
0xa1: {  	s23 =	simm.s32 $0x1B8B  }
0xa2: {  	_ =	swait.ge [sflag:s23], $0x1  }
0xa3: {  	[sflag:s23] =	ssyncset.done $0x0  }
0xa4: {  	s25 =	simm.s32 $0x1B8E;
	s24 =	sld [smem:$0x3FFE];
	[sflag:s23] =	ssyncadd.s32 $0xFFFFFFFF  }
0xa5: {  	s26 =	simm.s32 $execute0_lowered;
	[smem:$0x3FD2] =	sst s25  }
0xa6: {  	s5 =	sshll.u32 s26, $0x1;
	_ =	strace $0x80000046;
	[dreg:$0x1] =	wrdreg $0xFFFFFFFF  }
0xa7: {  	s28 =	simm.s32 $_size_execute0_lowered;
	s3 =	sadd.s32 s3, s5;
	[dreg:$0x0] =	wrdreg $0x0  }
0xa8: {  	s5 =	sshll.u32 s28, $0x1;
	[dreg:$0x2] =	wrdreg s3  }
0xa9: {  	[dreg:$0x3] =	wrdreg s5  }
0xaa: {  	[dreg:$0x4] =	wrdreg $0xC0  }
0xab: {  	_ =	task [dreg:s7], $0x5FFFF  }
0xac: {  	[dreg:$0x1] =	wrdreg $0xFFFFFFFF  }
0xad: {  	[dreg:$0x0] =	wrdreg $0x60  }
0xae: {  	[dreg:$0x2] =	wrdreg s24  }
0xaf: {  	[dreg:$0x3] =	wrdreg s2  }
0xb0: {  	[dreg:$0x4] =	wrdreg $0x5B000  }
0xb1: {  	[dreg:$0x5] =	wrdreg $0x9  }
0xb2: {  	_ =	task.clear_ibuf [dreg:s7], $0x6FFFF;
	_ =	strace $0x90000046  }
0xb3: {  	s29 =	simm.s32 $0x9;
	_ =	strace $0x80000048  }
0xb4: {  	_ =	swait.ge [sflag:s29], $0x1  }
0xb5: {  	[sflag:s29] =	ssyncadd.s32 $0xFFFFFFFF  }
0xb6: {  	_ =	strace $0x90000048  }
0xb7: {  	_ =	sfence  }
0xb8: {  	s30 =	sld [smem:$0x0];
	_ =	sdelay $0x2  }
0xb9: {  	s31 =	sshll.u32 s1, $0xD;
	s1 =	sshrl.u32 s1, $0x2  }
0xba: {  	s3 =	sand.u32 $0x4000, s31;
	s1 =	sadd.s32 s1, s30  }
0xbb: {  	s0 =	sor.u32 s3, s0;
	s1 =	sshll.u32 s1, $0x11  }
0xbc: {  	s0 =	sor.u32 s1, s0  }
0xbd: {  	s0 =	sadd.s32 $0x8F2B, s0  }
0xbe: {  	[sflag:s0] =	ssyncadd.remote.s32 $0x1  }
0xbf: {  	_ =	sfence.sel $0xFFFF  }
0xc0: {  	[dreg:$0x0] =	wrdreg $0xFFFFFFFF;
	(pc) =	sbr.abs _section_cstart, $3  }
0xc1: {  	[dreg:$0x1] =	wrdreg $0xFFFFFFFF  }
0xc2: {  	_ =	task.clear_ibuf [dreg:s7], $0x2FFFF;
	_ =	strace $0x9FFFFFFF  }
0xc3: {  	(tm) =	ssettm $0x7FFFFFFF  }
tec
execute0_lowered:
.L_overlay_start_1:
0x0: {  	(tag) =	ssettag $0x1  }
0x1: {  	s5 =	rddreg [dreg:$0x0]  }
0x2: {  	s6 =	rddreg [dreg:$0x1]  }
0x3: {  	s0 =	stileid.u32;
	s1 =	srdreg.scid  }
0x4: {  	s2 =	rddreg [dreg:$0x2];
	s3 =	simm.s32 $0x0;
	s15 =	simm.s32 $0x1  }
0x5: {  	s16 =	simm.s32 $0x80;
	s17 =	simm.s32 $0x2;
	s18 =	simm.s32 $0x3080  }
0x6: {  	s19 =	simm.s32 $0x3300;
	s20 =	simm.s32 $0x0;
	s4 =	smul.u32 $0x600, s0  }
0x7: {  	s7 =	sand.u32 $0x1, s1;
	s1 =	rddreg [dreg:$0x3];
	s10 =	smul.u32 $0x2800, s0  }
0x8: {  	[smem:$0x7FF] =	sst s3;
	s9 =	sshll.u32 s0, $0xA;
	s12 =	smul.u32 $0x280, s0  }
0x9: {  	s31 =	sshll.u32 s0, $0x6;
	s8 =	smul.u32 $0x28000, s7;
	_ =	strace $0x80000047  }
0xa: {  	s9 =	sadd.s32 s9, s5;
	s29 =	ssub.s32 $0x2, s7;
	p0 =	seq.s32 s7, $0x1  }
0xb: {  	s11 =	sadd.s32 s4, s5;
	s4 =	sadd.s32 $0x21000, s5;
	s13 =	sshrl.u32 s29, $0x1  }
0xc: {  	s30 =	sshrl.u32 s12, $0x3;
	s8 =	sadd.s32 s10, s8;
	s10 =	ssub.s32 s29, s13  }
0xd: {  	s6 =	sadd.s32 s6, s30;
	s7 =	sadd.s32 $0x3000, s11;
	s11 =	simm.s32 $0x3000  }
0xe: {  	s13 =	sor.u32 $0x1C03, s31;
	s8 =	sshrl.u32 s8, $0x3;
	s10 =	smax.u32 s10, $0x1  }
0xf: {  	s14 =	sadd.s32 s8, s5;
	s5 =	sadd.s32 s12, s2;
	s8 =	sadd.s32 $0x1D000, s9  }
0x10: {  	s12 =	simm.s32 $0x3;
	s9 =	sadd.s32 $0x21200, s14;
	s14 =	sshrl.u32 s5, $0x3  }
.LBB2_1:
0x11: {  	[tilespmem:s11], [sflag:$0x3] =	stream.linear.gather [hbm4b:s4+s3], $0x80, $0x38;
	[tilespmem:$0x5D80] =	vst v63  }
0x12: {  	_ =	swait.ge [sflag:s12], $0x80  }
0x13: {  	[sflag:s12] =	ssyncset.done $0x0  }
.Ltmp0:
0x14: {  	[sflag:s12] =	ssyncadd.s32 $0xFFFFFF80;
	(pc) =	sbr.rel @!p0 .LBB2_2-.Ltmp0, $4  }
0x15: {  	[spmem:s14], [sflag:s13] =	dma.local [hbm:s6], $0x50  }
0x16: {  	_ =	swait.ge [sflag:s12], $0x50  }
0x17: {  	[sflag:s12] =	ssyncset.done $0x0  }
0x18: {  	s21 =	simm.s32 $0x0;
	[sflag:s12] =	ssyncadd.s32 $0xFFFFFFB0  }
0x19: {  	[tilespmem:s21], [sflag:$0x1] =	stream.linear.gather [hbm4b:s8+s21], $0x2000, $0x38;
	[tilespmem:$0x5D80] =	vst v63  }
0x1a: {  	_ =	swait.ge [sflag:s15], $0x2000  }
0x1b: {  	[sflag:s15] =	ssyncset.done $0x0  }
0x1c: {  	[sflag:s15] =	ssyncadd.s32 $0xFFFFE000  }
0x1d: {  	[bflag:$0x0] =	sbarrier.arrive $0xFFFF  }
.LBB2_8:
0x1e: {  	p1 =	sne.s32 s21, $0x7E00  }
.Ltmp1:
0x1f: {  	_ = 	snop;
	(pc) =	sbr.rel @p1 .LBB2_8-.Ltmp1, $3  }
0x20: {  	_ =	sdelay $0x1  }
0x21: {  	s22 =	sshra.s32 s21, $0x2;
	s21 =	sadd.s32 $0x200, s21  }
0x22: {  	[spmem:s2] =	stream.indirect.scatter.add.f32 [tilespmem:s11], [sflag:$0x2], $0x1, s22, s16, $0xb8;
	[tilespmem:$0x5D80] =	vst v63  }
0x23: {  	_ =	swait.ge [sflag:s17], $0x80  }
0x24: {  	s21 =	simm.s32 $0x3F;
	[sflag:s17] =	ssyncset.done $0x0  }
.LBB2_10:
0x25: {  	p1 =	sne.s32 s21, $0x1;
	s21 =	sadd.s32 $0xFFFFFFFF, s21;
	[sflag:s17] =	ssyncadd.s32 $0xFFFFFF80  }
.Ltmp2:
0x26: {  	(pc) =	sbr.rel @p1 .LBB2_10-.Ltmp2, $3  }
0x27: {  	_ =	sdelay $0x1  }
0x28: {  	_ =	swait.ge [sflag:s17], $0x80  }
0x29: {  	[sflag:s17] =	ssyncset.done $0x0  }
.Ltmp3:
0x2a: {  	(pc) =	sbr.rel .LBB2_12-.Ltmp3, $2  }
0x2b: {  	_ =	sdelay $0x2  }
0x2c: {  	[sflag:s17] =	ssyncadd.s32 $0xFFFFFF80  }
.LBB2_2:
0x2d: {  	[tilespmem:s21], [sflag:$0x1] =	stream.linear.gather [hbm4b:s7+s21], $0x3000, $0x38;
	[tilespmem:$0x5D80] =	vst v63  }
0x2e: {  	_ =	swait.ge [sflag:s15], $0x3000  }
0x2f: {  	[sflag:s15] =	ssyncset.done $0x0  }
0x30: {  	[sflag:s15] =	ssyncadd.s32 $0xFFFFD000  }
0x31: {  	[bflag:$0x0] =	sbarrier.arrive $0xFFFF  }
.LBB2_3:
0x32: {  	p1 =	sne.s32 s21, $0xBE00  }
.Ltmp4:
0x33: {  	_ = 	snop;
	(pc) =	sbr.rel @p1 .LBB2_3-.Ltmp4, $3  }
0x34: {  	_ =	sdelay $0x1  }
0x35: {  	s22 =	sshra.s32 s21, $0x2;
	s21 =	sadd.s32 $0x200, s21  }
0x36: {  	[spmem:s2] =	stream.indirect.scatter.add.f32 [tilespmem:s11], [sflag:$0x2], $0x1, s22, s16, $0xb8;
	[tilespmem:$0x5D80] =	vst v63  }
0x37: {  	_ =	swait.ge [sflag:s17], $0x80  }
0x38: {  	s21 =	simm.s32 $0x5F;
	[sflag:s17] =	ssyncset.done $0x0  }
.LBB2_5:
0x39: {  	p1 =	seq.s32 s21, $0x1;
	s21 =	sadd.s32 $0xFFFFFFFF, s21;
	[sflag:s17] =	ssyncadd.s32 $0xFFFFFF80  }
.Ltmp5:
0x3a: {  	(pc) =	sbr.rel @!p1 .LBB2_5-.Ltmp5, $3  }
0x3b: {  	_ =	sdelay $0x1  }
0x3c: {  	_ =	swait.ge [sflag:s17], $0x80  }
0x3d: {  	[sflag:s17] =	ssyncset.done $0x0  }
0x3e: {  	[sflag:s17] =	ssyncadd.s32 $0xFFFFFF80  }
.LBB2_12:
0x3f: {  	s21 =	simm.s32 $0x0  }
0x40: {  	v0 =	vmov s21  }
0x41: {  	v0 =	vand.u32 $0xFFFFFFFC, v0  }
0x42: {  	v0 =	vbroadcast v0, $0x0  }
0x43: {  	[bflag:$0x0] =	sbarrier.arrive $0xFFFF  }
0x44: {  	[tilespmem:s18], [sflag:$0x3] =	stream.linear.gather [spmem:s5], $0x280, $0x38;
	[tilespmem:$0x5D80] =	vst v63  }
0x45: {  	s22 =	simm.s32 $0x1;
	_ =	swait.ge [sflag:s12], $0x280  }
0x46: {  	v1 =	vmov s22;
	[sflag:s12] =	ssyncset.done $0x0  }
0x47: {  	v1 =	vand.u32 $0xFFFFFFFD, v1;
	[sflag:s12] =	ssyncadd.s32 $0xFFFFFD80  }
0x48: {  	v1 =	vbroadcast v1, $0x0;
	v0 =	vld.idx.msk [tilespmem:v0+s18+$0x0], $0xffff  }
0x49: {  	s26 =	sand.u32 $0xFE00, s21  }
0x4a: {  	s23 =	simm.s32 $0x0;
	s22 =	sshrl.u32 s26, $0x2  }
0x4b: {  	s28 =	simm.s32 $0x2;
	s23 =	sand.u32 $0x40, s23;
	s24 =	sadd.s32 $0x3300, s22  }
0x4c: {  	v2 =	vmov s28;
	s23 =	sor.u32 s23, s24  }
0x4d: {  	[tilespmem:s23+$0x0] =	vst v0;
	v0 =	vand.u32 $0xFFFFFFFE, v2  }
0x4e: {  	v1 =	vld.idx.msk [tilespmem:v1+s18+$0x0], $0xffff;
	v0 =	vbroadcast v0, $0x0;
	_ =	sdelay $0x1  }
0x4f: {  	s29 =	simm.s32 $0x10  }
0x50: {  	s22 =	sand.u32 $0x50, s29  }
0x51: {  	s22 =	sor.u32 s22, s24  }
0x52: {  	[tilespmem:s22+$0x0] =	vst v1  }
0x53: {  	s25 =	simm.s32 $0x3;
	v2 =	vld.idx.msk [tilespmem:v0+s18+$0x0], $0xffff  }
0x54: {  	v0 =	vmov s25  }
0x55: {  	s30 =	simm.s32 $0x20  }
0x56: {  	s31 =	sand.u32 $0x60, s30  }
0x57: {  	s26 =	sor.u32 s31, s24;
	s22 =	simm.s32 $0x4  }
0x58: {  	s23 =	simm.s32 $0x30;
	v1 =	vmov s22;
	s25 =	simm.s32 $0x8;
	[tilespmem:s26+$0x0] =	vst v2  }
.LBB2_13:
0x59: {  	p1 =	slt.u32 s25, $0x27C;
	v1 =	vand.u32 $0xFFFFFFFC, v1;
	v0 =	vld.idx.msk [tilespmem:v0+s18+$0x0], $0xffff  }
0x5a: {  	v1 =	vbroadcast v1, $0x0;
	_ =	sdelay $0x2  }
0x5b: {  	s26 =	sand.u32 $0x70, s23  }
0x5c: {  	s28 =	sadd.s32 $0x1, s22;
	s24 =	sor.u32 s26, s24  }
0x5d: {  	v2 =	vmov s28;
	[tilespmem:s24+$0x0] =	vst v0  }
0x5e: {  	v0 =	vld.idx.msk [tilespmem:v1+s18+$0x0], $0xffff;
	v1 =	vand.u32 $0xFFFFFFFD, v2  }
0x5f: {  	s21 =	sadd.s32 $0x100, s21;
	v1 =	vbroadcast v1, $0x0  }
0x60: {  	s23 =	sadd.s32 $0x40, s23;
	s24 =	sand.u32 $0xFE00, s21  }
0x61: {  	s26 =	sadd.s32 $0xFFFFFFD0, s23;
	s24 =	sshrl.u32 s24, $0x2  }
0x62: {  	s26 =	sand.u32 $0x40, s26;
	s24 =	sadd.s32 $0x3300, s24  }
0x63: {  	s28 =	sadd.s32 $0x2, s22;
	s26 =	sor.u32 s26, s24  }
0x64: {  	[tilespmem:s26+$0x0] =	vst v0;
	v0 =	vmov s28  }
0x65: {  	v1 =	vld.idx.msk [tilespmem:v1+s18+$0x0], $0xffff;
	v0 =	vand.u32 $0xFFFFFFFE, v0  }
0x66: {  	v0 =	vbroadcast v0, $0x0;
	_ =	sdelay $0x1  }
0x67: {  	s26 =	sadd.s32 $0xFFFFFFE0, s23  }
0x68: {  	s26 =	sand.u32 $0x50, s26  }
0x69: {  	s26 =	sor.u32 s26, s24  }
0x6a: {  	[tilespmem:s26+$0x0] =	vst v1  }
0x6b: {  	v2 =	vld.idx.msk [tilespmem:v0+s18+$0x0], $0xffff  }
0x6c: {  	s26 =	sadd.s32 $0x3, s22;
	s22 =	smov.u32 s25  }
.Ltmp6:
0x6d: {  	v0 =	vmov s26;
	(pc) =	sbr.rel @p1 .LBB2_13-.Ltmp6, $4  }
0x6e: {  	s26 =	sadd.s32 $0xFFFFFFF0, s23  }
0x6f: {  	s26 =	sand.u32 $0x60, s26  }
0x70: {  	s26 =	sor.u32 s26, s24  }
0x71: {  	s25 =	sadd.s32 $0x4, s25;
	v1 =	vmov s22;
	[tilespmem:s26+$0x0] =	vst v2  }
0x72: {  	_ =	sdelay $0x2  }
0x73: {  	v1 =	vand.u32 $0xFFFFFFFC, v1  }
0x74: {  	v0 =	vld.idx.msk [tilespmem:v0+s18+$0x0], $0xffff;
	v1 =	vbroadcast v1, $0x0;
	_ =	sdelay $0x2  }
0x75: {  	s25 =	sand.u32 $0x70, s23;
	s26 =	sadd.s32 $0x1, s22  }
0x76: {  	s24 =	sor.u32 s25, s24;
	v2 =	vmov s26  }
0x77: {  	v60 =	vand.u32 $0xFFFFFFFD, v2;
	[tilespmem:s24+$0x0] =	vst v0  }
0x78: {  	s21 =	sadd.s32 $0x100, s21;
	v0 =	vbroadcast v60, $0x0;
	v1 =	vld.idx.msk [tilespmem:v1+s18+$0x0], $0xffff  }
0x79: {  	s31 =	sadd.s32 $0x40, s23;
	s21 =	sand.u32 $0xFE00, s21  }
0x7a: {  	s25 =	sadd.s32 $0xFFFFFFD0, s31;
	s21 =	sshrl.u32 s21, $0x2  }
0x7b: {  	s26 =	sadd.s32 $0x2, s22;
	s21 =	sadd.s32 $0x3300, s21;
	s24 =	sand.u32 $0x40, s25  }
0x7c: {  	v61 =	vmov s26;
	s24 =	sor.u32 s24, s21  }
0x7d: {  	v62 =	vand.u32 $0xFFFFFFFE, v61;
	[tilespmem:s24+$0x0] =	vst v1  }
0x7e: {  	v1 =	vbroadcast v62, $0x0;
	v0 =	vld.idx.msk [tilespmem:v0+s18+$0x0], $0xffff;
	_ =	sdelay $0x1  }
0x7f: {  	s28 =	sadd.s32 $0xFFFFFFE0, s31  }
0x80: {  	s24 =	sand.u32 $0x50, s28  }
0x81: {  	s24 =	sor.u32 s24, s21  }
0x82: {  	[tilespmem:s24+$0x0] =	vst v0  }
0x83: {  	s29 =	sadd.s32 $0x3, s22;
	v0 =	vld.idx.msk [tilespmem:v1+s18+$0x0], $0xffff  }
0x84: {  	v63 =	vmov s29  }
0x85: {  	s30 =	sadd.s32 $0xFFFFFFF0, s31  }
0x86: {  	s22 =	sand.u32 $0x60, s30  }
0x87: {  	s22 =	sor.u32 s22, s21  }
0x88: {  	[tilespmem:s22+$0x0] =	vst v0  }
0x89: {  	v0 =	vld.idx.msk [tilespmem:v63+s18+$0x0], $0xffff;
	_ =	sdelay $0x2  }
0x8a: {  	s20 =	sadd.s32 $0x1, s20;
	s31 =	sand.u32 $0x70, s31  }
0x8b: {  	p1 =	sne.s32 s20, s10;
	s21 =	sor.u32 s31, s21  }
.Ltmp7:
0x8c: {  	[tilespmem:s21+$0x0] =	vst v0;
	(pc) =	sbr.rel @p1 .LBB2_1-.Ltmp7, $4  }
0x8d: {  	[hbm4b:s9+s3] =	stream.linear.scatter [tilespmem:s19], [sflag:$0x3], $0x2800, $0x38;
	[tilespmem:$0x5D80] =	vst v63  }
0x8e: {  	_ =	swait.ge [sflag:s12], $0x2800  }
0x8f: {  	[sflag:s12] =	ssyncset.done $0x0  }
0x90: {  	[sflag:s12] =	ssyncadd.s32 $0xFFFFD800  }
0x91: {  	_ =	sfence.sel $0x180000  }
0x92: {  	[bflag:$0x0] =	sbarrier.arrive $0xFFFF  }
0x93: {  	p0 =	sne.s32 s0, $0x0;
	_ =	strace $0x90000047  }
0x94: {  	s0 =	sadd.s32 @!p0 $0x100000, s1;
	[bflag:$0x2] =	sbarrier.arrive $0xFFFF  }
0x95: {  	[sflag:s0] =	ssyncadd.tile.s32 @!p0 $0x1;
	_ =	shalt  }
.Lfunc_end2:
_tile_overlayer_lowered:
.L_overlay_start_2:
0x96: {  	(tag) =	ssettag $0x2  }
0x97: {  	s0 =	rddreg [dreg:$0x0];
	s2 =	stileid.u32  }
0x98: {  	s1 =	rddreg [dreg:$0x1];
	p0 =	sne.s32 s2, $0x0  }
0x99: {  	s3 =	rddreg [dreg:$0x2];
	[bflag:$0x3] =	sbarrier.arrive $0xFFFF;
	s2 =	simm.s32 @!p0 $0x1C03  }
0x9a: {  	[timem:s3], [sflag:s2] =	dma.local @!p0 [hbm:s0], s1  }
0x9b: {  	s0 =	simm.s32 @!p0 $0x3  }
0x9c: {  	_ =	swait.ge @!p0 [sflag:s0], s1  }
0x9d: {  	s1 =	ssub.s32 @!p0 $0x0, s1;
	[sflag:s0] =	ssyncset.done @!p0 $0x0  }
0x9e: {  	[sflag:s0] =	ssyncadd.s32 @!p0 s1  }
0x9f: {  	[bflag:$0x3] =	sbarrier.arrive $0xFFFF  }
0xa0: {  	_ =	shalt  }

</sc_bundles>
